<compile_context>
chip_gen: v7x
topology: tpu7x:2x2x1
jax: 0.10.2.dev20260603
libtpu: 0.0.44.dev20260713+nightly
codegen_flags: <defaults>
</compile_context>

<pallas_src>
import functools

import jax
import jax.numpy as jnp
from jax import lax
from jax.experimental import pallas as pl
from jax.experimental.pallas import tpu as pltpu
from jax.experimental.pallas import tpu_sc as plsc

N_PAD = 1024
STEPS = 20
OUTPUT = 10
N_OUT_LO = 990
E = 100000

NUM_SC = 2
TILES = 16
HALF = N_PAD // NUM_SC
MH = HALF * N_PAD
DUMP = 128
CHUNK = 128
G = 50
EPT = G * CHUNK
EP = TILES * EPT
SEG = MH // TILES
ROWS = SEG // N_PAD
ZB = 8192


def _densify_body(ci_hbm, w_hbm, out_hbm, fr_v, to_v, w_v, idx_v,
                  zero_v, acc, sem_e, sem_z):
    c = lax.axis_index("c")
    s = lax.axis_index("s")

    base = s * EPT
    last = TILES - 1

    @pl.when(s < last)
    def _():
        pltpu.async_copy(ci_hbm.at[pl.ds(base, EPT)], fr_v, sem_e)
        pltpu.async_copy(ci_hbm.at[pl.ds(E + base, EPT)], to_v, sem_e)
        pltpu.async_copy(w_hbm.at[pl.ds(base, EPT)], w_v, sem_e)

    @pl.when(s == last)
    def _():
        n = E - last * EPT
        pltpu.async_copy(ci_hbm.at[pl.ds(last * EPT, n)],
                         fr_v.at[pl.ds(0, n)], sem_e)
        pltpu.async_copy(ci_hbm.at[pl.ds(E + last * EPT, n)],
                         to_v.at[pl.ds(0, n)], sem_e)
        pltpu.async_copy(w_hbm.at[pl.ds(last * EPT, n)],
                         w_v.at[pl.ds(0, n)], sem_e)

    zvec = jnp.zeros((16,), jnp.float32)

    def zfill(g, _):
        for k in range(8):
            zero_v[pl.ds((g * 8 + k) * 16, 16)] = zvec
        return 0

    lax.fori_loop(0, ZB // 128, zfill, 0)

    zc = [pltpu.async_copy(zero_v, acc.at[pl.ds(s * SEG + i * ZB, ZB)], sem_z)
          for i in range(SEG // ZB)]

    @pl.when(s < last)
    def _():
        pltpu.make_async_copy(ci_hbm.at[pl.ds(base, EPT)], fr_v, sem_e).wait()
        pltpu.make_async_copy(ci_hbm.at[pl.ds(E + base, EPT)], to_v,
                              sem_e).wait()
        pltpu.make_async_copy(w_hbm.at[pl.ds(base, EPT)], w_v, sem_e).wait()

    @pl.when(s == last)
    def _():
        n = E - last * EPT
        pltpu.make_async_copy(ci_hbm.at[pl.ds(last * EPT, n)],
                              fr_v.at[pl.ds(0, n)], sem_e).wait()
        pltpu.make_async_copy(ci_hbm.at[pl.ds(E + last * EPT, n)],
                              to_v.at[pl.ds(0, n)], sem_e).wait()
        pltpu.make_async_copy(w_hbm.at[pl.ds(last * EPT, n)],
                              w_v.at[pl.ds(0, n)], sem_e).wait()

    row_lo = c * HALF
    lanes = lax.iota(jnp.int32, 16)

    def fidx(g, _):
        for k in range(8):
            i = g * 8 + k
            f = fr_v[pl.ds(i * 16, 16)] - row_lo
            t = to_v[pl.ds(i * 16, 16)]
            ok = ((f >= 0) & (f < HALF)
                  & (base + i * 16 + lanes < E))
            idx_v[g, pl.ds(k * 16, 16)] = jnp.where(
                ok, f * N_PAD + t, MH + ((i * 16 + lanes) & (DUMP - 1)))
        return 0

    lax.fori_loop(0, G, fidx, 0)

    for h in zc:
        h.wait()
    plsc.subcore_barrier()

    sc_h = [pltpu.async_copy(w_v.at[pl.ds(j * CHUNK, CHUNK)],
                             acc.at[idx_v.at[j]], sem_e, add=True)
            for j in range(G)]
    for h in sc_h:
        h.wait()
    plsc.subcore_barrier()

    oc = [pltpu.async_copy(acc.at[pl.ds(s * SEG + r * N_PAD, N_PAD)],
                           out_hbm.at[c, s * ROWS + r], sem_z)
          for r in range(ROWS)]
    for h in oc:
        h.wait()


def _make_densify():
    return pl.kernel(
        _densify_body,
        out_type=jax.ShapeDtypeStruct((NUM_SC, HALF, N_PAD), jnp.float32),
        mesh=plsc.VectorSubcoreMesh(core_axis_name="c", subcore_axis_name="s"),
        compiler_params=pltpu.CompilerParams(use_tc_tiling_on_sc=True),
        scratch_types=[
            pltpu.VMEM((EPT,), jnp.int32),
            pltpu.VMEM((EPT,), jnp.int32),
            pltpu.VMEM((EPT,), jnp.float32),
            pltpu.VMEM((G, CHUNK), jnp.int32),
            pltpu.VMEM((ZB,), jnp.float32),
            pltpu.VMEM_SHARED((MH + DUMP,), jnp.float32),
            pltpu.SemaphoreType.DMA,
            pltpu.SemaphoreType.DMA,
        ],
    )


def _make_recurrence(B, INPUT):
    def body(wt_ref, x_ref, b_ref, out_ref):
        wt = wt_ref[...].astype(jnp.bfloat16)
        x = x_ref[...]
        bias = b_ref[...]
        col = lax.broadcasted_iota(jnp.int32, (B, N_PAD), 1)
        clamp = col < INPUT

        acts = x
        for _ in range(STEPS):
            z = lax.dot_general(acts.astype(jnp.bfloat16), wt,
                                (((1,), (0,)), ((), ())),
                                preferred_element_type=jnp.float32)
            a = jnp.tanh(z + bias)
            acts = jnp.where(clamp, x, a)

        out_ref[...] = acts[:, N_OUT_LO:N_OUT_LO + OUTPUT]

    return pl.pallas_call(
        body,
        out_shape=jax.ShapeDtypeStruct((B, OUTPUT), jnp.float32),
    )


def kernel(input_data, connection_weights, biases, connection_indices):
    B, INPUT = input_data.shape
    N = biases.shape[0]

    ci = connection_indices.astype(jnp.int32).reshape(2 * E)
    w = connection_weights.astype(jnp.float32)

    wt = _make_densify()(ci, w).reshape(N_PAD, N_PAD)

    x_pad = jnp.zeros((B, N_PAD), jnp.float32).at[:, :INPUT].set(input_data)
    bias_pad = jnp.zeros((1, N_PAD), jnp.float32).at[0, :N].set(biases)

    return _make_recurrence(B, INPUT)(wt, x_pad, bias_pad)

# --- scband reference (transcript-rebuilt; emitter-appended) ---
"""Pipeline reference for scband-brain-2456721293406 (READ-ONLY COPY).

The authoritative reference and input builder live on the scoring server;
editing this copy changes nothing except your own understanding.
"""

import jax, jax.numpy as jnp
import numpy as np

N = 1000          # neuron_count (post-init; pruning kept small in expectation)
INPUT = 64        # input_size
OUTPUT = 10       # output_size
SYNAPSE_RATIO = 100
E = N * SYNAPSE_RATIO  # ~target connection count from _initConnections
B = 32            # batch size
STEPS = 20


def setup_inputs(seed: int = 0) -> dict:
    key = jax.random.key(seed)
    k1, k2, k3, k4 = jax.random.split(key, 4)
    input_data = jax.random.normal(k1, (B, INPUT), dtype=jnp.float32)
    # connection_indices[0] = from, connection_indices[1] = to; values in [0, N)
    connection_indices = jax.random.randint(k2, (2, E), 0, N)
    # weights init: randn * 0.1 (matches _initWeights)
    connection_weights = jax.random.normal(k3, (E,), dtype=jnp.float32) * 0.1
    # biases init: zeros (matches _initStateVariables)
    biases = jnp.zeros((N,), dtype=jnp.float32)
    return {
        'input_data': input_data,
        'connection_weights': connection_weights,
        'biases': biases,
        'connection_indices': connection_indices,
    }


def reference(input_data, connection_weights, biases, connection_indices):
    from_idx = connection_indices[0]
    to_idx = connection_indices[1]

    def run_one(x):
        # reset activations; clamp input neurons to current input
        acts = jnp.zeros((N,), dtype=jnp.float32).at[:INPUT].set(x)

        def step(acts, _):
            # gather source activations along edges
            activations_from = acts[from_idx]
            weighted_inputs = activations_from * connection_weights
            # scatter-add into destination neurons
            new = jax.ops.segment_sum(weighted_inputs, to_idx, num_segments=N)
            new = jnp.tanh(new + biases)
            # input neurons stay clamped to the presented input
            new = new.at[:INPUT].set(x)
            return new, None

        acts, _ = jax.lax.scan(step, acts, None, length=STEPS)
        return acts[-OUTPUT:]

    return jax.vmap(run_one)(input_data)

if __name__ == "__main__":
    import jax
    _d = setup_inputs()
    print(jax.jit(kernel)(*tuple(_d.values())))

</pallas_src>

<mosaic_0001>
#map = affine_map<(d0, d1) -> (0)>
#map1 = affine_map<(d0, d1) -> (0, 0, 0)>
module attributes {stable_mosaic.version = 14 : i64} {
  func.func @_densify_body(%arg0: i32, %arg1: i32, %arg2: memref<200000xi32, #tpu.memory_space<hbm>>, %arg3: memref<100000xf32, #tpu.memory_space<hbm>>, %arg4: memref<2x512x1024xf32, #tpu.memory_space<hbm>>, %arg5: memref<6400xi32, #tpu.memory_space<vmem>>, %arg6: memref<6400xi32, #tpu.memory_space<vmem>>, %arg7: memref<6400xf32, #tpu.memory_space<vmem>>, %arg8: memref<50x128xi32, #tpu.memory_space<vmem>>, %arg9: memref<8192xf32, #tpu.memory_space<vmem>>, %arg10: memref<524416xf32, #tpu.memory_space<vmem_shared>>, %arg11: memref<!tpu.dma_semaphore, #tpu.memory_space<semaphore_mem>>, %arg12: memref<!tpu.dma_semaphore, #tpu.memory_space<semaphore_mem>>) attributes {dimension_semantics = [#tpu.dimension_semantics<core_parallel>, #tpu.dimension_semantics<subcore_parallel>], iteration_bounds = array<i64: 2, 16>, scalar_prefetch = 0 : i64, scratch_operands = 8 : i64, tpu.core_type = #tpu.core_type<sc_vector_subcore>, window_params = [{transform_indices = #map}, {transform_indices = #map}, {transform_indices = #map1}]} {
    %mul3A = arith.constant 6400 : i32
    %mul3A_0 = arith.muli %arg1, %mul3A : i32
    %lt3A = arith.constant 15 : i32
    %lt3A_1 = arith.cmpi slt, %arg1, %lt3A : i32
    %convert_element_type3A = arith.extui %lt3A_1 : i1 to i32
    %cond3A = arith.constant 0 : i32
    %cond3A_2 = arith.cmpi ne, %convert_element_type3A, %cond3A : i32
    scf.if %cond3A_2 {
      %dma_start3A_1375 = tpu.memref_slice %arg2[%mul3A_0] : memref<200000xi32, #tpu.memory_space<hbm>> -> memref<6400xi32, #tpu.memory_space<hbm>>
      %dma_start3A_1376 = tpu.memref_slice %arg2[%mul3A_0] : memref<200000xi32, #tpu.memory_space<hbm>> -> memref<6400xi32, #tpu.memory_space<hbm>>
      tpu.enqueue_dma source(%dma_start3A_1376 : memref<6400xi32, #tpu.memory_space<hbm>>) target(%arg5 : memref<6400xi32, #tpu.memory_space<vmem>>) target_semaphore(%arg11 : memref<!tpu.dma_semaphore, #tpu.memory_space<semaphore_mem>>)
      %add3A_1377 = arith.constant 100000 : i32
      %add3A_1378 = arith.addi %add3A_1377, %mul3A_0 : i32
      %dma_start3A_1379 = tpu.memref_slice %arg2[%add3A_1378] : memref<200000xi32, #tpu.memory_space<hbm>> -> memref<6400xi32, #tpu.memory_space<hbm>>
      %dma_start3A_1380 = tpu.memref_slice %arg2[%add3A_1378] : memref<200000xi32, #tpu.memory_space<hbm>> -> memref<6400xi32, #tpu.memory_space<hbm>>
      tpu.enqueue_dma source(%dma_start3A_1380 : memref<6400xi32, #tpu.memory_space<hbm>>) target(%arg6 : memref<6400xi32, #tpu.memory_space<vmem>>) target_semaphore(%arg11 : memref<!tpu.dma_semaphore, #tpu.memory_space<semaphore_mem>>)
      %dma_start3A_1381 = tpu.memref_slice %arg3[%mul3A_0] : memref<100000xf32, #tpu.memory_space<hbm>> -> memref<6400xf32, #tpu.memory_space<hbm>>
      %dma_start3A_1382 = tpu.memref_slice %arg3[%mul3A_0] : memref<100000xf32, #tpu.memory_space<hbm>> -> memref<6400xf32, #tpu.memory_space<hbm>>
      tpu.enqueue_dma source(%dma_start3A_1382 : memref<6400xf32, #tpu.memory_space<hbm>>) target(%arg7 : memref<6400xf32, #tpu.memory_space<vmem>>) target_semaphore(%arg11 : memref<!tpu.dma_semaphore, #tpu.memory_space<semaphore_mem>>)
    } else {
    }
    %eq3A = arith.constant 15 : i32
    %eq3A_3 = arith.cmpi eq, %arg1, %eq3A : i32
    %convert_element_type3A_4 = arith.extui %eq3A_3 : i1 to i32
    %cond3A_5 = arith.constant 0 : i32
    %cond3A_6 = arith.cmpi ne, %convert_element_type3A_4, %cond3A_5 : i32
    scf.if %cond3A_6 {
      %dma_start3A_1375 = arith.constant 0 : i32
      %dma_start3A_1376 = tpu.memref_slice %arg5[%dma_start3A_1375] : memref<6400xi32, #tpu.memory_space<vmem>> -> memref<4000xi32, #tpu.memory_space<vmem>>
      %dma_start3A_1377 = arith.constant 96000 : i32
      %dma_start3A_1378 = tpu.memref_slice %arg2[%dma_start3A_1377] : memref<200000xi32, #tpu.memory_space<hbm>> -> memref<4000xi32, #tpu.memory_space<hbm>>
      %dma_start3A_1379 = arith.constant 0 : i32
      %dma_start3A_1380 = tpu.memref_slice %arg5[%dma_start3A_1379] : memref<6400xi32, #tpu.memory_space<vmem>> -> memref<4000xi32, #tpu.memory_space<vmem>>
      %dma_start3A_1381 = arith.constant 96000 : i32
      %dma_start3A_1382 = tpu.memref_slice %arg2[%dma_start3A_1381] : memref<200000xi32, #tpu.memory_space<hbm>> -> memref<4000xi32, #tpu.memory_space<hbm>>
      tpu.enqueue_dma source(%dma_start3A_1382 : memref<4000xi32, #tpu.memory_space<hbm>>) target(%dma_start3A_1380 : memref<4000xi32, #tpu.memory_space<vmem>>) target_semaphore(%arg11 : memref<!tpu.dma_semaphore, #tpu.memory_space<semaphore_mem>>)
      %dma_start3A_1383 = arith.constant 0 : i32
      %dma_start3A_1384 = tpu.memref_slice %arg6[%dma_start3A_1383] : memref<6400xi32, #tpu.memory_space<vmem>> -> memref<4000xi32, #tpu.memory_space<vmem>>
      %dma_start3A_1385 = arith.constant 196000 : i32
      %dma_start3A_1386 = tpu.memref_slice %arg2[%dma_start3A_1385] : memref<200000xi32, #tpu.memory_space<hbm>> -> memref<4000xi32, #tpu.memory_space<hbm>>
      %dma_start3A_1387 = arith.constant 0 : i32
      %dma_start3A_1388 = tpu.memref_slice %arg6[%dma_start3A_1387] : memref<6400xi32, #tpu.memory_space<vmem>> -> memref<4000xi32, #tpu.memory_space<vmem>>
      %dma_start3A_1389 = arith.constant 196000 : i32
      %dma_start3A_1390 = tpu.memref_slice %arg2[%dma_start3A_1389] : memref<200000xi32, #tpu.memory_space<hbm>> -> memref<4000xi32, #tpu.memory_space<hbm>>
      tpu.enqueue_dma source(%dma_start3A_1390 : memref<4000xi32, #tpu.memory_space<hbm>>) target(%dma_start3A_1388 : memref<4000xi32, #tpu.memory_space<vmem>>) target_semaphore(%arg11 : memref<!tpu.dma_semaphore, #tpu.memory_space<semaphore_mem>>)
      %dma_start3A_1391 = arith.constant 0 : i32
      %dma_start3A_1392 = tpu.memref_slice %arg7[%dma_start3A_1391] : memref<6400xf32, #tpu.memory_space<vmem>> -> memref<4000xf32, #tpu.memory_space<vmem>>
      %dma_start3A_1393 = arith.constant 96000 : i32
      %dma_start3A_1394 = tpu.memref_slice %arg3[%dma_start3A_1393] : memref<100000xf32, #tpu.memory_space<hbm>> -> memref<4000xf32, #tpu.memory_space<hbm>>
      %dma_start3A_1395 = arith.constant 0 : i32
      %dma_start3A_1396 = tpu.memref_slice %arg7[%dma_start3A_1395] : memref<6400xf32, #tpu.memory_space<vmem>> -> memref<4000xf32, #tpu.memory_space<vmem>>
      %dma_start3A_1397 = arith.constant 96000 : i32
      %dma_start3A_1398 = tpu.memref_slice %arg3[%dma_start3A_1397] : memref<100000xf32, #tpu.memory_space<hbm>> -> memref<4000xf32, #tpu.memory_space<hbm>>
      tpu.enqueue_dma source(%dma_start3A_1398 : memref<4000xf32, #tpu.memory_space<hbm>>) target(%dma_start3A_1396 : memref<4000xf32, #tpu.memory_space<vmem>>) target_semaphore(%arg11 : memref<!tpu.dma_semaphore, #tpu.memory_space<semaphore_mem>>)
    } else {
    }
    %broadcast_in_dim3A = arith.constant 0.000000e+00 : f32
    %broadcast_in_dim3A_7 = vector.broadcast %broadcast_in_dim3A : f32 to vector<16xf32>
    %scan3A = arith.constant 0 : i32
    %scan3A_8 = arith.constant 0 : i32
    %scan3A_9 = arith.constant 64 : i32
    %scan3A_10 = arith.addi %scan3A_8, %scan3A_9 : i32
    %scan3A_11 = arith.constant 1 : i32
    %scan3A_12 = scf.for %scan3A_1375 = %scan3A_8 to %scan3A_10 step %scan3A_11 iter_args(%scan3A_1376 = %scan3A) -> (i32)  : i32 {
      %mul3A_1377 = arith.constant 8 : i32
      %mul3A_1378 = arith.muli %scan3A_1375, %mul3A_1377 : i32
      %add3A_1379 = arith.constant 0 : i32
      %add3A_1380 = arith.addi %mul3A_1378, %add3A_1379 : i32
      %mul3A_1381 = arith.constant 16 : i32
      %mul3A_1382 = arith.muli %add3A_1380, %mul3A_1381 : i32
      %swap3A = arith.index_cast %mul3A_1382 : i32 to index
      %swap3A_1383 = tpu.vector_load %arg9[%swap3A] {strides = array<i32>} : memref<8192xf32, #tpu.memory_space<vmem>>, vector<16xf32>,
      %swap3A_1384 = vector.shape_cast %swap3A_1383 : vector<16xf32> to vector<16xf32>
      %swap3A_1385 = vector.shape_cast %broadcast_in_dim3A_7 : vector<16xf32> to vector<16xf32>
      tpu.vector_store %arg9[%swap3A], %swap3A_1385 {strides = array<i32>} : memref<8192xf32, #tpu.memory_space<vmem>>, vector<16xf32>,
      %mul3A_1386 = arith.constant 8 : i32
      %mul3A_1387 = arith.muli %scan3A_1375, %mul3A_1386 : i32
      %add3A_1388 = arith.constant 1 : i32
      %add3A_1389 = arith.addi %mul3A_1387, %add3A_1388 : i32
      %mul3A_1390 = arith.constant 16 : i32
      %mul3A_1391 = arith.muli %add3A_1389, %mul3A_1390 : i32
      %swap3A_1392 = arith.index_cast %mul3A_1391 : i32 to index
      %swap3A_1393 = tpu.vector_load %arg9[%swap3A_1392] {strides = array<i32>} : memref<8192xf32, #tpu.memory_space<vmem>>, vector<16xf32>,
      %swap3A_1394 = vector.shape_cast %swap3A_1393 : vector<16xf32> to vector<16xf32>
      %swap3A_1395 = vector.shape_cast %broadcast_in_dim3A_7 : vector<16xf32> to vector<16xf32>
      tpu.vector_store %arg9[%swap3A_1392], %swap3A_1395 {strides = array<i32>} : memref<8192xf32, #tpu.memory_space<vmem>>, vector<16xf32>,
      %mul3A_1396 = arith.constant 8 : i32
      %mul3A_1397 = arith.muli %scan3A_1375, %mul3A_1396 : i32
      %add3A_1398 = arith.constant 2 : i32
      %add3A_1399 = arith.addi %mul3A_1397, %add3A_1398 : i32
      %mul3A_1400 = arith.constant 16 : i32
      %mul3A_1401 = arith.muli %add3A_1399, %mul3A_1400 : i32
      %swap3A_1402 = arith.index_cast %mul3A_1401 : i32 to index
      %swap3A_1403 = tpu.vector_load %arg9[%swap3A_1402] {strides = array<i32>} : memref<8192xf32, #tpu.memory_space<vmem>>, vector<16xf32>,
      %swap3A_1404 = vector.shape_cast %swap3A_1403 : vector<16xf32> to vector<16xf32>
      %swap3A_1405 = vector.shape_cast %broadcast_in_dim3A_7 : vector<16xf32> to vector<16xf32>
      tpu.vector_store %arg9[%swap3A_1402], %swap3A_1405 {strides = array<i32>} : memref<8192xf32, #tpu.memory_space<vmem>>, vector<16xf32>,
      %mul3A_1406 = arith.constant 8 : i32
      %mul3A_1407 = arith.muli %scan3A_1375, %mul3A_1406 : i32
      %add3A_1408 = arith.constant 3 : i32
      %add3A_1409 = arith.addi %mul3A_1407, %add3A_1408 : i32
      %mul3A_1410 = arith.constant 16 : i32
      %mul3A_1411 = arith.muli %add3A_1409, %mul3A_1410 : i32
      %swap3A_1412 = arith.index_cast %mul3A_1411 : i32 to index
      %swap3A_1413 = tpu.vector_load %arg9[%swap3A_1412] {strides = array<i32>} : memref<8192xf32, #tpu.memory_space<vmem>>, vector<16xf32>,
      %swap3A_1414 = vector.shape_cast %swap3A_1413 : vector<16xf32> to vector<16xf32>
      %swap3A_1415 = vector.shape_cast %broadcast_in_dim3A_7 : vector<16xf32> to vector<16xf32>
      tpu.vector_store %arg9[%swap3A_1412], %swap3A_1415 {strides = array<i32>} : memref<8192xf32, #tpu.memory_space<vmem>>, vector<16xf32>,
      %mul3A_1416 = arith.constant 8 : i32
      %mul3A_1417 = arith.muli %scan3A_1375, %mul3A_1416 : i32
      %add3A_1418 = arith.constant 4 : i32
      %add3A_1419 = arith.addi %mul3A_1417, %add3A_1418 : i32
      %mul3A_1420 = arith.constant 16 : i32
      %mul3A_1421 = arith.muli %add3A_1419, %mul3A_1420 : i32
      %swap3A_1422 = arith.index_cast %mul3A_1421 : i32 to index
      %swap3A_1423 = tpu.vector_load %arg9[%swap3A_1422] {strides = array<i32>} : memref<8192xf32, #tpu.memory_space<vmem>>, vector<16xf32>,
      %swap3A_1424 = vector.shape_cast %swap3A_1423 : vector<16xf32> to vector<16xf32>
      %swap3A_1425 = vector.shape_cast %broadcast_in_dim3A_7 : vector<16xf32> to vector<16xf32>
      tpu.vector_store %arg9[%swap3A_1422], %swap3A_1425 {strides = array<i32>} : memref<8192xf32, #tpu.memory_space<vmem>>, vector<16xf32>,
      %mul3A_1426 = arith.constant 8 : i32
      %mul3A_1427 = arith.muli %scan3A_1375, %mul3A_1426 : i32
      %add3A_1428 = arith.constant 5 : i32
      %add3A_1429 = arith.addi %mul3A_1427, %add3A_1428 : i32
      %mul3A_1430 = arith.constant 16 : i32
      %mul3A_1431 = arith.muli %add3A_1429, %mul3A_1430 : i32
      %swap3A_1432 = arith.index_cast %mul3A_1431 : i32 to index
      %swap3A_1433 = tpu.vector_load %arg9[%swap3A_1432] {strides = array<i32>} : memref<8192xf32, #tpu.memory_space<vmem>>, vector<16xf32>,
      %swap3A_1434 = vector.shape_cast %swap3A_1433 : vector<16xf32> to vector<16xf32>
      %swap3A_1435 = vector.shape_cast %broadcast_in_dim3A_7 : vector<16xf32> to vector<16xf32>
      tpu.vector_store %arg9[%swap3A_1432], %swap3A_1435 {strides = array<i32>} : memref<8192xf32, #tpu.memory_space<vmem>>, vector<16xf32>,
      %mul3A_1436 = arith.constant 8 : i32
      %mul3A_1437 = arith.muli %scan3A_1375, %mul3A_1436 : i32
      %add3A_1438 = arith.constant 6 : i32
      %add3A_1439 = arith.addi %mul3A_1437, %add3A_1438 : i32
      %mul3A_1440 = arith.constant 16 : i32
      %mul3A_1441 = arith.muli %add3A_1439, %mul3A_1440 : i32
      %swap3A_1442 = arith.index_cast %mul3A_1441 : i32 to index
      %swap3A_1443 = tpu.vector_load %arg9[%swap3A_1442] {strides = array<i32>} : memref<8192xf32, #tpu.memory_space<vmem>>, vector<16xf32>,
      %swap3A_1444 = vector.shape_cast %swap3A_1443 : vector<16xf32> to vector<16xf32>
      %swap3A_1445 = vector.shape_cast %broadcast_in_dim3A_7 : vector<16xf32> to vector<16xf32>
      tpu.vector_store %arg9[%swap3A_1442], %swap3A_1445 {strides = array<i32>} : memref<8192xf32, #tpu.memory_space<vmem>>, vector<16xf32>,
      %mul3A_1446 = arith.constant 8 : i32
      %mul3A_1447 = arith.muli %scan3A_1375, %mul3A_1446 : i32
      %add3A_1448 = arith.constant 7 : i32
      %add3A_1449 = arith.addi %mul3A_1447, %add3A_1448 : i32
      %mul3A_1450 = arith.constant 16 : i32
      %mul3A_1451 = arith.muli %add3A_1449, %mul3A_1450 : i32
      %swap3A_1452 = arith.index_cast %mul3A_1451 : i32 to index
      %swap3A_1453 = tpu.vector_load %arg9[%swap3A_1452] {strides = array<i32>} : memref<8192xf32, #tpu.memory_space<vmem>>, vector<16xf32>,
      %swap3A_1454 = vector.shape_cast %swap3A_1453 : vector<16xf32> to vector<16xf32>
      %swap3A_1455 = vector.shape_cast %broadcast_in_dim3A_7 : vector<16xf32> to vector<16xf32>
      tpu.vector_store %arg9[%swap3A_1452], %swap3A_1455 {strides = array<i32>} : memref<8192xf32, #tpu.memory_space<vmem>>, vector<16xf32>,
      %scan3A_1456 = arith.constant 0 : i32
      scf.yield %scan3A_1456 : i32
    }
    %scan3A_13 = arith.constant 64 : i32
    %mul3A_14 = arith.constant 32768 : i32
    %mul3A_15 = arith.muli %arg1, %mul3A_14 : i32
    %add3A = arith.constant 0 : i32
    %add3A_16 = arith.addi %mul3A_15, %add3A : i32
    %dma_start3A = tpu.memref_slice %arg10[%add3A_16] : memref<524416xf32, #tpu.memory_space<vmem_shared>> -> memref<8192xf32, #tpu.memory_space<vmem_shared>>
    %dma_start3A_17 = tpu.memref_slice %arg10[%add3A_16] : memref<524416xf32, #tpu.memory_space<vmem_shared>> -> memref<8192xf32, #tpu.memory_space<vmem_shared>>
    tpu.enqueue_dma source(%arg9 : memref<8192xf32, #tpu.memory_space<vmem>>) target(%dma_start3A_17 : memref<8192xf32, #tpu.memory_space<vmem_shared>>) target_semaphore(%arg12 : memref<!tpu.dma_semaphore, #tpu.memory_space<semaphore_mem>>)
    %mul3A_18 = arith.constant 32768 : i32
    %mul3A_19 = arith.muli %arg1, %mul3A_18 : i32
    %add3A_20 = arith.constant 8192 : i32
    %add3A_21 = arith.addi %mul3A_19, %add3A_20 : i32
    %dma_start3A_22 = tpu.memref_slice %arg10[%add3A_21] : memref<524416xf32, #tpu.memory_space<vmem_shared>> -> memref<8192xf32, #tpu.memory_space<vmem_shared>>
    %dma_start3A_23 = tpu.memref_slice %arg10[%add3A_21] : memref<524416xf32, #tpu.memory_space<vmem_shared>> -> memref<8192xf32, #tpu.memory_space<vmem_shared>>
    tpu.enqueue_dma source(%arg9 : memref<8192xf32, #tpu.memory_space<vmem>>) target(%dma_start3A_23 : memref<8192xf32, #tpu.memory_space<vmem_shared>>) target_semaphore(%arg12 : memref<!tpu.dma_semaphore, #tpu.memory_space<semaphore_mem>>)
    %mul3A_24 = arith.constant 32768 : i32
    %mul3A_25 = arith.muli %arg1, %mul3A_24 : i32
    %add3A_26 = arith.constant 16384 : i32
    %add3A_27 = arith.addi %mul3A_25, %add3A_26 : i32
    %dma_start3A_28 = tpu.memref_slice %arg10[%add3A_27] : memref<524416xf32, #tpu.memory_space<vmem_shared>> -> memref<8192xf32, #tpu.memory_space<vmem_shared>>
    %dma_start3A_29 = tpu.memref_slice %arg10[%add3A_27] : memref<524416xf32, #tpu.memory_space<vmem_shared>> -> memref<8192xf32, #tpu.memory_space<vmem_shared>>
    tpu.enqueue_dma source(%arg9 : memref<8192xf32, #tpu.memory_space<vmem>>) target(%dma_start3A_29 : memref<8192xf32, #tpu.memory_space<vmem_shared>>) target_semaphore(%arg12 : memref<!tpu.dma_semaphore, #tpu.memory_space<semaphore_mem>>)
    %mul3A_30 = arith.constant 32768 : i32
    %mul3A_31 = arith.muli %arg1, %mul3A_30 : i32
    %add3A_32 = arith.constant 24576 : i32
    %add3A_33 = arith.addi %mul3A_31, %add3A_32 : i32
    %dma_start3A_34 = tpu.memref_slice %arg10[%add3A_33] : memref<524416xf32, #tpu.memory_space<vmem_shared>> -> memref<8192xf32, #tpu.memory_space<vmem_shared>>
    %dma_start3A_35 = tpu.memref_slice %arg10[%add3A_33] : memref<524416xf32, #tpu.memory_space<vmem_shared>> -> memref<8192xf32, #tpu.memory_space<vmem_shared>>
    tpu.enqueue_dma source(%arg9 : memref<8192xf32, #tpu.memory_space<vmem>>) target(%dma_start3A_35 : memref<8192xf32, #tpu.memory_space<vmem_shared>>) target_semaphore(%arg12 : memref<!tpu.dma_semaphore, #tpu.memory_space<semaphore_mem>>)
    %lt3A_36 = arith.constant 15 : i32
    %lt3A_37 = arith.cmpi slt, %arg1, %lt3A_36 : i32
    %convert_element_type3A_38 = arith.extui %lt3A_37 : i1 to i32
    %cond3A_39 = arith.constant 0 : i32
    %cond3A_40 = arith.cmpi ne, %convert_element_type3A_38, %cond3A_39 : i32
    scf.if %cond3A_40 {
      %dma_wait3A_1375 = tpu.memref_slice %arg2[%mul3A_0] : memref<200000xi32, #tpu.memory_space<hbm>> -> memref<6400xi32, #tpu.memory_space<hbm>>
      %dma_wait3A_1376 = tpu.memref_slice %arg2[%mul3A_0] : memref<200000xi32, #tpu.memory_space<hbm>> -> memref<6400xi32, #tpu.memory_space<hbm>>
      tpu.wait_dma2 semaphore(%arg11 : memref<!tpu.dma_semaphore, #tpu.memory_space<semaphore_mem>>) src(%dma_wait3A_1376 : memref<6400xi32, #tpu.memory_space<hbm>>) dst(%arg5 : memref<6400xi32, #tpu.memory_space<vmem>>)
      %add3A_1377 = arith.constant 100000 : i32
      %add3A_1378 = arith.addi %add3A_1377, %mul3A_0 : i32
      %dma_wait3A_1379 = tpu.memref_slice %arg2[%add3A_1378] : memref<200000xi32, #tpu.memory_space<hbm>> -> memref<6400xi32, #tpu.memory_space<hbm>>
      %dma_wait3A_1380 = tpu.memref_slice %arg2[%add3A_1378] : memref<200000xi32, #tpu.memory_space<hbm>> -> memref<6400xi32, #tpu.memory_space<hbm>>
      tpu.wait_dma2 semaphore(%arg11 : memref<!tpu.dma_semaphore, #tpu.memory_space<semaphore_mem>>) src(%dma_wait3A_1380 : memref<6400xi32, #tpu.memory_space<hbm>>) dst(%arg6 : memref<6400xi32, #tpu.memory_space<vmem>>)
      %dma_wait3A_1381 = tpu.memref_slice %arg3[%mul3A_0] : memref<100000xf32, #tpu.memory_space<hbm>> -> memref<6400xf32, #tpu.memory_space<hbm>>
      %dma_wait3A_1382 = tpu.memref_slice %arg3[%mul3A_0] : memref<100000xf32, #tpu.memory_space<hbm>> -> memref<6400xf32, #tpu.memory_space<hbm>>
      tpu.wait_dma2 semaphore(%arg11 : memref<!tpu.dma_semaphore, #tpu.memory_space<semaphore_mem>>) src(%dma_wait3A_1382 : memref<6400xf32, #tpu.memory_space<hbm>>) dst(%arg7 : memref<6400xf32, #tpu.memory_space<vmem>>)
    } else {
    }
    %eq3A_41 = arith.constant 15 : i32
    %eq3A_42 = arith.cmpi eq, %arg1, %eq3A_41 : i32
    %convert_element_type3A_43 = arith.extui %eq3A_42 : i1 to i32
    %cond3A_44 = arith.constant 0 : i32
    %cond3A_45 = arith.cmpi ne, %convert_element_type3A_43, %cond3A_44 : i32
    scf.if %cond3A_45 {
      %dma_wait3A_1375 = arith.constant 0 : i32
      %dma_wait3A_1376 = tpu.memref_slice %arg5[%dma_wait3A_1375] : memref<6400xi32, #tpu.memory_space<vmem>> -> memref<4000xi32, #tpu.memory_space<vmem>>
      %dma_wait3A_1377 = arith.constant 96000 : i32
      %dma_wait3A_1378 = tpu.memref_slice %arg2[%dma_wait3A_1377] : memref<200000xi32, #tpu.memory_space<hbm>> -> memref<4000xi32, #tpu.memory_space<hbm>>
      %dma_wait3A_1379 = arith.constant 0 : i32
      %dma_wait3A_1380 = tpu.memref_slice %arg5[%dma_wait3A_1379] : memref<6400xi32, #tpu.memory_space<vmem>> -> memref<4000xi32, #tpu.memory_space<vmem>>
      %dma_wait3A_1381 = arith.constant 96000 : i32
      %dma_wait3A_1382 = tpu.memref_slice %arg2[%dma_wait3A_1381] : memref<200000xi32, #tpu.memory_space<hbm>> -> memref<4000xi32, #tpu.memory_space<hbm>>
      tpu.wait_dma2 semaphore(%arg11 : memref<!tpu.dma_semaphore, #tpu.memory_space<semaphore_mem>>) src(%dma_wait3A_1382 : memref<4000xi32, #tpu.memory_space<hbm>>) dst(%dma_wait3A_1380 : memref<4000xi32, #tpu.memory_space<vmem>>)
      %dma_wait3A_1383 = arith.constant 0 : i32
      %dma_wait3A_1384 = tpu.memref_slice %arg6[%dma_wait3A_1383] : memref<6400xi32, #tpu.memory_space<vmem>> -> memref<4000xi32, #tpu.memory_space<vmem>>
      %dma_wait3A_1385 = arith.constant 196000 : i32
      %dma_wait3A_1386 = tpu.memref_slice %arg2[%dma_wait3A_1385] : memref<200000xi32, #tpu.memory_space<hbm>> -> memref<4000xi32, #tpu.memory_space<hbm>>
      %dma_wait3A_1387 = arith.constant 0 : i32
      %dma_wait3A_1388 = tpu.memref_slice %arg6[%dma_wait3A_1387] : memref<6400xi32, #tpu.memory_space<vmem>> -> memref<4000xi32, #tpu.memory_space<vmem>>
      %dma_wait3A_1389 = arith.constant 196000 : i32
      %dma_wait3A_1390 = tpu.memref_slice %arg2[%dma_wait3A_1389] : memref<200000xi32, #tpu.memory_space<hbm>> -> memref<4000xi32, #tpu.memory_space<hbm>>
      tpu.wait_dma2 semaphore(%arg11 : memref<!tpu.dma_semaphore, #tpu.memory_space<semaphore_mem>>) src(%dma_wait3A_1390 : memref<4000xi32, #tpu.memory_space<hbm>>) dst(%dma_wait3A_1388 : memref<4000xi32, #tpu.memory_space<vmem>>)
      %dma_wait3A_1391 = arith.constant 0 : i32
      %dma_wait3A_1392 = tpu.memref_slice %arg7[%dma_wait3A_1391] : memref<6400xf32, #tpu.memory_space<vmem>> -> memref<4000xf32, #tpu.memory_space<vmem>>
      %dma_wait3A_1393 = arith.constant 96000 : i32
      %dma_wait3A_1394 = tpu.memref_slice %arg3[%dma_wait3A_1393] : memref<100000xf32, #tpu.memory_space<hbm>> -> memref<4000xf32, #tpu.memory_space<hbm>>
      %dma_wait3A_1395 = arith.constant 0 : i32
      %dma_wait3A_1396 = tpu.memref_slice %arg7[%dma_wait3A_1395] : memref<6400xf32, #tpu.memory_space<vmem>> -> memref<4000xf32, #tpu.memory_space<vmem>>
      %dma_wait3A_1397 = arith.constant 96000 : i32
      %dma_wait3A_1398 = tpu.memref_slice %arg3[%dma_wait3A_1397] : memref<100000xf32, #tpu.memory_space<hbm>> -> memref<4000xf32, #tpu.memory_space<hbm>>
      tpu.wait_dma2 semaphore(%arg11 : memref<!tpu.dma_semaphore, #tpu.memory_space<semaphore_mem>>) src(%dma_wait3A_1398 : memref<4000xf32, #tpu.memory_space<hbm>>) dst(%dma_wait3A_1396 : memref<4000xf32, #tpu.memory_space<vmem>>)
    } else {
    }
    %mul3A_46 = arith.constant 512 : i32
    %mul3A_47 = arith.muli %arg0, %mul3A_46 : i32
    %iota3A = tpu.iota {dimensions = array<i32: 0>} : vector<16xi32>
    %scan3A_48 = arith.constant 0 : i32
    %scan3A_49 = arith.constant 0 : i32
    %scan3A_50 = arith.constant 50 : i32
    %scan3A_51 = arith.addi %scan3A_49, %scan3A_50 : i32
    %scan3A_52 = arith.constant 1 : i32
    %scan3A_53 = scf.for %scan3A_1375 = %scan3A_49 to %scan3A_51 step %scan3A_52 iter_args(%scan3A_1376 = %scan3A_48) -> (i32)  : i32 {
      %mul3A_1377 = arith.constant 8 : i32
      %mul3A_1378 = arith.muli %scan3A_1375, %mul3A_1377 : i32
      %add3A_1379 = arith.constant 0 : i32
      %add3A_1380 = arith.addi %mul3A_1378, %add3A_1379 : i32
      %mul3A_1381 = arith.constant 16 : i32
      %mul3A_1382 = arith.muli %add3A_1380, %mul3A_1381 : i32
      %get3A = arith.index_cast %mul3A_1382 : i32 to index
      %get3A_1383 = tpu.vector_load %arg5[%get3A] {strides = array<i32>} : memref<6400xi32, #tpu.memory_space<vmem>>, vector<16xi32>,
      %get3A_1384 = vector.shape_cast %get3A_1383 : vector<16xi32> to vector<16xi32>
      %sub3A = vector.broadcast %mul3A_47 : i32 to vector<16xi32>
      %sub3A_1385 = arith.subi %get3A_1384, %sub3A : vector<16xi32>
      %mul3A_1386 = arith.constant 16 : i32
      %mul3A_1387 = arith.muli %add3A_1380, %mul3A_1386 : i32
      %get3A_1388 = arith.index_cast %mul3A_1387 : i32 to index
      %get3A_1389 = tpu.vector_load %arg6[%get3A_1388] {strides = array<i32>} : memref<6400xi32, #tpu.memory_space<vmem>>, vector<16xi32>,
      %get3A_1390 = vector.shape_cast %get3A_1389 : vector<16xi32> to vector<16xi32>
      %ge3A = arith.constant 0 : i32
      %ge3A_1391 = vector.broadcast %ge3A : i32 to vector<16xi32>
      %ge3A_1392 = arith.cmpi sge, %sub3A_1385, %ge3A_1391 : vector<16xi32>
      %lt3A_1393 = arith.constant 512 : i32
      %lt3A_1394 = vector.broadcast %lt3A_1393 : i32 to vector<16xi32>
      %lt3A_1395 = arith.cmpi slt, %sub3A_1385, %lt3A_1394 : vector<16xi32>
      %and3A = arith.andi %ge3A_1392, %lt3A_1395 : vector<16xi1>
      %mul3A_1396 = arith.constant 16 : i32
      %mul3A_1397 = arith.muli %add3A_1380, %mul3A_1396 : i32
      %add3A_1398 = arith.addi %mul3A_0, %mul3A_1397 : i32
      %add3A_1399 = vector.broadcast %add3A_1398 : i32 to vector<16xi32>
      %add3A_1400 = arith.addi %add3A_1399, %iota3A : vector<16xi32>
      %lt3A_1401 = arith.constant 100000 : i32
      %lt3A_1402 = vector.broadcast %lt3A_1401 : i32 to vector<16xi32>
      %lt3A_1403 = arith.cmpi slt, %add3A_1400, %lt3A_1402 : vector<16xi32>
      %and3A_1404 = arith.andi %and3A, %lt3A_1403 : vector<16xi1>
      %mul3A_1405 = arith.constant 1024 : i32
      %mul3A_1406 = vector.broadcast %mul3A_1405 : i32 to vector<16xi32>
      %mul3A_1407 = arith.muli %sub3A_1385, %mul3A_1406 : vector<16xi32>
      %add3A_1408 = arith.addi %mul3A_1407, %get3A_1390 : vector<16xi32>
      %mul3A_1409 = arith.constant 16 : i32
      %mul3A_1410 = arith.muli %add3A_1380, %mul3A_1409 : i32
      %add3A_1411 = vector.broadcast %mul3A_1410 : i32 to vector<16xi32>
      %add3A_1412 = arith.addi %add3A_1411, %iota3A : vector<16xi32>
      %and3A_1413 = arith.constant 127 : i32
      %and3A_1414 = vector.broadcast %and3A_1413 : i32 to vector<16xi32>
      %and3A_1415 = arith.andi %add3A_1412, %and3A_1414 : vector<16xi32>
      %add3A_1416 = arith.constant 524288 : i32
      %add3A_1417 = vector.broadcast %add3A_1416 : i32 to vector<16xi32>
      %add3A_1418 = arith.addi %add3A_1417, %and3A_1415 : vector<16xi32>
      %select_n3A = arith.select %and3A_1404, %add3A_1408, %add3A_1418 : vector<16xi1>, vector<16xi32>
      %swap3A = arith.index_cast %scan3A_1375 : i32 to index
      %swap3A_1419 = arith.constant 0 : index
      %swap3A_1420 = tpu.vector_load %arg8[%swap3A, %swap3A_1419] {strides = array<i32>} : memref<50x128xi32, #tpu.memory_space<vmem>>, vector<1x16xi32>,
      %swap3A_1421 = vector.shape_cast %swap3A_1420 : vector<1x16xi32> to vector<16xi32>
      %swap3A_1422 = vector.shape_cast %select_n3A : vector<16xi32> to vector<1x16xi32>
      tpu.vector_store %arg8[%swap3A, %swap3A_1419], %swap3A_1422 {strides = array<i32>} : memref<50x128xi32, #tpu.memory_space<vmem>>, vector<1x16xi32>,
      %mul3A_1423 = arith.constant 8 : i32
      %mul3A_1424 = arith.muli %scan3A_1375, %mul3A_1423 : i32
      %add3A_1425 = arith.constant 1 : i32
      %add3A_1426 = arith.addi %mul3A_1424, %add3A_1425 : i32
      %mul3A_1427 = arith.constant 16 : i32
      %mul3A_1428 = arith.muli %add3A_1426, %mul3A_1427 : i32
      %get3A_1429 = arith.index_cast %mul3A_1428 : i32 to index
      %get3A_1430 = tpu.vector_load %arg5[%get3A_1429] {strides = array<i32>} : memref<6400xi32, #tpu.memory_space<vmem>>, vector<16xi32>,
      %get3A_1431 = vector.shape_cast %get3A_1430 : vector<16xi32> to vector<16xi32>
      %sub3A_1432 = vector.broadcast %mul3A_47 : i32 to vector<16xi32>
      %sub3A_1433 = arith.subi %get3A_1431, %sub3A_1432 : vector<16xi32>
      %mul3A_1434 = arith.constant 16 : i32
      %mul3A_1435 = arith.muli %add3A_1426, %mul3A_1434 : i32
      %get3A_1436 = arith.index_cast %mul3A_1435 : i32 to index
      %get3A_1437 = tpu.vector_load %arg6[%get3A_1436] {strides = array<i32>} : memref<6400xi32, #tpu.memory_space<vmem>>, vector<16xi32>,
      %get3A_1438 = vector.shape_cast %get3A_1437 : vector<16xi32> to vector<16xi32>
      %ge3A_1439 = arith.constant 0 : i32
      %ge3A_1440 = vector.broadcast %ge3A_1439 : i32 to vector<16xi32>
      %ge3A_1441 = arith.cmpi sge, %sub3A_1433, %ge3A_1440 : vector<16xi32>
      %lt3A_1442 = arith.constant 512 : i32
      %lt3A_1443 = vector.broadcast %lt3A_1442 : i32 to vector<16xi32>
      %lt3A_1444 = arith.cmpi slt, %sub3A_1433, %lt3A_1443 : vector<16xi32>
      %and3A_1445 = arith.andi %ge3A_1441, %lt3A_1444 : vector<16xi1>
      %mul3A_1446 = arith.constant 16 : i32
      %mul3A_1447 = arith.muli %add3A_1426, %mul3A_1446 : i32
      %add3A_1448 = arith.addi %mul3A_0, %mul3A_1447 : i32
      %add3A_1449 = vector.broadcast %add3A_1448 : i32 to vector<16xi32>
      %add3A_1450 = arith.addi %add3A_1449, %iota3A : vector<16xi32>
      %lt3A_1451 = arith.constant 100000 : i32
      %lt3A_1452 = vector.broadcast %lt3A_1451 : i32 to vector<16xi32>
      %lt3A_1453 = arith.cmpi slt, %add3A_1450, %lt3A_1452 : vector<16xi32>
      %and3A_1454 = arith.andi %and3A_1445, %lt3A_1453 : vector<16xi1>
      %mul3A_1455 = arith.constant 1024 : i32
      %mul3A_1456 = vector.broadcast %mul3A_1455 : i32 to vector<16xi32>
      %mul3A_1457 = arith.muli %sub3A_1433, %mul3A_1456 : vector<16xi32>
      %add3A_1458 = arith.addi %mul3A_1457, %get3A_1438 : vector<16xi32>
      %mul3A_1459 = arith.constant 16 : i32
      %mul3A_1460 = arith.muli %add3A_1426, %mul3A_1459 : i32
      %add3A_1461 = vector.broadcast %mul3A_1460 : i32 to vector<16xi32>
      %add3A_1462 = arith.addi %add3A_1461, %iota3A : vector<16xi32>
      %and3A_1463 = arith.constant 127 : i32
      %and3A_1464 = vector.broadcast %and3A_1463 : i32 to vector<16xi32>
      %and3A_1465 = arith.andi %add3A_1462, %and3A_1464 : vector<16xi32>
      %add3A_1466 = arith.constant 524288 : i32
      %add3A_1467 = vector.broadcast %add3A_1466 : i32 to vector<16xi32>
      %add3A_1468 = arith.addi %add3A_1467, %and3A_1465 : vector<16xi32>
      %select_n3A_1469 = arith.select %and3A_1454, %add3A_1458, %add3A_1468 : vector<16xi1>, vector<16xi32>
      %swap3A_1470 = arith.index_cast %scan3A_1375 : i32 to index
      %swap3A_1471 = arith.constant 16 : index
      %swap3A_1472 = tpu.vector_load %arg8[%swap3A_1470, %swap3A_1471] {strides = array<i32>} : memref<50x128xi32, #tpu.memory_space<vmem>>, vector<1x16xi32>,
      %swap3A_1473 = vector.shape_cast %swap3A_1472 : vector<1x16xi32> to vector<16xi32>
      %swap3A_1474 = vector.shape_cast %select_n3A_1469 : vector<16xi32> to vector<1x16xi32>
      tpu.vector_store %arg8[%swap3A_1470, %swap3A_1471], %swap3A_1474 {strides = array<i32>} : memref<50x128xi32, #tpu.memory_space<vmem>>, vector<1x16xi32>,
      %mul3A_1475 = arith.constant 8 : i32
      %mul3A_1476 = arith.muli %scan3A_1375, %mul3A_1475 : i32
      %add3A_1477 = arith.constant 2 : i32
      %add3A_1478 = arith.addi %mul3A_1476, %add3A_1477 : i32
      %mul3A_1479 = arith.constant 16 : i32
      %mul3A_1480 = arith.muli %add3A_1478, %mul3A_1479 : i32
      %get3A_1481 = arith.index_cast %mul3A_1480 : i32 to index
      %get3A_1482 = tpu.vector_load %arg5[%get3A_1481] {strides = array<i32>} : memref<6400xi32, #tpu.memory_space<vmem>>, vector<16xi32>,
      %get3A_1483 = vector.shape_cast %get3A_1482 : vector<16xi32> to vector<16xi32>
      %sub3A_1484 = vector.broadcast %mul3A_47 : i32 to vector<16xi32>
      %sub3A_1485 = arith.subi %get3A_1483, %sub3A_1484 : vector<16xi32>
      %mul3A_1486 = arith.constant 16 : i32
      %mul3A_1487 = arith.muli %add3A_1478, %mul3A_1486 : i32
      %get3A_1488 = arith.index_cast %mul3A_1487 : i32 to index
      %get3A_1489 = tpu.vector_load %arg6[%get3A_1488] {strides = array<i32>} : memref<6400xi32, #tpu.memory_space<vmem>>, vector<16xi32>,
      %get3A_1490 = vector.shape_cast %get3A_1489 : vector<16xi32> to vector<16xi32>
      %ge3A_1491 = arith.constant 0 : i32
      %ge3A_1492 = vector.broadcast %ge3A_1491 : i32 to vector<16xi32>
      %ge3A_1493 = arith.cmpi sge, %sub3A_1485, %ge3A_1492 : vector<16xi32>
      %lt3A_1494 = arith.constant 512 : i32
      %lt3A_1495 = vector.broadcast %lt3A_1494 : i32 to vector<16xi32>
      %lt3A_1496 = arith.cmpi slt, %sub3A_1485, %lt3A_1495 : vector<16xi32>
      %and3A_1497 = arith.andi %ge3A_1493, %lt3A_1496 : vector<16xi1>
      %mul3A_1498 = arith.constant 16 : i32
      %mul3A_1499 = arith.muli %add3A_1478, %mul3A_1498 : i32
      %add3A_1500 = arith.addi %mul3A_0, %mul3A_1499 : i32
      %add3A_1501 = vector.broadcast %add3A_1500 : i32 to vector<16xi32>
      %add3A_1502 = arith.addi %add3A_1501, %iota3A : vector<16xi32>
      %lt3A_1503 = arith.constant 100000 : i32
      %lt3A_1504 = vector.broadcast %lt3A_1503 : i32 to vector<16xi32>
      %lt3A_1505 = arith.cmpi slt, %add3A_1502, %lt3A_1504 : vector<16xi32>
      %and3A_1506 = arith.andi %and3A_1497, %lt3A_1505 : vector<16xi1>
      %mul3A_1507 = arith.constant 1024 : i32
      %mul3A_1508 = vector.broadcast %mul3A_1507 : i32 to vector<16xi32>
      %mul3A_1509 = arith.muli %sub3A_1485, %mul3A_1508 : vector<16xi32>
      %add3A_1510 = arith.addi %mul3A_1509, %get3A_1490 : vector<16xi32>
      %mul3A_1511 = arith.constant 16 : i32
      %mul3A_1512 = arith.muli %add3A_1478, %mul3A_1511 : i32
      %add3A_1513 = vector.broadcast %mul3A_1512 : i32 to vector<16xi32>
      %add3A_1514 = arith.addi %add3A_1513, %iota3A : vector<16xi32>
      %and3A_1515 = arith.constant 127 : i32
      %and3A_1516 = vector.broadcast %and3A_1515 : i32 to vector<16xi32>
      %and3A_1517 = arith.andi %add3A_1514, %and3A_1516 : vector<16xi32>
      %add3A_1518 = arith.constant 524288 : i32
      %add3A_1519 = vector.broadcast %add3A_1518 : i32 to vector<16xi32>
      %add3A_1520 = arith.addi %add3A_1519, %and3A_1517 : vector<16xi32>
      %select_n3A_1521 = arith.select %and3A_1506, %add3A_1510, %add3A_1520 : vector<16xi1>, vector<16xi32>
      %swap3A_1522 = arith.index_cast %scan3A_1375 : i32 to index
      %swap3A_1523 = arith.constant 32 : index
      %swap3A_1524 = tpu.vector_load %arg8[%swap3A_1522, %swap3A_1523] {strides = array<i32>} : memref<50x128xi32, #tpu.memory_space<vmem>>, vector<1x16xi32>,
      %swap3A_1525 = vector.shape_cast %swap3A_1524 : vector<1x16xi32> to vector<16xi32>
      %swap3A_1526 = vector.shape_cast %select_n3A_1521 : vector<16xi32> to vector<1x16xi32>
      tpu.vector_store %arg8[%swap3A_1522, %swap3A_1523], %swap3A_1526 {strides = array<i32>} : memref<50x128xi32, #tpu.memory_space<vmem>>, vector<1x16xi32>,
      %mul3A_1527 = arith.constant 8 : i32
      %mul3A_1528 = arith.muli %scan3A_1375, %mul3A_1527 : i32
      %add3A_1529 = arith.constant 3 : i32
      %add3A_1530 = arith.addi %mul3A_1528, %add3A_1529 : i32
      %mul3A_1531 = arith.constant 16 : i32
      %mul3A_1532 = arith.muli %add3A_1530, %mul3A_1531 : i32
      %get3A_1533 = arith.index_cast %mul3A_1532 : i32 to index
      %get3A_1534 = tpu.vector_load %arg5[%get3A_1533] {strides = array<i32>} : memref<6400xi32, #tpu.memory_space<vmem>>, vector<16xi32>,
      %get3A_1535 = vector.shape_cast %get3A_1534 : vector<16xi32> to vector<16xi32>
      %sub3A_1536 = vector.broadcast %mul3A_47 : i32 to vector<16xi32>
      %sub3A_1537 = arith.subi %get3A_1535, %sub3A_1536 : vector<16xi32>
      %mul3A_1538 = arith.constant 16 : i32
      %mul3A_1539 = arith.muli %add3A_1530, %mul3A_1538 : i32
      %get3A_1540 = arith.index_cast %mul3A_1539 : i32 to index
      %get3A_1541 = tpu.vector_load %arg6[%get3A_1540] {strides = array<i32>} : memref<6400xi32, #tpu.memory_space<vmem>>, vector<16xi32>,
      %get3A_1542 = vector.shape_cast %get3A_1541 : vector<16xi32> to vector<16xi32>
      %ge3A_1543 = arith.constant 0 : i32
      %ge3A_1544 = vector.broadcast %ge3A_1543 : i32 to vector<16xi32>
      %ge3A_1545 = arith.cmpi sge, %sub3A_1537, %ge3A_1544 : vector<16xi32>
      %lt3A_1546 = arith.constant 512 : i32
      %lt3A_1547 = vector.broadcast %lt3A_1546 : i32 to vector<16xi32>
      %lt3A_1548 = arith.cmpi slt, %sub3A_1537, %lt3A_1547 : vector<16xi32>
      %and3A_1549 = arith.andi %ge3A_1545, %lt3A_1548 : vector<16xi1>
      %mul3A_1550 = arith.constant 16 : i32
      %mul3A_1551 = arith.muli %add3A_1530, %mul3A_1550 : i32
      %add3A_1552 = arith.addi %mul3A_0, %mul3A_1551 : i32
      %add3A_1553 = vector.broadcast %add3A_1552 : i32 to vector<16xi32>
      %add3A_1554 = arith.addi %add3A_1553, %iota3A : vector<16xi32>
      %lt3A_1555 = arith.constant 100000 : i32
      %lt3A_1556 = vector.broadcast %lt3A_1555 : i32 to vector<16xi32>
      %lt3A_1557 = arith.cmpi slt, %add3A_1554, %lt3A_1556 : vector<16xi32>
      %and3A_1558 = arith.andi %and3A_1549, %lt3A_1557 : vector<16xi1>
      %mul3A_1559 = arith.constant 1024 : i32
      %mul3A_1560 = vector.broadcast %mul3A_1559 : i32 to vector<16xi32>
      %mul3A_1561 = arith.muli %sub3A_1537, %mul3A_1560 : vector<16xi32>
      %add3A_1562 = arith.addi %mul3A_1561, %get3A_1542 : vector<16xi32>
      %mul3A_1563 = arith.constant 16 : i32
      %mul3A_1564 = arith.muli %add3A_1530, %mul3A_1563 : i32
      %add3A_1565 = vector.broadcast %mul3A_1564 : i32 to vector<16xi32>
      %add3A_1566 = arith.addi %add3A_1565, %iota3A : vector<16xi32>
      %and3A_1567 = arith.constant 127 : i32
      %and3A_1568 = vector.broadcast %and3A_1567 : i32 to vector<16xi32>
      %and3A_1569 = arith.andi %add3A_1566, %and3A_1568 : vector<16xi32>
      %add3A_1570 = arith.constant 524288 : i32
      %add3A_1571 = vector.broadcast %add3A_1570 : i32 to vector<16xi32>
      %add3A_1572 = arith.addi %add3A_1571, %and3A_1569 : vector<16xi32>
      %select_n3A_1573 = arith.select %and3A_1558, %add3A_1562, %add3A_1572 : vector<16xi1>, vector<16xi32>
      %swap3A_1574 = arith.index_cast %scan3A_1375 : i32 to index
      %swap3A_1575 = arith.constant 48 : index
      %swap3A_1576 = tpu.vector_load %arg8[%swap3A_1574, %swap3A_1575] {strides = array<i32>} : memref<50x128xi32, #tpu.memory_space<vmem>>, vector<1x16xi32>,
      %swap3A_1577 = vector.shape_cast %swap3A_1576 : vector<1x16xi32> to vector<16xi32>
      %swap3A_1578 = vector.shape_cast %select_n3A_1573 : vector<16xi32> to vector<1x16xi32>
      tpu.vector_store %arg8[%swap3A_1574, %swap3A_1575], %swap3A_1578 {strides = array<i32>} : memref<50x128xi32, #tpu.memory_space<vmem>>, vector<1x16xi32>,
      %mul3A_1579 = arith.constant 8 : i32
      %mul3A_1580 = arith.muli %scan3A_1375, %mul3A_1579 : i32
      %add3A_1581 = arith.constant 4 : i32
      %add3A_1582 = arith.addi %mul3A_1580, %add3A_1581 : i32
      %mul3A_1583 = arith.constant 16 : i32
      %mul3A_1584 = arith.muli %add3A_1582, %mul3A_1583 : i32
      %get3A_1585 = arith.index_cast %mul3A_1584 : i32 to index
      %get3A_1586 = tpu.vector_load %arg5[%get3A_1585] {strides = array<i32>} : memref<6400xi32, #tpu.memory_space<vmem>>, vector<16xi32>,
      %get3A_1587 = vector.shape_cast %get3A_1586 : vector<16xi32> to vector<16xi32>
      %sub3A_1588 = vector.broadcast %mul3A_47 : i32 to vector<16xi32>
      %sub3A_1589 = arith.subi %get3A_1587, %sub3A_1588 : vector<16xi32>
      %mul3A_1590 = arith.constant 16 : i32
      %mul3A_1591 = arith.muli %add3A_1582, %mul3A_1590 : i32
      %get3A_1592 = arith.index_cast %mul3A_1591 : i32 to index
      %get3A_1593 = tpu.vector_load %arg6[%get3A_1592] {strides = array<i32>} : memref<6400xi32, #tpu.memory_space<vmem>>, vector<16xi32>,
      %get3A_1594 = vector.shape_cast %get3A_1593 : vector<16xi32> to vector<16xi32>
      %ge3A_1595 = arith.constant 0 : i32
      %ge3A_1596 = vector.broadcast %ge3A_1595 : i32 to vector<16xi32>
      %ge3A_1597 = arith.cmpi sge, %sub3A_1589, %ge3A_1596 : vector<16xi32>
      %lt3A_1598 = arith.constant 512 : i32
      %lt3A_1599 = vector.broadcast %lt3A_1598 : i32 to vector<16xi32>
      %lt3A_1600 = arith.cmpi slt, %sub3A_1589, %lt3A_1599 : vector<16xi32>
      %and3A_1601 = arith.andi %ge3A_1597, %lt3A_1600 : vector<16xi1>
      %mul3A_1602 = arith.constant 16 : i32
      %mul3A_1603 = arith.muli %add3A_1582, %mul3A_1602 : i32
      %add3A_1604 = arith.addi %mul3A_0, %mul3A_1603 : i32
      %add3A_1605 = vector.broadcast %add3A_1604 : i32 to vector<16xi32>
      %add3A_1606 = arith.addi %add3A_1605, %iota3A : vector<16xi32>
      %lt3A_1607 = arith.constant 100000 : i32
      %lt3A_1608 = vector.broadcast %lt3A_1607 : i32 to vector<16xi32>
      %lt3A_1609 = arith.cmpi slt, %add3A_1606, %lt3A_1608 : vector<16xi32>
      %and3A_1610 = arith.andi %and3A_1601, %lt3A_1609 : vector<16xi1>
      %mul3A_1611 = arith.constant 1024 : i32
      %mul3A_1612 = vector.broadcast %mul3A_1611 : i32 to vector<16xi32>
      %mul3A_1613 = arith.muli %sub3A_1589, %mul3A_1612 : vector<16xi32>
      %add3A_1614 = arith.addi %mul3A_1613, %get3A_1594 : vector<16xi32>
      %mul3A_1615 = arith.constant 16 : i32
      %mul3A_1616 = arith.muli %add3A_1582, %mul3A_1615 : i32
      %add3A_1617 = vector.broadcast %mul3A_1616 : i32 to vector<16xi32>
      %add3A_1618 = arith.addi %add3A_1617, %iota3A : vector<16xi32>
      %and3A_1619 = arith.constant 127 : i32
      %and3A_1620 = vector.broadcast %and3A_1619 : i32 to vector<16xi32>
      %and3A_1621 = arith.andi %add3A_1618, %and3A_1620 : vector<16xi32>
      %add3A_1622 = arith.constant 524288 : i32
      %add3A_1623 = vector.broadcast %add3A_1622 : i32 to vector<16xi32>
      %add3A_1624 = arith.addi %add3A_1623, %and3A_1621 : vector<16xi32>
      %select_n3A_1625 = arith.select %and3A_1610, %add3A_1614, %add3A_1624 : vector<16xi1>, vector<16xi32>
      %swap3A_1626 = arith.index_cast %scan3A_1375 : i32 to index
      %swap3A_1627 = arith.constant 64 : index
      %swap3A_1628 = tpu.vector_load %arg8[%swap3A_1626, %swap3A_1627] {strides = array<i32>} : memref<50x128xi32, #tpu.memory_space<vmem>>, vector<1x16xi32>,
      %swap3A_1629 = vector.shape_cast %swap3A_1628 : vector<1x16xi32> to vector<16xi32>
      %swap3A_1630 = vector.shape_cast %select_n3A_1625 : vector<16xi32> to vector<1x16xi32>
      tpu.vector_store %arg8[%swap3A_1626, %swap3A_1627], %swap3A_1630 {strides = array<i32>} : memref<50x128xi32, #tpu.memory_space<vmem>>, vector<1x16xi32>,
      %mul3A_1631 = arith.constant 8 : i32
      %mul3A_1632 = arith.muli %scan3A_1375, %mul3A_1631 : i32
      %add3A_1633 = arith.constant 5 : i32
      %add3A_1634 = arith.addi %mul3A_1632, %add3A_1633 : i32
      %mul3A_1635 = arith.constant 16 : i32
      %mul3A_1636 = arith.muli %add3A_1634, %mul3A_1635 : i32
      %get3A_1637 = arith.index_cast %mul3A_1636 : i32 to index
      %get3A_1638 = tpu.vector_load %arg5[%get3A_1637] {strides = array<i32>} : memref<6400xi32, #tpu.memory_space<vmem>>, vector<16xi32>,
      %get3A_1639 = vector.shape_cast %get3A_1638 : vector<16xi32> to vector<16xi32>
      %sub3A_1640 = vector.broadcast %mul3A_47 : i32 to vector<16xi32>
      %sub3A_1641 = arith.subi %get3A_1639, %sub3A_1640 : vector<16xi32>
      %mul3A_1642 = arith.constant 16 : i32
      %mul3A_1643 = arith.muli %add3A_1634, %mul3A_1642 : i32
      %get3A_1644 = arith.index_cast %mul3A_1643 : i32 to index
      %get3A_1645 = tpu.vector_load %arg6[%get3A_1644] {strides = array<i32>} : memref<6400xi32, #tpu.memory_space<vmem>>, vector<16xi32>,
      %get3A_1646 = vector.shape_cast %get3A_1645 : vector<16xi32> to vector<16xi32>
      %ge3A_1647 = arith.constant 0 : i32
      %ge3A_1648 = vector.broadcast %ge3A_1647 : i32 to vector<16xi32>
      %ge3A_1649 = arith.cmpi sge, %sub3A_1641, %ge3A_1648 : vector<16xi32>
      %lt3A_1650 = arith.constant 512 : i32
      %lt3A_1651 = vector.broadcast %lt3A_1650 : i32 to vector<16xi32>
      %lt3A_1652 = arith.cmpi slt, %sub3A_1641, %lt3A_1651 : vector<16xi32>
      %and3A_1653 = arith.andi %ge3A_1649, %lt3A_1652 : vector<16xi1>
      %mul3A_1654 = arith.constant 16 : i32
      %mul3A_1655 = arith.muli %add3A_1634, %mul3A_1654 : i32
      %add3A_1656 = arith.addi %mul3A_0, %mul3A_1655 : i32
      %add3A_1657 = vector.broadcast %add3A_1656 : i32 to vector<16xi32>
      %add3A_1658 = arith.addi %add3A_1657, %iota3A : vector<16xi32>
      %lt3A_1659 = arith.constant 100000 : i32
      %lt3A_1660 = vector.broadcast %lt3A_1659 : i32 to vector<16xi32>
      %lt3A_1661 = arith.cmpi slt, %add3A_1658, %lt3A_1660 : vector<16xi32>
      %and3A_1662 = arith.andi %and3A_1653, %lt3A_1661 : vector<16xi1>
      %mul3A_1663 = arith.constant 1024 : i32
      %mul3A_1664 = vector.broadcast %mul3A_1663 : i32 to vector<16xi32>
      %mul3A_1665 = arith.muli %sub3A_1641, %mul3A_1664 : vector<16xi32>
      %add3A_1666 = arith.addi %mul3A_1665, %get3A_1646 : vector<16xi32>
      %mul3A_1667 = arith.constant 16 : i32
      %mul3A_1668 = arith.muli %add3A_1634, %mul3A_1667 : i32
      %add3A_1669 = vector.broadcast %mul3A_1668 : i32 to vector<16xi32>
      %add3A_1670 = arith.addi %add3A_1669, %iota3A : vector<16xi32>
      %and3A_1671 = arith.constant 127 : i32
      %and3A_1672 = vector.broadcast %and3A_1671 : i32 to vector<16xi32>
      %and3A_1673 = arith.andi %add3A_1670, %and3A_1672 : vector<16xi32>
      %add3A_1674 = arith.constant 524288 : i32
      %add3A_1675 = vector.broadcast %add3A_1674 : i32 to vector<16xi32>
      %add3A_1676 = arith.addi %add3A_1675, %and3A_1673 : vector<16xi32>
      %select_n3A_1677 = arith.select %and3A_1662, %add3A_1666, %add3A_1676 : vector<16xi1>, vector<16xi32>
      %swap3A_1678 = arith.index_cast %scan3A_1375 : i32 to index
      %swap3A_1679 = arith.constant 80 : index
      %swap3A_1680 = tpu.vector_load %arg8[%swap3A_1678, %swap3A_1679] {strides = array<i32>} : memref<50x128xi32, #tpu.memory_space<vmem>>, vector<1x16xi32>,
      %swap3A_1681 = vector.shape_cast %swap3A_1680 : vector<1x16xi32> to vector<16xi32>
      %swap3A_1682 = vector.shape_cast %select_n3A_1677 : vector<16xi32> to vector<1x16xi32>
      tpu.vector_store %arg8[%swap3A_1678, %swap3A_1679], %swap3A_1682 {strides = array<i32>} : memref<50x128xi32, #tpu.memory_space<vmem>>, vector<1x16xi32>,
      %mul3A_1683 = arith.constant 8 : i32
      %mul3A_1684 = arith.muli %scan3A_1375, %mul3A_1683 : i32
      %add3A_1685 = arith.constant 6 : i32
      %add3A_1686 = arith.addi %mul3A_1684, %add3A_1685 : i32
      %mul3A_1687 = arith.constant 16 : i32
      %mul3A_1688 = arith.muli %add3A_1686, %mul3A_1687 : i32
      %get3A_1689 = arith.index_cast %mul3A_1688 : i32 to index
      %get3A_1690 = tpu.vector_load %arg5[%get3A_1689] {strides = array<i32>} : memref<6400xi32, #tpu.memory_space<vmem>>, vector<16xi32>,
      %get3A_1691 = vector.shape_cast %get3A_1690 : vector<16xi32> to vector<16xi32>
      %sub3A_1692 = vector.broadcast %mul3A_47 : i32 to vector<16xi32>
      %sub3A_1693 = arith.subi %get3A_1691, %sub3A_1692 : vector<16xi32>
      %mul3A_1694 = arith.constant 16 : i32
      %mul3A_1695 = arith.muli %add3A_1686, %mul3A_1694 : i32
      %get3A_1696 = arith.index_cast %mul3A_1695 : i32 to index
      %get3A_1697 = tpu.vector_load %arg6[%get3A_1696] {strides = array<i32>} : memref<6400xi32, #tpu.memory_space<vmem>>, vector<16xi32>,
      %get3A_1698 = vector.shape_cast %get3A_1697 : vector<16xi32> to vector<16xi32>
      %ge3A_1699 = arith.constant 0 : i32
      %ge3A_1700 = vector.broadcast %ge3A_1699 : i32 to vector<16xi32>
      %ge3A_1701 = arith.cmpi sge, %sub3A_1693, %ge3A_1700 : vector<16xi32>
      %lt3A_1702 = arith.constant 512 : i32
      %lt3A_1703 = vector.broadcast %lt3A_1702 : i32 to vector<16xi32>
      %lt3A_1704 = arith.cmpi slt, %sub3A_1693, %lt3A_1703 : vector<16xi32>
      %and3A_1705 = arith.andi %ge3A_1701, %lt3A_1704 : vector<16xi1>
      %mul3A_1706 = arith.constant 16 : i32
      %mul3A_1707 = arith.muli %add3A_1686, %mul3A_1706 : i32
      %add3A_1708 = arith.addi %mul3A_0, %mul3A_1707 : i32
      %add3A_1709 = vector.broadcast %add3A_1708 : i32 to vector<16xi32>
      %add3A_1710 = arith.addi %add3A_1709, %iota3A : vector<16xi32>
      %lt3A_1711 = arith.constant 100000 : i32
      %lt3A_1712 = vector.broadcast %lt3A_1711 : i32 to vector<16xi32>
      %lt3A_1713 = arith.cmpi slt, %add3A_1710, %lt3A_1712 : vector<16xi32>
      %and3A_1714 = arith.andi %and3A_1705, %lt3A_1713 : vector<16xi1>
      %mul3A_1715 = arith.constant 1024 : i32
      %mul3A_1716 = vector.broadcast %mul3A_1715 : i32 to vector<16xi32>
      %mul3A_1717 = arith.muli %sub3A_1693, %mul3A_1716 : vector<16xi32>
      %add3A_1718 = arith.addi %mul3A_1717, %get3A_1698 : vector<16xi32>
      %mul3A_1719 = arith.constant 16 : i32
      %mul3A_1720 = arith.muli %add3A_1686, %mul3A_1719 : i32
      %add3A_1721 = vector.broadcast %mul3A_1720 : i32 to vector<16xi32>
      %add3A_1722 = arith.addi %add3A_1721, %iota3A : vector<16xi32>
      %and3A_1723 = arith.constant 127 : i32
      %and3A_1724 = vector.broadcast %and3A_1723 : i32 to vector<16xi32>
      %and3A_1725 = arith.andi %add3A_1722, %and3A_1724 : vector<16xi32>
      %add3A_1726 = arith.constant 524288 : i32
      %add3A_1727 = vector.broadcast %add3A_1726 : i32 to vector<16xi32>
      %add3A_1728 = arith.addi %add3A_1727, %and3A_1725 : vector<16xi32>
      %select_n3A_1729 = arith.select %and3A_1714, %add3A_1718, %add3A_1728 : vector<16xi1>, vector<16xi32>
      %swap3A_1730 = arith.index_cast %scan3A_1375 : i32 to index
      %swap3A_1731 = arith.constant 96 : index
      %swap3A_1732 = tpu.vector_load %arg8[%swap3A_1730, %swap3A_1731] {strides = array<i32>} : memref<50x128xi32, #tpu.memory_space<vmem>>, vector<1x16xi32>,
      %swap3A_1733 = vector.shape_cast %swap3A_1732 : vector<1x16xi32> to vector<16xi32>
      %swap3A_1734 = vector.shape_cast %select_n3A_1729 : vector<16xi32> to vector<1x16xi32>
      tpu.vector_store %arg8[%swap3A_1730, %swap3A_1731], %swap3A_1734 {strides = array<i32>} : memref<50x128xi32, #tpu.memory_space<vmem>>, vector<1x16xi32>,
      %mul3A_1735 = arith.constant 8 : i32
      %mul3A_1736 = arith.muli %scan3A_1375, %mul3A_1735 : i32
      %add3A_1737 = arith.constant 7 : i32
      %add3A_1738 = arith.addi %mul3A_1736, %add3A_1737 : i32
      %mul3A_1739 = arith.constant 16 : i32
      %mul3A_1740 = arith.muli %add3A_1738, %mul3A_1739 : i32
      %get3A_1741 = arith.index_cast %mul3A_1740 : i32 to index
      %get3A_1742 = tpu.vector_load %arg5[%get3A_1741] {strides = array<i32>} : memref<6400xi32, #tpu.memory_space<vmem>>, vector<16xi32>,
      %get3A_1743 = vector.shape_cast %get3A_1742 : vector<16xi32> to vector<16xi32>
      %sub3A_1744 = vector.broadcast %mul3A_47 : i32 to vector<16xi32>
      %sub3A_1745 = arith.subi %get3A_1743, %sub3A_1744 : vector<16xi32>
      %mul3A_1746 = arith.constant 16 : i32
      %mul3A_1747 = arith.muli %add3A_1738, %mul3A_1746 : i32
      %get3A_1748 = arith.index_cast %mul3A_1747 : i32 to index
      %get3A_1749 = tpu.vector_load %arg6[%get3A_1748] {strides = array<i32>} : memref<6400xi32, #tpu.memory_space<vmem>>, vector<16xi32>,
      %get3A_1750 = vector.shape_cast %get3A_1749 : vector<16xi32> to vector<16xi32>
      %ge3A_1751 = arith.constant 0 : i32
      %ge3A_1752 = vector.broadcast %ge3A_1751 : i32 to vector<16xi32>
      %ge3A_1753 = arith.cmpi sge, %sub3A_1745, %ge3A_1752 : vector<16xi32>
      %lt3A_1754 = arith.constant 512 : i32
      %lt3A_1755 = vector.broadcast %lt3A_1754 : i32 to vector<16xi32>
      %lt3A_1756 = arith.cmpi slt, %sub3A_1745, %lt3A_1755 : vector<16xi32>
      %and3A_1757 = arith.andi %ge3A_1753, %lt3A_1756 : vector<16xi1>
      %mul3A_1758 = arith.constant 16 : i32
      %mul3A_1759 = arith.muli %add3A_1738, %mul3A_1758 : i32
      %add3A_1760 = arith.addi %mul3A_0, %mul3A_1759 : i32
      %add3A_1761 = vector.broadcast %add3A_1760 : i32 to vector<16xi32>
      %add3A_1762 = arith.addi %add3A_1761, %iota3A : vector<16xi32>
      %lt3A_1763 = arith.constant 100000 : i32
      %lt3A_1764 = vector.broadcast %lt3A_1763 : i32 to vector<16xi32>
      %lt3A_1765 = arith.cmpi slt, %add3A_1762, %lt3A_1764 : vector<16xi32>
      %and3A_1766 = arith.andi %and3A_1757, %lt3A_1765 : vector<16xi1>
      %mul3A_1767 = arith.constant 1024 : i32
      %mul3A_1768 = vector.broadcast %mul3A_1767 : i32 to vector<16xi32>
      %mul3A_1769 = arith.muli %sub3A_1745, %mul3A_1768 : vector<16xi32>
      %add3A_1770 = arith.addi %mul3A_1769, %get3A_1750 : vector<16xi32>
      %mul3A_1771 = arith.constant 16 : i32
      %mul3A_1772 = arith.muli %add3A_1738, %mul3A_1771 : i32
      %add3A_1773 = vector.broadcast %mul3A_1772 : i32 to vector<16xi32>
      %add3A_1774 = arith.addi %add3A_1773, %iota3A : vector<16xi32>
      %and3A_1775 = arith.constant 127 : i32
      %and3A_1776 = vector.broadcast %and3A_1775 : i32 to vector<16xi32>
      %and3A_1777 = arith.andi %add3A_1774, %and3A_1776 : vector<16xi32>
      %add3A_1778 = arith.constant 524288 : i32
      %add3A_1779 = vector.broadcast %add3A_1778 : i32 to vector<16xi32>
      %add3A_1780 = arith.addi %add3A_1779, %and3A_1777 : vector<16xi32>
      %select_n3A_1781 = arith.select %and3A_1766, %add3A_1770, %add3A_1780 : vector<16xi1>, vector<16xi32>
      %swap3A_1782 = arith.index_cast %scan3A_1375 : i32 to index
      %swap3A_1783 = arith.constant 112 : index
      %swap3A_1784 = tpu.vector_load %arg8[%swap3A_1782, %swap3A_1783] {strides = array<i32>} : memref<50x128xi32, #tpu.memory_space<vmem>>, vector<1x16xi32>,
      %swap3A_1785 = vector.shape_cast %swap3A_1784 : vector<1x16xi32> to vector<16xi32>
      %swap3A_1786 = vector.shape_cast %select_n3A_1781 : vector<16xi32> to vector<1x16xi32>
      tpu.vector_store %arg8[%swap3A_1782, %swap3A_1783], %swap3A_1786 {strides = array<i32>} : memref<50x128xi32, #tpu.memory_space<vmem>>, vector<1x16xi32>,
      %scan3A_1787 = arith.constant 0 : i32
      scf.yield %scan3A_1787 : i32
    }
    %scan3A_54 = arith.constant 50 : i32
    %dma_wait3A = tpu.memref_slice %arg10[%add3A_16] : memref<524416xf32, #tpu.memory_space<vmem_shared>> -> memref<8192xf32, #tpu.memory_space<vmem_shared>>
    %dma_wait3A_55 = tpu.memref_slice %arg10[%add3A_16] : memref<524416xf32, #tpu.memory_space<vmem_shared>> -> memref<8192xf32, #tpu.memory_space<vmem_shared>>
    tpu.wait_dma2 semaphore(%arg12 : memref<!tpu.dma_semaphore, #tpu.memory_space<semaphore_mem>>) src(%arg9 : memref<8192xf32, #tpu.memory_space<vmem>>) dst(%dma_wait3A_55 : memref<8192xf32, #tpu.memory_space<vmem_shared>>)
    %dma_wait3A_56 = tpu.memref_slice %arg10[%add3A_21] : memref<524416xf32, #tpu.memory_space<vmem_shared>> -> memref<8192xf32, #tpu.memory_space<vmem_shared>>
    %dma_wait3A_57 = tpu.memref_slice %arg10[%add3A_21] : memref<524416xf32, #tpu.memory_space<vmem_shared>> -> memref<8192xf32, #tpu.memory_space<vmem_shared>>
    tpu.wait_dma2 semaphore(%arg12 : memref<!tpu.dma_semaphore, #tpu.memory_space<semaphore_mem>>) src(%arg9 : memref<8192xf32, #tpu.memory_space<vmem>>) dst(%dma_wait3A_57 : memref<8192xf32, #tpu.memory_space<vmem_shared>>)
    %dma_wait3A_58 = tpu.memref_slice %arg10[%add3A_27] : memref<524416xf32, #tpu.memory_space<vmem_shared>> -> memref<8192xf32, #tpu.memory_space<vmem_shared>>
    %dma_wait3A_59 = tpu.memref_slice %arg10[%add3A_27] : memref<524416xf32, #tpu.memory_space<vmem_shared>> -> memref<8192xf32, #tpu.memory_space<vmem_shared>>
    tpu.wait_dma2 semaphore(%arg12 : memref<!tpu.dma_semaphore, #tpu.memory_space<semaphore_mem>>) src(%arg9 : memref<8192xf32, #tpu.memory_space<vmem>>) dst(%dma_wait3A_59 : memref<8192xf32, #tpu.memory_space<vmem_shared>>)
    %dma_wait3A_60 = tpu.memref_slice %arg10[%add3A_33] : memref<524416xf32, #tpu.memory_space<vmem_shared>> -> memref<8192xf32, #tpu.memory_space<vmem_shared>>
    %dma_wait3A_61 = tpu.memref_slice %arg10[%add3A_33] : memref<524416xf32, #tpu.memory_space<vmem_shared>> -> memref<8192xf32, #tpu.memory_space<vmem_shared>>
    tpu.wait_dma2 semaphore(%arg12 : memref<!tpu.dma_semaphore, #tpu.memory_space<semaphore_mem>>) src(%arg9 : memref<8192xf32, #tpu.memory_space<vmem>>) dst(%dma_wait3A_61 : memref<8192xf32, #tpu.memory_space<vmem_shared>>)
    %barrier3A = arith.constant 0 : index
    tpu.barrier barrier_id(%barrier3A)
    %dma_start3A_62 = arith.constant 0 : i32
    %dma_start3A_63 = arith.constant 0 : i32
    %dma_start3A_64 = tpu.memref_slice %arg7[%dma_start3A_63] : memref<6400xf32, #tpu.memory_space<vmem>> -> memref<128xf32, #tpu.memory_space<vmem>>
    %dma_start3A_65 = arith.constant 0 : i32
    %dma_start3A_66 = tpu.memref_slice %arg8[%dma_start3A_62, %dma_start3A_65] : memref<50x128xi32, #tpu.memory_space<vmem>> -> memref<1x128xi32, #tpu.memory_space<vmem>>
    %dma_start3A_67 = tpu.memref_squeeze %dma_start3A_66 : memref<1x128xi32, #tpu.memory_space<vmem>> -> memref<128xi32, #tpu.memory_space<vmem>>
    %dma_start3A_68 = arith.constant 0 : i32
    %dma_start3A_69 = tpu.memref_slice %arg10[%dma_start3A_68] : memref<524416xf32, #tpu.memory_space<vmem_shared>> -> memref<524416xf32, #tpu.memory_space<vmem_shared>>
    tpu.enqueue_indirect_dma source(%dma_start3A_64 : memref<128xf32, #tpu.memory_space<vmem>>) target(%dma_start3A_69 : memref<524416xf32, #tpu.memory_space<vmem_shared>>) offsets(%dma_start3A_67 : memref<128xi32, #tpu.memory_space<vmem>>) semaphore(%arg11 : memref<!tpu.dma_semaphore, #tpu.memory_space<semaphore_mem>>) {add = true}
    %dma_start3A_70 = arith.constant 1 : i32
    %dma_start3A_71 = arith.constant 128 : i32
    %dma_start3A_72 = tpu.memref_slice %arg7[%dma_start3A_71] : memref<6400xf32, #tpu.memory_space<vmem>> -> memref<128xf32, #tpu.memory_space<vmem>>
    %dma_start3A_73 = arith.constant 0 : i32
    %dma_start3A_74 = tpu.memref_slice %arg8[%dma_start3A_70, %dma_start3A_73] : memref<50x128xi32, #tpu.memory_space<vmem>> -> memref<1x128xi32, #tpu.memory_space<vmem>>
    %dma_start3A_75 = tpu.memref_squeeze %dma_start3A_74 : memref<1x128xi32, #tpu.memory_space<vmem>> -> memref<128xi32, #tpu.memory_space<vmem>>
    %dma_start3A_76 = arith.constant 0 : i32
    %dma_start3A_77 = tpu.memref_slice %arg10[%dma_start3A_76] : memref<524416xf32, #tpu.memory_space<vmem_shared>> -> memref<524416xf32, #tpu.memory_space<vmem_shared>>
    tpu.enqueue_indirect_dma source(%dma_start3A_72 : memref<128xf32, #tpu.memory_space<vmem>>) target(%dma_start3A_77 : memref<524416xf32, #tpu.memory_space<vmem_shared>>) offsets(%dma_start3A_75 : memref<128xi32, #tpu.memory_space<vmem>>) semaphore(%arg11 : memref<!tpu.dma_semaphore, #tpu.memory_space<semaphore_mem>>) {add = true}
    %dma_start3A_78 = arith.constant 2 : i32
    %dma_start3A_79 = arith.constant 256 : i32
    %dma_start3A_80 = tpu.memref_slice %arg7[%dma_start3A_79] : memref<6400xf32, #tpu.memory_space<vmem>> -> memref<128xf32, #tpu.memory_space<vmem>>
    %dma_start3A_81 = arith.constant 0 : i32
    %dma_start3A_82 = tpu.memref_slice %arg8[%dma_start3A_78, %dma_start3A_81] : memref<50x128xi32, #tpu.memory_space<vmem>> -> memref<1x128xi32, #tpu.memory_space<vmem>>
    %dma_start3A_83 = tpu.memref_squeeze %dma_start3A_82 : memref<1x128xi32, #tpu.memory_space<vmem>> -> memref<128xi32, #tpu.memory_space<vmem>>
    %dma_start3A_84 = arith.constant 0 : i32
    %dma_start3A_85 = tpu.memref_slice %arg10[%dma_start3A_84] : memref<524416xf32, #tpu.memory_space<vmem_shared>> -> memref<524416xf32, #tpu.memory_space<vmem_shared>>
    tpu.enqueue_indirect_dma source(%dma_start3A_80 : memref<128xf32, #tpu.memory_space<vmem>>) target(%dma_start3A_85 : memref<524416xf32, #tpu.memory_space<vmem_shared>>) offsets(%dma_start3A_83 : memref<128xi32, #tpu.memory_space<vmem>>) semaphore(%arg11 : memref<!tpu.dma_semaphore, #tpu.memory_space<semaphore_mem>>) {add = true}
    %dma_start3A_86 = arith.constant 3 : i32
    %dma_start3A_87 = arith.constant 384 : i32
    %dma_start3A_88 = tpu.memref_slice %arg7[%dma_start3A_87] : memref<6400xf32, #tpu.memory_space<vmem>> -> memref<128xf32, #tpu.memory_space<vmem>>
    %dma_start3A_89 = arith.constant 0 : i32
    %dma_start3A_90 = tpu.memref_slice %arg8[%dma_start3A_86, %dma_start3A_89] : memref<50x128xi32, #tpu.memory_space<vmem>> -> memref<1x128xi32, #tpu.memory_space<vmem>>
    %dma_start3A_91 = tpu.memref_squeeze %dma_start3A_90 : memref<1x128xi32, #tpu.memory_space<vmem>> -> memref<128xi32, #tpu.memory_space<vmem>>
    %dma_start3A_92 = arith.constant 0 : i32
    %dma_start3A_93 = tpu.memref_slice %arg10[%dma_start3A_92] : memref<524416xf32, #tpu.memory_space<vmem_shared>> -> memref<524416xf32, #tpu.memory_space<vmem_shared>>
    tpu.enqueue_indirect_dma source(%dma_start3A_88 : memref<128xf32, #tpu.memory_space<vmem>>) target(%dma_start3A_93 : memref<524416xf32, #tpu.memory_space<vmem_shared>>) offsets(%dma_start3A_91 : memref<128xi32, #tpu.memory_space<vmem>>) semaphore(%arg11 : memref<!tpu.dma_semaphore, #tpu.memory_space<semaphore_mem>>) {add = true}
    %dma_start3A_94 = arith.constant 4 : i32
    %dma_start3A_95 = arith.constant 512 : i32
    %dma_start3A_96 = tpu.memref_slice %arg7[%dma_start3A_95] : memref<6400xf32, #tpu.memory_space<vmem>> -> memref<128xf32, #tpu.memory_space<vmem>>
    %dma_start3A_97 = arith.constant 0 : i32
    %dma_start3A_98 = tpu.memref_slice %arg8[%dma_start3A_94, %dma_start3A_97] : memref<50x128xi32, #tpu.memory_space<vmem>> -> memref<1x128xi32, #tpu.memory_space<vmem>>
    %dma_start3A_99 = tpu.memref_squeeze %dma_start3A_98 : memref<1x128xi32, #tpu.memory_space<vmem>> -> memref<128xi32, #tpu.memory_space<vmem>>
    %dma_start3A_100 = arith.constant 0 : i32
    %dma_start3A_101 = tpu.memref_slice %arg10[%dma_start3A_100] : memref<524416xf32, #tpu.memory_space<vmem_shared>> -> memref<524416xf32, #tpu.memory_space<vmem_shared>>
    tpu.enqueue_indirect_dma source(%dma_start3A_96 : memref<128xf32, #tpu.memory_space<vmem>>) target(%dma_start3A_101 : memref<524416xf32, #tpu.memory_space<vmem_shared>>) offsets(%dma_start3A_99 : memref<128xi32, #tpu.memory_space<vmem>>) semaphore(%arg11 : memref<!tpu.dma_semaphore, #tpu.memory_space<semaphore_mem>>) {add = true}
    %dma_start3A_102 = arith.constant 5 : i32
    %dma_start3A_103 = arith.constant 640 : i32
    %dma_start3A_104 = tpu.memref_slice %arg7[%dma_start3A_103] : memref<6400xf32, #tpu.memory_space<vmem>> -> memref<128xf32, #tpu.memory_space<vmem>>
    %dma_start3A_105 = arith.constant 0 : i32
    %dma_start3A_106 = tpu.memref_slice %arg8[%dma_start3A_102, %dma_start3A_105] : memref<50x128xi32, #tpu.memory_space<vmem>> -> memref<1x128xi32, #tpu.memory_space<vmem>>
    %dma_start3A_107 = tpu.memref_squeeze %dma_start3A_106 : memref<1x128xi32, #tpu.memory_space<vmem>> -> memref<128xi32, #tpu.memory_space<vmem>>
    %dma_start3A_108 = arith.constant 0 : i32
    %dma_start3A_109 = tpu.memref_slice %arg10[%dma_start3A_108] : memref<524416xf32, #tpu.memory_space<vmem_shared>> -> memref<524416xf32, #tpu.memory_space<vmem_shared>>
    tpu.enqueue_indirect_dma source(%dma_start3A_104 : memref<128xf32, #tpu.memory_space<vmem>>) target(%dma_start3A_109 : memref<524416xf32, #tpu.memory_space<vmem_shared>>) offsets(%dma_start3A_107 : memref<128xi32, #tpu.memory_space<vmem>>) semaphore(%arg11 : memref<!tpu.dma_semaphore, #tpu.memory_space<semaphore_mem>>) {add = true}
    %dma_start3A_110 = arith.constant 6 : i32
    %dma_start3A_111 = arith.constant 768 : i32
    %dma_start3A_112 = tpu.memref_slice %arg7[%dma_start3A_111] : memref<6400xf32, #tpu.memory_space<vmem>> -> memref<128xf32, #tpu.memory_space<vmem>>
    %dma_start3A_113 = arith.constant 0 : i32
    %dma_start3A_114 = tpu.memref_slice %arg8[%dma_start3A_110, %dma_start3A_113] : memref<50x128xi32, #tpu.memory_space<vmem>> -> memref<1x128xi32, #tpu.memory_space<vmem>>
    %dma_start3A_115 = tpu.memref_squeeze %dma_start3A_114 : memref<1x128xi32, #tpu.memory_space<vmem>> -> memref<128xi32, #tpu.memory_space<vmem>>
    %dma_start3A_116 = arith.constant 0 : i32
    %dma_start3A_117 = tpu.memref_slice %arg10[%dma_start3A_116] : memref<524416xf32, #tpu.memory_space<vmem_shared>> -> memref<524416xf32, #tpu.memory_space<vmem_shared>>
    tpu.enqueue_indirect_dma source(%dma_start3A_112 : memref<128xf32, #tpu.memory_space<vmem>>) target(%dma_start3A_117 : memref<524416xf32, #tpu.memory_space<vmem_shared>>) offsets(%dma_start3A_115 : memref<128xi32, #tpu.memory_space<vmem>>) semaphore(%arg11 : memref<!tpu.dma_semaphore, #tpu.memory_space<semaphore_mem>>) {add = true}
    %dma_start3A_118 = arith.constant 7 : i32
    %dma_start3A_119 = arith.constant 896 : i32
    %dma_start3A_120 = tpu.memref_slice %arg7[%dma_start3A_119] : memref<6400xf32, #tpu.memory_space<vmem>> -> memref<128xf32, #tpu.memory_space<vmem>>
    %dma_start3A_121 = arith.constant 0 : i32
    %dma_start3A_122 = tpu.memref_slice %arg8[%dma_start3A_118, %dma_start3A_121] : memref<50x128xi32, #tpu.memory_space<vmem>> -> memref<1x128xi32, #tpu.memory_space<vmem>>
    %dma_start3A_123 = tpu.memref_squeeze %dma_start3A_122 : memref<1x128xi32, #tpu.memory_space<vmem>> -> memref<128xi32, #tpu.memory_space<vmem>>
    %dma_start3A_124 = arith.constant 0 : i32
    %dma_start3A_125 = tpu.memref_slice %arg10[%dma_start3A_124] : memref<524416xf32, #tpu.memory_space<vmem_shared>> -> memref<524416xf32, #tpu.memory_space<vmem_shared>>
    tpu.enqueue_indirect_dma source(%dma_start3A_120 : memref<128xf32, #tpu.memory_space<vmem>>) target(%dma_start3A_125 : memref<524416xf32, #tpu.memory_space<vmem_shared>>) offsets(%dma_start3A_123 : memref<128xi32, #tpu.memory_space<vmem>>) semaphore(%arg11 : memref<!tpu.dma_semaphore, #tpu.memory_space<semaphore_mem>>) {add = true}
    %dma_start3A_126 = arith.constant 8 : i32
    %dma_start3A_127 = arith.constant 1024 : i32
    %dma_start3A_128 = tpu.memref_slice %arg7[%dma_start3A_127] : memref<6400xf32, #tpu.memory_space<vmem>> -> memref<128xf32, #tpu.memory_space<vmem>>
    %dma_start3A_129 = arith.constant 0 : i32
    %dma_start3A_130 = tpu.memref_slice %arg8[%dma_start3A_126, %dma_start3A_129] : memref<50x128xi32, #tpu.memory_space<vmem>> -> memref<1x128xi32, #tpu.memory_space<vmem>>
    %dma_start3A_131 = tpu.memref_squeeze %dma_start3A_130 : memref<1x128xi32, #tpu.memory_space<vmem>> -> memref<128xi32, #tpu.memory_space<vmem>>
    %dma_start3A_132 = arith.constant 0 : i32
    %dma_start3A_133 = tpu.memref_slice %arg10[%dma_start3A_132] : memref<524416xf32, #tpu.memory_space<vmem_shared>> -> memref<524416xf32, #tpu.memory_space<vmem_shared>>
    tpu.enqueue_indirect_dma source(%dma_start3A_128 : memref<128xf32, #tpu.memory_space<vmem>>) target(%dma_start3A_133 : memref<524416xf32, #tpu.memory_space<vmem_shared>>) offsets(%dma_start3A_131 : memref<128xi32, #tpu.memory_space<vmem>>) semaphore(%arg11 : memref<!tpu.dma_semaphore, #tpu.memory_space<semaphore_mem>>) {add = true}
    %dma_start3A_134 = arith.constant 9 : i32
    %dma_start3A_135 = arith.constant 1152 : i32
    %dma_start3A_136 = tpu.memref_slice %arg7[%dma_start3A_135] : memref<6400xf32, #tpu.memory_space<vmem>> -> memref<128xf32, #tpu.memory_space<vmem>>
    %dma_start3A_137 = arith.constant 0 : i32
    %dma_start3A_138 = tpu.memref_slice %arg8[%dma_start3A_134, %dma_start3A_137] : memref<50x128xi32, #tpu.memory_space<vmem>> -> memref<1x128xi32, #tpu.memory_space<vmem>>
    %dma_start3A_139 = tpu.memref_squeeze %dma_start3A_138 : memref<1x128xi32, #tpu.memory_space<vmem>> -> memref<128xi32, #tpu.memory_space<vmem>>
    %dma_start3A_140 = arith.constant 0 : i32
    %dma_start3A_141 = tpu.memref_slice %arg10[%dma_start3A_140] : memref<524416xf32, #tpu.memory_space<vmem_shared>> -> memref<524416xf32, #tpu.memory_space<vmem_shared>>
    tpu.enqueue_indirect_dma source(%dma_start3A_136 : memref<128xf32, #tpu.memory_space<vmem>>) target(%dma_start3A_141 : memref<524416xf32, #tpu.memory_space<vmem_shared>>) offsets(%dma_start3A_139 : memref<128xi32, #tpu.memory_space<vmem>>) semaphore(%arg11 : memref<!tpu.dma_semaphore, #tpu.memory_space<semaphore_mem>>) {add = true}
    %dma_start3A_142 = arith.constant 10 : i32
    %dma_start3A_143 = arith.constant 1280 : i32
    %dma_start3A_144 = tpu.memref_slice %arg7[%dma_start3A_143] : memref<6400xf32, #tpu.memory_space<vmem>> -> memref<128xf32, #tpu.memory_space<vmem>>
    %dma_start3A_145 = arith.constant 0 : i32
    %dma_start3A_146 = tpu.memref_slice %arg8[%dma_start3A_142, %dma_start3A_145] : memref<50x128xi32, #tpu.memory_space<vmem>> -> memref<1x128xi32, #tpu.memory_space<vmem>>
    %dma_start3A_147 = tpu.memref_squeeze %dma_start3A_146 : memref<1x128xi32, #tpu.memory_space<vmem>> -> memref<128xi32, #tpu.memory_space<vmem>>
    %dma_start3A_148 = arith.constant 0 : i32
    %dma_start3A_149 = tpu.memref_slice %arg10[%dma_start3A_148] : memref<524416xf32, #tpu.memory_space<vmem_shared>> -> memref<524416xf32, #tpu.memory_space<vmem_shared>>
    tpu.enqueue_indirect_dma source(%dma_start3A_144 : memref<128xf32, #tpu.memory_space<vmem>>) target(%dma_start3A_149 : memref<524416xf32, #tpu.memory_space<vmem_shared>>) offsets(%dma_start3A_147 : memref<128xi32, #tpu.memory_space<vmem>>) semaphore(%arg11 : memref<!tpu.dma_semaphore, #tpu.memory_space<semaphore_mem>>) {add = true}
    %dma_start3A_150 = arith.constant 11 : i32
    %dma_start3A_151 = arith.constant 1408 : i32
    %dma_start3A_152 = tpu.memref_slice %arg7[%dma_start3A_151] : memref<6400xf32, #tpu.memory_space<vmem>> -> memref<128xf32, #tpu.memory_space<vmem>>
    %dma_start3A_153 = arith.constant 0 : i32
    %dma_start3A_154 = tpu.memref_slice %arg8[%dma_start3A_150, %dma_start3A_153] : memref<50x128xi32, #tpu.memory_space<vmem>> -> memref<1x128xi32, #tpu.memory_space<vmem>>
    %dma_start3A_155 = tpu.memref_squeeze %dma_start3A_154 : memref<1x128xi32, #tpu.memory_space<vmem>> -> memref<128xi32, #tpu.memory_space<vmem>>
    %dma_start3A_156 = arith.constant 0 : i32
    %dma_start3A_157 = tpu.memref_slice %arg10[%dma_start3A_156] : memref<524416xf32, #tpu.memory_space<vmem_shared>> -> memref<524416xf32, #tpu.memory_space<vmem_shared>>
    tpu.enqueue_indirect_dma source(%dma_start3A_152 : memref<128xf32, #tpu.memory_space<vmem>>) target(%dma_start3A_157 : memref<524416xf32, #tpu.memory_space<vmem_shared>>) offsets(%dma_start3A_155 : memref<128xi32, #tpu.memory_space<vmem>>) semaphore(%arg11 : memref<!tpu.dma_semaphore, #tpu.memory_space<semaphore_mem>>) {add = true}
    %dma_start3A_158 = arith.constant 12 : i32
    %dma_start3A_159 = arith.constant 1536 : i32
    %dma_start3A_160 = tpu.memref_slice %arg7[%dma_start3A_159] : memref<6400xf32, #tpu.memory_space<vmem>> -> memref<128xf32, #tpu.memory_space<vmem>>
    %dma_start3A_161 = arith.constant 0 : i32
    %dma_start3A_162 = tpu.memref_slice %arg8[%dma_start3A_158, %dma_start3A_161] : memref<50x128xi32, #tpu.memory_space<vmem>> -> memref<1x128xi32, #tpu.memory_space<vmem>>
    %dma_start3A_163 = tpu.memref_squeeze %dma_start3A_162 : memref<1x128xi32, #tpu.memory_space<vmem>> -> memref<128xi32, #tpu.memory_space<vmem>>
    %dma_start3A_164 = arith.constant 0 : i32
    %dma_start3A_165 = tpu.memref_slice %arg10[%dma_start3A_164] : memref<524416xf32, #tpu.memory_space<vmem_shared>> -> memref<524416xf32, #tpu.memory_space<vmem_shared>>
    tpu.enqueue_indirect_dma source(%dma_start3A_160 : memref<128xf32, #tpu.memory_space<vmem>>) target(%dma_start3A_165 : memref<524416xf32, #tpu.memory_space<vmem_shared>>) offsets(%dma_start3A_163 : memref<128xi32, #tpu.memory_space<vmem>>) semaphore(%arg11 : memref<!tpu.dma_semaphore, #tpu.memory_space<semaphore_mem>>) {add = true}
    %dma_start3A_166 = arith.constant 13 : i32
    %dma_start3A_167 = arith.constant 1664 : i32
    %dma_start3A_168 = tpu.memref_slice %arg7[%dma_start3A_167] : memref<6400xf32, #tpu.memory_space<vmem>> -> memref<128xf32, #tpu.memory_space<vmem>>
    %dma_start3A_169 = arith.constant 0 : i32
    %dma_start3A_170 = tpu.memref_slice %arg8[%dma_start3A_166, %dma_start3A_169] : memref<50x128xi32, #tpu.memory_space<vmem>> -> memref<1x128xi32, #tpu.memory_space<vmem>>
    %dma_start3A_171 = tpu.memref_squeeze %dma_start3A_170 : memref<1x128xi32, #tpu.memory_space<vmem>> -> memref<128xi32, #tpu.memory_space<vmem>>
    %dma_start3A_172 = arith.constant 0 : i32
    %dma_start3A_173 = tpu.memref_slice %arg10[%dma_start3A_172] : memref<524416xf32, #tpu.memory_space<vmem_shared>> -> memref<524416xf32, #tpu.memory_space<vmem_shared>>
    tpu.enqueue_indirect_dma source(%dma_start3A_168 : memref<128xf32, #tpu.memory_space<vmem>>) target(%dma_start3A_173 : memref<524416xf32, #tpu.memory_space<vmem_shared>>) offsets(%dma_start3A_171 : memref<128xi32, #tpu.memory_space<vmem>>) semaphore(%arg11 : memref<!tpu.dma_semaphore, #tpu.memory_space<semaphore_mem>>) {add = true}
    %dma_start3A_174 = arith.constant 14 : i32
    %dma_start3A_175 = arith.constant 1792 : i32
    %dma_start3A_176 = tpu.memref_slice %arg7[%dma_start3A_175] : memref<6400xf32, #tpu.memory_space<vmem>> -> memref<128xf32, #tpu.memory_space<vmem>>
    %dma_start3A_177 = arith.constant 0 : i32
    %dma_start3A_178 = tpu.memref_slice %arg8[%dma_start3A_174, %dma_start3A_177] : memref<50x128xi32, #tpu.memory_space<vmem>> -> memref<1x128xi32, #tpu.memory_space<vmem>>
    %dma_start3A_179 = tpu.memref_squeeze %dma_start3A_178 : memref<1x128xi32, #tpu.memory_space<vmem>> -> memref<128xi32, #tpu.memory_space<vmem>>
    %dma_start3A_180 = arith.constant 0 : i32
    %dma_start3A_181 = tpu.memref_slice %arg10[%dma_start3A_180] : memref<524416xf32, #tpu.memory_space<vmem_shared>> -> memref<524416xf32, #tpu.memory_space<vmem_shared>>
    tpu.enqueue_indirect_dma source(%dma_start3A_176 : memref<128xf32, #tpu.memory_space<vmem>>) target(%dma_start3A_181 : memref<524416xf32, #tpu.memory_space<vmem_shared>>) offsets(%dma_start3A_179 : memref<128xi32, #tpu.memory_space<vmem>>) semaphore(%arg11 : memref<!tpu.dma_semaphore, #tpu.memory_space<semaphore_mem>>) {add = true}
    %dma_start3A_182 = arith.constant 15 : i32
    %dma_start3A_183 = arith.constant 1920 : i32
    %dma_start3A_184 = tpu.memref_slice %arg7[%dma_start3A_183] : memref<6400xf32, #tpu.memory_space<vmem>> -> memref<128xf32, #tpu.memory_space<vmem>>
    %dma_start3A_185 = arith.constant 0 : i32
    %dma_start3A_186 = tpu.memref_slice %arg8[%dma_start3A_182, %dma_start3A_185] : memref<50x128xi32, #tpu.memory_space<vmem>> -> memref<1x128xi32, #tpu.memory_space<vmem>>
    %dma_start3A_187 = tpu.memref_squeeze %dma_start3A_186 : memref<1x128xi32, #tpu.memory_space<vmem>> -> memref<128xi32, #tpu.memory_space<vmem>>
    %dma_start3A_188 = arith.constant 0 : i32
    %dma_start3A_189 = tpu.memref_slice %arg10[%dma_start3A_188] : memref<524416xf32, #tpu.memory_space<vmem_shared>> -> memref<524416xf32, #tpu.memory_space<vmem_shared>>
    tpu.enqueue_indirect_dma source(%dma_start3A_184 : memref<128xf32, #tpu.memory_space<vmem>>) target(%dma_start3A_189 : memref<524416xf32, #tpu.memory_space<vmem_shared>>) offsets(%dma_start3A_187 : memref<128xi32, #tpu.memory_space<vmem>>) semaphore(%arg11 : memref<!tpu.dma_semaphore, #tpu.memory_space<semaphore_mem>>) {add = true}
    %dma_start3A_190 = arith.constant 16 : i32
    %dma_start3A_191 = arith.constant 2048 : i32
    %dma_start3A_192 = tpu.memref_slice %arg7[%dma_start3A_191] : memref<6400xf32, #tpu.memory_space<vmem>> -> memref<128xf32, #tpu.memory_space<vmem>>
    %dma_start3A_193 = arith.constant 0 : i32
    %dma_start3A_194 = tpu.memref_slice %arg8[%dma_start3A_190, %dma_start3A_193] : memref<50x128xi32, #tpu.memory_space<vmem>> -> memref<1x128xi32, #tpu.memory_space<vmem>>
    %dma_start3A_195 = tpu.memref_squeeze %dma_start3A_194 : memref<1x128xi32, #tpu.memory_space<vmem>> -> memref<128xi32, #tpu.memory_space<vmem>>
    %dma_start3A_196 = arith.constant 0 : i32
    %dma_start3A_197 = tpu.memref_slice %arg10[%dma_start3A_196] : memref<524416xf32, #tpu.memory_space<vmem_shared>> -> memref<524416xf32, #tpu.memory_space<vmem_shared>>
    tpu.enqueue_indirect_dma source(%dma_start3A_192 : memref<128xf32, #tpu.memory_space<vmem>>) target(%dma_start3A_197 : memref<524416xf32, #tpu.memory_space<vmem_shared>>) offsets(%dma_start3A_195 : memref<128xi32, #tpu.memory_space<vmem>>) semaphore(%arg11 : memref<!tpu.dma_semaphore, #tpu.memory_space<semaphore_mem>>) {add = true}
    %dma_start3A_198 = arith.constant 17 : i32
    %dma_start3A_199 = arith.constant 2176 : i32
    %dma_start3A_200 = tpu.memref_slice %arg7[%dma_start3A_199] : memref<6400xf32, #tpu.memory_space<vmem>> -> memref<128xf32, #tpu.memory_space<vmem>>
    %dma_start3A_201 = arith.constant 0 : i32
    %dma_start3A_202 = tpu.memref_slice %arg8[%dma_start3A_198, %dma_start3A_201] : memref<50x128xi32, #tpu.memory_space<vmem>> -> memref<1x128xi32, #tpu.memory_space<vmem>>
    %dma_start3A_203 = tpu.memref_squeeze %dma_start3A_202 : memref<1x128xi32, #tpu.memory_space<vmem>> -> memref<128xi32, #tpu.memory_space<vmem>>
    %dma_start3A_204 = arith.constant 0 : i32
    %dma_start3A_205 = tpu.memref_slice %arg10[%dma_start3A_204] : memref<524416xf32, #tpu.memory_space<vmem_shared>> -> memref<524416xf32, #tpu.memory_space<vmem_shared>>
    tpu.enqueue_indirect_dma source(%dma_start3A_200 : memref<128xf32, #tpu.memory_space<vmem>>) target(%dma_start3A_205 : memref<524416xf32, #tpu.memory_space<vmem_shared>>) offsets(%dma_start3A_203 : memref<128xi32, #tpu.memory_space<vmem>>) semaphore(%arg11 : memref<!tpu.dma_semaphore, #tpu.memory_space<semaphore_mem>>) {add = true}
    %dma_start3A_206 = arith.constant 18 : i32
    %dma_start3A_207 = arith.constant 2304 : i32
    %dma_start3A_208 = tpu.memref_slice %arg7[%dma_start3A_207] : memref<6400xf32, #tpu.memory_space<vmem>> -> memref<128xf32, #tpu.memory_space<vmem>>
    %dma_start3A_209 = arith.constant 0 : i32
    %dma_start3A_210 = tpu.memref_slice %arg8[%dma_start3A_206, %dma_start3A_209] : memref<50x128xi32, #tpu.memory_space<vmem>> -> memref<1x128xi32, #tpu.memory_space<vmem>>
    %dma_start3A_211 = tpu.memref_squeeze %dma_start3A_210 : memref<1x128xi32, #tpu.memory_space<vmem>> -> memref<128xi32, #tpu.memory_space<vmem>>
    %dma_start3A_212 = arith.constant 0 : i32
    %dma_start3A_213 = tpu.memref_slice %arg10[%dma_start3A_212] : memref<524416xf32, #tpu.memory_space<vmem_shared>> -> memref<524416xf32, #tpu.memory_space<vmem_shared>>
    tpu.enqueue_indirect_dma source(%dma_start3A_208 : memref<128xf32, #tpu.memory_space<vmem>>) target(%dma_start3A_213 : memref<524416xf32, #tpu.memory_space<vmem_shared>>) offsets(%dma_start3A_211 : memref<128xi32, #tpu.memory_space<vmem>>) semaphore(%arg11 : memref<!tpu.dma_semaphore, #tpu.memory_space<semaphore_mem>>) {add = true}
    %dma_start3A_214 = arith.constant 19 : i32
    %dma_start3A_215 = arith.constant 2432 : i32
    %dma_start3A_216 = tpu.memref_slice %arg7[%dma_start3A_215] : memref<6400xf32, #tpu.memory_space<vmem>> -> memref<128xf32, #tpu.memory_space<vmem>>
    %dma_start3A_217 = arith.constant 0 : i32
    %dma_start3A_218 = tpu.memref_slice %arg8[%dma_start3A_214, %dma_start3A_217] : memref<50x128xi32, #tpu.memory_space<vmem>> -> memref<1x128xi32, #tpu.memory_space<vmem>>
    %dma_start3A_219 = tpu.memref_squeeze %dma_start3A_218 : memref<1x128xi32, #tpu.memory_space<vmem>> -> memref<128xi32, #tpu.memory_space<vmem>>
    %dma_start3A_220 = arith.constant 0 : i32
    %dma_start3A_221 = tpu.memref_slice %arg10[%dma_start3A_220] : memref<524416xf32, #tpu.memory_space<vmem_shared>> -> memref<524416xf32, #tpu.memory_space<vmem_shared>>
    tpu.enqueue_indirect_dma source(%dma_start3A_216 : memref<128xf32, #tpu.memory_space<vmem>>) target(%dma_start3A_221 : memref<524416xf32, #tpu.memory_space<vmem_shared>>) offsets(%dma_start3A_219 : memref<128xi32, #tpu.memory_space<vmem>>) semaphore(%arg11 : memref<!tpu.dma_semaphore, #tpu.memory_space<semaphore_mem>>) {add = true}
    %dma_start3A_222 = arith.constant 20 : i32
    %dma_start3A_223 = arith.constant 2560 : i32
    %dma_start3A_224 = tpu.memref_slice %arg7[%dma_start3A_223] : memref<6400xf32, #tpu.memory_space<vmem>> -> memref<128xf32, #tpu.memory_space<vmem>>
    %dma_start3A_225 = arith.constant 0 : i32
    %dma_start3A_226 = tpu.memref_slice %arg8[%dma_start3A_222, %dma_start3A_225] : memref<50x128xi32, #tpu.memory_space<vmem>> -> memref<1x128xi32, #tpu.memory_space<vmem>>
    %dma_start3A_227 = tpu.memref_squeeze %dma_start3A_226 : memref<1x128xi32, #tpu.memory_space<vmem>> -> memref<128xi32, #tpu.memory_space<vmem>>
    %dma_start3A_228 = arith.constant 0 : i32
    %dma_start3A_229 = tpu.memref_slice %arg10[%dma_start3A_228] : memref<524416xf32, #tpu.memory_space<vmem_shared>> -> memref<524416xf32, #tpu.memory_space<vmem_shared>>
    tpu.enqueue_indirect_dma source(%dma_start3A_224 : memref<128xf32, #tpu.memory_space<vmem>>) target(%dma_start3A_229 : memref<524416xf32, #tpu.memory_space<vmem_shared>>) offsets(%dma_start3A_227 : memref<128xi32, #tpu.memory_space<vmem>>) semaphore(%arg11 : memref<!tpu.dma_semaphore, #tpu.memory_space<semaphore_mem>>) {add = true}
    %dma_start3A_230 = arith.constant 21 : i32
    %dma_start3A_231 = arith.constant 2688 : i32
    %dma_start3A_232 = tpu.memref_slice %arg7[%dma_start3A_231] : memref<6400xf32, #tpu.memory_space<vmem>> -> memref<128xf32, #tpu.memory_space<vmem>>
    %dma_start3A_233 = arith.constant 0 : i32
    %dma_start3A_234 = tpu.memref_slice %arg8[%dma_start3A_230, %dma_start3A_233] : memref<50x128xi32, #tpu.memory_space<vmem>> -> memref<1x128xi32, #tpu.memory_space<vmem>>
    %dma_start3A_235 = tpu.memref_squeeze %dma_start3A_234 : memref<1x128xi32, #tpu.memory_space<vmem>> -> memref<128xi32, #tpu.memory_space<vmem>>
    %dma_start3A_236 = arith.constant 0 : i32
    %dma_start3A_237 = tpu.memref_slice %arg10[%dma_start3A_236] : memref<524416xf32, #tpu.memory_space<vmem_shared>> -> memref<524416xf32, #tpu.memory_space<vmem_shared>>
    tpu.enqueue_indirect_dma source(%dma_start3A_232 : memref<128xf32, #tpu.memory_space<vmem>>) target(%dma_start3A_237 : memref<524416xf32, #tpu.memory_space<vmem_shared>>) offsets(%dma_start3A_235 : memref<128xi32, #tpu.memory_space<vmem>>) semaphore(%arg11 : memref<!tpu.dma_semaphore, #tpu.memory_space<semaphore_mem>>) {add = true}
    %dma_start3A_238 = arith.constant 22 : i32
    %dma_start3A_239 = arith.constant 2816 : i32
    %dma_start3A_240 = tpu.memref_slice %arg7[%dma_start3A_239] : memref<6400xf32, #tpu.memory_space<vmem>> -> memref<128xf32, #tpu.memory_space<vmem>>
    %dma_start3A_241 = arith.constant 0 : i32
    %dma_start3A_242 = tpu.memref_slice %arg8[%dma_start3A_238, %dma_start3A_241] : memref<50x128xi32, #tpu.memory_space<vmem>> -> memref<1x128xi32, #tpu.memory_space<vmem>>
    %dma_start3A_243 = tpu.memref_squeeze %dma_start3A_242 : memref<1x128xi32, #tpu.memory_space<vmem>> -> memref<128xi32, #tpu.memory_space<vmem>>
    %dma_start3A_244 = arith.constant 0 : i32
    %dma_start3A_245 = tpu.memref_slice %arg10[%dma_start3A_244] : memref<524416xf32, #tpu.memory_space<vmem_shared>> -> memref<524416xf32, #tpu.memory_space<vmem_shared>>
    tpu.enqueue_indirect_dma source(%dma_start3A_240 : memref<128xf32, #tpu.memory_space<vmem>>) target(%dma_start3A_245 : memref<524416xf32, #tpu.memory_space<vmem_shared>>) offsets(%dma_start3A_243 : memref<128xi32, #tpu.memory_space<vmem>>) semaphore(%arg11 : memref<!tpu.dma_semaphore, #tpu.memory_space<semaphore_mem>>) {add = true}
    %dma_start3A_246 = arith.constant 23 : i32
    %dma_start3A_247 = arith.constant 2944 : i32
    %dma_start3A_248 = tpu.memref_slice %arg7[%dma_start3A_247] : memref<6400xf32, #tpu.memory_space<vmem>> -> memref<128xf32, #tpu.memory_space<vmem>>
    %dma_start3A_249 = arith.constant 0 : i32
    %dma_start3A_250 = tpu.memref_slice %arg8[%dma_start3A_246, %dma_start3A_249] : memref<50x128xi32, #tpu.memory_space<vmem>> -> memref<1x128xi32, #tpu.memory_space<vmem>>
    %dma_start3A_251 = tpu.memref_squeeze %dma_start3A_250 : memref<1x128xi32, #tpu.memory_space<vmem>> -> memref<128xi32, #tpu.memory_space<vmem>>
    %dma_start3A_252 = arith.constant 0 : i32
    %dma_start3A_253 = tpu.memref_slice %arg10[%dma_start3A_252] : memref<524416xf32, #tpu.memory_space<vmem_shared>> -> memref<524416xf32, #tpu.memory_space<vmem_shared>>
    tpu.enqueue_indirect_dma source(%dma_start3A_248 : memref<128xf32, #tpu.memory_space<vmem>>) target(%dma_start3A_253 : memref<524416xf32, #tpu.memory_space<vmem_shared>>) offsets(%dma_start3A_251 : memref<128xi32, #tpu.memory_space<vmem>>) semaphore(%arg11 : memref<!tpu.dma_semaphore, #tpu.memory_space<semaphore_mem>>) {add = true}
    %dma_start3A_254 = arith.constant 24 : i32
    %dma_start3A_255 = arith.constant 3072 : i32
    %dma_start3A_256 = tpu.memref_slice %arg7[%dma_start3A_255] : memref<6400xf32, #tpu.memory_space<vmem>> -> memref<128xf32, #tpu.memory_space<vmem>>
    %dma_start3A_257 = arith.constant 0 : i32
    %dma_start3A_258 = tpu.memref_slice %arg8[%dma_start3A_254, %dma_start3A_257] : memref<50x128xi32, #tpu.memory_space<vmem>> -> memref<1x128xi32, #tpu.memory_space<vmem>>
    %dma_start3A_259 = tpu.memref_squeeze %dma_start3A_258 : memref<1x128xi32, #tpu.memory_space<vmem>> -> memref<128xi32, #tpu.memory_space<vmem>>
    %dma_start3A_260 = arith.constant 0 : i32
    %dma_start3A_261 = tpu.memref_slice %arg10[%dma_start3A_260] : memref<524416xf32, #tpu.memory_space<vmem_shared>> -> memref<524416xf32, #tpu.memory_space<vmem_shared>>
    tpu.enqueue_indirect_dma source(%dma_start3A_256 : memref<128xf32, #tpu.memory_space<vmem>>) target(%dma_start3A_261 : memref<524416xf32, #tpu.memory_space<vmem_shared>>) offsets(%dma_start3A_259 : memref<128xi32, #tpu.memory_space<vmem>>) semaphore(%arg11 : memref<!tpu.dma_semaphore, #tpu.memory_space<semaphore_mem>>) {add = true}
    %dma_start3A_262 = arith.constant 25 : i32
    %dma_start3A_263 = arith.constant 3200 : i32
    %dma_start3A_264 = tpu.memref_slice %arg7[%dma_start3A_263] : memref<6400xf32, #tpu.memory_space<vmem>> -> memref<128xf32, #tpu.memory_space<vmem>>
    %dma_start3A_265 = arith.constant 0 : i32
    %dma_start3A_266 = tpu.memref_slice %arg8[%dma_start3A_262, %dma_start3A_265] : memref<50x128xi32, #tpu.memory_space<vmem>> -> memref<1x128xi32, #tpu.memory_space<vmem>>
    %dma_start3A_267 = tpu.memref_squeeze %dma_start3A_266 : memref<1x128xi32, #tpu.memory_space<vmem>> -> memref<128xi32, #tpu.memory_space<vmem>>
    %dma_start3A_268 = arith.constant 0 : i32
    %dma_start3A_269 = tpu.memref_slice %arg10[%dma_start3A_268] : memref<524416xf32, #tpu.memory_space<vmem_shared>> -> memref<524416xf32, #tpu.memory_space<vmem_shared>>
    tpu.enqueue_indirect_dma source(%dma_start3A_264 : memref<128xf32, #tpu.memory_space<vmem>>) target(%dma_start3A_269 : memref<524416xf32, #tpu.memory_space<vmem_shared>>) offsets(%dma_start3A_267 : memref<128xi32, #tpu.memory_space<vmem>>) semaphore(%arg11 : memref<!tpu.dma_semaphore, #tpu.memory_space<semaphore_mem>>) {add = true}
    %dma_start3A_270 = arith.constant 26 : i32
    %dma_start3A_271 = arith.constant 3328 : i32
    %dma_start3A_272 = tpu.memref_slice %arg7[%dma_start3A_271] : memref<6400xf32, #tpu.memory_space<vmem>> -> memref<128xf32, #tpu.memory_space<vmem>>
    %dma_start3A_273 = arith.constant 0 : i32
    %dma_start3A_274 = tpu.memref_slice %arg8[%dma_start3A_270, %dma_start3A_273] : memref<50x128xi32, #tpu.memory_space<vmem>> -> memref<1x128xi32, #tpu.memory_space<vmem>>
    %dma_start3A_275 = tpu.memref_squeeze %dma_start3A_274 : memref<1x128xi32, #tpu.memory_space<vmem>> -> memref<128xi32, #tpu.memory_space<vmem>>
    %dma_start3A_276 = arith.constant 0 : i32
    %dma_start3A_277 = tpu.memref_slice %arg10[%dma_start3A_276] : memref<524416xf32, #tpu.memory_space<vmem_shared>> -> memref<524416xf32, #tpu.memory_space<vmem_shared>>
    tpu.enqueue_indirect_dma source(%dma_start3A_272 : memref<128xf32, #tpu.memory_space<vmem>>) target(%dma_start3A_277 : memref<524416xf32, #tpu.memory_space<vmem_shared>>) offsets(%dma_start3A_275 : memref<128xi32, #tpu.memory_space<vmem>>) semaphore(%arg11 : memref<!tpu.dma_semaphore, #tpu.memory_space<semaphore_mem>>) {add = true}
    %dma_start3A_278 = arith.constant 27 : i32
    %dma_start3A_279 = arith.constant 3456 : i32
    %dma_start3A_280 = tpu.memref_slice %arg7[%dma_start3A_279] : memref<6400xf32, #tpu.memory_space<vmem>> -> memref<128xf32, #tpu.memory_space<vmem>>
    %dma_start3A_281 = arith.constant 0 : i32
    %dma_start3A_282 = tpu.memref_slice %arg8[%dma_start3A_278, %dma_start3A_281] : memref<50x128xi32, #tpu.memory_space<vmem>> -> memref<1x128xi32, #tpu.memory_space<vmem>>
    %dma_start3A_283 = tpu.memref_squeeze %dma_start3A_282 : memref<1x128xi32, #tpu.memory_space<vmem>> -> memref<128xi32, #tpu.memory_space<vmem>>
    %dma_start3A_284 = arith.constant 0 : i32
    %dma_start3A_285 = tpu.memref_slice %arg10[%dma_start3A_284] : memref<524416xf32, #tpu.memory_space<vmem_shared>> -> memref<524416xf32, #tpu.memory_space<vmem_shared>>
    tpu.enqueue_indirect_dma source(%dma_start3A_280 : memref<128xf32, #tpu.memory_space<vmem>>) target(%dma_start3A_285 : memref<524416xf32, #tpu.memory_space<vmem_shared>>) offsets(%dma_start3A_283 : memref<128xi32, #tpu.memory_space<vmem>>) semaphore(%arg11 : memref<!tpu.dma_semaphore, #tpu.memory_space<semaphore_mem>>) {add = true}
    %dma_start3A_286 = arith.constant 28 : i32
    %dma_start3A_287 = arith.constant 3584 : i32
    %dma_start3A_288 = tpu.memref_slice %arg7[%dma_start3A_287] : memref<6400xf32, #tpu.memory_space<vmem>> -> memref<128xf32, #tpu.memory_space<vmem>>
    %dma_start3A_289 = arith.constant 0 : i32
    %dma_start3A_290 = tpu.memref_slice %arg8[%dma_start3A_286, %dma_start3A_289] : memref<50x128xi32, #tpu.memory_space<vmem>> -> memref<1x128xi32, #tpu.memory_space<vmem>>
    %dma_start3A_291 = tpu.memref_squeeze %dma_start3A_290 : memref<1x128xi32, #tpu.memory_space<vmem>> -> memref<128xi32, #tpu.memory_space<vmem>>
    %dma_start3A_292 = arith.constant 0 : i32
    %dma_start3A_293 = tpu.memref_slice %arg10[%dma_start3A_292] : memref<524416xf32, #tpu.memory_space<vmem_shared>> -> memref<524416xf32, #tpu.memory_space<vmem_shared>>
    tpu.enqueue_indirect_dma source(%dma_start3A_288 : memref<128xf32, #tpu.memory_space<vmem>>) target(%dma_start3A_293 : memref<524416xf32, #tpu.memory_space<vmem_shared>>) offsets(%dma_start3A_291 : memref<128xi32, #tpu.memory_space<vmem>>) semaphore(%arg11 : memref<!tpu.dma_semaphore, #tpu.memory_space<semaphore_mem>>) {add = true}
    %dma_start3A_294 = arith.constant 29 : i32
    %dma_start3A_295 = arith.constant 3712 : i32
    %dma_start3A_296 = tpu.memref_slice %arg7[%dma_start3A_295] : memref<6400xf32, #tpu.memory_space<vmem>> -> memref<128xf32, #tpu.memory_space<vmem>>
    %dma_start3A_297 = arith.constant 0 : i32
    %dma_start3A_298 = tpu.memref_slice %arg8[%dma_start3A_294, %dma_start3A_297] : memref<50x128xi32, #tpu.memory_space<vmem>> -> memref<1x128xi32, #tpu.memory_space<vmem>>
    %dma_start3A_299 = tpu.memref_squeeze %dma_start3A_298 : memref<1x128xi32, #tpu.memory_space<vmem>> -> memref<128xi32, #tpu.memory_space<vmem>>
    %dma_start3A_300 = arith.constant 0 : i32
    %dma_start3A_301 = tpu.memref_slice %arg10[%dma_start3A_300] : memref<524416xf32, #tpu.memory_space<vmem_shared>> -> memref<524416xf32, #tpu.memory_space<vmem_shared>>
    tpu.enqueue_indirect_dma source(%dma_start3A_296 : memref<128xf32, #tpu.memory_space<vmem>>) target(%dma_start3A_301 : memref<524416xf32, #tpu.memory_space<vmem_shared>>) offsets(%dma_start3A_299 : memref<128xi32, #tpu.memory_space<vmem>>) semaphore(%arg11 : memref<!tpu.dma_semaphore, #tpu.memory_space<semaphore_mem>>) {add = true}
    %dma_start3A_302 = arith.constant 30 : i32
    %dma_start3A_303 = arith.constant 3840 : i32
    %dma_start3A_304 = tpu.memref_slice %arg7[%dma_start3A_303] : memref<6400xf32, #tpu.memory_space<vmem>> -> memref<128xf32, #tpu.memory_space<vmem>>
    %dma_start3A_305 = arith.constant 0 : i32
    %dma_start3A_306 = tpu.memref_slice %arg8[%dma_start3A_302, %dma_start3A_305] : memref<50x128xi32, #tpu.memory_space<vmem>> -> memref<1x128xi32, #tpu.memory_space<vmem>>
    %dma_start3A_307 = tpu.memref_squeeze %dma_start3A_306 : memref<1x128xi32, #tpu.memory_space<vmem>> -> memref<128xi32, #tpu.memory_space<vmem>>
    %dma_start3A_308 = arith.constant 0 : i32
    %dma_start3A_309 = tpu.memref_slice %arg10[%dma_start3A_308] : memref<524416xf32, #tpu.memory_space<vmem_shared>> -> memref<524416xf32, #tpu.memory_space<vmem_shared>>
    tpu.enqueue_indirect_dma source(%dma_start3A_304 : memref<128xf32, #tpu.memory_space<vmem>>) target(%dma_start3A_309 : memref<524416xf32, #tpu.memory_space<vmem_shared>>) offsets(%dma_start3A_307 : memref<128xi32, #tpu.memory_space<vmem>>) semaphore(%arg11 : memref<!tpu.dma_semaphore, #tpu.memory_space<semaphore_mem>>) {add = true}
    %dma_start3A_310 = arith.constant 31 : i32
    %dma_start3A_311 = arith.constant 3968 : i32
    %dma_start3A_312 = tpu.memref_slice %arg7[%dma_start3A_311] : memref<6400xf32, #tpu.memory_space<vmem>> -> memref<128xf32, #tpu.memory_space<vmem>>
    %dma_start3A_313 = arith.constant 0 : i32
    %dma_start3A_314 = tpu.memref_slice %arg8[%dma_start3A_310, %dma_start3A_313] : memref<50x128xi32, #tpu.memory_space<vmem>> -> memref<1x128xi32, #tpu.memory_space<vmem>>
    %dma_start3A_315 = tpu.memref_squeeze %dma_start3A_314 : memref<1x128xi32, #tpu.memory_space<vmem>> -> memref<128xi32, #tpu.memory_space<vmem>>
    %dma_start3A_316 = arith.constant 0 : i32
    %dma_start3A_317 = tpu.memref_slice %arg10[%dma_start3A_316] : memref<524416xf32, #tpu.memory_space<vmem_shared>> -> memref<524416xf32, #tpu.memory_space<vmem_shared>>
    tpu.enqueue_indirect_dma source(%dma_start3A_312 : memref<128xf32, #tpu.memory_space<vmem>>) target(%dma_start3A_317 : memref<524416xf32, #tpu.memory_space<vmem_shared>>) offsets(%dma_start3A_315 : memref<128xi32, #tpu.memory_space<vmem>>) semaphore(%arg11 : memref<!tpu.dma_semaphore, #tpu.memory_space<semaphore_mem>>) {add = true}
    %dma_start3A_318 = arith.constant 32 : i32
    %dma_start3A_319 = arith.constant 4096 : i32
    %dma_start3A_320 = tpu.memref_slice %arg7[%dma_start3A_319] : memref<6400xf32, #tpu.memory_space<vmem>> -> memref<128xf32, #tpu.memory_space<vmem>>
    %dma_start3A_321 = arith.constant 0 : i32
    %dma_start3A_322 = tpu.memref_slice %arg8[%dma_start3A_318, %dma_start3A_321] : memref<50x128xi32, #tpu.memory_space<vmem>> -> memref<1x128xi32, #tpu.memory_space<vmem>>
    %dma_start3A_323 = tpu.memref_squeeze %dma_start3A_322 : memref<1x128xi32, #tpu.memory_space<vmem>> -> memref<128xi32, #tpu.memory_space<vmem>>
    %dma_start3A_324 = arith.constant 0 : i32
    %dma_start3A_325 = tpu.memref_slice %arg10[%dma_start3A_324] : memref<524416xf32, #tpu.memory_space<vmem_shared>> -> memref<524416xf32, #tpu.memory_space<vmem_shared>>
    tpu.enqueue_indirect_dma source(%dma_start3A_320 : memref<128xf32, #tpu.memory_space<vmem>>) target(%dma_start3A_325 : memref<524416xf32, #tpu.memory_space<vmem_shared>>) offsets(%dma_start3A_323 : memref<128xi32, #tpu.memory_space<vmem>>) semaphore(%arg11 : memref<!tpu.dma_semaphore, #tpu.memory_space<semaphore_mem>>) {add = true}
    %dma_start3A_326 = arith.constant 33 : i32
    %dma_start3A_327 = arith.constant 4224 : i32
    %dma_start3A_328 = tpu.memref_slice %arg7[%dma_start3A_327] : memref<6400xf32, #tpu.memory_space<vmem>> -> memref<128xf32, #tpu.memory_space<vmem>>
    %dma_start3A_329 = arith.constant 0 : i32
    %dma_start3A_330 = tpu.memref_slice %arg8[%dma_start3A_326, %dma_start3A_329] : memref<50x128xi32, #tpu.memory_space<vmem>> -> memref<1x128xi32, #tpu.memory_space<vmem>>
    %dma_start3A_331 = tpu.memref_squeeze %dma_start3A_330 : memref<1x128xi32, #tpu.memory_space<vmem>> -> memref<128xi32, #tpu.memory_space<vmem>>
    %dma_start3A_332 = arith.constant 0 : i32
    %dma_start3A_333 = tpu.memref_slice %arg10[%dma_start3A_332] : memref<524416xf32, #tpu.memory_space<vmem_shared>> -> memref<524416xf32, #tpu.memory_space<vmem_shared>>
    tpu.enqueue_indirect_dma source(%dma_start3A_328 : memref<128xf32, #tpu.memory_space<vmem>>) target(%dma_start3A_333 : memref<524416xf32, #tpu.memory_space<vmem_shared>>) offsets(%dma_start3A_331 : memref<128xi32, #tpu.memory_space<vmem>>) semaphore(%arg11 : memref<!tpu.dma_semaphore, #tpu.memory_space<semaphore_mem>>) {add = true}
    %dma_start3A_334 = arith.constant 34 : i32
    %dma_start3A_335 = arith.constant 4352 : i32
    %dma_start3A_336 = tpu.memref_slice %arg7[%dma_start3A_335] : memref<6400xf32, #tpu.memory_space<vmem>> -> memref<128xf32, #tpu.memory_space<vmem>>
    %dma_start3A_337 = arith.constant 0 : i32
    %dma_start3A_338 = tpu.memref_slice %arg8[%dma_start3A_334, %dma_start3A_337] : memref<50x128xi32, #tpu.memory_space<vmem>> -> memref<1x128xi32, #tpu.memory_space<vmem>>
    %dma_start3A_339 = tpu.memref_squeeze %dma_start3A_338 : memref<1x128xi32, #tpu.memory_space<vmem>> -> memref<128xi32, #tpu.memory_space<vmem>>
    %dma_start3A_340 = arith.constant 0 : i32
    %dma_start3A_341 = tpu.memref_slice %arg10[%dma_start3A_340] : memref<524416xf32, #tpu.memory_space<vmem_shared>> -> memref<524416xf32, #tpu.memory_space<vmem_shared>>
    tpu.enqueue_indirect_dma source(%dma_start3A_336 : memref<128xf32, #tpu.memory_space<vmem>>) target(%dma_start3A_341 : memref<524416xf32, #tpu.memory_space<vmem_shared>>) offsets(%dma_start3A_339 : memref<128xi32, #tpu.memory_space<vmem>>) semaphore(%arg11 : memref<!tpu.dma_semaphore, #tpu.memory_space<semaphore_mem>>) {add = true}
    %dma_start3A_342 = arith.constant 35 : i32
    %dma_start3A_343 = arith.constant 4480 : i32
    %dma_start3A_344 = tpu.memref_slice %arg7[%dma_start3A_343] : memref<6400xf32, #tpu.memory_space<vmem>> -> memref<128xf32, #tpu.memory_space<vmem>>
    %dma_start3A_345 = arith.constant 0 : i32
    %dma_start3A_346 = tpu.memref_slice %arg8[%dma_start3A_342, %dma_start3A_345] : memref<50x128xi32, #tpu.memory_space<vmem>> -> memref<1x128xi32, #tpu.memory_space<vmem>>
    %dma_start3A_347 = tpu.memref_squeeze %dma_start3A_346 : memref<1x128xi32, #tpu.memory_space<vmem>> -> memref<128xi32, #tpu.memory_space<vmem>>
    %dma_start3A_348 = arith.constant 0 : i32
    %dma_start3A_349 = tpu.memref_slice %arg10[%dma_start3A_348] : memref<524416xf32, #tpu.memory_space<vmem_shared>> -> memref<524416xf32, #tpu.memory_space<vmem_shared>>
    tpu.enqueue_indirect_dma source(%dma_start3A_344 : memref<128xf32, #tpu.memory_space<vmem>>) target(%dma_start3A_349 : memref<524416xf32, #tpu.memory_space<vmem_shared>>) offsets(%dma_start3A_347 : memref<128xi32, #tpu.memory_space<vmem>>) semaphore(%arg11 : memref<!tpu.dma_semaphore, #tpu.memory_space<semaphore_mem>>) {add = true}
    %dma_start3A_350 = arith.constant 36 : i32
    %dma_start3A_351 = arith.constant 4608 : i32
    %dma_start3A_352 = tpu.memref_slice %arg7[%dma_start3A_351] : memref<6400xf32, #tpu.memory_space<vmem>> -> memref<128xf32, #tpu.memory_space<vmem>>
    %dma_start3A_353 = arith.constant 0 : i32
    %dma_start3A_354 = tpu.memref_slice %arg8[%dma_start3A_350, %dma_start3A_353] : memref<50x128xi32, #tpu.memory_space<vmem>> -> memref<1x128xi32, #tpu.memory_space<vmem>>
    %dma_start3A_355 = tpu.memref_squeeze %dma_start3A_354 : memref<1x128xi32, #tpu.memory_space<vmem>> -> memref<128xi32, #tpu.memory_space<vmem>>
    %dma_start3A_356 = arith.constant 0 : i32
    %dma_start3A_357 = tpu.memref_slice %arg10[%dma_start3A_356] : memref<524416xf32, #tpu.memory_space<vmem_shared>> -> memref<524416xf32, #tpu.memory_space<vmem_shared>>
    tpu.enqueue_indirect_dma source(%dma_start3A_352 : memref<128xf32, #tpu.memory_space<vmem>>) target(%dma_start3A_357 : memref<524416xf32, #tpu.memory_space<vmem_shared>>) offsets(%dma_start3A_355 : memref<128xi32, #tpu.memory_space<vmem>>) semaphore(%arg11 : memref<!tpu.dma_semaphore, #tpu.memory_space<semaphore_mem>>) {add = true}
    %dma_start3A_358 = arith.constant 37 : i32
    %dma_start3A_359 = arith.constant 4736 : i32
    %dma_start3A_360 = tpu.memref_slice %arg7[%dma_start3A_359] : memref<6400xf32, #tpu.memory_space<vmem>> -> memref<128xf32, #tpu.memory_space<vmem>>
    %dma_start3A_361 = arith.constant 0 : i32
    %dma_start3A_362 = tpu.memref_slice %arg8[%dma_start3A_358, %dma_start3A_361] : memref<50x128xi32, #tpu.memory_space<vmem>> -> memref<1x128xi32, #tpu.memory_space<vmem>>
    %dma_start3A_363 = tpu.memref_squeeze %dma_start3A_362 : memref<1x128xi32, #tpu.memory_space<vmem>> -> memref<128xi32, #tpu.memory_space<vmem>>
    %dma_start3A_364 = arith.constant 0 : i32
    %dma_start3A_365 = tpu.memref_slice %arg10[%dma_start3A_364] : memref<524416xf32, #tpu.memory_space<vmem_shared>> -> memref<524416xf32, #tpu.memory_space<vmem_shared>>
    tpu.enqueue_indirect_dma source(%dma_start3A_360 : memref<128xf32, #tpu.memory_space<vmem>>) target(%dma_start3A_365 : memref<524416xf32, #tpu.memory_space<vmem_shared>>) offsets(%dma_start3A_363 : memref<128xi32, #tpu.memory_space<vmem>>) semaphore(%arg11 : memref<!tpu.dma_semaphore, #tpu.memory_space<semaphore_mem>>) {add = true}
    %dma_start3A_366 = arith.constant 38 : i32
    %dma_start3A_367 = arith.constant 4864 : i32
    %dma_start3A_368 = tpu.memref_slice %arg7[%dma_start3A_367] : memref<6400xf32, #tpu.memory_space<vmem>> -> memref<128xf32, #tpu.memory_space<vmem>>
    %dma_start3A_369 = arith.constant 0 : i32
    %dma_start3A_370 = tpu.memref_slice %arg8[%dma_start3A_366, %dma_start3A_369] : memref<50x128xi32, #tpu.memory_space<vmem>> -> memref<1x128xi32, #tpu.memory_space<vmem>>
    %dma_start3A_371 = tpu.memref_squeeze %dma_start3A_370 : memref<1x128xi32, #tpu.memory_space<vmem>> -> memref<128xi32, #tpu.memory_space<vmem>>
    %dma_start3A_372 = arith.constant 0 : i32
    %dma_start3A_373 = tpu.memref_slice %arg10[%dma_start3A_372] : memref<524416xf32, #tpu.memory_space<vmem_shared>> -> memref<524416xf32, #tpu.memory_space<vmem_shared>>
    tpu.enqueue_indirect_dma source(%dma_start3A_368 : memref<128xf32, #tpu.memory_space<vmem>>) target(%dma_start3A_373 : memref<524416xf32, #tpu.memory_space<vmem_shared>>) offsets(%dma_start3A_371 : memref<128xi32, #tpu.memory_space<vmem>>) semaphore(%arg11 : memref<!tpu.dma_semaphore, #tpu.memory_space<semaphore_mem>>) {add = true}
    %dma_start3A_374 = arith.constant 39 : i32
    %dma_start3A_375 = arith.constant 4992 : i32
    %dma_start3A_376 = tpu.memref_slice %arg7[%dma_start3A_375] : memref<6400xf32, #tpu.memory_space<vmem>> -> memref<128xf32, #tpu.memory_space<vmem>>
    %dma_start3A_377 = arith.constant 0 : i32
    %dma_start3A_378 = tpu.memref_slice %arg8[%dma_start3A_374, %dma_start3A_377] : memref<50x128xi32, #tpu.memory_space<vmem>> -> memref<1x128xi32, #tpu.memory_space<vmem>>
    %dma_start3A_379 = tpu.memref_squeeze %dma_start3A_378 : memref<1x128xi32, #tpu.memory_space<vmem>> -> memref<128xi32, #tpu.memory_space<vmem>>
    %dma_start3A_380 = arith.constant 0 : i32
    %dma_start3A_381 = tpu.memref_slice %arg10[%dma_start3A_380] : memref<524416xf32, #tpu.memory_space<vmem_shared>> -> memref<524416xf32, #tpu.memory_space<vmem_shared>>
    tpu.enqueue_indirect_dma source(%dma_start3A_376 : memref<128xf32, #tpu.memory_space<vmem>>) target(%dma_start3A_381 : memref<524416xf32, #tpu.memory_space<vmem_shared>>) offsets(%dma_start3A_379 : memref<128xi32, #tpu.memory_space<vmem>>) semaphore(%arg11 : memref<!tpu.dma_semaphore, #tpu.memory_space<semaphore_mem>>) {add = true}
    %dma_start3A_382 = arith.constant 40 : i32
    %dma_start3A_383 = arith.constant 5120 : i32
    %dma_start3A_384 = tpu.memref_slice %arg7[%dma_start3A_383] : memref<6400xf32, #tpu.memory_space<vmem>> -> memref<128xf32, #tpu.memory_space<vmem>>
    %dma_start3A_385 = arith.constant 0 : i32
    %dma_start3A_386 = tpu.memref_slice %arg8[%dma_start3A_382, %dma_start3A_385] : memref<50x128xi32, #tpu.memory_space<vmem>> -> memref<1x128xi32, #tpu.memory_space<vmem>>
    %dma_start3A_387 = tpu.memref_squeeze %dma_start3A_386 : memref<1x128xi32, #tpu.memory_space<vmem>> -> memref<128xi32, #tpu.memory_space<vmem>>
    %dma_start3A_388 = arith.constant 0 : i32
    %dma_start3A_389 = tpu.memref_slice %arg10[%dma_start3A_388] : memref<524416xf32, #tpu.memory_space<vmem_shared>> -> memref<524416xf32, #tpu.memory_space<vmem_shared>>
    tpu.enqueue_indirect_dma source(%dma_start3A_384 : memref<128xf32, #tpu.memory_space<vmem>>) target(%dma_start3A_389 : memref<524416xf32, #tpu.memory_space<vmem_shared>>) offsets(%dma_start3A_387 : memref<128xi32, #tpu.memory_space<vmem>>) semaphore(%arg11 : memref<!tpu.dma_semaphore, #tpu.memory_space<semaphore_mem>>) {add = true}
    %dma_start3A_390 = arith.constant 41 : i32
    %dma_start3A_391 = arith.constant 5248 : i32
    %dma_start3A_392 = tpu.memref_slice %arg7[%dma_start3A_391] : memref<6400xf32, #tpu.memory_space<vmem>> -> memref<128xf32, #tpu.memory_space<vmem>>
    %dma_start3A_393 = arith.constant 0 : i32
    %dma_start3A_394 = tpu.memref_slice %arg8[%dma_start3A_390, %dma_start3A_393] : memref<50x128xi32, #tpu.memory_space<vmem>> -> memref<1x128xi32, #tpu.memory_space<vmem>>
    %dma_start3A_395 = tpu.memref_squeeze %dma_start3A_394 : memref<1x128xi32, #tpu.memory_space<vmem>> -> memref<128xi32, #tpu.memory_space<vmem>>
    %dma_start3A_396 = arith.constant 0 : i32
    %dma_start3A_397 = tpu.memref_slice %arg10[%dma_start3A_396] : memref<524416xf32, #tpu.memory_space<vmem_shared>> -> memref<524416xf32, #tpu.memory_space<vmem_shared>>
    tpu.enqueue_indirect_dma source(%dma_start3A_392 : memref<128xf32, #tpu.memory_space<vmem>>) target(%dma_start3A_397 : memref<524416xf32, #tpu.memory_space<vmem_shared>>) offsets(%dma_start3A_395 : memref<128xi32, #tpu.memory_space<vmem>>) semaphore(%arg11 : memref<!tpu.dma_semaphore, #tpu.memory_space<semaphore_mem>>) {add = true}
    %dma_start3A_398 = arith.constant 42 : i32
    %dma_start3A_399 = arith.constant 5376 : i32
    %dma_start3A_400 = tpu.memref_slice %arg7[%dma_start3A_399] : memref<6400xf32, #tpu.memory_space<vmem>> -> memref<128xf32, #tpu.memory_space<vmem>>
    %dma_start3A_401 = arith.constant 0 : i32
    %dma_start3A_402 = tpu.memref_slice %arg8[%dma_start3A_398, %dma_start3A_401] : memref<50x128xi32, #tpu.memory_space<vmem>> -> memref<1x128xi32, #tpu.memory_space<vmem>>
    %dma_start3A_403 = tpu.memref_squeeze %dma_start3A_402 : memref<1x128xi32, #tpu.memory_space<vmem>> -> memref<128xi32, #tpu.memory_space<vmem>>
    %dma_start3A_404 = arith.constant 0 : i32
    %dma_start3A_405 = tpu.memref_slice %arg10[%dma_start3A_404] : memref<524416xf32, #tpu.memory_space<vmem_shared>> -> memref<524416xf32, #tpu.memory_space<vmem_shared>>
    tpu.enqueue_indirect_dma source(%dma_start3A_400 : memref<128xf32, #tpu.memory_space<vmem>>) target(%dma_start3A_405 : memref<524416xf32, #tpu.memory_space<vmem_shared>>) offsets(%dma_start3A_403 : memref<128xi32, #tpu.memory_space<vmem>>) semaphore(%arg11 : memref<!tpu.dma_semaphore, #tpu.memory_space<semaphore_mem>>) {add = true}
    %dma_start3A_406 = arith.constant 43 : i32
    %dma_start3A_407 = arith.constant 5504 : i32
    %dma_start3A_408 = tpu.memref_slice %arg7[%dma_start3A_407] : memref<6400xf32, #tpu.memory_space<vmem>> -> memref<128xf32, #tpu.memory_space<vmem>>
    %dma_start3A_409 = arith.constant 0 : i32
    %dma_start3A_410 = tpu.memref_slice %arg8[%dma_start3A_406, %dma_start3A_409] : memref<50x128xi32, #tpu.memory_space<vmem>> -> memref<1x128xi32, #tpu.memory_space<vmem>>
    %dma_start3A_411 = tpu.memref_squeeze %dma_start3A_410 : memref<1x128xi32, #tpu.memory_space<vmem>> -> memref<128xi32, #tpu.memory_space<vmem>>
    %dma_start3A_412 = arith.constant 0 : i32
    %dma_start3A_413 = tpu.memref_slice %arg10[%dma_start3A_412] : memref<524416xf32, #tpu.memory_space<vmem_shared>> -> memref<524416xf32, #tpu.memory_space<vmem_shared>>
    tpu.enqueue_indirect_dma source(%dma_start3A_408 : memref<128xf32, #tpu.memory_space<vmem>>) target(%dma_start3A_413 : memref<524416xf32, #tpu.memory_space<vmem_shared>>) offsets(%dma_start3A_411 : memref<128xi32, #tpu.memory_space<vmem>>) semaphore(%arg11 : memref<!tpu.dma_semaphore, #tpu.memory_space<semaphore_mem>>) {add = true}
    %dma_start3A_414 = arith.constant 44 : i32
    %dma_start3A_415 = arith.constant 5632 : i32
    %dma_start3A_416 = tpu.memref_slice %arg7[%dma_start3A_415] : memref<6400xf32, #tpu.memory_space<vmem>> -> memref<128xf32, #tpu.memory_space<vmem>>
    %dma_start3A_417 = arith.constant 0 : i32
    %dma_start3A_418 = tpu.memref_slice %arg8[%dma_start3A_414, %dma_start3A_417] : memref<50x128xi32, #tpu.memory_space<vmem>> -> memref<1x128xi32, #tpu.memory_space<vmem>>
    %dma_start3A_419 = tpu.memref_squeeze %dma_start3A_418 : memref<1x128xi32, #tpu.memory_space<vmem>> -> memref<128xi32, #tpu.memory_space<vmem>>
    %dma_start3A_420 = arith.constant 0 : i32
    %dma_start3A_421 = tpu.memref_slice %arg10[%dma_start3A_420] : memref<524416xf32, #tpu.memory_space<vmem_shared>> -> memref<524416xf32, #tpu.memory_space<vmem_shared>>
    tpu.enqueue_indirect_dma source(%dma_start3A_416 : memref<128xf32, #tpu.memory_space<vmem>>) target(%dma_start3A_421 : memref<524416xf32, #tpu.memory_space<vmem_shared>>) offsets(%dma_start3A_419 : memref<128xi32, #tpu.memory_space<vmem>>) semaphore(%arg11 : memref<!tpu.dma_semaphore, #tpu.memory_space<semaphore_mem>>) {add = true}
    %dma_start3A_422 = arith.constant 45 : i32
    %dma_start3A_423 = arith.constant 5760 : i32
    %dma_start3A_424 = tpu.memref_slice %arg7[%dma_start3A_423] : memref<6400xf32, #tpu.memory_space<vmem>> -> memref<128xf32, #tpu.memory_space<vmem>>
    %dma_start3A_425 = arith.constant 0 : i32
    %dma_start3A_426 = tpu.memref_slice %arg8[%dma_start3A_422, %dma_start3A_425] : memref<50x128xi32, #tpu.memory_space<vmem>> -> memref<1x128xi32, #tpu.memory_space<vmem>>
    %dma_start3A_427 = tpu.memref_squeeze %dma_start3A_426 : memref<1x128xi32, #tpu.memory_space<vmem>> -> memref<128xi32, #tpu.memory_space<vmem>>
    %dma_start3A_428 = arith.constant 0 : i32
    %dma_start3A_429 = tpu.memref_slice %arg10[%dma_start3A_428] : memref<524416xf32, #tpu.memory_space<vmem_shared>> -> memref<524416xf32, #tpu.memory_space<vmem_shared>>
    tpu.enqueue_indirect_dma source(%dma_start3A_424 : memref<128xf32, #tpu.memory_space<vmem>>) target(%dma_start3A_429 : memref<524416xf32, #tpu.memory_space<vmem_shared>>) offsets(%dma_start3A_427 : memref<128xi32, #tpu.memory_space<vmem>>) semaphore(%arg11 : memref<!tpu.dma_semaphore, #tpu.memory_space<semaphore_mem>>) {add = true}
    %dma_start3A_430 = arith.constant 46 : i32
    %dma_start3A_431 = arith.constant 5888 : i32
    %dma_start3A_432 = tpu.memref_slice %arg7[%dma_start3A_431] : memref<6400xf32, #tpu.memory_space<vmem>> -> memref<128xf32, #tpu.memory_space<vmem>>
    %dma_start3A_433 = arith.constant 0 : i32
    %dma_start3A_434 = tpu.memref_slice %arg8[%dma_start3A_430, %dma_start3A_433] : memref<50x128xi32, #tpu.memory_space<vmem>> -> memref<1x128xi32, #tpu.memory_space<vmem>>
    %dma_start3A_435 = tpu.memref_squeeze %dma_start3A_434 : memref<1x128xi32, #tpu.memory_space<vmem>> -> memref<128xi32, #tpu.memory_space<vmem>>
    %dma_start3A_436 = arith.constant 0 : i32
    %dma_start3A_437 = tpu.memref_slice %arg10[%dma_start3A_436] : memref<524416xf32, #tpu.memory_space<vmem_shared>> -> memref<524416xf32, #tpu.memory_space<vmem_shared>>
    tpu.enqueue_indirect_dma source(%dma_start3A_432 : memref<128xf32, #tpu.memory_space<vmem>>) target(%dma_start3A_437 : memref<524416xf32, #tpu.memory_space<vmem_shared>>) offsets(%dma_start3A_435 : memref<128xi32, #tpu.memory_space<vmem>>) semaphore(%arg11 : memref<!tpu.dma_semaphore, #tpu.memory_space<semaphore_mem>>) {add = true}
    %dma_start3A_438 = arith.constant 47 : i32
    %dma_start3A_439 = arith.constant 6016 : i32
    %dma_start3A_440 = tpu.memref_slice %arg7[%dma_start3A_439] : memref<6400xf32, #tpu.memory_space<vmem>> -> memref<128xf32, #tpu.memory_space<vmem>>
    %dma_start3A_441 = arith.constant 0 : i32
    %dma_start3A_442 = tpu.memref_slice %arg8[%dma_start3A_438, %dma_start3A_441] : memref<50x128xi32, #tpu.memory_space<vmem>> -> memref<1x128xi32, #tpu.memory_space<vmem>>
    %dma_start3A_443 = tpu.memref_squeeze %dma_start3A_442 : memref<1x128xi32, #tpu.memory_space<vmem>> -> memref<128xi32, #tpu.memory_space<vmem>>
    %dma_start3A_444 = arith.constant 0 : i32
    %dma_start3A_445 = tpu.memref_slice %arg10[%dma_start3A_444] : memref<524416xf32, #tpu.memory_space<vmem_shared>> -> memref<524416xf32, #tpu.memory_space<vmem_shared>>
    tpu.enqueue_indirect_dma source(%dma_start3A_440 : memref<128xf32, #tpu.memory_space<vmem>>) target(%dma_start3A_445 : memref<524416xf32, #tpu.memory_space<vmem_shared>>) offsets(%dma_start3A_443 : memref<128xi32, #tpu.memory_space<vmem>>) semaphore(%arg11 : memref<!tpu.dma_semaphore, #tpu.memory_space<semaphore_mem>>) {add = true}
    %dma_start3A_446 = arith.constant 48 : i32
    %dma_start3A_447 = arith.constant 6144 : i32
    %dma_start3A_448 = tpu.memref_slice %arg7[%dma_start3A_447] : memref<6400xf32, #tpu.memory_space<vmem>> -> memref<128xf32, #tpu.memory_space<vmem>>
    %dma_start3A_449 = arith.constant 0 : i32
    %dma_start3A_450 = tpu.memref_slice %arg8[%dma_start3A_446, %dma_start3A_449] : memref<50x128xi32, #tpu.memory_space<vmem>> -> memref<1x128xi32, #tpu.memory_space<vmem>>
    %dma_start3A_451 = tpu.memref_squeeze %dma_start3A_450 : memref<1x128xi32, #tpu.memory_space<vmem>> -> memref<128xi32, #tpu.memory_space<vmem>>
    %dma_start3A_452 = arith.constant 0 : i32
    %dma_start3A_453 = tpu.memref_slice %arg10[%dma_start3A_452] : memref<524416xf32, #tpu.memory_space<vmem_shared>> -> memref<524416xf32, #tpu.memory_space<vmem_shared>>
    tpu.enqueue_indirect_dma source(%dma_start3A_448 : memref<128xf32, #tpu.memory_space<vmem>>) target(%dma_start3A_453 : memref<524416xf32, #tpu.memory_space<vmem_shared>>) offsets(%dma_start3A_451 : memref<128xi32, #tpu.memory_space<vmem>>) semaphore(%arg11 : memref<!tpu.dma_semaphore, #tpu.memory_space<semaphore_mem>>) {add = true}
    %dma_start3A_454 = arith.constant 49 : i32
    %dma_start3A_455 = arith.constant 6272 : i32
    %dma_start3A_456 = tpu.memref_slice %arg7[%dma_start3A_455] : memref<6400xf32, #tpu.memory_space<vmem>> -> memref<128xf32, #tpu.memory_space<vmem>>
    %dma_start3A_457 = arith.constant 0 : i32
    %dma_start3A_458 = tpu.memref_slice %arg8[%dma_start3A_454, %dma_start3A_457] : memref<50x128xi32, #tpu.memory_space<vmem>> -> memref<1x128xi32, #tpu.memory_space<vmem>>
    %dma_start3A_459 = tpu.memref_squeeze %dma_start3A_458 : memref<1x128xi32, #tpu.memory_space<vmem>> -> memref<128xi32, #tpu.memory_space<vmem>>
    %dma_start3A_460 = arith.constant 0 : i32
    %dma_start3A_461 = tpu.memref_slice %arg10[%dma_start3A_460] : memref<524416xf32, #tpu.memory_space<vmem_shared>> -> memref<524416xf32, #tpu.memory_space<vmem_shared>>
    tpu.enqueue_indirect_dma source(%dma_start3A_456 : memref<128xf32, #tpu.memory_space<vmem>>) target(%dma_start3A_461 : memref<524416xf32, #tpu.memory_space<vmem_shared>>) offsets(%dma_start3A_459 : memref<128xi32, #tpu.memory_space<vmem>>) semaphore(%arg11 : memref<!tpu.dma_semaphore, #tpu.memory_space<semaphore_mem>>) {add = true}
    %dma_wait3A_462 = arith.constant 0 : i32
    %dma_wait3A_463 = arith.constant 0 : i32
    %dma_wait3A_464 = tpu.memref_slice %arg7[%dma_wait3A_463] : memref<6400xf32, #tpu.memory_space<vmem>> -> memref<128xf32, #tpu.memory_space<vmem>>
    %dma_wait3A_465 = arith.constant 0 : i32
    %dma_wait3A_466 = tpu.memref_slice %arg8[%dma_wait3A_462, %dma_wait3A_465] : memref<50x128xi32, #tpu.memory_space<vmem>> -> memref<1x128xi32, #tpu.memory_space<vmem>>
    %dma_wait3A_467 = tpu.memref_squeeze %dma_wait3A_466 : memref<1x128xi32, #tpu.memory_space<vmem>> -> memref<128xi32, #tpu.memory_space<vmem>>
    %dma_wait3A_468 = arith.constant 0 : i32
    %dma_wait3A_469 = tpu.memref_slice %arg10[%dma_wait3A_468] : memref<524416xf32, #tpu.memory_space<vmem_shared>> -> memref<524416xf32, #tpu.memory_space<vmem_shared>>
    tpu.wait_indirect_dma semaphore(%arg11 : memref<!tpu.dma_semaphore, #tpu.memory_space<semaphore_mem>>) src(%dma_wait3A_464 : memref<128xf32, #tpu.memory_space<vmem>>) dst(%dma_wait3A_469 : memref<524416xf32, #tpu.memory_space<vmem_shared>>)
    %dma_wait3A_470 = arith.constant 1 : i32
    %dma_wait3A_471 = arith.constant 128 : i32
    %dma_wait3A_472 = tpu.memref_slice %arg7[%dma_wait3A_471] : memref<6400xf32, #tpu.memory_space<vmem>> -> memref<128xf32, #tpu.memory_space<vmem>>
    %dma_wait3A_473 = arith.constant 0 : i32
    %dma_wait3A_474 = tpu.memref_slice %arg8[%dma_wait3A_470, %dma_wait3A_473] : memref<50x128xi32, #tpu.memory_space<vmem>> -> memref<1x128xi32, #tpu.memory_space<vmem>>
    %dma_wait3A_475 = tpu.memref_squeeze %dma_wait3A_474 : memref<1x128xi32, #tpu.memory_space<vmem>> -> memref<128xi32, #tpu.memory_space<vmem>>
    %dma_wait3A_476 = arith.constant 0 : i32
    %dma_wait3A_477 = tpu.memref_slice %arg10[%dma_wait3A_476] : memref<524416xf32, #tpu.memory_space<vmem_shared>> -> memref<524416xf32, #tpu.memory_space<vmem_shared>>
    tpu.wait_indirect_dma semaphore(%arg11 : memref<!tpu.dma_semaphore, #tpu.memory_space<semaphore_mem>>) src(%dma_wait3A_472 : memref<128xf32, #tpu.memory_space<vmem>>) dst(%dma_wait3A_477 : memref<524416xf32, #tpu.memory_space<vmem_shared>>)
    %dma_wait3A_478 = arith.constant 2 : i32
    %dma_wait3A_479 = arith.constant 256 : i32
    %dma_wait3A_480 = tpu.memref_slice %arg7[%dma_wait3A_479] : memref<6400xf32, #tpu.memory_space<vmem>> -> memref<128xf32, #tpu.memory_space<vmem>>
    %dma_wait3A_481 = arith.constant 0 : i32
    %dma_wait3A_482 = tpu.memref_slice %arg8[%dma_wait3A_478, %dma_wait3A_481] : memref<50x128xi32, #tpu.memory_space<vmem>> -> memref<1x128xi32, #tpu.memory_space<vmem>>
    %dma_wait3A_483 = tpu.memref_squeeze %dma_wait3A_482 : memref<1x128xi32, #tpu.memory_space<vmem>> -> memref<128xi32, #tpu.memory_space<vmem>>
    %dma_wait3A_484 = arith.constant 0 : i32
    %dma_wait3A_485 = tpu.memref_slice %arg10[%dma_wait3A_484] : memref<524416xf32, #tpu.memory_space<vmem_shared>> -> memref<524416xf32, #tpu.memory_space<vmem_shared>>
    tpu.wait_indirect_dma semaphore(%arg11 : memref<!tpu.dma_semaphore, #tpu.memory_space<semaphore_mem>>) src(%dma_wait3A_480 : memref<128xf32, #tpu.memory_space<vmem>>) dst(%dma_wait3A_485 : memref<524416xf32, #tpu.memory_space<vmem_shared>>)
    %dma_wait3A_486 = arith.constant 3 : i32
    %dma_wait3A_487 = arith.constant 384 : i32
    %dma_wait3A_488 = tpu.memref_slice %arg7[%dma_wait3A_487] : memref<6400xf32, #tpu.memory_space<vmem>> -> memref<128xf32, #tpu.memory_space<vmem>>
    %dma_wait3A_489 = arith.constant 0 : i32
    %dma_wait3A_490 = tpu.memref_slice %arg8[%dma_wait3A_486, %dma_wait3A_489] : memref<50x128xi32, #tpu.memory_space<vmem>> -> memref<1x128xi32, #tpu.memory_space<vmem>>
    %dma_wait3A_491 = tpu.memref_squeeze %dma_wait3A_490 : memref<1x128xi32, #tpu.memory_space<vmem>> -> memref<128xi32, #tpu.memory_space<vmem>>
    %dma_wait3A_492 = arith.constant 0 : i32
    %dma_wait3A_493 = tpu.memref_slice %arg10[%dma_wait3A_492] : memref<524416xf32, #tpu.memory_space<vmem_shared>> -> memref<524416xf32, #tpu.memory_space<vmem_shared>>
    tpu.wait_indirect_dma semaphore(%arg11 : memref<!tpu.dma_semaphore, #tpu.memory_space<semaphore_mem>>) src(%dma_wait3A_488 : memref<128xf32, #tpu.memory_space<vmem>>) dst(%dma_wait3A_493 : memref<524416xf32, #tpu.memory_space<vmem_shared>>)
    %dma_wait3A_494 = arith.constant 4 : i32
    %dma_wait3A_495 = arith.constant 512 : i32
    %dma_wait3A_496 = tpu.memref_slice %arg7[%dma_wait3A_495] : memref<6400xf32, #tpu.memory_space<vmem>> -> memref<128xf32, #tpu.memory_space<vmem>>
    %dma_wait3A_497 = arith.constant 0 : i32
    %dma_wait3A_498 = tpu.memref_slice %arg8[%dma_wait3A_494, %dma_wait3A_497] : memref<50x128xi32, #tpu.memory_space<vmem>> -> memref<1x128xi32, #tpu.memory_space<vmem>>
    %dma_wait3A_499 = tpu.memref_squeeze %dma_wait3A_498 : memref<1x128xi32, #tpu.memory_space<vmem>> -> memref<128xi32, #tpu.memory_space<vmem>>
    %dma_wait3A_500 = arith.constant 0 : i32
    %dma_wait3A_501 = tpu.memref_slice %arg10[%dma_wait3A_500] : memref<524416xf32, #tpu.memory_space<vmem_shared>> -> memref<524416xf32, #tpu.memory_space<vmem_shared>>
    tpu.wait_indirect_dma semaphore(%arg11 : memref<!tpu.dma_semaphore, #tpu.memory_space<semaphore_mem>>) src(%dma_wait3A_496 : memref<128xf32, #tpu.memory_space<vmem>>) dst(%dma_wait3A_501 : memref<524416xf32, #tpu.memory_space<vmem_shared>>)
    %dma_wait3A_502 = arith.constant 5 : i32
    %dma_wait3A_503 = arith.constant 640 : i32
    %dma_wait3A_504 = tpu.memref_slice %arg7[%dma_wait3A_503] : memref<6400xf32, #tpu.memory_space<vmem>> -> memref<128xf32, #tpu.memory_space<vmem>>
    %dma_wait3A_505 = arith.constant 0 : i32
    %dma_wait3A_506 = tpu.memref_slice %arg8[%dma_wait3A_502, %dma_wait3A_505] : memref<50x128xi32, #tpu.memory_space<vmem>> -> memref<1x128xi32, #tpu.memory_space<vmem>>
    %dma_wait3A_507 = tpu.memref_squeeze %dma_wait3A_506 : memref<1x128xi32, #tpu.memory_space<vmem>> -> memref<128xi32, #tpu.memory_space<vmem>>
    %dma_wait3A_508 = arith.constant 0 : i32
    %dma_wait3A_509 = tpu.memref_slice %arg10[%dma_wait3A_508] : memref<524416xf32, #tpu.memory_space<vmem_shared>> -> memref<524416xf32, #tpu.memory_space<vmem_shared>>
    tpu.wait_indirect_dma semaphore(%arg11 : memref<!tpu.dma_semaphore, #tpu.memory_space<semaphore_mem>>) src(%dma_wait3A_504 : memref<128xf32, #tpu.memory_space<vmem>>) dst(%dma_wait3A_509 : memref<524416xf32, #tpu.memory_space<vmem_shared>>)
    %dma_wait3A_510 = arith.constant 6 : i32
    %dma_wait3A_511 = arith.constant 768 : i32
    %dma_wait3A_512 = tpu.memref_slice %arg7[%dma_wait3A_511] : memref<6400xf32, #tpu.memory_space<vmem>> -> memref<128xf32, #tpu.memory_space<vmem>>
    %dma_wait3A_513 = arith.constant 0 : i32
    %dma_wait3A_514 = tpu.memref_slice %arg8[%dma_wait3A_510, %dma_wait3A_513] : memref<50x128xi32, #tpu.memory_space<vmem>> -> memref<1x128xi32, #tpu.memory_space<vmem>>
    %dma_wait3A_515 = tpu.memref_squeeze %dma_wait3A_514 : memref<1x128xi32, #tpu.memory_space<vmem>> -> memref<128xi32, #tpu.memory_space<vmem>>
    %dma_wait3A_516 = arith.constant 0 : i32
    %dma_wait3A_517 = tpu.memref_slice %arg10[%dma_wait3A_516] : memref<524416xf32, #tpu.memory_space<vmem_shared>> -> memref<524416xf32, #tpu.memory_space<vmem_shared>>
    tpu.wait_indirect_dma semaphore(%arg11 : memref<!tpu.dma_semaphore, #tpu.memory_space<semaphore_mem>>) src(%dma_wait3A_512 : memref<128xf32, #tpu.memory_space<vmem>>) dst(%dma_wait3A_517 : memref<524416xf32, #tpu.memory_space<vmem_shared>>)
    %dma_wait3A_518 = arith.constant 7 : i32
    %dma_wait3A_519 = arith.constant 896 : i32
    %dma_wait3A_520 = tpu.memref_slice %arg7[%dma_wait3A_519] : memref<6400xf32, #tpu.memory_space<vmem>> -> memref<128xf32, #tpu.memory_space<vmem>>
    %dma_wait3A_521 = arith.constant 0 : i32
    %dma_wait3A_522 = tpu.memref_slice %arg8[%dma_wait3A_518, %dma_wait3A_521] : memref<50x128xi32, #tpu.memory_space<vmem>> -> memref<1x128xi32, #tpu.memory_space<vmem>>
    %dma_wait3A_523 = tpu.memref_squeeze %dma_wait3A_522 : memref<1x128xi32, #tpu.memory_space<vmem>> -> memref<128xi32, #tpu.memory_space<vmem>>
    %dma_wait3A_524 = arith.constant 0 : i32
    %dma_wait3A_525 = tpu.memref_slice %arg10[%dma_wait3A_524] : memref<524416xf32, #tpu.memory_space<vmem_shared>> -> memref<524416xf32, #tpu.memory_space<vmem_shared>>
    tpu.wait_indirect_dma semaphore(%arg11 : memref<!tpu.dma_semaphore, #tpu.memory_space<semaphore_mem>>) src(%dma_wait3A_520 : memref<128xf32, #tpu.memory_space<vmem>>) dst(%dma_wait3A_525 : memref<524416xf32, #tpu.memory_space<vmem_shared>>)
    %dma_wait3A_526 = arith.constant 8 : i32
    %dma_wait3A_527 = arith.constant 1024 : i32
    %dma_wait3A_528 = tpu.memref_slice %arg7[%dma_wait3A_527] : memref<6400xf32, #tpu.memory_space<vmem>> -> memref<128xf32, #tpu.memory_space<vmem>>
    %dma_wait3A_529 = arith.constant 0 : i32
    %dma_wait3A_530 = tpu.memref_slice %arg8[%dma_wait3A_526, %dma_wait3A_529] : memref<50x128xi32, #tpu.memory_space<vmem>> -> memref<1x128xi32, #tpu.memory_space<vmem>>
    %dma_wait3A_531 = tpu.memref_squeeze %dma_wait3A_530 : memref<1x128xi32, #tpu.memory_space<vmem>> -> memref<128xi32, #tpu.memory_space<vmem>>
    %dma_wait3A_532 = arith.constant 0 : i32
    %dma_wait3A_533 = tpu.memref_slice %arg10[%dma_wait3A_532] : memref<524416xf32, #tpu.memory_space<vmem_shared>> -> memref<524416xf32, #tpu.memory_space<vmem_shared>>
    tpu.wait_indirect_dma semaphore(%arg11 : memref<!tpu.dma_semaphore, #tpu.memory_space<semaphore_mem>>) src(%dma_wait3A_528 : memref<128xf32, #tpu.memory_space<vmem>>) dst(%dma_wait3A_533 : memref<524416xf32, #tpu.memory_space<vmem_shared>>)
    %dma_wait3A_534 = arith.constant 9 : i32
    %dma_wait3A_535 = arith.constant 1152 : i32
    %dma_wait3A_536 = tpu.memref_slice %arg7[%dma_wait3A_535] : memref<6400xf32, #tpu.memory_space<vmem>> -> memref<128xf32, #tpu.memory_space<vmem>>
    %dma_wait3A_537 = arith.constant 0 : i32
    %dma_wait3A_538 = tpu.memref_slice %arg8[%dma_wait3A_534, %dma_wait3A_537] : memref<50x128xi32, #tpu.memory_space<vmem>> -> memref<1x128xi32, #tpu.memory_space<vmem>>
    %dma_wait3A_539 = tpu.memref_squeeze %dma_wait3A_538 : memref<1x128xi32, #tpu.memory_space<vmem>> -> memref<128xi32, #tpu.memory_space<vmem>>
    %dma_wait3A_540 = arith.constant 0 : i32
    %dma_wait3A_541 = tpu.memref_slice %arg10[%dma_wait3A_540] : memref<524416xf32, #tpu.memory_space<vmem_shared>> -> memref<524416xf32, #tpu.memory_space<vmem_shared>>
    tpu.wait_indirect_dma semaphore(%arg11 : memref<!tpu.dma_semaphore, #tpu.memory_space<semaphore_mem>>) src(%dma_wait3A_536 : memref<128xf32, #tpu.memory_space<vmem>>) dst(%dma_wait3A_541 : memref<524416xf32, #tpu.memory_space<vmem_shared>>)
    %dma_wait3A_542 = arith.constant 10 : i32
    %dma_wait3A_543 = arith.constant 1280 : i32
    %dma_wait3A_544 = tpu.memref_slice %arg7[%dma_wait3A_543] : memref<6400xf32, #tpu.memory_space<vmem>> -> memref<128xf32, #tpu.memory_space<vmem>>
    %dma_wait3A_545 = arith.constant 0 : i32
    %dma_wait3A_546 = tpu.memref_slice %arg8[%dma_wait3A_542, %dma_wait3A_545] : memref<50x128xi32, #tpu.memory_space<vmem>> -> memref<1x128xi32, #tpu.memory_space<vmem>>
    %dma_wait3A_547 = tpu.memref_squeeze %dma_wait3A_546 : memref<1x128xi32, #tpu.memory_space<vmem>> -> memref<128xi32, #tpu.memory_space<vmem>>
    %dma_wait3A_548 = arith.constant 0 : i32
    %dma_wait3A_549 = tpu.memref_slice %arg10[%dma_wait3A_548] : memref<524416xf32, #tpu.memory_space<vmem_shared>> -> memref<524416xf32, #tpu.memory_space<vmem_shared>>
    tpu.wait_indirect_dma semaphore(%arg11 : memref<!tpu.dma_semaphore, #tpu.memory_space<semaphore_mem>>) src(%dma_wait3A_544 : memref<128xf32, #tpu.memory_space<vmem>>) dst(%dma_wait3A_549 : memref<524416xf32, #tpu.memory_space<vmem_shared>>)
    %dma_wait3A_550 = arith.constant 11 : i32
    %dma_wait3A_551 = arith.constant 1408 : i32
    %dma_wait3A_552 = tpu.memref_slice %arg7[%dma_wait3A_551] : memref<6400xf32, #tpu.memory_space<vmem>> -> memref<128xf32, #tpu.memory_space<vmem>>
    %dma_wait3A_553 = arith.constant 0 : i32
    %dma_wait3A_554 = tpu.memref_slice %arg8[%dma_wait3A_550, %dma_wait3A_553] : memref<50x128xi32, #tpu.memory_space<vmem>> -> memref<1x128xi32, #tpu.memory_space<vmem>>
    %dma_wait3A_555 = tpu.memref_squeeze %dma_wait3A_554 : memref<1x128xi32, #tpu.memory_space<vmem>> -> memref<128xi32, #tpu.memory_space<vmem>>
    %dma_wait3A_556 = arith.constant 0 : i32
    %dma_wait3A_557 = tpu.memref_slice %arg10[%dma_wait3A_556] : memref<524416xf32, #tpu.memory_space<vmem_shared>> -> memref<524416xf32, #tpu.memory_space<vmem_shared>>
    tpu.wait_indirect_dma semaphore(%arg11 : memref<!tpu.dma_semaphore, #tpu.memory_space<semaphore_mem>>) src(%dma_wait3A_552 : memref<128xf32, #tpu.memory_space<vmem>>) dst(%dma_wait3A_557 : memref<524416xf32, #tpu.memory_space<vmem_shared>>)
    %dma_wait3A_558 = arith.constant 12 : i32
    %dma_wait3A_559 = arith.constant 1536 : i32
    %dma_wait3A_560 = tpu.memref_slice %arg7[%dma_wait3A_559] : memref<6400xf32, #tpu.memory_space<vmem>> -> memref<128xf32, #tpu.memory_space<vmem>>
    %dma_wait3A_561 = arith.constant 0 : i32
    %dma_wait3A_562 = tpu.memref_slice %arg8[%dma_wait3A_558, %dma_wait3A_561] : memref<50x128xi32, #tpu.memory_space<vmem>> -> memref<1x128xi32, #tpu.memory_space<vmem>>
    %dma_wait3A_563 = tpu.memref_squeeze %dma_wait3A_562 : memref<1x128xi32, #tpu.memory_space<vmem>> -> memref<128xi32, #tpu.memory_space<vmem>>
    %dma_wait3A_564 = arith.constant 0 : i32
    %dma_wait3A_565 = tpu.memref_slice %arg10[%dma_wait3A_564] : memref<524416xf32, #tpu.memory_space<vmem_shared>> -> memref<524416xf32, #tpu.memory_space<vmem_shared>>
    tpu.wait_indirect_dma semaphore(%arg11 : memref<!tpu.dma_semaphore, #tpu.memory_space<semaphore_mem>>) src(%dma_wait3A_560 : memref<128xf32, #tpu.memory_space<vmem>>) dst(%dma_wait3A_565 : memref<524416xf32, #tpu.memory_space<vmem_shared>>)
    %dma_wait3A_566 = arith.constant 13 : i32
    %dma_wait3A_567 = arith.constant 1664 : i32
    %dma_wait3A_568 = tpu.memref_slice %arg7[%dma_wait3A_567] : memref<6400xf32, #tpu.memory_space<vmem>> -> memref<128xf32, #tpu.memory_space<vmem>>
    %dma_wait3A_569 = arith.constant 0 : i32
    %dma_wait3A_570 = tpu.memref_slice %arg8[%dma_wait3A_566, %dma_wait3A_569] : memref<50x128xi32, #tpu.memory_space<vmem>> -> memref<1x128xi32, #tpu.memory_space<vmem>>
    %dma_wait3A_571 = tpu.memref_squeeze %dma_wait3A_570 : memref<1x128xi32, #tpu.memory_space<vmem>> -> memref<128xi32, #tpu.memory_space<vmem>>
    %dma_wait3A_572 = arith.constant 0 : i32
    %dma_wait3A_573 = tpu.memref_slice %arg10[%dma_wait3A_572] : memref<524416xf32, #tpu.memory_space<vmem_shared>> -> memref<524416xf32, #tpu.memory_space<vmem_shared>>
    tpu.wait_indirect_dma semaphore(%arg11 : memref<!tpu.dma_semaphore, #tpu.memory_space<semaphore_mem>>) src(%dma_wait3A_568 : memref<128xf32, #tpu.memory_space<vmem>>) dst(%dma_wait3A_573 : memref<524416xf32, #tpu.memory_space<vmem_shared>>)
    %dma_wait3A_574 = arith.constant 14 : i32
    %dma_wait3A_575 = arith.constant 1792 : i32
    %dma_wait3A_576 = tpu.memref_slice %arg7[%dma_wait3A_575] : memref<6400xf32, #tpu.memory_space<vmem>> -> memref<128xf32, #tpu.memory_space<vmem>>
    %dma_wait3A_577 = arith.constant 0 : i32
    %dma_wait3A_578 = tpu.memref_slice %arg8[%dma_wait3A_574, %dma_wait3A_577] : memref<50x128xi32, #tpu.memory_space<vmem>> -> memref<1x128xi32, #tpu.memory_space<vmem>>
    %dma_wait3A_579 = tpu.memref_squeeze %dma_wait3A_578 : memref<1x128xi32, #tpu.memory_space<vmem>> -> memref<128xi32, #tpu.memory_space<vmem>>
    %dma_wait3A_580 = arith.constant 0 : i32
    %dma_wait3A_581 = tpu.memref_slice %arg10[%dma_wait3A_580] : memref<524416xf32, #tpu.memory_space<vmem_shared>> -> memref<524416xf32, #tpu.memory_space<vmem_shared>>
    tpu.wait_indirect_dma semaphore(%arg11 : memref<!tpu.dma_semaphore, #tpu.memory_space<semaphore_mem>>) src(%dma_wait3A_576 : memref<128xf32, #tpu.memory_space<vmem>>) dst(%dma_wait3A_581 : memref<524416xf32, #tpu.memory_space<vmem_shared>>)
    %dma_wait3A_582 = arith.constant 15 : i32
    %dma_wait3A_583 = arith.constant 1920 : i32
    %dma_wait3A_584 = tpu.memref_slice %arg7[%dma_wait3A_583] : memref<6400xf32, #tpu.memory_space<vmem>> -> memref<128xf32, #tpu.memory_space<vmem>>
    %dma_wait3A_585 = arith.constant 0 : i32
    %dma_wait3A_586 = tpu.memref_slice %arg8[%dma_wait3A_582, %dma_wait3A_585] : memref<50x128xi32, #tpu.memory_space<vmem>> -> memref<1x128xi32, #tpu.memory_space<vmem>>
    %dma_wait3A_587 = tpu.memref_squeeze %dma_wait3A_586 : memref<1x128xi32, #tpu.memory_space<vmem>> -> memref<128xi32, #tpu.memory_space<vmem>>
    %dma_wait3A_588 = arith.constant 0 : i32
    %dma_wait3A_589 = tpu.memref_slice %arg10[%dma_wait3A_588] : memref<524416xf32, #tpu.memory_space<vmem_shared>> -> memref<524416xf32, #tpu.memory_space<vmem_shared>>
    tpu.wait_indirect_dma semaphore(%arg11 : memref<!tpu.dma_semaphore, #tpu.memory_space<semaphore_mem>>) src(%dma_wait3A_584 : memref<128xf32, #tpu.memory_space<vmem>>) dst(%dma_wait3A_589 : memref<524416xf32, #tpu.memory_space<vmem_shared>>)
    %dma_wait3A_590 = arith.constant 16 : i32
    %dma_wait3A_591 = arith.constant 2048 : i32
    %dma_wait3A_592 = tpu.memref_slice %arg7[%dma_wait3A_591] : memref<6400xf32, #tpu.memory_space<vmem>> -> memref<128xf32, #tpu.memory_space<vmem>>
    %dma_wait3A_593 = arith.constant 0 : i32
    %dma_wait3A_594 = tpu.memref_slice %arg8[%dma_wait3A_590, %dma_wait3A_593] : memref<50x128xi32, #tpu.memory_space<vmem>> -> memref<1x128xi32, #tpu.memory_space<vmem>>
    %dma_wait3A_595 = tpu.memref_squeeze %dma_wait3A_594 : memref<1x128xi32, #tpu.memory_space<vmem>> -> memref<128xi32, #tpu.memory_space<vmem>>
    %dma_wait3A_596 = arith.constant 0 : i32
    %dma_wait3A_597 = tpu.memref_slice %arg10[%dma_wait3A_596] : memref<524416xf32, #tpu.memory_space<vmem_shared>> -> memref<524416xf32, #tpu.memory_space<vmem_shared>>
    tpu.wait_indirect_dma semaphore(%arg11 : memref<!tpu.dma_semaphore, #tpu.memory_space<semaphore_mem>>) src(%dma_wait3A_592 : memref<128xf32, #tpu.memory_space<vmem>>) dst(%dma_wait3A_597 : memref<524416xf32, #tpu.memory_space<vmem_shared>>)
    %dma_wait3A_598 = arith.constant 17 : i32
    %dma_wait3A_599 = arith.constant 2176 : i32
    %dma_wait3A_600 = tpu.memref_slice %arg7[%dma_wait3A_599] : memref<6400xf32, #tpu.memory_space<vmem>> -> memref<128xf32, #tpu.memory_space<vmem>>
    %dma_wait3A_601 = arith.constant 0 : i32
    %dma_wait3A_602 = tpu.memref_slice %arg8[%dma_wait3A_598, %dma_wait3A_601] : memref<50x128xi32, #tpu.memory_space<vmem>> -> memref<1x128xi32, #tpu.memory_space<vmem>>
    %dma_wait3A_603 = tpu.memref_squeeze %dma_wait3A_602 : memref<1x128xi32, #tpu.memory_space<vmem>> -> memref<128xi32, #tpu.memory_space<vmem>>
    %dma_wait3A_604 = arith.constant 0 : i32
    %dma_wait3A_605 = tpu.memref_slice %arg10[%dma_wait3A_604] : memref<524416xf32, #tpu.memory_space<vmem_shared>> -> memref<524416xf32, #tpu.memory_space<vmem_shared>>
    tpu.wait_indirect_dma semaphore(%arg11 : memref<!tpu.dma_semaphore, #tpu.memory_space<semaphore_mem>>) src(%dma_wait3A_600 : memref<128xf32, #tpu.memory_space<vmem>>) dst(%dma_wait3A_605 : memref<524416xf32, #tpu.memory_space<vmem_shared>>)
    %dma_wait3A_606 = arith.constant 18 : i32
    %dma_wait3A_607 = arith.constant 2304 : i32
    %dma_wait3A_608 = tpu.memref_slice %arg7[%dma_wait3A_607] : memref<6400xf32, #tpu.memory_space<vmem>> -> memref<128xf32, #tpu.memory_space<vmem>>
    %dma_wait3A_609 = arith.constant 0 : i32
    %dma_wait3A_610 = tpu.memref_slice %arg8[%dma_wait3A_606, %dma_wait3A_609] : memref<50x128xi32, #tpu.memory_space<vmem>> -> memref<1x128xi32, #tpu.memory_space<vmem>>
    %dma_wait3A_611 = tpu.memref_squeeze %dma_wait3A_610 : memref<1x128xi32, #tpu.memory_space<vmem>> -> memref<128xi32, #tpu.memory_space<vmem>>
    %dma_wait3A_612 = arith.constant 0 : i32
    %dma_wait3A_613 = tpu.memref_slice %arg10[%dma_wait3A_612] : memref<524416xf32, #tpu.memory_space<vmem_shared>> -> memref<524416xf32, #tpu.memory_space<vmem_shared>>
    tpu.wait_indirect_dma semaphore(%arg11 : memref<!tpu.dma_semaphore, #tpu.memory_space<semaphore_mem>>) src(%dma_wait3A_608 : memref<128xf32, #tpu.memory_space<vmem>>) dst(%dma_wait3A_613 : memref<524416xf32, #tpu.memory_space<vmem_shared>>)
    %dma_wait3A_614 = arith.constant 19 : i32
    %dma_wait3A_615 = arith.constant 2432 : i32
    %dma_wait3A_616 = tpu.memref_slice %arg7[%dma_wait3A_615] : memref<6400xf32, #tpu.memory_space<vmem>> -> memref<128xf32, #tpu.memory_space<vmem>>
    %dma_wait3A_617 = arith.constant 0 : i32
    %dma_wait3A_618 = tpu.memref_slice %arg8[%dma_wait3A_614, %dma_wait3A_617] : memref<50x128xi32, #tpu.memory_space<vmem>> -> memref<1x128xi32, #tpu.memory_space<vmem>>
    %dma_wait3A_619 = tpu.memref_squeeze %dma_wait3A_618 : memref<1x128xi32, #tpu.memory_space<vmem>> -> memref<128xi32, #tpu.memory_space<vmem>>
    %dma_wait3A_620 = arith.constant 0 : i32
    %dma_wait3A_621 = tpu.memref_slice %arg10[%dma_wait3A_620] : memref<524416xf32, #tpu.memory_space<vmem_shared>> -> memref<524416xf32, #tpu.memory_space<vmem_shared>>
    tpu.wait_indirect_dma semaphore(%arg11 : memref<!tpu.dma_semaphore, #tpu.memory_space<semaphore_mem>>) src(%dma_wait3A_616 : memref<128xf32, #tpu.memory_space<vmem>>) dst(%dma_wait3A_621 : memref<524416xf32, #tpu.memory_space<vmem_shared>>)
    %dma_wait3A_622 = arith.constant 20 : i32
    %dma_wait3A_623 = arith.constant 2560 : i32
    %dma_wait3A_624 = tpu.memref_slice %arg7[%dma_wait3A_623] : memref<6400xf32, #tpu.memory_space<vmem>> -> memref<128xf32, #tpu.memory_space<vmem>>
    %dma_wait3A_625 = arith.constant 0 : i32
    %dma_wait3A_626 = tpu.memref_slice %arg8[%dma_wait3A_622, %dma_wait3A_625] : memref<50x128xi32, #tpu.memory_space<vmem>> -> memref<1x128xi32, #tpu.memory_space<vmem>>
    %dma_wait3A_627 = tpu.memref_squeeze %dma_wait3A_626 : memref<1x128xi32, #tpu.memory_space<vmem>> -> memref<128xi32, #tpu.memory_space<vmem>>
    %dma_wait3A_628 = arith.constant 0 : i32
    %dma_wait3A_629 = tpu.memref_slice %arg10[%dma_wait3A_628] : memref<524416xf32, #tpu.memory_space<vmem_shared>> -> memref<524416xf32, #tpu.memory_space<vmem_shared>>
    tpu.wait_indirect_dma semaphore(%arg11 : memref<!tpu.dma_semaphore, #tpu.memory_space<semaphore_mem>>) src(%dma_wait3A_624 : memref<128xf32, #tpu.memory_space<vmem>>) dst(%dma_wait3A_629 : memref<524416xf32, #tpu.memory_space<vmem_shared>>)
    %dma_wait3A_630 = arith.constant 21 : i32
    %dma_wait3A_631 = arith.constant 2688 : i32
    %dma_wait3A_632 = tpu.memref_slice %arg7[%dma_wait3A_631] : memref<6400xf32, #tpu.memory_space<vmem>> -> memref<128xf32, #tpu.memory_space<vmem>>
    %dma_wait3A_633 = arith.constant 0 : i32
    %dma_wait3A_634 = tpu.memref_slice %arg8[%dma_wait3A_630, %dma_wait3A_633] : memref<50x128xi32, #tpu.memory_space<vmem>> -> memref<1x128xi32, #tpu.memory_space<vmem>>
    %dma_wait3A_635 = tpu.memref_squeeze %dma_wait3A_634 : memref<1x128xi32, #tpu.memory_space<vmem>> -> memref<128xi32, #tpu.memory_space<vmem>>
    %dma_wait3A_636 = arith.constant 0 : i32
    %dma_wait3A_637 = tpu.memref_slice %arg10[%dma_wait3A_636] : memref<524416xf32, #tpu.memory_space<vmem_shared>> -> memref<524416xf32, #tpu.memory_space<vmem_shared>>
    tpu.wait_indirect_dma semaphore(%arg11 : memref<!tpu.dma_semaphore, #tpu.memory_space<semaphore_mem>>) src(%dma_wait3A_632 : memref<128xf32, #tpu.memory_space<vmem>>) dst(%dma_wait3A_637 : memref<524416xf32, #tpu.memory_space<vmem_shared>>)
    %dma_wait3A_638 = arith.constant 22 : i32
    %dma_wait3A_639 = arith.constant 2816 : i32
    %dma_wait3A_640 = tpu.memref_slice %arg7[%dma_wait3A_639] : memref<6400xf32, #tpu.memory_space<vmem>> -> memref<128xf32, #tpu.memory_space<vmem>>
    %dma_wait3A_641 = arith.constant 0 : i32
    %dma_wait3A_642 = tpu.memref_slice %arg8[%dma_wait3A_638, %dma_wait3A_641] : memref<50x128xi32, #tpu.memory_space<vmem>> -> memref<1x128xi32, #tpu.memory_space<vmem>>
    %dma_wait3A_643 = tpu.memref_squeeze %dma_wait3A_642 : memref<1x128xi32, #tpu.memory_space<vmem>> -> memref<128xi32, #tpu.memory_space<vmem>>
    %dma_wait3A_644 = arith.constant 0 : i32
    %dma_wait3A_645 = tpu.memref_slice %arg10[%dma_wait3A_644] : memref<524416xf32, #tpu.memory_space<vmem_shared>> -> memref<524416xf32, #tpu.memory_space<vmem_shared>>
    tpu.wait_indirect_dma semaphore(%arg11 : memref<!tpu.dma_semaphore, #tpu.memory_space<semaphore_mem>>) src(%dma_wait3A_640 : memref<128xf32, #tpu.memory_space<vmem>>) dst(%dma_wait3A_645 : memref<524416xf32, #tpu.memory_space<vmem_shared>>)
    %dma_wait3A_646 = arith.constant 23 : i32
    %dma_wait3A_647 = arith.constant 2944 : i32
    %dma_wait3A_648 = tpu.memref_slice %arg7[%dma_wait3A_647] : memref<6400xf32, #tpu.memory_space<vmem>> -> memref<128xf32, #tpu.memory_space<vmem>>
    %dma_wait3A_649 = arith.constant 0 : i32
    %dma_wait3A_650 = tpu.memref_slice %arg8[%dma_wait3A_646, %dma_wait3A_649] : memref<50x128xi32, #tpu.memory_space<vmem>> -> memref<1x128xi32, #tpu.memory_space<vmem>>
    %dma_wait3A_651 = tpu.memref_squeeze %dma_wait3A_650 : memref<1x128xi32, #tpu.memory_space<vmem>> -> memref<128xi32, #tpu.memory_space<vmem>>
    %dma_wait3A_652 = arith.constant 0 : i32
    %dma_wait3A_653 = tpu.memref_slice %arg10[%dma_wait3A_652] : memref<524416xf32, #tpu.memory_space<vmem_shared>> -> memref<524416xf32, #tpu.memory_space<vmem_shared>>
    tpu.wait_indirect_dma semaphore(%arg11 : memref<!tpu.dma_semaphore, #tpu.memory_space<semaphore_mem>>) src(%dma_wait3A_648 : memref<128xf32, #tpu.memory_space<vmem>>) dst(%dma_wait3A_653 : memref<524416xf32, #tpu.memory_space<vmem_shared>>)
    %dma_wait3A_654 = arith.constant 24 : i32
    %dma_wait3A_655 = arith.constant 3072 : i32
    %dma_wait3A_656 = tpu.memref_slice %arg7[%dma_wait3A_655] : memref<6400xf32, #tpu.memory_space<vmem>> -> memref<128xf32, #tpu.memory_space<vmem>>
    %dma_wait3A_657 = arith.constant 0 : i32
    %dma_wait3A_658 = tpu.memref_slice %arg8[%dma_wait3A_654, %dma_wait3A_657] : memref<50x128xi32, #tpu.memory_space<vmem>> -> memref<1x128xi32, #tpu.memory_space<vmem>>
    %dma_wait3A_659 = tpu.memref_squeeze %dma_wait3A_658 : memref<1x128xi32, #tpu.memory_space<vmem>> -> memref<128xi32, #tpu.memory_space<vmem>>
    %dma_wait3A_660 = arith.constant 0 : i32
    %dma_wait3A_661 = tpu.memref_slice %arg10[%dma_wait3A_660] : memref<524416xf32, #tpu.memory_space<vmem_shared>> -> memref<524416xf32, #tpu.memory_space<vmem_shared>>
    tpu.wait_indirect_dma semaphore(%arg11 : memref<!tpu.dma_semaphore, #tpu.memory_space<semaphore_mem>>) src(%dma_wait3A_656 : memref<128xf32, #tpu.memory_space<vmem>>) dst(%dma_wait3A_661 : memref<524416xf32, #tpu.memory_space<vmem_shared>>)
    %dma_wait3A_662 = arith.constant 25 : i32
    %dma_wait3A_663 = arith.constant 3200 : i32
    %dma_wait3A_664 = tpu.memref_slice %arg7[%dma_wait3A_663] : memref<6400xf32, #tpu.memory_space<vmem>> -> memref<128xf32, #tpu.memory_space<vmem>>
    %dma_wait3A_665 = arith.constant 0 : i32
    %dma_wait3A_666 = tpu.memref_slice %arg8[%dma_wait3A_662, %dma_wait3A_665] : memref<50x128xi32, #tpu.memory_space<vmem>> -> memref<1x128xi32, #tpu.memory_space<vmem>>
    %dma_wait3A_667 = tpu.memref_squeeze %dma_wait3A_666 : memref<1x128xi32, #tpu.memory_space<vmem>> -> memref<128xi32, #tpu.memory_space<vmem>>
    %dma_wait3A_668 = arith.constant 0 : i32
    %dma_wait3A_669 = tpu.memref_slice %arg10[%dma_wait3A_668] : memref<524416xf32, #tpu.memory_space<vmem_shared>> -> memref<524416xf32, #tpu.memory_space<vmem_shared>>
    tpu.wait_indirect_dma semaphore(%arg11 : memref<!tpu.dma_semaphore, #tpu.memory_space<semaphore_mem>>) src(%dma_wait3A_664 : memref<128xf32, #tpu.memory_space<vmem>>) dst(%dma_wait3A_669 : memref<524416xf32, #tpu.memory_space<vmem_shared>>)
    %dma_wait3A_670 = arith.constant 26 : i32
    %dma_wait3A_671 = arith.constant 3328 : i32
    %dma_wait3A_672 = tpu.memref_slice %arg7[%dma_wait3A_671] : memref<6400xf32, #tpu.memory_space<vmem>> -> memref<128xf32, #tpu.memory_space<vmem>>
    %dma_wait3A_673 = arith.constant 0 : i32
    %dma_wait3A_674 = tpu.memref_slice %arg8[%dma_wait3A_670, %dma_wait3A_673] : memref<50x128xi32, #tpu.memory_space<vmem>> -> memref<1x128xi32, #tpu.memory_space<vmem>>
    %dma_wait3A_675 = tpu.memref_squeeze %dma_wait3A_674 : memref<1x128xi32, #tpu.memory_space<vmem>> -> memref<128xi32, #tpu.memory_space<vmem>>
    %dma_wait3A_676 = arith.constant 0 : i32
    %dma_wait3A_677 = tpu.memref_slice %arg10[%dma_wait3A_676] : memref<524416xf32, #tpu.memory_space<vmem_shared>> -> memref<524416xf32, #tpu.memory_space<vmem_shared>>
    tpu.wait_indirect_dma semaphore(%arg11 : memref<!tpu.dma_semaphore, #tpu.memory_space<semaphore_mem>>) src(%dma_wait3A_672 : memref<128xf32, #tpu.memory_space<vmem>>) dst(%dma_wait3A_677 : memref<524416xf32, #tpu.memory_space<vmem_shared>>)
    %dma_wait3A_678 = arith.constant 27 : i32
    %dma_wait3A_679 = arith.constant 3456 : i32
    %dma_wait3A_680 = tpu.memref_slice %arg7[%dma_wait3A_679] : memref<6400xf32, #tpu.memory_space<vmem>> -> memref<128xf32, #tpu.memory_space<vmem>>
    %dma_wait3A_681 = arith.constant 0 : i32
    %dma_wait3A_682 = tpu.memref_slice %arg8[%dma_wait3A_678, %dma_wait3A_681] : memref<50x128xi32, #tpu.memory_space<vmem>> -> memref<1x128xi32, #tpu.memory_space<vmem>>
    %dma_wait3A_683 = tpu.memref_squeeze %dma_wait3A_682 : memref<1x128xi32, #tpu.memory_space<vmem>> -> memref<128xi32, #tpu.memory_space<vmem>>
    %dma_wait3A_684 = arith.constant 0 : i32
    %dma_wait3A_685 = tpu.memref_slice %arg10[%dma_wait3A_684] : memref<524416xf32, #tpu.memory_space<vmem_shared>> -> memref<524416xf32, #tpu.memory_space<vmem_shared>>
    tpu.wait_indirect_dma semaphore(%arg11 : memref<!tpu.dma_semaphore, #tpu.memory_space<semaphore_mem>>) src(%dma_wait3A_680 : memref<128xf32, #tpu.memory_space<vmem>>) dst(%dma_wait3A_685 : memref<524416xf32, #tpu.memory_space<vmem_shared>>)
    %dma_wait3A_686 = arith.constant 28 : i32
    %dma_wait3A_687 = arith.constant 3584 : i32
    %dma_wait3A_688 = tpu.memref_slice %arg7[%dma_wait3A_687] : memref<6400xf32, #tpu.memory_space<vmem>> -> memref<128xf32, #tpu.memory_space<vmem>>
    %dma_wait3A_689 = arith.constant 0 : i32
    %dma_wait3A_690 = tpu.memref_slice %arg8[%dma_wait3A_686, %dma_wait3A_689] : memref<50x128xi32, #tpu.memory_space<vmem>> -> memref<1x128xi32, #tpu.memory_space<vmem>>
    %dma_wait3A_691 = tpu.memref_squeeze %dma_wait3A_690 : memref<1x128xi32, #tpu.memory_space<vmem>> -> memref<128xi32, #tpu.memory_space<vmem>>
    %dma_wait3A_692 = arith.constant 0 : i32
    %dma_wait3A_693 = tpu.memref_slice %arg10[%dma_wait3A_692] : memref<524416xf32, #tpu.memory_space<vmem_shared>> -> memref<524416xf32, #tpu.memory_space<vmem_shared>>
    tpu.wait_indirect_dma semaphore(%arg11 : memref<!tpu.dma_semaphore, #tpu.memory_space<semaphore_mem>>) src(%dma_wait3A_688 : memref<128xf32, #tpu.memory_space<vmem>>) dst(%dma_wait3A_693 : memref<524416xf32, #tpu.memory_space<vmem_shared>>)
    %dma_wait3A_694 = arith.constant 29 : i32
    %dma_wait3A_695 = arith.constant 3712 : i32
    %dma_wait3A_696 = tpu.memref_slice %arg7[%dma_wait3A_695] : memref<6400xf32, #tpu.memory_space<vmem>> -> memref<128xf32, #tpu.memory_space<vmem>>
    %dma_wait3A_697 = arith.constant 0 : i32
    %dma_wait3A_698 = tpu.memref_slice %arg8[%dma_wait3A_694, %dma_wait3A_697] : memref<50x128xi32, #tpu.memory_space<vmem>> -> memref<1x128xi32, #tpu.memory_space<vmem>>
    %dma_wait3A_699 = tpu.memref_squeeze %dma_wait3A_698 : memref<1x128xi32, #tpu.memory_space<vmem>> -> memref<128xi32, #tpu.memory_space<vmem>>
    %dma_wait3A_700 = arith.constant 0 : i32
    %dma_wait3A_701 = tpu.memref_slice %arg10[%dma_wait3A_700] : memref<524416xf32, #tpu.memory_space<vmem_shared>> -> memref<524416xf32, #tpu.memory_space<vmem_shared>>
    tpu.wait_indirect_dma semaphore(%arg11 : memref<!tpu.dma_semaphore, #tpu.memory_space<semaphore_mem>>) src(%dma_wait3A_696 : memref<128xf32, #tpu.memory_space<vmem>>) dst(%dma_wait3A_701 : memref<524416xf32, #tpu.memory_space<vmem_shared>>)
    %dma_wait3A_702 = arith.constant 30 : i32
    %dma_wait3A_703 = arith.constant 3840 : i32
    %dma_wait3A_704 = tpu.memref_slice %arg7[%dma_wait3A_703] : memref<6400xf32, #tpu.memory_space<vmem>> -> memref<128xf32, #tpu.memory_space<vmem>>
    %dma_wait3A_705 = arith.constant 0 : i32
    %dma_wait3A_706 = tpu.memref_slice %arg8[%dma_wait3A_702, %dma_wait3A_705] : memref<50x128xi32, #tpu.memory_space<vmem>> -> memref<1x128xi32, #tpu.memory_space<vmem>>
    %dma_wait3A_707 = tpu.memref_squeeze %dma_wait3A_706 : memref<1x128xi32, #tpu.memory_space<vmem>> -> memref<128xi32, #tpu.memory_space<vmem>>
    %dma_wait3A_708 = arith.constant 0 : i32
    %dma_wait3A_709 = tpu.memref_slice %arg10[%dma_wait3A_708] : memref<524416xf32, #tpu.memory_space<vmem_shared>> -> memref<524416xf32, #tpu.memory_space<vmem_shared>>
    tpu.wait_indirect_dma semaphore(%arg11 : memref<!tpu.dma_semaphore, #tpu.memory_space<semaphore_mem>>) src(%dma_wait3A_704 : memref<128xf32, #tpu.memory_space<vmem>>) dst(%dma_wait3A_709 : memref<524416xf32, #tpu.memory_space<vmem_shared>>)
    %dma_wait3A_710 = arith.constant 31 : i32
    %dma_wait3A_711 = arith.constant 3968 : i32
    %dma_wait3A_712 = tpu.memref_slice %arg7[%dma_wait3A_711] : memref<6400xf32, #tpu.memory_space<vmem>> -> memref<128xf32, #tpu.memory_space<vmem>>
    %dma_wait3A_713 = arith.constant 0 : i32
    %dma_wait3A_714 = tpu.memref_slice %arg8[%dma_wait3A_710, %dma_wait3A_713] : memref<50x128xi32, #tpu.memory_space<vmem>> -> memref<1x128xi32, #tpu.memory_space<vmem>>
    %dma_wait3A_715 = tpu.memref_squeeze %dma_wait3A_714 : memref<1x128xi32, #tpu.memory_space<vmem>> -> memref<128xi32, #tpu.memory_space<vmem>>
    %dma_wait3A_716 = arith.constant 0 : i32
    %dma_wait3A_717 = tpu.memref_slice %arg10[%dma_wait3A_716] : memref<524416xf32, #tpu.memory_space<vmem_shared>> -> memref<524416xf32, #tpu.memory_space<vmem_shared>>
    tpu.wait_indirect_dma semaphore(%arg11 : memref<!tpu.dma_semaphore, #tpu.memory_space<semaphore_mem>>) src(%dma_wait3A_712 : memref<128xf32, #tpu.memory_space<vmem>>) dst(%dma_wait3A_717 : memref<524416xf32, #tpu.memory_space<vmem_shared>>)
    %dma_wait3A_718 = arith.constant 32 : i32
    %dma_wait3A_719 = arith.constant 4096 : i32
    %dma_wait3A_720 = tpu.memref_slice %arg7[%dma_wait3A_719] : memref<6400xf32, #tpu.memory_space<vmem>> -> memref<128xf32, #tpu.memory_space<vmem>>
    %dma_wait3A_721 = arith.constant 0 : i32
    %dma_wait3A_722 = tpu.memref_slice %arg8[%dma_wait3A_718, %dma_wait3A_721] : memref<50x128xi32, #tpu.memory_space<vmem>> -> memref<1x128xi32, #tpu.memory_space<vmem>>
    %dma_wait3A_723 = tpu.memref_squeeze %dma_wait3A_722 : memref<1x128xi32, #tpu.memory_space<vmem>> -> memref<128xi32, #tpu.memory_space<vmem>>
    %dma_wait3A_724 = arith.constant 0 : i32
    %dma_wait3A_725 = tpu.memref_slice %arg10[%dma_wait3A_724] : memref<524416xf32, #tpu.memory_space<vmem_shared>> -> memref<524416xf32, #tpu.memory_space<vmem_shared>>
    tpu.wait_indirect_dma semaphore(%arg11 : memref<!tpu.dma_semaphore, #tpu.memory_space<semaphore_mem>>) src(%dma_wait3A_720 : memref<128xf32, #tpu.memory_space<vmem>>) dst(%dma_wait3A_725 : memref<524416xf32, #tpu.memory_space<vmem_shared>>)
    %dma_wait3A_726 = arith.constant 33 : i32
    %dma_wait3A_727 = arith.constant 4224 : i32
    %dma_wait3A_728 = tpu.memref_slice %arg7[%dma_wait3A_727] : memref<6400xf32, #tpu.memory_space<vmem>> -> memref<128xf32, #tpu.memory_space<vmem>>
    %dma_wait3A_729 = arith.constant 0 : i32
    %dma_wait3A_730 = tpu.memref_slice %arg8[%dma_wait3A_726, %dma_wait3A_729] : memref<50x128xi32, #tpu.memory_space<vmem>> -> memref<1x128xi32, #tpu.memory_space<vmem>>
    %dma_wait3A_731 = tpu.memref_squeeze %dma_wait3A_730 : memref<1x128xi32, #tpu.memory_space<vmem>> -> memref<128xi32, #tpu.memory_space<vmem>>
    %dma_wait3A_732 = arith.constant 0 : i32
    %dma_wait3A_733 = tpu.memref_slice %arg10[%dma_wait3A_732] : memref<524416xf32, #tpu.memory_space<vmem_shared>> -> memref<524416xf32, #tpu.memory_space<vmem_shared>>
    tpu.wait_indirect_dma semaphore(%arg11 : memref<!tpu.dma_semaphore, #tpu.memory_space<semaphore_mem>>) src(%dma_wait3A_728 : memref<128xf32, #tpu.memory_space<vmem>>) dst(%dma_wait3A_733 : memref<524416xf32, #tpu.memory_space<vmem_shared>>)
    %dma_wait3A_734 = arith.constant 34 : i32
    %dma_wait3A_735 = arith.constant 4352 : i32
    %dma_wait3A_736 = tpu.memref_slice %arg7[%dma_wait3A_735] : memref<6400xf32, #tpu.memory_space<vmem>> -> memref<128xf32, #tpu.memory_space<vmem>>
    %dma_wait3A_737 = arith.constant 0 : i32
    %dma_wait3A_738 = tpu.memref_slice %arg8[%dma_wait3A_734, %dma_wait3A_737] : memref<50x128xi32, #tpu.memory_space<vmem>> -> memref<1x128xi32, #tpu.memory_space<vmem>>
    %dma_wait3A_739 = tpu.memref_squeeze %dma_wait3A_738 : memref<1x128xi32, #tpu.memory_space<vmem>> -> memref<128xi32, #tpu.memory_space<vmem>>
    %dma_wait3A_740 = arith.constant 0 : i32
    %dma_wait3A_741 = tpu.memref_slice %arg10[%dma_wait3A_740] : memref<524416xf32, #tpu.memory_space<vmem_shared>> -> memref<524416xf32, #tpu.memory_space<vmem_shared>>
    tpu.wait_indirect_dma semaphore(%arg11 : memref<!tpu.dma_semaphore, #tpu.memory_space<semaphore_mem>>) src(%dma_wait3A_736 : memref<128xf32, #tpu.memory_space<vmem>>) dst(%dma_wait3A_741 : memref<524416xf32, #tpu.memory_space<vmem_shared>>)
    %dma_wait3A_742 = arith.constant 35 : i32
    %dma_wait3A_743 = arith.constant 4480 : i32
    %dma_wait3A_744 = tpu.memref_slice %arg7[%dma_wait3A_743] : memref<6400xf32, #tpu.memory_space<vmem>> -> memref<128xf32, #tpu.memory_space<vmem>>
    %dma_wait3A_745 = arith.constant 0 : i32
    %dma_wait3A_746 = tpu.memref_slice %arg8[%dma_wait3A_742, %dma_wait3A_745] : memref<50x128xi32, #tpu.memory_space<vmem>> -> memref<1x128xi32, #tpu.memory_space<vmem>>
    %dma_wait3A_747 = tpu.memref_squeeze %dma_wait3A_746 : memref<1x128xi32, #tpu.memory_space<vmem>> -> memref<128xi32, #tpu.memory_space<vmem>>
    %dma_wait3A_748 = arith.constant 0 : i32
    %dma_wait3A_749 = tpu.memref_slice %arg10[%dma_wait3A_748] : memref<524416xf32, #tpu.memory_space<vmem_shared>> -> memref<524416xf32, #tpu.memory_space<vmem_shared>>
    tpu.wait_indirect_dma semaphore(%arg11 : memref<!tpu.dma_semaphore, #tpu.memory_space<semaphore_mem>>) src(%dma_wait3A_744 : memref<128xf32, #tpu.memory_space<vmem>>) dst(%dma_wait3A_749 : memref<524416xf32, #tpu.memory_space<vmem_shared>>)
    %dma_wait3A_750 = arith.constant 36 : i32
    %dma_wait3A_751 = arith.constant 4608 : i32
    %dma_wait3A_752 = tpu.memref_slice %arg7[%dma_wait3A_751] : memref<6400xf32, #tpu.memory_space<vmem>> -> memref<128xf32, #tpu.memory_space<vmem>>
    %dma_wait3A_753 = arith.constant 0 : i32
    %dma_wait3A_754 = tpu.memref_slice %arg8[%dma_wait3A_750, %dma_wait3A_753] : memref<50x128xi32, #tpu.memory_space<vmem>> -> memref<1x128xi32, #tpu.memory_space<vmem>>
    %dma_wait3A_755 = tpu.memref_squeeze %dma_wait3A_754 : memref<1x128xi32, #tpu.memory_space<vmem>> -> memref<128xi32, #tpu.memory_space<vmem>>
    %dma_wait3A_756 = arith.constant 0 : i32
    %dma_wait3A_757 = tpu.memref_slice %arg10[%dma_wait3A_756] : memref<524416xf32, #tpu.memory_space<vmem_shared>> -> memref<524416xf32, #tpu.memory_space<vmem_shared>>
    tpu.wait_indirect_dma semaphore(%arg11 : memref<!tpu.dma_semaphore, #tpu.memory_space<semaphore_mem>>) src(%dma_wait3A_752 : memref<128xf32, #tpu.memory_space<vmem>>) dst(%dma_wait3A_757 : memref<524416xf32, #tpu.memory_space<vmem_shared>>)
    %dma_wait3A_758 = arith.constant 37 : i32
    %dma_wait3A_759 = arith.constant 4736 : i32
    %dma_wait3A_760 = tpu.memref_slice %arg7[%dma_wait3A_759] : memref<6400xf32, #tpu.memory_space<vmem>> -> memref<128xf32, #tpu.memory_space<vmem>>
    %dma_wait3A_761 = arith.constant 0 : i32
    %dma_wait3A_762 = tpu.memref_slice %arg8[%dma_wait3A_758, %dma_wait3A_761] : memref<50x128xi32, #tpu.memory_space<vmem>> -> memref<1x128xi32, #tpu.memory_space<vmem>>
    %dma_wait3A_763 = tpu.memref_squeeze %dma_wait3A_762 : memref<1x128xi32, #tpu.memory_space<vmem>> -> memref<128xi32, #tpu.memory_space<vmem>>
    %dma_wait3A_764 = arith.constant 0 : i32
    %dma_wait3A_765 = tpu.memref_slice %arg10[%dma_wait3A_764] : memref<524416xf32, #tpu.memory_space<vmem_shared>> -> memref<524416xf32, #tpu.memory_space<vmem_shared>>
    tpu.wait_indirect_dma semaphore(%arg11 : memref<!tpu.dma_semaphore, #tpu.memory_space<semaphore_mem>>) src(%dma_wait3A_760 : memref<128xf32, #tpu.memory_space<vmem>>) dst(%dma_wait3A_765 : memref<524416xf32, #tpu.memory_space<vmem_shared>>)
    %dma_wait3A_766 = arith.constant 38 : i32
    %dma_wait3A_767 = arith.constant 4864 : i32
    %dma_wait3A_768 = tpu.memref_slice %arg7[%dma_wait3A_767] : memref<6400xf32, #tpu.memory_space<vmem>> -> memref<128xf32, #tpu.memory_space<vmem>>
    %dma_wait3A_769 = arith.constant 0 : i32
    %dma_wait3A_770 = tpu.memref_slice %arg8[%dma_wait3A_766, %dma_wait3A_769] : memref<50x128xi32, #tpu.memory_space<vmem>> -> memref<1x128xi32, #tpu.memory_space<vmem>>
    %dma_wait3A_771 = tpu.memref_squeeze %dma_wait3A_770 : memref<1x128xi32, #tpu.memory_space<vmem>> -> memref<128xi32, #tpu.memory_space<vmem>>
    %dma_wait3A_772 = arith.constant 0 : i32
    %dma_wait3A_773 = tpu.memref_slice %arg10[%dma_wait3A_772] : memref<524416xf32, #tpu.memory_space<vmem_shared>> -> memref<524416xf32, #tpu.memory_space<vmem_shared>>
    tpu.wait_indirect_dma semaphore(%arg11 : memref<!tpu.dma_semaphore, #tpu.memory_space<semaphore_mem>>) src(%dma_wait3A_768 : memref<128xf32, #tpu.memory_space<vmem>>) dst(%dma_wait3A_773 : memref<524416xf32, #tpu.memory_space<vmem_shared>>)
    %dma_wait3A_774 = arith.constant 39 : i32
    %dma_wait3A_775 = arith.constant 4992 : i32
    %dma_wait3A_776 = tpu.memref_slice %arg7[%dma_wait3A_775] : memref<6400xf32, #tpu.memory_space<vmem>> -> memref<128xf32, #tpu.memory_space<vmem>>
    %dma_wait3A_777 = arith.constant 0 : i32
    %dma_wait3A_778 = tpu.memref_slice %arg8[%dma_wait3A_774, %dma_wait3A_777] : memref<50x128xi32, #tpu.memory_space<vmem>> -> memref<1x128xi32, #tpu.memory_space<vmem>>
    %dma_wait3A_779 = tpu.memref_squeeze %dma_wait3A_778 : memref<1x128xi32, #tpu.memory_space<vmem>> -> memref<128xi32, #tpu.memory_space<vmem>>
    %dma_wait3A_780 = arith.constant 0 : i32
    %dma_wait3A_781 = tpu.memref_slice %arg10[%dma_wait3A_780] : memref<524416xf32, #tpu.memory_space<vmem_shared>> -> memref<524416xf32, #tpu.memory_space<vmem_shared>>
    tpu.wait_indirect_dma semaphore(%arg11 : memref<!tpu.dma_semaphore, #tpu.memory_space<semaphore_mem>>) src(%dma_wait3A_776 : memref<128xf32, #tpu.memory_space<vmem>>) dst(%dma_wait3A_781 : memref<524416xf32, #tpu.memory_space<vmem_shared>>)
    %dma_wait3A_782 = arith.constant 40 : i32
    %dma_wait3A_783 = arith.constant 5120 : i32
    %dma_wait3A_784 = tpu.memref_slice %arg7[%dma_wait3A_783] : memref<6400xf32, #tpu.memory_space<vmem>> -> memref<128xf32, #tpu.memory_space<vmem>>
    %dma_wait3A_785 = arith.constant 0 : i32
    %dma_wait3A_786 = tpu.memref_slice %arg8[%dma_wait3A_782, %dma_wait3A_785] : memref<50x128xi32, #tpu.memory_space<vmem>> -> memref<1x128xi32, #tpu.memory_space<vmem>>
    %dma_wait3A_787 = tpu.memref_squeeze %dma_wait3A_786 : memref<1x128xi32, #tpu.memory_space<vmem>> -> memref<128xi32, #tpu.memory_space<vmem>>
    %dma_wait3A_788 = arith.constant 0 : i32
    %dma_wait3A_789 = tpu.memref_slice %arg10[%dma_wait3A_788] : memref<524416xf32, #tpu.memory_space<vmem_shared>> -> memref<524416xf32, #tpu.memory_space<vmem_shared>>
    tpu.wait_indirect_dma semaphore(%arg11 : memref<!tpu.dma_semaphore, #tpu.memory_space<semaphore_mem>>) src(%dma_wait3A_784 : memref<128xf32, #tpu.memory_space<vmem>>) dst(%dma_wait3A_789 : memref<524416xf32, #tpu.memory_space<vmem_shared>>)
    %dma_wait3A_790 = arith.constant 41 : i32
    %dma_wait3A_791 = arith.constant 5248 : i32
    %dma_wait3A_792 = tpu.memref_slice %arg7[%dma_wait3A_791] : memref<6400xf32, #tpu.memory_space<vmem>> -> memref<128xf32, #tpu.memory_space<vmem>>
    %dma_wait3A_793 = arith.constant 0 : i32
    %dma_wait3A_794 = tpu.memref_slice %arg8[%dma_wait3A_790, %dma_wait3A_793] : memref<50x128xi32, #tpu.memory_space<vmem>> -> memref<1x128xi32, #tpu.memory_space<vmem>>
    %dma_wait3A_795 = tpu.memref_squeeze %dma_wait3A_794 : memref<1x128xi32, #tpu.memory_space<vmem>> -> memref<128xi32, #tpu.memory_space<vmem>>
    %dma_wait3A_796 = arith.constant 0 : i32
    %dma_wait3A_797 = tpu.memref_slice %arg10[%dma_wait3A_796] : memref<524416xf32, #tpu.memory_space<vmem_shared>> -> memref<524416xf32, #tpu.memory_space<vmem_shared>>
    tpu.wait_indirect_dma semaphore(%arg11 : memref<!tpu.dma_semaphore, #tpu.memory_space<semaphore_mem>>) src(%dma_wait3A_792 : memref<128xf32, #tpu.memory_space<vmem>>) dst(%dma_wait3A_797 : memref<524416xf32, #tpu.memory_space<vmem_shared>>)
    %dma_wait3A_798 = arith.constant 42 : i32
    %dma_wait3A_799 = arith.constant 5376 : i32
    %dma_wait3A_800 = tpu.memref_slice %arg7[%dma_wait3A_799] : memref<6400xf32, #tpu.memory_space<vmem>> -> memref<128xf32, #tpu.memory_space<vmem>>
    %dma_wait3A_801 = arith.constant 0 : i32
    %dma_wait3A_802 = tpu.memref_slice %arg8[%dma_wait3A_798, %dma_wait3A_801] : memref<50x128xi32, #tpu.memory_space<vmem>> -> memref<1x128xi32, #tpu.memory_space<vmem>>
    %dma_wait3A_803 = tpu.memref_squeeze %dma_wait3A_802 : memref<1x128xi32, #tpu.memory_space<vmem>> -> memref<128xi32, #tpu.memory_space<vmem>>
    %dma_wait3A_804 = arith.constant 0 : i32
    %dma_wait3A_805 = tpu.memref_slice %arg10[%dma_wait3A_804] : memref<524416xf32, #tpu.memory_space<vmem_shared>> -> memref<524416xf32, #tpu.memory_space<vmem_shared>>
    tpu.wait_indirect_dma semaphore(%arg11 : memref<!tpu.dma_semaphore, #tpu.memory_space<semaphore_mem>>) src(%dma_wait3A_800 : memref<128xf32, #tpu.memory_space<vmem>>) dst(%dma_wait3A_805 : memref<524416xf32, #tpu.memory_space<vmem_shared>>)
    %dma_wait3A_806 = arith.constant 43 : i32
    %dma_wait3A_807 = arith.constant 5504 : i32
    %dma_wait3A_808 = tpu.memref_slice %arg7[%dma_wait3A_807] : memref<6400xf32, #tpu.memory_space<vmem>> -> memref<128xf32, #tpu.memory_space<vmem>>
    %dma_wait3A_809 = arith.constant 0 : i32
    %dma_wait3A_810 = tpu.memref_slice %arg8[%dma_wait3A_806, %dma_wait3A_809] : memref<50x128xi32, #tpu.memory_space<vmem>> -> memref<1x128xi32, #tpu.memory_space<vmem>>
    %dma_wait3A_811 = tpu.memref_squeeze %dma_wait3A_810 : memref<1x128xi32, #tpu.memory_space<vmem>> -> memref<128xi32, #tpu.memory_space<vmem>>
    %dma_wait3A_812 = arith.constant 0 : i32
    %dma_wait3A_813 = tpu.memref_slice %arg10[%dma_wait3A_812] : memref<524416xf32, #tpu.memory_space<vmem_shared>> -> memref<524416xf32, #tpu.memory_space<vmem_shared>>
    tpu.wait_indirect_dma semaphore(%arg11 : memref<!tpu.dma_semaphore, #tpu.memory_space<semaphore_mem>>) src(%dma_wait3A_808 : memref<128xf32, #tpu.memory_space<vmem>>) dst(%dma_wait3A_813 : memref<524416xf32, #tpu.memory_space<vmem_shared>>)
    %dma_wait3A_814 = arith.constant 44 : i32
    %dma_wait3A_815 = arith.constant 5632 : i32
    %dma_wait3A_816 = tpu.memref_slice %arg7[%dma_wait3A_815] : memref<6400xf32, #tpu.memory_space<vmem>> -> memref<128xf32, #tpu.memory_space<vmem>>
    %dma_wait3A_817 = arith.constant 0 : i32
    %dma_wait3A_818 = tpu.memref_slice %arg8[%dma_wait3A_814, %dma_wait3A_817] : memref<50x128xi32, #tpu.memory_space<vmem>> -> memref<1x128xi32, #tpu.memory_space<vmem>>
    %dma_wait3A_819 = tpu.memref_squeeze %dma_wait3A_818 : memref<1x128xi32, #tpu.memory_space<vmem>> -> memref<128xi32, #tpu.memory_space<vmem>>
    %dma_wait3A_820 = arith.constant 0 : i32
    %dma_wait3A_821 = tpu.memref_slice %arg10[%dma_wait3A_820] : memref<524416xf32, #tpu.memory_space<vmem_shared>> -> memref<524416xf32, #tpu.memory_space<vmem_shared>>
    tpu.wait_indirect_dma semaphore(%arg11 : memref<!tpu.dma_semaphore, #tpu.memory_space<semaphore_mem>>) src(%dma_wait3A_816 : memref<128xf32, #tpu.memory_space<vmem>>) dst(%dma_wait3A_821 : memref<524416xf32, #tpu.memory_space<vmem_shared>>)
    %dma_wait3A_822 = arith.constant 45 : i32
    %dma_wait3A_823 = arith.constant 5760 : i32
    %dma_wait3A_824 = tpu.memref_slice %arg7[%dma_wait3A_823] : memref<6400xf32, #tpu.memory_space<vmem>> -> memref<128xf32, #tpu.memory_space<vmem>>
    %dma_wait3A_825 = arith.constant 0 : i32
    %dma_wait3A_826 = tpu.memref_slice %arg8[%dma_wait3A_822, %dma_wait3A_825] : memref<50x128xi32, #tpu.memory_space<vmem>> -> memref<1x128xi32, #tpu.memory_space<vmem>>
    %dma_wait3A_827 = tpu.memref_squeeze %dma_wait3A_826 : memref<1x128xi32, #tpu.memory_space<vmem>> -> memref<128xi32, #tpu.memory_space<vmem>>
    %dma_wait3A_828 = arith.constant 0 : i32
    %dma_wait3A_829 = tpu.memref_slice %arg10[%dma_wait3A_828] : memref<524416xf32, #tpu.memory_space<vmem_shared>> -> memref<524416xf32, #tpu.memory_space<vmem_shared>>
    tpu.wait_indirect_dma semaphore(%arg11 : memref<!tpu.dma_semaphore, #tpu.memory_space<semaphore_mem>>) src(%dma_wait3A_824 : memref<128xf32, #tpu.memory_space<vmem>>) dst(%dma_wait3A_829 : memref<524416xf32, #tpu.memory_space<vmem_shared>>)
    %dma_wait3A_830 = arith.constant 46 : i32
    %dma_wait3A_831 = arith.constant 5888 : i32
    %dma_wait3A_832 = tpu.memref_slice %arg7[%dma_wait3A_831] : memref<6400xf32, #tpu.memory_space<vmem>> -> memref<128xf32, #tpu.memory_space<vmem>>
    %dma_wait3A_833 = arith.constant 0 : i32
    %dma_wait3A_834 = tpu.memref_slice %arg8[%dma_wait3A_830, %dma_wait3A_833] : memref<50x128xi32, #tpu.memory_space<vmem>> -> memref<1x128xi32, #tpu.memory_space<vmem>>
    %dma_wait3A_835 = tpu.memref_squeeze %dma_wait3A_834 : memref<1x128xi32, #tpu.memory_space<vmem>> -> memref<128xi32, #tpu.memory_space<vmem>>
    %dma_wait3A_836 = arith.constant 0 : i32
    %dma_wait3A_837 = tpu.memref_slice %arg10[%dma_wait3A_836] : memref<524416xf32, #tpu.memory_space<vmem_shared>> -> memref<524416xf32, #tpu.memory_space<vmem_shared>>
    tpu.wait_indirect_dma semaphore(%arg11 : memref<!tpu.dma_semaphore, #tpu.memory_space<semaphore_mem>>) src(%dma_wait3A_832 : memref<128xf32, #tpu.memory_space<vmem>>) dst(%dma_wait3A_837 : memref<524416xf32, #tpu.memory_space<vmem_shared>>)
    %dma_wait3A_838 = arith.constant 47 : i32
    %dma_wait3A_839 = arith.constant 6016 : i32
    %dma_wait3A_840 = tpu.memref_slice %arg7[%dma_wait3A_839] : memref<6400xf32, #tpu.memory_space<vmem>> -> memref<128xf32, #tpu.memory_space<vmem>>
    %dma_wait3A_841 = arith.constant 0 : i32
    %dma_wait3A_842 = tpu.memref_slice %arg8[%dma_wait3A_838, %dma_wait3A_841] : memref<50x128xi32, #tpu.memory_space<vmem>> -> memref<1x128xi32, #tpu.memory_space<vmem>>
    %dma_wait3A_843 = tpu.memref_squeeze %dma_wait3A_842 : memref<1x128xi32, #tpu.memory_space<vmem>> -> memref<128xi32, #tpu.memory_space<vmem>>
    %dma_wait3A_844 = arith.constant 0 : i32
    %dma_wait3A_845 = tpu.memref_slice %arg10[%dma_wait3A_844] : memref<524416xf32, #tpu.memory_space<vmem_shared>> -> memref<524416xf32, #tpu.memory_space<vmem_shared>>
    tpu.wait_indirect_dma semaphore(%arg11 : memref<!tpu.dma_semaphore, #tpu.memory_space<semaphore_mem>>) src(%dma_wait3A_840 : memref<128xf32, #tpu.memory_space<vmem>>) dst(%dma_wait3A_845 : memref<524416xf32, #tpu.memory_space<vmem_shared>>)
    %dma_wait3A_846 = arith.constant 48 : i32
    %dma_wait3A_847 = arith.constant 6144 : i32
    %dma_wait3A_848 = tpu.memref_slice %arg7[%dma_wait3A_847] : memref<6400xf32, #tpu.memory_space<vmem>> -> memref<128xf32, #tpu.memory_space<vmem>>
    %dma_wait3A_849 = arith.constant 0 : i32
    %dma_wait3A_850 = tpu.memref_slice %arg8[%dma_wait3A_846, %dma_wait3A_849] : memref<50x128xi32, #tpu.memory_space<vmem>> -> memref<1x128xi32, #tpu.memory_space<vmem>>
    %dma_wait3A_851 = tpu.memref_squeeze %dma_wait3A_850 : memref<1x128xi32, #tpu.memory_space<vmem>> -> memref<128xi32, #tpu.memory_space<vmem>>
    %dma_wait3A_852 = arith.constant 0 : i32
    %dma_wait3A_853 = tpu.memref_slice %arg10[%dma_wait3A_852] : memref<524416xf32, #tpu.memory_space<vmem_shared>> -> memref<524416xf32, #tpu.memory_space<vmem_shared>>
    tpu.wait_indirect_dma semaphore(%arg11 : memref<!tpu.dma_semaphore, #tpu.memory_space<semaphore_mem>>) src(%dma_wait3A_848 : memref<128xf32, #tpu.memory_space<vmem>>) dst(%dma_wait3A_853 : memref<524416xf32, #tpu.memory_space<vmem_shared>>)
    %dma_wait3A_854 = arith.constant 49 : i32
    %dma_wait3A_855 = arith.constant 6272 : i32
    %dma_wait3A_856 = tpu.memref_slice %arg7[%dma_wait3A_855] : memref<6400xf32, #tpu.memory_space<vmem>> -> memref<128xf32, #tpu.memory_space<vmem>>
    %dma_wait3A_857 = arith.constant 0 : i32
    %dma_wait3A_858 = tpu.memref_slice %arg8[%dma_wait3A_854, %dma_wait3A_857] : memref<50x128xi32, #tpu.memory_space<vmem>> -> memref<1x128xi32, #tpu.memory_space<vmem>>
    %dma_wait3A_859 = tpu.memref_squeeze %dma_wait3A_858 : memref<1x128xi32, #tpu.memory_space<vmem>> -> memref<128xi32, #tpu.memory_space<vmem>>
    %dma_wait3A_860 = arith.constant 0 : i32
    %dma_wait3A_861 = tpu.memref_slice %arg10[%dma_wait3A_860] : memref<524416xf32, #tpu.memory_space<vmem_shared>> -> memref<524416xf32, #tpu.memory_space<vmem_shared>>
    tpu.wait_indirect_dma semaphore(%arg11 : memref<!tpu.dma_semaphore, #tpu.memory_space<semaphore_mem>>) src(%dma_wait3A_856 : memref<128xf32, #tpu.memory_space<vmem>>) dst(%dma_wait3A_861 : memref<524416xf32, #tpu.memory_space<vmem_shared>>)
    %barrier3A_862 = arith.constant 0 : index
    tpu.barrier barrier_id(%barrier3A_862)
    %mul3A_863 = arith.constant 32768 : i32
    %mul3A_864 = arith.muli %arg1, %mul3A_863 : i32
    %add3A_865 = arith.constant 0 : i32
    %add3A_866 = arith.addi %mul3A_864, %add3A_865 : i32
    %mul3A_867 = arith.constant 32 : i32
    %mul3A_868 = arith.muli %arg1, %mul3A_867 : i32
    %add3A_869 = arith.constant 0 : i32
    %add3A_870 = arith.addi %mul3A_868, %add3A_869 : i32
    %dma_start3A_871 = arith.constant 0 : i32
    %dma_start3A_872 = tpu.memref_slice %arg4[%arg0, %add3A_870, %dma_start3A_871] : memref<2x512x1024xf32, #tpu.memory_space<hbm>> -> memref<1x1x1024xf32, #tpu.memory_space<hbm>>
    %dma_start3A_873 = tpu.memref_squeeze %dma_start3A_872 : memref<1x1x1024xf32, #tpu.memory_space<hbm>> -> memref<1024xf32, #tpu.memory_space<hbm>>
    %dma_start3A_874 = tpu.memref_slice %arg10[%add3A_866] : memref<524416xf32, #tpu.memory_space<vmem_shared>> -> memref<1024xf32, #tpu.memory_space<vmem_shared>>
    tpu.enqueue_dma source(%dma_start3A_874 : memref<1024xf32, #tpu.memory_space<vmem_shared>>) target(%dma_start3A_873 : memref<1024xf32, #tpu.memory_space<hbm>>) target_semaphore(%arg12 : memref<!tpu.dma_semaphore, #tpu.memory_space<semaphore_mem>>)
    %mul3A_875 = arith.constant 32768 : i32
    %mul3A_876 = arith.muli %arg1, %mul3A_875 : i32
    %add3A_877 = arith.constant 1024 : i32
    %add3A_878 = arith.addi %mul3A_876, %add3A_877 : i32
    %mul3A_879 = arith.constant 32 : i32
    %mul3A_880 = arith.muli %arg1, %mul3A_879 : i32
    %add3A_881 = arith.constant 1 : i32
    %add3A_882 = arith.addi %mul3A_880, %add3A_881 : i32
    %dma_start3A_883 = arith.constant 0 : i32
    %dma_start3A_884 = tpu.memref_slice %arg4[%arg0, %add3A_882, %dma_start3A_883] : memref<2x512x1024xf32, #tpu.memory_space<hbm>> -> memref<1x1x1024xf32, #tpu.memory_space<hbm>>
    %dma_start3A_885 = tpu.memref_squeeze %dma_start3A_884 : memref<1x1x1024xf32, #tpu.memory_space<hbm>> -> memref<1024xf32, #tpu.memory_space<hbm>>
    %dma_start3A_886 = tpu.memref_slice %arg10[%add3A_878] : memref<524416xf32, #tpu.memory_space<vmem_shared>> -> memref<1024xf32, #tpu.memory_space<vmem_shared>>
    tpu.enqueue_dma source(%dma_start3A_886 : memref<1024xf32, #tpu.memory_space<vmem_shared>>) target(%dma_start3A_885 : memref<1024xf32, #tpu.memory_space<hbm>>) target_semaphore(%arg12 : memref<!tpu.dma_semaphore, #tpu.memory_space<semaphore_mem>>)
    %mul3A_887 = arith.constant 32768 : i32
    %mul3A_888 = arith.muli %arg1, %mul3A_887 : i32
    %add3A_889 = arith.constant 2048 : i32
    %add3A_890 = arith.addi %mul3A_888, %add3A_889 : i32
    %mul3A_891 = arith.constant 32 : i32
    %mul3A_892 = arith.muli %arg1, %mul3A_891 : i32
    %add3A_893 = arith.constant 2 : i32
    %add3A_894 = arith.addi %mul3A_892, %add3A_893 : i32
    %dma_start3A_895 = arith.constant 0 : i32
    %dma_start3A_896 = tpu.memref_slice %arg4[%arg0, %add3A_894, %dma_start3A_895] : memref<2x512x1024xf32, #tpu.memory_space<hbm>> -> memref<1x1x1024xf32, #tpu.memory_space<hbm>>
    %dma_start3A_897 = tpu.memref_squeeze %dma_start3A_896 : memref<1x1x1024xf32, #tpu.memory_space<hbm>> -> memref<1024xf32, #tpu.memory_space<hbm>>
    %dma_start3A_898 = tpu.memref_slice %arg10[%add3A_890] : memref<524416xf32, #tpu.memory_space<vmem_shared>> -> memref<1024xf32, #tpu.memory_space<vmem_shared>>
    tpu.enqueue_dma source(%dma_start3A_898 : memref<1024xf32, #tpu.memory_space<vmem_shared>>) target(%dma_start3A_897 : memref<1024xf32, #tpu.memory_space<hbm>>) target_semaphore(%arg12 : memref<!tpu.dma_semaphore, #tpu.memory_space<semaphore_mem>>)
    %mul3A_899 = arith.constant 32768 : i32
    %mul3A_900 = arith.muli %arg1, %mul3A_899 : i32
    %add3A_901 = arith.constant 3072 : i32
    %add3A_902 = arith.addi %mul3A_900, %add3A_901 : i32
    %mul3A_903 = arith.constant 32 : i32
    %mul3A_904 = arith.muli %arg1, %mul3A_903 : i32
    %add3A_905 = arith.constant 3 : i32
    %add3A_906 = arith.addi %mul3A_904, %add3A_905 : i32
    %dma_start3A_907 = arith.constant 0 : i32
    %dma_start3A_908 = tpu.memref_slice %arg4[%arg0, %add3A_906, %dma_start3A_907] : memref<2x512x1024xf32, #tpu.memory_space<hbm>> -> memref<1x1x1024xf32, #tpu.memory_space<hbm>>
    %dma_start3A_909 = tpu.memref_squeeze %dma_start3A_908 : memref<1x1x1024xf32, #tpu.memory_space<hbm>> -> memref<1024xf32, #tpu.memory_space<hbm>>
    %dma_start3A_910 = tpu.memref_slice %arg10[%add3A_902] : memref<524416xf32, #tpu.memory_space<vmem_shared>> -> memref<1024xf32, #tpu.memory_space<vmem_shared>>
    tpu.enqueue_dma source(%dma_start3A_910 : memref<1024xf32, #tpu.memory_space<vmem_shared>>) target(%dma_start3A_909 : memref<1024xf32, #tpu.memory_space<hbm>>) target_semaphore(%arg12 : memref<!tpu.dma_semaphore, #tpu.memory_space<semaphore_mem>>)
    %mul3A_911 = arith.constant 32768 : i32
    %mul3A_912 = arith.muli %arg1, %mul3A_911 : i32
    %add3A_913 = arith.constant 4096 : i32
    %add3A_914 = arith.addi %mul3A_912, %add3A_913 : i32
    %mul3A_915 = arith.constant 32 : i32
    %mul3A_916 = arith.muli %arg1, %mul3A_915 : i32
    %add3A_917 = arith.constant 4 : i32
    %add3A_918 = arith.addi %mul3A_916, %add3A_917 : i32
    %dma_start3A_919 = arith.constant 0 : i32
    %dma_start3A_920 = tpu.memref_slice %arg4[%arg0, %add3A_918, %dma_start3A_919] : memref<2x512x1024xf32, #tpu.memory_space<hbm>> -> memref<1x1x1024xf32, #tpu.memory_space<hbm>>
    %dma_start3A_921 = tpu.memref_squeeze %dma_start3A_920 : memref<1x1x1024xf32, #tpu.memory_space<hbm>> -> memref<1024xf32, #tpu.memory_space<hbm>>
    %dma_start3A_922 = tpu.memref_slice %arg10[%add3A_914] : memref<524416xf32, #tpu.memory_space<vmem_shared>> -> memref<1024xf32, #tpu.memory_space<vmem_shared>>
    tpu.enqueue_dma source(%dma_start3A_922 : memref<1024xf32, #tpu.memory_space<vmem_shared>>) target(%dma_start3A_921 : memref<1024xf32, #tpu.memory_space<hbm>>) target_semaphore(%arg12 : memref<!tpu.dma_semaphore, #tpu.memory_space<semaphore_mem>>)
    %mul3A_923 = arith.constant 32768 : i32
    %mul3A_924 = arith.muli %arg1, %mul3A_923 : i32
    %add3A_925 = arith.constant 5120 : i32
    %add3A_926 = arith.addi %mul3A_924, %add3A_925 : i32
    %mul3A_927 = arith.constant 32 : i32
    %mul3A_928 = arith.muli %arg1, %mul3A_927 : i32
    %add3A_929 = arith.constant 5 : i32
    %add3A_930 = arith.addi %mul3A_928, %add3A_929 : i32
    %dma_start3A_931 = arith.constant 0 : i32
    %dma_start3A_932 = tpu.memref_slice %arg4[%arg0, %add3A_930, %dma_start3A_931] : memref<2x512x1024xf32, #tpu.memory_space<hbm>> -> memref<1x1x1024xf32, #tpu.memory_space<hbm>>
    %dma_start3A_933 = tpu.memref_squeeze %dma_start3A_932 : memref<1x1x1024xf32, #tpu.memory_space<hbm>> -> memref<1024xf32, #tpu.memory_space<hbm>>
    %dma_start3A_934 = tpu.memref_slice %arg10[%add3A_926] : memref<524416xf32, #tpu.memory_space<vmem_shared>> -> memref<1024xf32, #tpu.memory_space<vmem_shared>>
    tpu.enqueue_dma source(%dma_start3A_934 : memref<1024xf32, #tpu.memory_space<vmem_shared>>) target(%dma_start3A_933 : memref<1024xf32, #tpu.memory_space<hbm>>) target_semaphore(%arg12 : memref<!tpu.dma_semaphore, #tpu.memory_space<semaphore_mem>>)
    %mul3A_935 = arith.constant 32768 : i32
    %mul3A_936 = arith.muli %arg1, %mul3A_935 : i32
    %add3A_937 = arith.constant 6144 : i32
    %add3A_938 = arith.addi %mul3A_936, %add3A_937 : i32
    %mul3A_939 = arith.constant 32 : i32
    %mul3A_940 = arith.muli %arg1, %mul3A_939 : i32
    %add3A_941 = arith.constant 6 : i32
    %add3A_942 = arith.addi %mul3A_940, %add3A_941 : i32
    %dma_start3A_943 = arith.constant 0 : i32
    %dma_start3A_944 = tpu.memref_slice %arg4[%arg0, %add3A_942, %dma_start3A_943] : memref<2x512x1024xf32, #tpu.memory_space<hbm>> -> memref<1x1x1024xf32, #tpu.memory_space<hbm>>
    %dma_start3A_945 = tpu.memref_squeeze %dma_start3A_944 : memref<1x1x1024xf32, #tpu.memory_space<hbm>> -> memref<1024xf32, #tpu.memory_space<hbm>>
    %dma_start3A_946 = tpu.memref_slice %arg10[%add3A_938] : memref<524416xf32, #tpu.memory_space<vmem_shared>> -> memref<1024xf32, #tpu.memory_space<vmem_shared>>
    tpu.enqueue_dma source(%dma_start3A_946 : memref<1024xf32, #tpu.memory_space<vmem_shared>>) target(%dma_start3A_945 : memref<1024xf32, #tpu.memory_space<hbm>>) target_semaphore(%arg12 : memref<!tpu.dma_semaphore, #tpu.memory_space<semaphore_mem>>)
    %mul3A_947 = arith.constant 32768 : i32
    %mul3A_948 = arith.muli %arg1, %mul3A_947 : i32
    %add3A_949 = arith.constant 7168 : i32
    %add3A_950 = arith.addi %mul3A_948, %add3A_949 : i32
    %mul3A_951 = arith.constant 32 : i32
    %mul3A_952 = arith.muli %arg1, %mul3A_951 : i32
    %add3A_953 = arith.constant 7 : i32
    %add3A_954 = arith.addi %mul3A_952, %add3A_953 : i32
    %dma_start3A_955 = arith.constant 0 : i32
    %dma_start3A_956 = tpu.memref_slice %arg4[%arg0, %add3A_954, %dma_start3A_955] : memref<2x512x1024xf32, #tpu.memory_space<hbm>> -> memref<1x1x1024xf32, #tpu.memory_space<hbm>>
    %dma_start3A_957 = tpu.memref_squeeze %dma_start3A_956 : memref<1x1x1024xf32, #tpu.memory_space<hbm>> -> memref<1024xf32, #tpu.memory_space<hbm>>
    %dma_start3A_958 = tpu.memref_slice %arg10[%add3A_950] : memref<524416xf32, #tpu.memory_space<vmem_shared>> -> memref<1024xf32, #tpu.memory_space<vmem_shared>>
    tpu.enqueue_dma source(%dma_start3A_958 : memref<1024xf32, #tpu.memory_space<vmem_shared>>) target(%dma_start3A_957 : memref<1024xf32, #tpu.memory_space<hbm>>) target_semaphore(%arg12 : memref<!tpu.dma_semaphore, #tpu.memory_space<semaphore_mem>>)
    %mul3A_959 = arith.constant 32768 : i32
    %mul3A_960 = arith.muli %arg1, %mul3A_959 : i32
    %add3A_961 = arith.constant 8192 : i32
    %add3A_962 = arith.addi %mul3A_960, %add3A_961 : i32
    %mul3A_963 = arith.constant 32 : i32
    %mul3A_964 = arith.muli %arg1, %mul3A_963 : i32
    %add3A_965 = arith.constant 8 : i32
    %add3A_966 = arith.addi %mul3A_964, %add3A_965 : i32
    %dma_start3A_967 = arith.constant 0 : i32
    %dma_start3A_968 = tpu.memref_slice %arg4[%arg0, %add3A_966, %dma_start3A_967] : memref<2x512x1024xf32, #tpu.memory_space<hbm>> -> memref<1x1x1024xf32, #tpu.memory_space<hbm>>
    %dma_start3A_969 = tpu.memref_squeeze %dma_start3A_968 : memref<1x1x1024xf32, #tpu.memory_space<hbm>> -> memref<1024xf32, #tpu.memory_space<hbm>>
    %dma_start3A_970 = tpu.memref_slice %arg10[%add3A_962] : memref<524416xf32, #tpu.memory_space<vmem_shared>> -> memref<1024xf32, #tpu.memory_space<vmem_shared>>
    tpu.enqueue_dma source(%dma_start3A_970 : memref<1024xf32, #tpu.memory_space<vmem_shared>>) target(%dma_start3A_969 : memref<1024xf32, #tpu.memory_space<hbm>>) target_semaphore(%arg12 : memref<!tpu.dma_semaphore, #tpu.memory_space<semaphore_mem>>)
    %mul3A_971 = arith.constant 32768 : i32
    %mul3A_972 = arith.muli %arg1, %mul3A_971 : i32
    %add3A_973 = arith.constant 9216 : i32
    %add3A_974 = arith.addi %mul3A_972, %add3A_973 : i32
    %mul3A_975 = arith.constant 32 : i32
    %mul3A_976 = arith.muli %arg1, %mul3A_975 : i32
    %add3A_977 = arith.constant 9 : i32
    %add3A_978 = arith.addi %mul3A_976, %add3A_977 : i32
    %dma_start3A_979 = arith.constant 0 : i32
    %dma_start3A_980 = tpu.memref_slice %arg4[%arg0, %add3A_978, %dma_start3A_979] : memref<2x512x1024xf32, #tpu.memory_space<hbm>> -> memref<1x1x1024xf32, #tpu.memory_space<hbm>>
    %dma_start3A_981 = tpu.memref_squeeze %dma_start3A_980 : memref<1x1x1024xf32, #tpu.memory_space<hbm>> -> memref<1024xf32, #tpu.memory_space<hbm>>
    %dma_start3A_982 = tpu.memref_slice %arg10[%add3A_974] : memref<524416xf32, #tpu.memory_space<vmem_shared>> -> memref<1024xf32, #tpu.memory_space<vmem_shared>>
    tpu.enqueue_dma source(%dma_start3A_982 : memref<1024xf32, #tpu.memory_space<vmem_shared>>) target(%dma_start3A_981 : memref<1024xf32, #tpu.memory_space<hbm>>) target_semaphore(%arg12 : memref<!tpu.dma_semaphore, #tpu.memory_space<semaphore_mem>>)
    %mul3A_983 = arith.constant 32768 : i32
    %mul3A_984 = arith.muli %arg1, %mul3A_983 : i32
    %add3A_985 = arith.constant 10240 : i32
    %add3A_986 = arith.addi %mul3A_984, %add3A_985 : i32
    %mul3A_987 = arith.constant 32 : i32
    %mul3A_988 = arith.muli %arg1, %mul3A_987 : i32
    %add3A_989 = arith.constant 10 : i32
    %add3A_990 = arith.addi %mul3A_988, %add3A_989 : i32
    %dma_start3A_991 = arith.constant 0 : i32
    %dma_start3A_992 = tpu.memref_slice %arg4[%arg0, %add3A_990, %dma_start3A_991] : memref<2x512x1024xf32, #tpu.memory_space<hbm>> -> memref<1x1x1024xf32, #tpu.memory_space<hbm>>
    %dma_start3A_993 = tpu.memref_squeeze %dma_start3A_992 : memref<1x1x1024xf32, #tpu.memory_space<hbm>> -> memref<1024xf32, #tpu.memory_space<hbm>>
    %dma_start3A_994 = tpu.memref_slice %arg10[%add3A_986] : memref<524416xf32, #tpu.memory_space<vmem_shared>> -> memref<1024xf32, #tpu.memory_space<vmem_shared>>
    tpu.enqueue_dma source(%dma_start3A_994 : memref<1024xf32, #tpu.memory_space<vmem_shared>>) target(%dma_start3A_993 : memref<1024xf32, #tpu.memory_space<hbm>>) target_semaphore(%arg12 : memref<!tpu.dma_semaphore, #tpu.memory_space<semaphore_mem>>)
    %mul3A_995 = arith.constant 32768 : i32
    %mul3A_996 = arith.muli %arg1, %mul3A_995 : i32
    %add3A_997 = arith.constant 11264 : i32
    %add3A_998 = arith.addi %mul3A_996, %add3A_997 : i32
    %mul3A_999 = arith.constant 32 : i32
    %mul3A_1000 = arith.muli %arg1, %mul3A_999 : i32
    %add3A_1001 = arith.constant 11 : i32
    %add3A_1002 = arith.addi %mul3A_1000, %add3A_1001 : i32
    %dma_start3A_1003 = arith.constant 0 : i32
    %dma_start3A_1004 = tpu.memref_slice %arg4[%arg0, %add3A_1002, %dma_start3A_1003] : memref<2x512x1024xf32, #tpu.memory_space<hbm>> -> memref<1x1x1024xf32, #tpu.memory_space<hbm>>
    %dma_start3A_1005 = tpu.memref_squeeze %dma_start3A_1004 : memref<1x1x1024xf32, #tpu.memory_space<hbm>> -> memref<1024xf32, #tpu.memory_space<hbm>>
    %dma_start3A_1006 = tpu.memref_slice %arg10[%add3A_998] : memref<524416xf32, #tpu.memory_space<vmem_shared>> -> memref<1024xf32, #tpu.memory_space<vmem_shared>>
    tpu.enqueue_dma source(%dma_start3A_1006 : memref<1024xf32, #tpu.memory_space<vmem_shared>>) target(%dma_start3A_1005 : memref<1024xf32, #tpu.memory_space<hbm>>) target_semaphore(%arg12 : memref<!tpu.dma_semaphore, #tpu.memory_space<semaphore_mem>>)
    %mul3A_1007 = arith.constant 32768 : i32
    %mul3A_1008 = arith.muli %arg1, %mul3A_1007 : i32
    %add3A_1009 = arith.constant 12288 : i32
    %add3A_1010 = arith.addi %mul3A_1008, %add3A_1009 : i32
    %mul3A_1011 = arith.constant 32 : i32
    %mul3A_1012 = arith.muli %arg1, %mul3A_1011 : i32
    %add3A_1013 = arith.constant 12 : i32
    %add3A_1014 = arith.addi %mul3A_1012, %add3A_1013 : i32
    %dma_start3A_1015 = arith.constant 0 : i32
    %dma_start3A_1016 = tpu.memref_slice %arg4[%arg0, %add3A_1014, %dma_start3A_1015] : memref<2x512x1024xf32, #tpu.memory_space<hbm>> -> memref<1x1x1024xf32, #tpu.memory_space<hbm>>
    %dma_start3A_1017 = tpu.memref_squeeze %dma_start3A_1016 : memref<1x1x1024xf32, #tpu.memory_space<hbm>> -> memref<1024xf32, #tpu.memory_space<hbm>>
    %dma_start3A_1018 = tpu.memref_slice %arg10[%add3A_1010] : memref<524416xf32, #tpu.memory_space<vmem_shared>> -> memref<1024xf32, #tpu.memory_space<vmem_shared>>
    tpu.enqueue_dma source(%dma_start3A_1018 : memref<1024xf32, #tpu.memory_space<vmem_shared>>) target(%dma_start3A_1017 : memref<1024xf32, #tpu.memory_space<hbm>>) target_semaphore(%arg12 : memref<!tpu.dma_semaphore, #tpu.memory_space<semaphore_mem>>)
    %mul3A_1019 = arith.constant 32768 : i32
    %mul3A_1020 = arith.muli %arg1, %mul3A_1019 : i32
    %add3A_1021 = arith.constant 13312 : i32
    %add3A_1022 = arith.addi %mul3A_1020, %add3A_1021 : i32
    %mul3A_1023 = arith.constant 32 : i32
    %mul3A_1024 = arith.muli %arg1, %mul3A_1023 : i32
    %add3A_1025 = arith.constant 13 : i32
    %add3A_1026 = arith.addi %mul3A_1024, %add3A_1025 : i32
    %dma_start3A_1027 = arith.constant 0 : i32
    %dma_start3A_1028 = tpu.memref_slice %arg4[%arg0, %add3A_1026, %dma_start3A_1027] : memref<2x512x1024xf32, #tpu.memory_space<hbm>> -> memref<1x1x1024xf32, #tpu.memory_space<hbm>>
    %dma_start3A_1029 = tpu.memref_squeeze %dma_start3A_1028 : memref<1x1x1024xf32, #tpu.memory_space<hbm>> -> memref<1024xf32, #tpu.memory_space<hbm>>
    %dma_start3A_1030 = tpu.memref_slice %arg10[%add3A_1022] : memref<524416xf32, #tpu.memory_space<vmem_shared>> -> memref<1024xf32, #tpu.memory_space<vmem_shared>>
    tpu.enqueue_dma source(%dma_start3A_1030 : memref<1024xf32, #tpu.memory_space<vmem_shared>>) target(%dma_start3A_1029 : memref<1024xf32, #tpu.memory_space<hbm>>) target_semaphore(%arg12 : memref<!tpu.dma_semaphore, #tpu.memory_space<semaphore_mem>>)
    %mul3A_1031 = arith.constant 32768 : i32
    %mul3A_1032 = arith.muli %arg1, %mul3A_1031 : i32
    %add3A_1033 = arith.constant 14336 : i32
    %add3A_1034 = arith.addi %mul3A_1032, %add3A_1033 : i32
    %mul3A_1035 = arith.constant 32 : i32
    %mul3A_1036 = arith.muli %arg1, %mul3A_1035 : i32
    %add3A_1037 = arith.constant 14 : i32
    %add3A_1038 = arith.addi %mul3A_1036, %add3A_1037 : i32
    %dma_start3A_1039 = arith.constant 0 : i32
    %dma_start3A_1040 = tpu.memref_slice %arg4[%arg0, %add3A_1038, %dma_start3A_1039] : memref<2x512x1024xf32, #tpu.memory_space<hbm>> -> memref<1x1x1024xf32, #tpu.memory_space<hbm>>
    %dma_start3A_1041 = tpu.memref_squeeze %dma_start3A_1040 : memref<1x1x1024xf32, #tpu.memory_space<hbm>> -> memref<1024xf32, #tpu.memory_space<hbm>>
    %dma_start3A_1042 = tpu.memref_slice %arg10[%add3A_1034] : memref<524416xf32, #tpu.memory_space<vmem_shared>> -> memref<1024xf32, #tpu.memory_space<vmem_shared>>
    tpu.enqueue_dma source(%dma_start3A_1042 : memref<1024xf32, #tpu.memory_space<vmem_shared>>) target(%dma_start3A_1041 : memref<1024xf32, #tpu.memory_space<hbm>>) target_semaphore(%arg12 : memref<!tpu.dma_semaphore, #tpu.memory_space<semaphore_mem>>)
    %mul3A_1043 = arith.constant 32768 : i32
    %mul3A_1044 = arith.muli %arg1, %mul3A_1043 : i32
    %add3A_1045 = arith.constant 15360 : i32
    %add3A_1046 = arith.addi %mul3A_1044, %add3A_1045 : i32
    %mul3A_1047 = arith.constant 32 : i32
    %mul3A_1048 = arith.muli %arg1, %mul3A_1047 : i32
    %add3A_1049 = arith.constant 15 : i32
    %add3A_1050 = arith.addi %mul3A_1048, %add3A_1049 : i32
    %dma_start3A_1051 = arith.constant 0 : i32
    %dma_start3A_1052 = tpu.memref_slice %arg4[%arg0, %add3A_1050, %dma_start3A_1051] : memref<2x512x1024xf32, #tpu.memory_space<hbm>> -> memref<1x1x1024xf32, #tpu.memory_space<hbm>>
    %dma_start3A_1053 = tpu.memref_squeeze %dma_start3A_1052 : memref<1x1x1024xf32, #tpu.memory_space<hbm>> -> memref<1024xf32, #tpu.memory_space<hbm>>
    %dma_start3A_1054 = tpu.memref_slice %arg10[%add3A_1046] : memref<524416xf32, #tpu.memory_space<vmem_shared>> -> memref<1024xf32, #tpu.memory_space<vmem_shared>>
    tpu.enqueue_dma source(%dma_start3A_1054 : memref<1024xf32, #tpu.memory_space<vmem_shared>>) target(%dma_start3A_1053 : memref<1024xf32, #tpu.memory_space<hbm>>) target_semaphore(%arg12 : memref<!tpu.dma_semaphore, #tpu.memory_space<semaphore_mem>>)
    %mul3A_1055 = arith.constant 32768 : i32
    %mul3A_1056 = arith.muli %arg1, %mul3A_1055 : i32
    %add3A_1057 = arith.constant 16384 : i32
    %add3A_1058 = arith.addi %mul3A_1056, %add3A_1057 : i32
    %mul3A_1059 = arith.constant 32 : i32
    %mul3A_1060 = arith.muli %arg1, %mul3A_1059 : i32
    %add3A_1061 = arith.constant 16 : i32
    %add3A_1062 = arith.addi %mul3A_1060, %add3A_1061 : i32
    %dma_start3A_1063 = arith.constant 0 : i32
    %dma_start3A_1064 = tpu.memref_slice %arg4[%arg0, %add3A_1062, %dma_start3A_1063] : memref<2x512x1024xf32, #tpu.memory_space<hbm>> -> memref<1x1x1024xf32, #tpu.memory_space<hbm>>
    %dma_start3A_1065 = tpu.memref_squeeze %dma_start3A_1064 : memref<1x1x1024xf32, #tpu.memory_space<hbm>> -> memref<1024xf32, #tpu.memory_space<hbm>>
    %dma_start3A_1066 = tpu.memref_slice %arg10[%add3A_1058] : memref<524416xf32, #tpu.memory_space<vmem_shared>> -> memref<1024xf32, #tpu.memory_space<vmem_shared>>
    tpu.enqueue_dma source(%dma_start3A_1066 : memref<1024xf32, #tpu.memory_space<vmem_shared>>) target(%dma_start3A_1065 : memref<1024xf32, #tpu.memory_space<hbm>>) target_semaphore(%arg12 : memref<!tpu.dma_semaphore, #tpu.memory_space<semaphore_mem>>)
    %mul3A_1067 = arith.constant 32768 : i32
    %mul3A_1068 = arith.muli %arg1, %mul3A_1067 : i32
    %add3A_1069 = arith.constant 17408 : i32
    %add3A_1070 = arith.addi %mul3A_1068, %add3A_1069 : i32
    %mul3A_1071 = arith.constant 32 : i32
    %mul3A_1072 = arith.muli %arg1, %mul3A_1071 : i32
    %add3A_1073 = arith.constant 17 : i32
    %add3A_1074 = arith.addi %mul3A_1072, %add3A_1073 : i32
    %dma_start3A_1075 = arith.constant 0 : i32
    %dma_start3A_1076 = tpu.memref_slice %arg4[%arg0, %add3A_1074, %dma_start3A_1075] : memref<2x512x1024xf32, #tpu.memory_space<hbm>> -> memref<1x1x1024xf32, #tpu.memory_space<hbm>>
    %dma_start3A_1077 = tpu.memref_squeeze %dma_start3A_1076 : memref<1x1x1024xf32, #tpu.memory_space<hbm>> -> memref<1024xf32, #tpu.memory_space<hbm>>
    %dma_start3A_1078 = tpu.memref_slice %arg10[%add3A_1070] : memref<524416xf32, #tpu.memory_space<vmem_shared>> -> memref<1024xf32, #tpu.memory_space<vmem_shared>>
    tpu.enqueue_dma source(%dma_start3A_1078 : memref<1024xf32, #tpu.memory_space<vmem_shared>>) target(%dma_start3A_1077 : memref<1024xf32, #tpu.memory_space<hbm>>) target_semaphore(%arg12 : memref<!tpu.dma_semaphore, #tpu.memory_space<semaphore_mem>>)
    %mul3A_1079 = arith.constant 32768 : i32
    %mul3A_1080 = arith.muli %arg1, %mul3A_1079 : i32
    %add3A_1081 = arith.constant 18432 : i32
    %add3A_1082 = arith.addi %mul3A_1080, %add3A_1081 : i32
    %mul3A_1083 = arith.constant 32 : i32
    %mul3A_1084 = arith.muli %arg1, %mul3A_1083 : i32
    %add3A_1085 = arith.constant 18 : i32
    %add3A_1086 = arith.addi %mul3A_1084, %add3A_1085 : i32
    %dma_start3A_1087 = arith.constant 0 : i32
    %dma_start3A_1088 = tpu.memref_slice %arg4[%arg0, %add3A_1086, %dma_start3A_1087] : memref<2x512x1024xf32, #tpu.memory_space<hbm>> -> memref<1x1x1024xf32, #tpu.memory_space<hbm>>
    %dma_start3A_1089 = tpu.memref_squeeze %dma_start3A_1088 : memref<1x1x1024xf32, #tpu.memory_space<hbm>> -> memref<1024xf32, #tpu.memory_space<hbm>>
    %dma_start3A_1090 = tpu.memref_slice %arg10[%add3A_1082] : memref<524416xf32, #tpu.memory_space<vmem_shared>> -> memref<1024xf32, #tpu.memory_space<vmem_shared>>
    tpu.enqueue_dma source(%dma_start3A_1090 : memref<1024xf32, #tpu.memory_space<vmem_shared>>) target(%dma_start3A_1089 : memref<1024xf32, #tpu.memory_space<hbm>>) target_semaphore(%arg12 : memref<!tpu.dma_semaphore, #tpu.memory_space<semaphore_mem>>)
    %mul3A_1091 = arith.constant 32768 : i32
    %mul3A_1092 = arith.muli %arg1, %mul3A_1091 : i32
    %add3A_1093 = arith.constant 19456 : i32
    %add3A_1094 = arith.addi %mul3A_1092, %add3A_1093 : i32
    %mul3A_1095 = arith.constant 32 : i32
    %mul3A_1096 = arith.muli %arg1, %mul3A_1095 : i32
    %add3A_1097 = arith.constant 19 : i32
    %add3A_1098 = arith.addi %mul3A_1096, %add3A_1097 : i32
    %dma_start3A_1099 = arith.constant 0 : i32
    %dma_start3A_1100 = tpu.memref_slice %arg4[%arg0, %add3A_1098, %dma_start3A_1099] : memref<2x512x1024xf32, #tpu.memory_space<hbm>> -> memref<1x1x1024xf32, #tpu.memory_space<hbm>>
    %dma_start3A_1101 = tpu.memref_squeeze %dma_start3A_1100 : memref<1x1x1024xf32, #tpu.memory_space<hbm>> -> memref<1024xf32, #tpu.memory_space<hbm>>
    %dma_start3A_1102 = tpu.memref_slice %arg10[%add3A_1094] : memref<524416xf32, #tpu.memory_space<vmem_shared>> -> memref<1024xf32, #tpu.memory_space<vmem_shared>>
    tpu.enqueue_dma source(%dma_start3A_1102 : memref<1024xf32, #tpu.memory_space<vmem_shared>>) target(%dma_start3A_1101 : memref<1024xf32, #tpu.memory_space<hbm>>) target_semaphore(%arg12 : memref<!tpu.dma_semaphore, #tpu.memory_space<semaphore_mem>>)
    %mul3A_1103 = arith.constant 32768 : i32
    %mul3A_1104 = arith.muli %arg1, %mul3A_1103 : i32
    %add3A_1105 = arith.constant 20480 : i32
    %add3A_1106 = arith.addi %mul3A_1104, %add3A_1105 : i32
    %mul3A_1107 = arith.constant 32 : i32
    %mul3A_1108 = arith.muli %arg1, %mul3A_1107 : i32
    %add3A_1109 = arith.constant 20 : i32
    %add3A_1110 = arith.addi %mul3A_1108, %add3A_1109 : i32
    %dma_start3A_1111 = arith.constant 0 : i32
    %dma_start3A_1112 = tpu.memref_slice %arg4[%arg0, %add3A_1110, %dma_start3A_1111] : memref<2x512x1024xf32, #tpu.memory_space<hbm>> -> memref<1x1x1024xf32, #tpu.memory_space<hbm>>
    %dma_start3A_1113 = tpu.memref_squeeze %dma_start3A_1112 : memref<1x1x1024xf32, #tpu.memory_space<hbm>> -> memref<1024xf32, #tpu.memory_space<hbm>>
    %dma_start3A_1114 = tpu.memref_slice %arg10[%add3A_1106] : memref<524416xf32, #tpu.memory_space<vmem_shared>> -> memref<1024xf32, #tpu.memory_space<vmem_shared>>
    tpu.enqueue_dma source(%dma_start3A_1114 : memref<1024xf32, #tpu.memory_space<vmem_shared>>) target(%dma_start3A_1113 : memref<1024xf32, #tpu.memory_space<hbm>>) target_semaphore(%arg12 : memref<!tpu.dma_semaphore, #tpu.memory_space<semaphore_mem>>)
    %mul3A_1115 = arith.constant 32768 : i32
    %mul3A_1116 = arith.muli %arg1, %mul3A_1115 : i32
    %add3A_1117 = arith.constant 21504 : i32
    %add3A_1118 = arith.addi %mul3A_1116, %add3A_1117 : i32
    %mul3A_1119 = arith.constant 32 : i32
    %mul3A_1120 = arith.muli %arg1, %mul3A_1119 : i32
    %add3A_1121 = arith.constant 21 : i32
    %add3A_1122 = arith.addi %mul3A_1120, %add3A_1121 : i32
    %dma_start3A_1123 = arith.constant 0 : i32
    %dma_start3A_1124 = tpu.memref_slice %arg4[%arg0, %add3A_1122, %dma_start3A_1123] : memref<2x512x1024xf32, #tpu.memory_space<hbm>> -> memref<1x1x1024xf32, #tpu.memory_space<hbm>>
    %dma_start3A_1125 = tpu.memref_squeeze %dma_start3A_1124 : memref<1x1x1024xf32, #tpu.memory_space<hbm>> -> memref<1024xf32, #tpu.memory_space<hbm>>
    %dma_start3A_1126 = tpu.memref_slice %arg10[%add3A_1118] : memref<524416xf32, #tpu.memory_space<vmem_shared>> -> memref<1024xf32, #tpu.memory_space<vmem_shared>>
    tpu.enqueue_dma source(%dma_start3A_1126 : memref<1024xf32, #tpu.memory_space<vmem_shared>>) target(%dma_start3A_1125 : memref<1024xf32, #tpu.memory_space<hbm>>) target_semaphore(%arg12 : memref<!tpu.dma_semaphore, #tpu.memory_space<semaphore_mem>>)
    %mul3A_1127 = arith.constant 32768 : i32
    %mul3A_1128 = arith.muli %arg1, %mul3A_1127 : i32
    %add3A_1129 = arith.constant 22528 : i32
    %add3A_1130 = arith.addi %mul3A_1128, %add3A_1129 : i32
    %mul3A_1131 = arith.constant 32 : i32
    %mul3A_1132 = arith.muli %arg1, %mul3A_1131 : i32
    %add3A_1133 = arith.constant 22 : i32
    %add3A_1134 = arith.addi %mul3A_1132, %add3A_1133 : i32
    %dma_start3A_1135 = arith.constant 0 : i32
    %dma_start3A_1136 = tpu.memref_slice %arg4[%arg0, %add3A_1134, %dma_start3A_1135] : memref<2x512x1024xf32, #tpu.memory_space<hbm>> -> memref<1x1x1024xf32, #tpu.memory_space<hbm>>
    %dma_start3A_1137 = tpu.memref_squeeze %dma_start3A_1136 : memref<1x1x1024xf32, #tpu.memory_space<hbm>> -> memref<1024xf32, #tpu.memory_space<hbm>>
    %dma_start3A_1138 = tpu.memref_slice %arg10[%add3A_1130] : memref<524416xf32, #tpu.memory_space<vmem_shared>> -> memref<1024xf32, #tpu.memory_space<vmem_shared>>
    tpu.enqueue_dma source(%dma_start3A_1138 : memref<1024xf32, #tpu.memory_space<vmem_shared>>) target(%dma_start3A_1137 : memref<1024xf32, #tpu.memory_space<hbm>>) target_semaphore(%arg12 : memref<!tpu.dma_semaphore, #tpu.memory_space<semaphore_mem>>)
    %mul3A_1139 = arith.constant 32768 : i32
    %mul3A_1140 = arith.muli %arg1, %mul3A_1139 : i32
    %add3A_1141 = arith.constant 23552 : i32
    %add3A_1142 = arith.addi %mul3A_1140, %add3A_1141 : i32
    %mul3A_1143 = arith.constant 32 : i32
    %mul3A_1144 = arith.muli %arg1, %mul3A_1143 : i32
    %add3A_1145 = arith.constant 23 : i32
    %add3A_1146 = arith.addi %mul3A_1144, %add3A_1145 : i32
    %dma_start3A_1147 = arith.constant 0 : i32
    %dma_start3A_1148 = tpu.memref_slice %arg4[%arg0, %add3A_1146, %dma_start3A_1147] : memref<2x512x1024xf32, #tpu.memory_space<hbm>> -> memref<1x1x1024xf32, #tpu.memory_space<hbm>>
    %dma_start3A_1149 = tpu.memref_squeeze %dma_start3A_1148 : memref<1x1x1024xf32, #tpu.memory_space<hbm>> -> memref<1024xf32, #tpu.memory_space<hbm>>
    %dma_start3A_1150 = tpu.memref_slice %arg10[%add3A_1142] : memref<524416xf32, #tpu.memory_space<vmem_shared>> -> memref<1024xf32, #tpu.memory_space<vmem_shared>>
    tpu.enqueue_dma source(%dma_start3A_1150 : memref<1024xf32, #tpu.memory_space<vmem_shared>>) target(%dma_start3A_1149 : memref<1024xf32, #tpu.memory_space<hbm>>) target_semaphore(%arg12 : memref<!tpu.dma_semaphore, #tpu.memory_space<semaphore_mem>>)
    %mul3A_1151 = arith.constant 32768 : i32
    %mul3A_1152 = arith.muli %arg1, %mul3A_1151 : i32
    %add3A_1153 = arith.constant 24576 : i32
    %add3A_1154 = arith.addi %mul3A_1152, %add3A_1153 : i32
    %mul3A_1155 = arith.constant 32 : i32
    %mul3A_1156 = arith.muli %arg1, %mul3A_1155 : i32
    %add3A_1157 = arith.constant 24 : i32
    %add3A_1158 = arith.addi %mul3A_1156, %add3A_1157 : i32
    %dma_start3A_1159 = arith.constant 0 : i32
    %dma_start3A_1160 = tpu.memref_slice %arg4[%arg0, %add3A_1158, %dma_start3A_1159] : memref<2x512x1024xf32, #tpu.memory_space<hbm>> -> memref<1x1x1024xf32, #tpu.memory_space<hbm>>
    %dma_start3A_1161 = tpu.memref_squeeze %dma_start3A_1160 : memref<1x1x1024xf32, #tpu.memory_space<hbm>> -> memref<1024xf32, #tpu.memory_space<hbm>>
    %dma_start3A_1162 = tpu.memref_slice %arg10[%add3A_1154] : memref<524416xf32, #tpu.memory_space<vmem_shared>> -> memref<1024xf32, #tpu.memory_space<vmem_shared>>
    tpu.enqueue_dma source(%dma_start3A_1162 : memref<1024xf32, #tpu.memory_space<vmem_shared>>) target(%dma_start3A_1161 : memref<1024xf32, #tpu.memory_space<hbm>>) target_semaphore(%arg12 : memref<!tpu.dma_semaphore, #tpu.memory_space<semaphore_mem>>)
    %mul3A_1163 = arith.constant 32768 : i32
    %mul3A_1164 = arith.muli %arg1, %mul3A_1163 : i32
    %add3A_1165 = arith.constant 25600 : i32
    %add3A_1166 = arith.addi %mul3A_1164, %add3A_1165 : i32
    %mul3A_1167 = arith.constant 32 : i32
    %mul3A_1168 = arith.muli %arg1, %mul3A_1167 : i32
    %add3A_1169 = arith.constant 25 : i32
    %add3A_1170 = arith.addi %mul3A_1168, %add3A_1169 : i32
    %dma_start3A_1171 = arith.constant 0 : i32
    %dma_start3A_1172 = tpu.memref_slice %arg4[%arg0, %add3A_1170, %dma_start3A_1171] : memref<2x512x1024xf32, #tpu.memory_space<hbm>> -> memref<1x1x1024xf32, #tpu.memory_space<hbm>>
    %dma_start3A_1173 = tpu.memref_squeeze %dma_start3A_1172 : memref<1x1x1024xf32, #tpu.memory_space<hbm>> -> memref<1024xf32, #tpu.memory_space<hbm>>
    %dma_start3A_1174 = tpu.memref_slice %arg10[%add3A_1166] : memref<524416xf32, #tpu.memory_space<vmem_shared>> -> memref<1024xf32, #tpu.memory_space<vmem_shared>>
    tpu.enqueue_dma source(%dma_start3A_1174 : memref<1024xf32, #tpu.memory_space<vmem_shared>>) target(%dma_start3A_1173 : memref<1024xf32, #tpu.memory_space<hbm>>) target_semaphore(%arg12 : memref<!tpu.dma_semaphore, #tpu.memory_space<semaphore_mem>>)
    %mul3A_1175 = arith.constant 32768 : i32
    %mul3A_1176 = arith.muli %arg1, %mul3A_1175 : i32
    %add3A_1177 = arith.constant 26624 : i32
    %add3A_1178 = arith.addi %mul3A_1176, %add3A_1177 : i32
    %mul3A_1179 = arith.constant 32 : i32
    %mul3A_1180 = arith.muli %arg1, %mul3A_1179 : i32
    %add3A_1181 = arith.constant 26 : i32
    %add3A_1182 = arith.addi %mul3A_1180, %add3A_1181 : i32
    %dma_start3A_1183 = arith.constant 0 : i32
    %dma_start3A_1184 = tpu.memref_slice %arg4[%arg0, %add3A_1182, %dma_start3A_1183] : memref<2x512x1024xf32, #tpu.memory_space<hbm>> -> memref<1x1x1024xf32, #tpu.memory_space<hbm>>
    %dma_start3A_1185 = tpu.memref_squeeze %dma_start3A_1184 : memref<1x1x1024xf32, #tpu.memory_space<hbm>> -> memref<1024xf32, #tpu.memory_space<hbm>>
    %dma_start3A_1186 = tpu.memref_slice %arg10[%add3A_1178] : memref<524416xf32, #tpu.memory_space<vmem_shared>> -> memref<1024xf32, #tpu.memory_space<vmem_shared>>
    tpu.enqueue_dma source(%dma_start3A_1186 : memref<1024xf32, #tpu.memory_space<vmem_shared>>) target(%dma_start3A_1185 : memref<1024xf32, #tpu.memory_space<hbm>>) target_semaphore(%arg12 : memref<!tpu.dma_semaphore, #tpu.memory_space<semaphore_mem>>)
    %mul3A_1187 = arith.constant 32768 : i32
    %mul3A_1188 = arith.muli %arg1, %mul3A_1187 : i32
    %add3A_1189 = arith.constant 27648 : i32
    %add3A_1190 = arith.addi %mul3A_1188, %add3A_1189 : i32
    %mul3A_1191 = arith.constant 32 : i32
    %mul3A_1192 = arith.muli %arg1, %mul3A_1191 : i32
    %add3A_1193 = arith.constant 27 : i32
    %add3A_1194 = arith.addi %mul3A_1192, %add3A_1193 : i32
    %dma_start3A_1195 = arith.constant 0 : i32
    %dma_start3A_1196 = tpu.memref_slice %arg4[%arg0, %add3A_1194, %dma_start3A_1195] : memref<2x512x1024xf32, #tpu.memory_space<hbm>> -> memref<1x1x1024xf32, #tpu.memory_space<hbm>>
    %dma_start3A_1197 = tpu.memref_squeeze %dma_start3A_1196 : memref<1x1x1024xf32, #tpu.memory_space<hbm>> -> memref<1024xf32, #tpu.memory_space<hbm>>
    %dma_start3A_1198 = tpu.memref_slice %arg10[%add3A_1190] : memref<524416xf32, #tpu.memory_space<vmem_shared>> -> memref<1024xf32, #tpu.memory_space<vmem_shared>>
    tpu.enqueue_dma source(%dma_start3A_1198 : memref<1024xf32, #tpu.memory_space<vmem_shared>>) target(%dma_start3A_1197 : memref<1024xf32, #tpu.memory_space<hbm>>) target_semaphore(%arg12 : memref<!tpu.dma_semaphore, #tpu.memory_space<semaphore_mem>>)
    %mul3A_1199 = arith.constant 32768 : i32
    %mul3A_1200 = arith.muli %arg1, %mul3A_1199 : i32
    %add3A_1201 = arith.constant 28672 : i32
    %add3A_1202 = arith.addi %mul3A_1200, %add3A_1201 : i32
    %mul3A_1203 = arith.constant 32 : i32
    %mul3A_1204 = arith.muli %arg1, %mul3A_1203 : i32
    %add3A_1205 = arith.constant 28 : i32
    %add3A_1206 = arith.addi %mul3A_1204, %add3A_1205 : i32
    %dma_start3A_1207 = arith.constant 0 : i32
    %dma_start3A_1208 = tpu.memref_slice %arg4[%arg0, %add3A_1206, %dma_start3A_1207] : memref<2x512x1024xf32, #tpu.memory_space<hbm>> -> memref<1x1x1024xf32, #tpu.memory_space<hbm>>
    %dma_start3A_1209 = tpu.memref_squeeze %dma_start3A_1208 : memref<1x1x1024xf32, #tpu.memory_space<hbm>> -> memref<1024xf32, #tpu.memory_space<hbm>>
    %dma_start3A_1210 = tpu.memref_slice %arg10[%add3A_1202] : memref<524416xf32, #tpu.memory_space<vmem_shared>> -> memref<1024xf32, #tpu.memory_space<vmem_shared>>
    tpu.enqueue_dma source(%dma_start3A_1210 : memref<1024xf32, #tpu.memory_space<vmem_shared>>) target(%dma_start3A_1209 : memref<1024xf32, #tpu.memory_space<hbm>>) target_semaphore(%arg12 : memref<!tpu.dma_semaphore, #tpu.memory_space<semaphore_mem>>)
    %mul3A_1211 = arith.constant 32768 : i32
    %mul3A_1212 = arith.muli %arg1, %mul3A_1211 : i32
    %add3A_1213 = arith.constant 29696 : i32
    %add3A_1214 = arith.addi %mul3A_1212, %add3A_1213 : i32
    %mul3A_1215 = arith.constant 32 : i32
    %mul3A_1216 = arith.muli %arg1, %mul3A_1215 : i32
    %add3A_1217 = arith.constant 29 : i32
    %add3A_1218 = arith.addi %mul3A_1216, %add3A_1217 : i32
    %dma_start3A_1219 = arith.constant 0 : i32
    %dma_start3A_1220 = tpu.memref_slice %arg4[%arg0, %add3A_1218, %dma_start3A_1219] : memref<2x512x1024xf32, #tpu.memory_space<hbm>> -> memref<1x1x1024xf32, #tpu.memory_space<hbm>>
    %dma_start3A_1221 = tpu.memref_squeeze %dma_start3A_1220 : memref<1x1x1024xf32, #tpu.memory_space<hbm>> -> memref<1024xf32, #tpu.memory_space<hbm>>
    %dma_start3A_1222 = tpu.memref_slice %arg10[%add3A_1214] : memref<524416xf32, #tpu.memory_space<vmem_shared>> -> memref<1024xf32, #tpu.memory_space<vmem_shared>>
    tpu.enqueue_dma source(%dma_start3A_1222 : memref<1024xf32, #tpu.memory_space<vmem_shared>>) target(%dma_start3A_1221 : memref<1024xf32, #tpu.memory_space<hbm>>) target_semaphore(%arg12 : memref<!tpu.dma_semaphore, #tpu.memory_space<semaphore_mem>>)
    %mul3A_1223 = arith.constant 32768 : i32
    %mul3A_1224 = arith.muli %arg1, %mul3A_1223 : i32
    %add3A_1225 = arith.constant 30720 : i32
    %add3A_1226 = arith.addi %mul3A_1224, %add3A_1225 : i32
    %mul3A_1227 = arith.constant 32 : i32
    %mul3A_1228 = arith.muli %arg1, %mul3A_1227 : i32
    %add3A_1229 = arith.constant 30 : i32
    %add3A_1230 = arith.addi %mul3A_1228, %add3A_1229 : i32
    %dma_start3A_1231 = arith.constant 0 : i32
    %dma_start3A_1232 = tpu.memref_slice %arg4[%arg0, %add3A_1230, %dma_start3A_1231] : memref<2x512x1024xf32, #tpu.memory_space<hbm>> -> memref<1x1x1024xf32, #tpu.memory_space<hbm>>
    %dma_start3A_1233 = tpu.memref_squeeze %dma_start3A_1232 : memref<1x1x1024xf32, #tpu.memory_space<hbm>> -> memref<1024xf32, #tpu.memory_space<hbm>>
    %dma_start3A_1234 = tpu.memref_slice %arg10[%add3A_1226] : memref<524416xf32, #tpu.memory_space<vmem_shared>> -> memref<1024xf32, #tpu.memory_space<vmem_shared>>
    tpu.enqueue_dma source(%dma_start3A_1234 : memref<1024xf32, #tpu.memory_space<vmem_shared>>) target(%dma_start3A_1233 : memref<1024xf32, #tpu.memory_space<hbm>>) target_semaphore(%arg12 : memref<!tpu.dma_semaphore, #tpu.memory_space<semaphore_mem>>)
    %mul3A_1235 = arith.constant 32768 : i32
    %mul3A_1236 = arith.muli %arg1, %mul3A_1235 : i32
    %add3A_1237 = arith.constant 31744 : i32
    %add3A_1238 = arith.addi %mul3A_1236, %add3A_1237 : i32
    %mul3A_1239 = arith.constant 32 : i32
    %mul3A_1240 = arith.muli %arg1, %mul3A_1239 : i32
    %add3A_1241 = arith.constant 31 : i32
    %add3A_1242 = arith.addi %mul3A_1240, %add3A_1241 : i32
    %dma_start3A_1243 = arith.constant 0 : i32
    %dma_start3A_1244 = tpu.memref_slice %arg4[%arg0, %add3A_1242, %dma_start3A_1243] : memref<2x512x1024xf32, #tpu.memory_space<hbm>> -> memref<1x1x1024xf32, #tpu.memory_space<hbm>>
    %dma_start3A_1245 = tpu.memref_squeeze %dma_start3A_1244 : memref<1x1x1024xf32, #tpu.memory_space<hbm>> -> memref<1024xf32, #tpu.memory_space<hbm>>
    %dma_start3A_1246 = tpu.memref_slice %arg10[%add3A_1238] : memref<524416xf32, #tpu.memory_space<vmem_shared>> -> memref<1024xf32, #tpu.memory_space<vmem_shared>>
    tpu.enqueue_dma source(%dma_start3A_1246 : memref<1024xf32, #tpu.memory_space<vmem_shared>>) target(%dma_start3A_1245 : memref<1024xf32, #tpu.memory_space<hbm>>) target_semaphore(%arg12 : memref<!tpu.dma_semaphore, #tpu.memory_space<semaphore_mem>>)
    %dma_wait3A_1247 = arith.constant 0 : i32
    %dma_wait3A_1248 = tpu.memref_slice %arg4[%arg0, %add3A_870, %dma_wait3A_1247] : memref<2x512x1024xf32, #tpu.memory_space<hbm>> -> memref<1x1x1024xf32, #tpu.memory_space<hbm>>
    %dma_wait3A_1249 = tpu.memref_squeeze %dma_wait3A_1248 : memref<1x1x1024xf32, #tpu.memory_space<hbm>> -> memref<1024xf32, #tpu.memory_space<hbm>>
    %dma_wait3A_1250 = tpu.memref_slice %arg10[%add3A_866] : memref<524416xf32, #tpu.memory_space<vmem_shared>> -> memref<1024xf32, #tpu.memory_space<vmem_shared>>
    tpu.wait_dma2 semaphore(%arg12 : memref<!tpu.dma_semaphore, #tpu.memory_space<semaphore_mem>>) src(%dma_wait3A_1250 : memref<1024xf32, #tpu.memory_space<vmem_shared>>) dst(%dma_wait3A_1249 : memref<1024xf32, #tpu.memory_space<hbm>>)
    %dma_wait3A_1251 = arith.constant 0 : i32
    %dma_wait3A_1252 = tpu.memref_slice %arg4[%arg0, %add3A_882, %dma_wait3A_1251] : memref<2x512x1024xf32, #tpu.memory_space<hbm>> -> memref<1x1x1024xf32, #tpu.memory_space<hbm>>
    %dma_wait3A_1253 = tpu.memref_squeeze %dma_wait3A_1252 : memref<1x1x1024xf32, #tpu.memory_space<hbm>> -> memref<1024xf32, #tpu.memory_space<hbm>>
    %dma_wait3A_1254 = tpu.memref_slice %arg10[%add3A_878] : memref<524416xf32, #tpu.memory_space<vmem_shared>> -> memref<1024xf32, #tpu.memory_space<vmem_shared>>
    tpu.wait_dma2 semaphore(%arg12 : memref<!tpu.dma_semaphore, #tpu.memory_space<semaphore_mem>>) src(%dma_wait3A_1254 : memref<1024xf32, #tpu.memory_space<vmem_shared>>) dst(%dma_wait3A_1253 : memref<1024xf32, #tpu.memory_space<hbm>>)
    %dma_wait3A_1255 = arith.constant 0 : i32
    %dma_wait3A_1256 = tpu.memref_slice %arg4[%arg0, %add3A_894, %dma_wait3A_1255] : memref<2x512x1024xf32, #tpu.memory_space<hbm>> -> memref<1x1x1024xf32, #tpu.memory_space<hbm>>
    %dma_wait3A_1257 = tpu.memref_squeeze %dma_wait3A_1256 : memref<1x1x1024xf32, #tpu.memory_space<hbm>> -> memref<1024xf32, #tpu.memory_space<hbm>>
    %dma_wait3A_1258 = tpu.memref_slice %arg10[%add3A_890] : memref<524416xf32, #tpu.memory_space<vmem_shared>> -> memref<1024xf32, #tpu.memory_space<vmem_shared>>
    tpu.wait_dma2 semaphore(%arg12 : memref<!tpu.dma_semaphore, #tpu.memory_space<semaphore_mem>>) src(%dma_wait3A_1258 : memref<1024xf32, #tpu.memory_space<vmem_shared>>) dst(%dma_wait3A_1257 : memref<1024xf32, #tpu.memory_space<hbm>>)
    %dma_wait3A_1259 = arith.constant 0 : i32
    %dma_wait3A_1260 = tpu.memref_slice %arg4[%arg0, %add3A_906, %dma_wait3A_1259] : memref<2x512x1024xf32, #tpu.memory_space<hbm>> -> memref<1x1x1024xf32, #tpu.memory_space<hbm>>
    %dma_wait3A_1261 = tpu.memref_squeeze %dma_wait3A_1260 : memref<1x1x1024xf32, #tpu.memory_space<hbm>> -> memref<1024xf32, #tpu.memory_space<hbm>>
    %dma_wait3A_1262 = tpu.memref_slice %arg10[%add3A_902] : memref<524416xf32, #tpu.memory_space<vmem_shared>> -> memref<1024xf32, #tpu.memory_space<vmem_shared>>
    tpu.wait_dma2 semaphore(%arg12 : memref<!tpu.dma_semaphore, #tpu.memory_space<semaphore_mem>>) src(%dma_wait3A_1262 : memref<1024xf32, #tpu.memory_space<vmem_shared>>) dst(%dma_wait3A_1261 : memref<1024xf32, #tpu.memory_space<hbm>>)
    %dma_wait3A_1263 = arith.constant 0 : i32
    %dma_wait3A_1264 = tpu.memref_slice %arg4[%arg0, %add3A_918, %dma_wait3A_1263] : memref<2x512x1024xf32, #tpu.memory_space<hbm>> -> memref<1x1x1024xf32, #tpu.memory_space<hbm>>
    %dma_wait3A_1265 = tpu.memref_squeeze %dma_wait3A_1264 : memref<1x1x1024xf32, #tpu.memory_space<hbm>> -> memref<1024xf32, #tpu.memory_space<hbm>>
    %dma_wait3A_1266 = tpu.memref_slice %arg10[%add3A_914] : memref<524416xf32, #tpu.memory_space<vmem_shared>> -> memref<1024xf32, #tpu.memory_space<vmem_shared>>
    tpu.wait_dma2 semaphore(%arg12 : memref<!tpu.dma_semaphore, #tpu.memory_space<semaphore_mem>>) src(%dma_wait3A_1266 : memref<1024xf32, #tpu.memory_space<vmem_shared>>) dst(%dma_wait3A_1265 : memref<1024xf32, #tpu.memory_space<hbm>>)
    %dma_wait3A_1267 = arith.constant 0 : i32
    %dma_wait3A_1268 = tpu.memref_slice %arg4[%arg0, %add3A_930, %dma_wait3A_1267] : memref<2x512x1024xf32, #tpu.memory_space<hbm>> -> memref<1x1x1024xf32, #tpu.memory_space<hbm>>
    %dma_wait3A_1269 = tpu.memref_squeeze %dma_wait3A_1268 : memref<1x1x1024xf32, #tpu.memory_space<hbm>> -> memref<1024xf32, #tpu.memory_space<hbm>>
    %dma_wait3A_1270 = tpu.memref_slice %arg10[%add3A_926] : memref<524416xf32, #tpu.memory_space<vmem_shared>> -> memref<1024xf32, #tpu.memory_space<vmem_shared>>
    tpu.wait_dma2 semaphore(%arg12 : memref<!tpu.dma_semaphore, #tpu.memory_space<semaphore_mem>>) src(%dma_wait3A_1270 : memref<1024xf32, #tpu.memory_space<vmem_shared>>) dst(%dma_wait3A_1269 : memref<1024xf32, #tpu.memory_space<hbm>>)
    %dma_wait3A_1271 = arith.constant 0 : i32
    %dma_wait3A_1272 = tpu.memref_slice %arg4[%arg0, %add3A_942, %dma_wait3A_1271] : memref<2x512x1024xf32, #tpu.memory_space<hbm>> -> memref<1x1x1024xf32, #tpu.memory_space<hbm>>
    %dma_wait3A_1273 = tpu.memref_squeeze %dma_wait3A_1272 : memref<1x1x1024xf32, #tpu.memory_space<hbm>> -> memref<1024xf32, #tpu.memory_space<hbm>>
    %dma_wait3A_1274 = tpu.memref_slice %arg10[%add3A_938] : memref<524416xf32, #tpu.memory_space<vmem_shared>> -> memref<1024xf32, #tpu.memory_space<vmem_shared>>
    tpu.wait_dma2 semaphore(%arg12 : memref<!tpu.dma_semaphore, #tpu.memory_space<semaphore_mem>>) src(%dma_wait3A_1274 : memref<1024xf32, #tpu.memory_space<vmem_shared>>) dst(%dma_wait3A_1273 : memref<1024xf32, #tpu.memory_space<hbm>>)
    %dma_wait3A_1275 = arith.constant 0 : i32
    %dma_wait3A_1276 = tpu.memref_slice %arg4[%arg0, %add3A_954, %dma_wait3A_1275] : memref<2x512x1024xf32, #tpu.memory_space<hbm>> -> memref<1x1x1024xf32, #tpu.memory_space<hbm>>
    %dma_wait3A_1277 = tpu.memref_squeeze %dma_wait3A_1276 : memref<1x1x1024xf32, #tpu.memory_space<hbm>> -> memref<1024xf32, #tpu.memory_space<hbm>>
    %dma_wait3A_1278 = tpu.memref_slice %arg10[%add3A_950] : memref<524416xf32, #tpu.memory_space<vmem_shared>> -> memref<1024xf32, #tpu.memory_space<vmem_shared>>
    tpu.wait_dma2 semaphore(%arg12 : memref<!tpu.dma_semaphore, #tpu.memory_space<semaphore_mem>>) src(%dma_wait3A_1278 : memref<1024xf32, #tpu.memory_space<vmem_shared>>) dst(%dma_wait3A_1277 : memref<1024xf32, #tpu.memory_space<hbm>>)
    %dma_wait3A_1279 = arith.constant 0 : i32
    %dma_wait3A_1280 = tpu.memref_slice %arg4[%arg0, %add3A_966, %dma_wait3A_1279] : memref<2x512x1024xf32, #tpu.memory_space<hbm>> -> memref<1x1x1024xf32, #tpu.memory_space<hbm>>
    %dma_wait3A_1281 = tpu.memref_squeeze %dma_wait3A_1280 : memref<1x1x1024xf32, #tpu.memory_space<hbm>> -> memref<1024xf32, #tpu.memory_space<hbm>>
    %dma_wait3A_1282 = tpu.memref_slice %arg10[%add3A_962] : memref<524416xf32, #tpu.memory_space<vmem_shared>> -> memref<1024xf32, #tpu.memory_space<vmem_shared>>
    tpu.wait_dma2 semaphore(%arg12 : memref<!tpu.dma_semaphore, #tpu.memory_space<semaphore_mem>>) src(%dma_wait3A_1282 : memref<1024xf32, #tpu.memory_space<vmem_shared>>) dst(%dma_wait3A_1281 : memref<1024xf32, #tpu.memory_space<hbm>>)
    %dma_wait3A_1283 = arith.constant 0 : i32
    %dma_wait3A_1284 = tpu.memref_slice %arg4[%arg0, %add3A_978, %dma_wait3A_1283] : memref<2x512x1024xf32, #tpu.memory_space<hbm>> -> memref<1x1x1024xf32, #tpu.memory_space<hbm>>
    %dma_wait3A_1285 = tpu.memref_squeeze %dma_wait3A_1284 : memref<1x1x1024xf32, #tpu.memory_space<hbm>> -> memref<1024xf32, #tpu.memory_space<hbm>>
    %dma_wait3A_1286 = tpu.memref_slice %arg10[%add3A_974] : memref<524416xf32, #tpu.memory_space<vmem_shared>> -> memref<1024xf32, #tpu.memory_space<vmem_shared>>
    tpu.wait_dma2 semaphore(%arg12 : memref<!tpu.dma_semaphore, #tpu.memory_space<semaphore_mem>>) src(%dma_wait3A_1286 : memref<1024xf32, #tpu.memory_space<vmem_shared>>) dst(%dma_wait3A_1285 : memref<1024xf32, #tpu.memory_space<hbm>>)
    %dma_wait3A_1287 = arith.constant 0 : i32
    %dma_wait3A_1288 = tpu.memref_slice %arg4[%arg0, %add3A_990, %dma_wait3A_1287] : memref<2x512x1024xf32, #tpu.memory_space<hbm>> -> memref<1x1x1024xf32, #tpu.memory_space<hbm>>
    %dma_wait3A_1289 = tpu.memref_squeeze %dma_wait3A_1288 : memref<1x1x1024xf32, #tpu.memory_space<hbm>> -> memref<1024xf32, #tpu.memory_space<hbm>>
    %dma_wait3A_1290 = tpu.memref_slice %arg10[%add3A_986] : memref<524416xf32, #tpu.memory_space<vmem_shared>> -> memref<1024xf32, #tpu.memory_space<vmem_shared>>
    tpu.wait_dma2 semaphore(%arg12 : memref<!tpu.dma_semaphore, #tpu.memory_space<semaphore_mem>>) src(%dma_wait3A_1290 : memref<1024xf32, #tpu.memory_space<vmem_shared>>) dst(%dma_wait3A_1289 : memref<1024xf32, #tpu.memory_space<hbm>>)
    %dma_wait3A_1291 = arith.constant 0 : i32
    %dma_wait3A_1292 = tpu.memref_slice %arg4[%arg0, %add3A_1002, %dma_wait3A_1291] : memref<2x512x1024xf32, #tpu.memory_space<hbm>> -> memref<1x1x1024xf32, #tpu.memory_space<hbm>>
    %dma_wait3A_1293 = tpu.memref_squeeze %dma_wait3A_1292 : memref<1x1x1024xf32, #tpu.memory_space<hbm>> -> memref<1024xf32, #tpu.memory_space<hbm>>
    %dma_wait3A_1294 = tpu.memref_slice %arg10[%add3A_998] : memref<524416xf32, #tpu.memory_space<vmem_shared>> -> memref<1024xf32, #tpu.memory_space<vmem_shared>>
    tpu.wait_dma2 semaphore(%arg12 : memref<!tpu.dma_semaphore, #tpu.memory_space<semaphore_mem>>) src(%dma_wait3A_1294 : memref<1024xf32, #tpu.memory_space<vmem_shared>>) dst(%dma_wait3A_1293 : memref<1024xf32, #tpu.memory_space<hbm>>)
    %dma_wait3A_1295 = arith.constant 0 : i32
    %dma_wait3A_1296 = tpu.memref_slice %arg4[%arg0, %add3A_1014, %dma_wait3A_1295] : memref<2x512x1024xf32, #tpu.memory_space<hbm>> -> memref<1x1x1024xf32, #tpu.memory_space<hbm>>
    %dma_wait3A_1297 = tpu.memref_squeeze %dma_wait3A_1296 : memref<1x1x1024xf32, #tpu.memory_space<hbm>> -> memref<1024xf32, #tpu.memory_space<hbm>>
    %dma_wait3A_1298 = tpu.memref_slice %arg10[%add3A_1010] : memref<524416xf32, #tpu.memory_space<vmem_shared>> -> memref<1024xf32, #tpu.memory_space<vmem_shared>>
    tpu.wait_dma2 semaphore(%arg12 : memref<!tpu.dma_semaphore, #tpu.memory_space<semaphore_mem>>) src(%dma_wait3A_1298 : memref<1024xf32, #tpu.memory_space<vmem_shared>>) dst(%dma_wait3A_1297 : memref<1024xf32, #tpu.memory_space<hbm>>)
    %dma_wait3A_1299 = arith.constant 0 : i32
    %dma_wait3A_1300 = tpu.memref_slice %arg4[%arg0, %add3A_1026, %dma_wait3A_1299] : memref<2x512x1024xf32, #tpu.memory_space<hbm>> -> memref<1x1x1024xf32, #tpu.memory_space<hbm>>
    %dma_wait3A_1301 = tpu.memref_squeeze %dma_wait3A_1300 : memref<1x1x1024xf32, #tpu.memory_space<hbm>> -> memref<1024xf32, #tpu.memory_space<hbm>>
    %dma_wait3A_1302 = tpu.memref_slice %arg10[%add3A_1022] : memref<524416xf32, #tpu.memory_space<vmem_shared>> -> memref<1024xf32, #tpu.memory_space<vmem_shared>>
    tpu.wait_dma2 semaphore(%arg12 : memref<!tpu.dma_semaphore, #tpu.memory_space<semaphore_mem>>) src(%dma_wait3A_1302 : memref<1024xf32, #tpu.memory_space<vmem_shared>>) dst(%dma_wait3A_1301 : memref<1024xf32, #tpu.memory_space<hbm>>)
    %dma_wait3A_1303 = arith.constant 0 : i32
    %dma_wait3A_1304 = tpu.memref_slice %arg4[%arg0, %add3A_1038, %dma_wait3A_1303] : memref<2x512x1024xf32, #tpu.memory_space<hbm>> -> memref<1x1x1024xf32, #tpu.memory_space<hbm>>
    %dma_wait3A_1305 = tpu.memref_squeeze %dma_wait3A_1304 : memref<1x1x1024xf32, #tpu.memory_space<hbm>> -> memref<1024xf32, #tpu.memory_space<hbm>>
    %dma_wait3A_1306 = tpu.memref_slice %arg10[%add3A_1034] : memref<524416xf32, #tpu.memory_space<vmem_shared>> -> memref<1024xf32, #tpu.memory_space<vmem_shared>>
    tpu.wait_dma2 semaphore(%arg12 : memref<!tpu.dma_semaphore, #tpu.memory_space<semaphore_mem>>) src(%dma_wait3A_1306 : memref<1024xf32, #tpu.memory_space<vmem_shared>>) dst(%dma_wait3A_1305 : memref<1024xf32, #tpu.memory_space<hbm>>)
    %dma_wait3A_1307 = arith.constant 0 : i32
    %dma_wait3A_1308 = tpu.memref_slice %arg4[%arg0, %add3A_1050, %dma_wait3A_1307] : memref<2x512x1024xf32, #tpu.memory_space<hbm>> -> memref<1x1x1024xf32, #tpu.memory_space<hbm>>
    %dma_wait3A_1309 = tpu.memref_squeeze %dma_wait3A_1308 : memref<1x1x1024xf32, #tpu.memory_space<hbm>> -> memref<1024xf32, #tpu.memory_space<hbm>>
    %dma_wait3A_1310 = tpu.memref_slice %arg10[%add3A_1046] : memref<524416xf32, #tpu.memory_space<vmem_shared>> -> memref<1024xf32, #tpu.memory_space<vmem_shared>>
    tpu.wait_dma2 semaphore(%arg12 : memref<!tpu.dma_semaphore, #tpu.memory_space<semaphore_mem>>) src(%dma_wait3A_1310 : memref<1024xf32, #tpu.memory_space<vmem_shared>>) dst(%dma_wait3A_1309 : memref<1024xf32, #tpu.memory_space<hbm>>)
    %dma_wait3A_1311 = arith.constant 0 : i32
    %dma_wait3A_1312 = tpu.memref_slice %arg4[%arg0, %add3A_1062, %dma_wait3A_1311] : memref<2x512x1024xf32, #tpu.memory_space<hbm>> -> memref<1x1x1024xf32, #tpu.memory_space<hbm>>
    %dma_wait3A_1313 = tpu.memref_squeeze %dma_wait3A_1312 : memref<1x1x1024xf32, #tpu.memory_space<hbm>> -> memref<1024xf32, #tpu.memory_space<hbm>>
    %dma_wait3A_1314 = tpu.memref_slice %arg10[%add3A_1058] : memref<524416xf32, #tpu.memory_space<vmem_shared>> -> memref<1024xf32, #tpu.memory_space<vmem_shared>>
    tpu.wait_dma2 semaphore(%arg12 : memref<!tpu.dma_semaphore, #tpu.memory_space<semaphore_mem>>) src(%dma_wait3A_1314 : memref<1024xf32, #tpu.memory_space<vmem_shared>>) dst(%dma_wait3A_1313 : memref<1024xf32, #tpu.memory_space<hbm>>)
    %dma_wait3A_1315 = arith.constant 0 : i32
    %dma_wait3A_1316 = tpu.memref_slice %arg4[%arg0, %add3A_1074, %dma_wait3A_1315] : memref<2x512x1024xf32, #tpu.memory_space<hbm>> -> memref<1x1x1024xf32, #tpu.memory_space<hbm>>
    %dma_wait3A_1317 = tpu.memref_squeeze %dma_wait3A_1316 : memref<1x1x1024xf32, #tpu.memory_space<hbm>> -> memref<1024xf32, #tpu.memory_space<hbm>>
    %dma_wait3A_1318 = tpu.memref_slice %arg10[%add3A_1070] : memref<524416xf32, #tpu.memory_space<vmem_shared>> -> memref<1024xf32, #tpu.memory_space<vmem_shared>>
    tpu.wait_dma2 semaphore(%arg12 : memref<!tpu.dma_semaphore, #tpu.memory_space<semaphore_mem>>) src(%dma_wait3A_1318 : memref<1024xf32, #tpu.memory_space<vmem_shared>>) dst(%dma_wait3A_1317 : memref<1024xf32, #tpu.memory_space<hbm>>)
    %dma_wait3A_1319 = arith.constant 0 : i32
    %dma_wait3A_1320 = tpu.memref_slice %arg4[%arg0, %add3A_1086, %dma_wait3A_1319] : memref<2x512x1024xf32, #tpu.memory_space<hbm>> -> memref<1x1x1024xf32, #tpu.memory_space<hbm>>
    %dma_wait3A_1321 = tpu.memref_squeeze %dma_wait3A_1320 : memref<1x1x1024xf32, #tpu.memory_space<hbm>> -> memref<1024xf32, #tpu.memory_space<hbm>>
    %dma_wait3A_1322 = tpu.memref_slice %arg10[%add3A_1082] : memref<524416xf32, #tpu.memory_space<vmem_shared>> -> memref<1024xf32, #tpu.memory_space<vmem_shared>>
    tpu.wait_dma2 semaphore(%arg12 : memref<!tpu.dma_semaphore, #tpu.memory_space<semaphore_mem>>) src(%dma_wait3A_1322 : memref<1024xf32, #tpu.memory_space<vmem_shared>>) dst(%dma_wait3A_1321 : memref<1024xf32, #tpu.memory_space<hbm>>)
    %dma_wait3A_1323 = arith.constant 0 : i32
    %dma_wait3A_1324 = tpu.memref_slice %arg4[%arg0, %add3A_1098, %dma_wait3A_1323] : memref<2x512x1024xf32, #tpu.memory_space<hbm>> -> memref<1x1x1024xf32, #tpu.memory_space<hbm>>
    %dma_wait3A_1325 = tpu.memref_squeeze %dma_wait3A_1324 : memref<1x1x1024xf32, #tpu.memory_space<hbm>> -> memref<1024xf32, #tpu.memory_space<hbm>>
    %dma_wait3A_1326 = tpu.memref_slice %arg10[%add3A_1094] : memref<524416xf32, #tpu.memory_space<vmem_shared>> -> memref<1024xf32, #tpu.memory_space<vmem_shared>>
    tpu.wait_dma2 semaphore(%arg12 : memref<!tpu.dma_semaphore, #tpu.memory_space<semaphore_mem>>) src(%dma_wait3A_1326 : memref<1024xf32, #tpu.memory_space<vmem_shared>>) dst(%dma_wait3A_1325 : memref<1024xf32, #tpu.memory_space<hbm>>)
    %dma_wait3A_1327 = arith.constant 0 : i32
    %dma_wait3A_1328 = tpu.memref_slice %arg4[%arg0, %add3A_1110, %dma_wait3A_1327] : memref<2x512x1024xf32, #tpu.memory_space<hbm>> -> memref<1x1x1024xf32, #tpu.memory_space<hbm>>
    %dma_wait3A_1329 = tpu.memref_squeeze %dma_wait3A_1328 : memref<1x1x1024xf32, #tpu.memory_space<hbm>> -> memref<1024xf32, #tpu.memory_space<hbm>>
    %dma_wait3A_1330 = tpu.memref_slice %arg10[%add3A_1106] : memref<524416xf32, #tpu.memory_space<vmem_shared>> -> memref<1024xf32, #tpu.memory_space<vmem_shared>>
    tpu.wait_dma2 semaphore(%arg12 : memref<!tpu.dma_semaphore, #tpu.memory_space<semaphore_mem>>) src(%dma_wait3A_1330 : memref<1024xf32, #tpu.memory_space<vmem_shared>>) dst(%dma_wait3A_1329 : memref<1024xf32, #tpu.memory_space<hbm>>)
    %dma_wait3A_1331 = arith.constant 0 : i32
    %dma_wait3A_1332 = tpu.memref_slice %arg4[%arg0, %add3A_1122, %dma_wait3A_1331] : memref<2x512x1024xf32, #tpu.memory_space<hbm>> -> memref<1x1x1024xf32, #tpu.memory_space<hbm>>
    %dma_wait3A_1333 = tpu.memref_squeeze %dma_wait3A_1332 : memref<1x1x1024xf32, #tpu.memory_space<hbm>> -> memref<1024xf32, #tpu.memory_space<hbm>>
    %dma_wait3A_1334 = tpu.memref_slice %arg10[%add3A_1118] : memref<524416xf32, #tpu.memory_space<vmem_shared>> -> memref<1024xf32, #tpu.memory_space<vmem_shared>>
    tpu.wait_dma2 semaphore(%arg12 : memref<!tpu.dma_semaphore, #tpu.memory_space<semaphore_mem>>) src(%dma_wait3A_1334 : memref<1024xf32, #tpu.memory_space<vmem_shared>>) dst(%dma_wait3A_1333 : memref<1024xf32, #tpu.memory_space<hbm>>)
    %dma_wait3A_1335 = arith.constant 0 : i32
    %dma_wait3A_1336 = tpu.memref_slice %arg4[%arg0, %add3A_1134, %dma_wait3A_1335] : memref<2x512x1024xf32, #tpu.memory_space<hbm>> -> memref<1x1x1024xf32, #tpu.memory_space<hbm>>
    %dma_wait3A_1337 = tpu.memref_squeeze %dma_wait3A_1336 : memref<1x1x1024xf32, #tpu.memory_space<hbm>> -> memref<1024xf32, #tpu.memory_space<hbm>>
    %dma_wait3A_1338 = tpu.memref_slice %arg10[%add3A_1130] : memref<524416xf32, #tpu.memory_space<vmem_shared>> -> memref<1024xf32, #tpu.memory_space<vmem_shared>>
    tpu.wait_dma2 semaphore(%arg12 : memref<!tpu.dma_semaphore, #tpu.memory_space<semaphore_mem>>) src(%dma_wait3A_1338 : memref<1024xf32, #tpu.memory_space<vmem_shared>>) dst(%dma_wait3A_1337 : memref<1024xf32, #tpu.memory_space<hbm>>)
    %dma_wait3A_1339 = arith.constant 0 : i32
    %dma_wait3A_1340 = tpu.memref_slice %arg4[%arg0, %add3A_1146, %dma_wait3A_1339] : memref<2x512x1024xf32, #tpu.memory_space<hbm>> -> memref<1x1x1024xf32, #tpu.memory_space<hbm>>
    %dma_wait3A_1341 = tpu.memref_squeeze %dma_wait3A_1340 : memref<1x1x1024xf32, #tpu.memory_space<hbm>> -> memref<1024xf32, #tpu.memory_space<hbm>>
    %dma_wait3A_1342 = tpu.memref_slice %arg10[%add3A_1142] : memref<524416xf32, #tpu.memory_space<vmem_shared>> -> memref<1024xf32, #tpu.memory_space<vmem_shared>>
    tpu.wait_dma2 semaphore(%arg12 : memref<!tpu.dma_semaphore, #tpu.memory_space<semaphore_mem>>) src(%dma_wait3A_1342 : memref<1024xf32, #tpu.memory_space<vmem_shared>>) dst(%dma_wait3A_1341 : memref<1024xf32, #tpu.memory_space<hbm>>)
    %dma_wait3A_1343 = arith.constant 0 : i32
    %dma_wait3A_1344 = tpu.memref_slice %arg4[%arg0, %add3A_1158, %dma_wait3A_1343] : memref<2x512x1024xf32, #tpu.memory_space<hbm>> -> memref<1x1x1024xf32, #tpu.memory_space<hbm>>
    %dma_wait3A_1345 = tpu.memref_squeeze %dma_wait3A_1344 : memref<1x1x1024xf32, #tpu.memory_space<hbm>> -> memref<1024xf32, #tpu.memory_space<hbm>>
    %dma_wait3A_1346 = tpu.memref_slice %arg10[%add3A_1154] : memref<524416xf32, #tpu.memory_space<vmem_shared>> -> memref<1024xf32, #tpu.memory_space<vmem_shared>>
    tpu.wait_dma2 semaphore(%arg12 : memref<!tpu.dma_semaphore, #tpu.memory_space<semaphore_mem>>) src(%dma_wait3A_1346 : memref<1024xf32, #tpu.memory_space<vmem_shared>>) dst(%dma_wait3A_1345 : memref<1024xf32, #tpu.memory_space<hbm>>)
    %dma_wait3A_1347 = arith.constant 0 : i32
    %dma_wait3A_1348 = tpu.memref_slice %arg4[%arg0, %add3A_1170, %dma_wait3A_1347] : memref<2x512x1024xf32, #tpu.memory_space<hbm>> -> memref<1x1x1024xf32, #tpu.memory_space<hbm>>
    %dma_wait3A_1349 = tpu.memref_squeeze %dma_wait3A_1348 : memref<1x1x1024xf32, #tpu.memory_space<hbm>> -> memref<1024xf32, #tpu.memory_space<hbm>>
    %dma_wait3A_1350 = tpu.memref_slice %arg10[%add3A_1166] : memref<524416xf32, #tpu.memory_space<vmem_shared>> -> memref<1024xf32, #tpu.memory_space<vmem_shared>>
    tpu.wait_dma2 semaphore(%arg12 : memref<!tpu.dma_semaphore, #tpu.memory_space<semaphore_mem>>) src(%dma_wait3A_1350 : memref<1024xf32, #tpu.memory_space<vmem_shared>>) dst(%dma_wait3A_1349 : memref<1024xf32, #tpu.memory_space<hbm>>)
    %dma_wait3A_1351 = arith.constant 0 : i32
    %dma_wait3A_1352 = tpu.memref_slice %arg4[%arg0, %add3A_1182, %dma_wait3A_1351] : memref<2x512x1024xf32, #tpu.memory_space<hbm>> -> memref<1x1x1024xf32, #tpu.memory_space<hbm>>
    %dma_wait3A_1353 = tpu.memref_squeeze %dma_wait3A_1352 : memref<1x1x1024xf32, #tpu.memory_space<hbm>> -> memref<1024xf32, #tpu.memory_space<hbm>>
    %dma_wait3A_1354 = tpu.memref_slice %arg10[%add3A_1178] : memref<524416xf32, #tpu.memory_space<vmem_shared>> -> memref<1024xf32, #tpu.memory_space<vmem_shared>>
    tpu.wait_dma2 semaphore(%arg12 : memref<!tpu.dma_semaphore, #tpu.memory_space<semaphore_mem>>) src(%dma_wait3A_1354 : memref<1024xf32, #tpu.memory_space<vmem_shared>>) dst(%dma_wait3A_1353 : memref<1024xf32, #tpu.memory_space<hbm>>)
    %dma_wait3A_1355 = arith.constant 0 : i32
    %dma_wait3A_1356 = tpu.memref_slice %arg4[%arg0, %add3A_1194, %dma_wait3A_1355] : memref<2x512x1024xf32, #tpu.memory_space<hbm>> -> memref<1x1x1024xf32, #tpu.memory_space<hbm>>
    %dma_wait3A_1357 = tpu.memref_squeeze %dma_wait3A_1356 : memref<1x1x1024xf32, #tpu.memory_space<hbm>> -> memref<1024xf32, #tpu.memory_space<hbm>>
    %dma_wait3A_1358 = tpu.memref_slice %arg10[%add3A_1190] : memref<524416xf32, #tpu.memory_space<vmem_shared>> -> memref<1024xf32, #tpu.memory_space<vmem_shared>>
    tpu.wait_dma2 semaphore(%arg12 : memref<!tpu.dma_semaphore, #tpu.memory_space<semaphore_mem>>) src(%dma_wait3A_1358 : memref<1024xf32, #tpu.memory_space<vmem_shared>>) dst(%dma_wait3A_1357 : memref<1024xf32, #tpu.memory_space<hbm>>)
    %dma_wait3A_1359 = arith.constant 0 : i32
    %dma_wait3A_1360 = tpu.memref_slice %arg4[%arg0, %add3A_1206, %dma_wait3A_1359] : memref<2x512x1024xf32, #tpu.memory_space<hbm>> -> memref<1x1x1024xf32, #tpu.memory_space<hbm>>
    %dma_wait3A_1361 = tpu.memref_squeeze %dma_wait3A_1360 : memref<1x1x1024xf32, #tpu.memory_space<hbm>> -> memref<1024xf32, #tpu.memory_space<hbm>>
    %dma_wait3A_1362 = tpu.memref_slice %arg10[%add3A_1202] : memref<524416xf32, #tpu.memory_space<vmem_shared>> -> memref<1024xf32, #tpu.memory_space<vmem_shared>>
    tpu.wait_dma2 semaphore(%arg12 : memref<!tpu.dma_semaphore, #tpu.memory_space<semaphore_mem>>) src(%dma_wait3A_1362 : memref<1024xf32, #tpu.memory_space<vmem_shared>>) dst(%dma_wait3A_1361 : memref<1024xf32, #tpu.memory_space<hbm>>)
    %dma_wait3A_1363 = arith.constant 0 : i32
    %dma_wait3A_1364 = tpu.memref_slice %arg4[%arg0, %add3A_1218, %dma_wait3A_1363] : memref<2x512x1024xf32, #tpu.memory_space<hbm>> -> memref<1x1x1024xf32, #tpu.memory_space<hbm>>
    %dma_wait3A_1365 = tpu.memref_squeeze %dma_wait3A_1364 : memref<1x1x1024xf32, #tpu.memory_space<hbm>> -> memref<1024xf32, #tpu.memory_space<hbm>>
    %dma_wait3A_1366 = tpu.memref_slice %arg10[%add3A_1214] : memref<524416xf32, #tpu.memory_space<vmem_shared>> -> memref<1024xf32, #tpu.memory_space<vmem_shared>>
    tpu.wait_dma2 semaphore(%arg12 : memref<!tpu.dma_semaphore, #tpu.memory_space<semaphore_mem>>) src(%dma_wait3A_1366 : memref<1024xf32, #tpu.memory_space<vmem_shared>>) dst(%dma_wait3A_1365 : memref<1024xf32, #tpu.memory_space<hbm>>)
    %dma_wait3A_1367 = arith.constant 0 : i32
    %dma_wait3A_1368 = tpu.memref_slice %arg4[%arg0, %add3A_1230, %dma_wait3A_1367] : memref<2x512x1024xf32, #tpu.memory_space<hbm>> -> memref<1x1x1024xf32, #tpu.memory_space<hbm>>
    %dma_wait3A_1369 = tpu.memref_squeeze %dma_wait3A_1368 : memref<1x1x1024xf32, #tpu.memory_space<hbm>> -> memref<1024xf32, #tpu.memory_space<hbm>>
    %dma_wait3A_1370 = tpu.memref_slice %arg10[%add3A_1226] : memref<524416xf32, #tpu.memory_space<vmem_shared>> -> memref<1024xf32, #tpu.memory_space<vmem_shared>>
    tpu.wait_dma2 semaphore(%arg12 : memref<!tpu.dma_semaphore, #tpu.memory_space<semaphore_mem>>) src(%dma_wait3A_1370 : memref<1024xf32, #tpu.memory_space<vmem_shared>>) dst(%dma_wait3A_1369 : memref<1024xf32, #tpu.memory_space<hbm>>)
    %dma_wait3A_1371 = arith.constant 0 : i32
    %dma_wait3A_1372 = tpu.memref_slice %arg4[%arg0, %add3A_1242, %dma_wait3A_1371] : memref<2x512x1024xf32, #tpu.memory_space<hbm>> -> memref<1x1x1024xf32, #tpu.memory_space<hbm>>
    %dma_wait3A_1373 = tpu.memref_squeeze %dma_wait3A_1372 : memref<1x1x1024xf32, #tpu.memory_space<hbm>> -> memref<1024xf32, #tpu.memory_space<hbm>>
    %dma_wait3A_1374 = tpu.memref_slice %arg10[%add3A_1238] : memref<524416xf32, #tpu.memory_space<vmem_shared>> -> memref<1024xf32, #tpu.memory_space<vmem_shared>>
    tpu.wait_dma2 semaphore(%arg12 : memref<!tpu.dma_semaphore, #tpu.memory_space<semaphore_mem>>) src(%dma_wait3A_1374 : memref<1024xf32, #tpu.memory_space<vmem_shared>>) dst(%dma_wait3A_1373 : memref<1024xf32, #tpu.memory_space<hbm>>)
    return
  }
}

module attributes {stable_mosaic.version = 14 : i64} {
  func.func @body(%arg0: memref<1024x1024xf32, #tpu.memory_space<vmem>>, %arg1: memref<32x1024xf32, #tpu.memory_space<vmem>>, %arg2: memref<1x1024xf32, #tpu.memory_space<vmem>>, %arg3: memref<32x10xf32, #tpu.memory_space<vmem>>) attributes {dimension_semantics = [], scalar_prefetch = 0 : i64, scratch_operands = 0 : i64, tpu.core_type = #tpu.core_type<tc>} {
    %get3A = arith.constant 0 : index
    %get3A_0 = arith.constant 0 : index
    %get3A_1 = vector.load %arg0[%get3A, %get3A_0] : memref<1024x1024xf32, #tpu.memory_space<vmem>>, vector<1024x1024xf32>
    %convert_element_type3A = arith.truncf %get3A_1 : vector<1024x1024xf32> to vector<1024x1024xbf16>
    %get3A_2 = arith.constant 0 : index
    %get3A_3 = arith.constant 0 : index
    %get3A_4 = vector.load %arg1[%get3A_2, %get3A_3] : memref<32x1024xf32, #tpu.memory_space<vmem>>, vector<32x1024xf32>
    %get3A_5 = arith.constant 0 : index
    %get3A_6 = arith.constant 0 : index
    %get3A_7 = vector.load %arg2[%get3A_5, %get3A_6] : memref<1x1024xf32, #tpu.memory_space<vmem>>, vector<1x1024xf32>
    %iota3A = tpu.iota {dimensions = array<i32: 1>} : vector<32x1024xi32>
    %lt3A = arith.constant 64 : i32
    %lt3A_8 = vector.broadcast %lt3A : i32 to vector<32x1024xi32>
    %lt3A_9 = arith.cmpi slt, %iota3A, %lt3A_8 : vector<32x1024xi32>
    %convert_element_type3A_10 = arith.truncf %get3A_4 : vector<32x1024xf32> to vector<32x1024xbf16>
    %dot_general3A = arith.constant dense<0.000000e+00> : vector<32x1024xf32>
    %dot_general3A_11 = tpu.matmul %convert_element_type3A_10, %convert_element_type3A, %dot_general3A {dimension_numbers = #tpu.dot_dimension_numbers<[1], [0], [0], [1], [0, 0, 1, 1], [], []>, transpose_lhs_hint = false} : vector<32x1024xbf16>, vector<1024x1024xbf16>, vector<32x1024xf32> -> vector<32x1024xf32>
    %add3A = vector.broadcast %get3A_7 : vector<1x1024xf32> to vector<32x1024xf32>
    %add3A_12 = arith.addf %dot_general3A_11, %add3A : vector<32x1024xf32>
    %tanh3A = math.tanh %add3A_12 : vector<32x1024xf32>
    %select_n3A = arith.select %lt3A_9, %get3A_4, %tanh3A : vector<32x1024xi1>, vector<32x1024xf32>
    %convert_element_type3A_13 = arith.truncf %select_n3A : vector<32x1024xf32> to vector<32x1024xbf16>
    %dot_general3A_14 = arith.constant dense<0.000000e+00> : vector<32x1024xf32>
    %dot_general3A_15 = tpu.matmul %convert_element_type3A_13, %convert_element_type3A, %dot_general3A_14 {dimension_numbers = #tpu.dot_dimension_numbers<[1], [0], [0], [1], [0, 0, 1, 1], [], []>, transpose_lhs_hint = false} : vector<32x1024xbf16>, vector<1024x1024xbf16>, vector<32x1024xf32> -> vector<32x1024xf32>
    %add3A_16 = vector.broadcast %get3A_7 : vector<1x1024xf32> to vector<32x1024xf32>
    %add3A_17 = arith.addf %dot_general3A_15, %add3A_16 : vector<32x1024xf32>
    %tanh3A_18 = math.tanh %add3A_17 : vector<32x1024xf32>
    %select_n3A_19 = arith.select %lt3A_9, %get3A_4, %tanh3A_18 : vector<32x1024xi1>, vector<32x1024xf32>
    %convert_element_type3A_20 = arith.truncf %select_n3A_19 : vector<32x1024xf32> to vector<32x1024xbf16>
    %dot_general3A_21 = arith.constant dense<0.000000e+00> : vector<32x1024xf32>
    %dot_general3A_22 = tpu.matmul %convert_element_type3A_20, %convert_element_type3A, %dot_general3A_21 {dimension_numbers = #tpu.dot_dimension_numbers<[1], [0], [0], [1], [0, 0, 1, 1], [], []>, transpose_lhs_hint = false} : vector<32x1024xbf16>, vector<1024x1024xbf16>, vector<32x1024xf32> -> vector<32x1024xf32>
    %add3A_23 = vector.broadcast %get3A_7 : vector<1x1024xf32> to vector<32x1024xf32>
    %add3A_24 = arith.addf %dot_general3A_22, %add3A_23 : vector<32x1024xf32>
    %tanh3A_25 = math.tanh %add3A_24 : vector<32x1024xf32>
    %select_n3A_26 = arith.select %lt3A_9, %get3A_4, %tanh3A_25 : vector<32x1024xi1>, vector<32x1024xf32>
    %convert_element_type3A_27 = arith.truncf %select_n3A_26 : vector<32x1024xf32> to vector<32x1024xbf16>
    %dot_general3A_28 = arith.constant dense<0.000000e+00> : vector<32x1024xf32>
    %dot_general3A_29 = tpu.matmul %convert_element_type3A_27, %convert_element_type3A, %dot_general3A_28 {dimension_numbers = #tpu.dot_dimension_numbers<[1], [0], [0], [1], [0, 0, 1, 1], [], []>, transpose_lhs_hint = false} : vector<32x1024xbf16>, vector<1024x1024xbf16>, vector<32x1024xf32> -> vector<32x1024xf32>
    %add3A_30 = vector.broadcast %get3A_7 : vector<1x1024xf32> to vector<32x1024xf32>
    %add3A_31 = arith.addf %dot_general3A_29, %add3A_30 : vector<32x1024xf32>
    %tanh3A_32 = math.tanh %add3A_31 : vector<32x1024xf32>
    %select_n3A_33 = arith.select %lt3A_9, %get3A_4, %tanh3A_32 : vector<32x1024xi1>, vector<32x1024xf32>
    %convert_element_type3A_34 = arith.truncf %select_n3A_33 : vector<32x1024xf32> to vector<32x1024xbf16>
    %dot_general3A_35 = arith.constant dense<0.000000e+00> : vector<32x1024xf32>
    %dot_general3A_36 = tpu.matmul %convert_element_type3A_34, %convert_element_type3A, %dot_general3A_35 {dimension_numbers = #tpu.dot_dimension_numbers<[1], [0], [0], [1], [0, 0, 1, 1], [], []>, transpose_lhs_hint = false} : vector<32x1024xbf16>, vector<1024x1024xbf16>, vector<32x1024xf32> -> vector<32x1024xf32>
    %add3A_37 = vector.broadcast %get3A_7 : vector<1x1024xf32> to vector<32x1024xf32>
    %add3A_38 = arith.addf %dot_general3A_36, %add3A_37 : vector<32x1024xf32>
    %tanh3A_39 = math.tanh %add3A_38 : vector<32x1024xf32>
    %select_n3A_40 = arith.select %lt3A_9, %get3A_4, %tanh3A_39 : vector<32x1024xi1>, vector<32x1024xf32>
    %convert_element_type3A_41 = arith.truncf %select_n3A_40 : vector<32x1024xf32> to vector<32x1024xbf16>
    %dot_general3A_42 = arith.constant dense<0.000000e+00> : vector<32x1024xf32>
    %dot_general3A_43 = tpu.matmul %convert_element_type3A_41, %convert_element_type3A, %dot_general3A_42 {dimension_numbers = #tpu.dot_dimension_numbers<[1], [0], [0], [1], [0, 0, 1, 1], [], []>, transpose_lhs_hint = false} : vector<32x1024xbf16>, vector<1024x1024xbf16>, vector<32x1024xf32> -> vector<32x1024xf32>
    %add3A_44 = vector.broadcast %get3A_7 : vector<1x1024xf32> to vector<32x1024xf32>
    %add3A_45 = arith.addf %dot_general3A_43, %add3A_44 : vector<32x1024xf32>
    %tanh3A_46 = math.tanh %add3A_45 : vector<32x1024xf32>
    %select_n3A_47 = arith.select %lt3A_9, %get3A_4, %tanh3A_46 : vector<32x1024xi1>, vector<32x1024xf32>
    %convert_element_type3A_48 = arith.truncf %select_n3A_47 : vector<32x1024xf32> to vector<32x1024xbf16>
    %dot_general3A_49 = arith.constant dense<0.000000e+00> : vector<32x1024xf32>
    %dot_general3A_50 = tpu.matmul %convert_element_type3A_48, %convert_element_type3A, %dot_general3A_49 {dimension_numbers = #tpu.dot_dimension_numbers<[1], [0], [0], [1], [0, 0, 1, 1], [], []>, transpose_lhs_hint = false} : vector<32x1024xbf16>, vector<1024x1024xbf16>, vector<32x1024xf32> -> vector<32x1024xf32>
    %add3A_51 = vector.broadcast %get3A_7 : vector<1x1024xf32> to vector<32x1024xf32>
    %add3A_52 = arith.addf %dot_general3A_50, %add3A_51 : vector<32x1024xf32>
    %tanh3A_53 = math.tanh %add3A_52 : vector<32x1024xf32>
    %select_n3A_54 = arith.select %lt3A_9, %get3A_4, %tanh3A_53 : vector<32x1024xi1>, vector<32x1024xf32>
    %convert_element_type3A_55 = arith.truncf %select_n3A_54 : vector<32x1024xf32> to vector<32x1024xbf16>
    %dot_general3A_56 = arith.constant dense<0.000000e+00> : vector<32x1024xf32>
    %dot_general3A_57 = tpu.matmul %convert_element_type3A_55, %convert_element_type3A, %dot_general3A_56 {dimension_numbers = #tpu.dot_dimension_numbers<[1], [0], [0], [1], [0, 0, 1, 1], [], []>, transpose_lhs_hint = false} : vector<32x1024xbf16>, vector<1024x1024xbf16>, vector<32x1024xf32> -> vector<32x1024xf32>
    %add3A_58 = vector.broadcast %get3A_7 : vector<1x1024xf32> to vector<32x1024xf32>
    %add3A_59 = arith.addf %dot_general3A_57, %add3A_58 : vector<32x1024xf32>
    %tanh3A_60 = math.tanh %add3A_59 : vector<32x1024xf32>
    %select_n3A_61 = arith.select %lt3A_9, %get3A_4, %tanh3A_60 : vector<32x1024xi1>, vector<32x1024xf32>
    %convert_element_type3A_62 = arith.truncf %select_n3A_61 : vector<32x1024xf32> to vector<32x1024xbf16>
    %dot_general3A_63 = arith.constant dense<0.000000e+00> : vector<32x1024xf32>
    %dot_general3A_64 = tpu.matmul %convert_element_type3A_62, %convert_element_type3A, %dot_general3A_63 {dimension_numbers = #tpu.dot_dimension_numbers<[1], [0], [0], [1], [0, 0, 1, 1], [], []>, transpose_lhs_hint = false} : vector<32x1024xbf16>, vector<1024x1024xbf16>, vector<32x1024xf32> -> vector<32x1024xf32>
    %add3A_65 = vector.broadcast %get3A_7 : vector<1x1024xf32> to vector<32x1024xf32>
    %add3A_66 = arith.addf %dot_general3A_64, %add3A_65 : vector<32x1024xf32>
    %tanh3A_67 = math.tanh %add3A_66 : vector<32x1024xf32>
    %select_n3A_68 = arith.select %lt3A_9, %get3A_4, %tanh3A_67 : vector<32x1024xi1>, vector<32x1024xf32>
    %convert_element_type3A_69 = arith.truncf %select_n3A_68 : vector<32x1024xf32> to vector<32x1024xbf16>
    %dot_general3A_70 = arith.constant dense<0.000000e+00> : vector<32x1024xf32>
    %dot_general3A_71 = tpu.matmul %convert_element_type3A_69, %convert_element_type3A, %dot_general3A_70 {dimension_numbers = #tpu.dot_dimension_numbers<[1], [0], [0], [1], [0, 0, 1, 1], [], []>, transpose_lhs_hint = false} : vector<32x1024xbf16>, vector<1024x1024xbf16>, vector<32x1024xf32> -> vector<32x1024xf32>
    %add3A_72 = vector.broadcast %get3A_7 : vector<1x1024xf32> to vector<32x1024xf32>
    %add3A_73 = arith.addf %dot_general3A_71, %add3A_72 : vector<32x1024xf32>
    %tanh3A_74 = math.tanh %add3A_73 : vector<32x1024xf32>
    %select_n3A_75 = arith.select %lt3A_9, %get3A_4, %tanh3A_74 : vector<32x1024xi1>, vector<32x1024xf32>
    %convert_element_type3A_76 = arith.truncf %select_n3A_75 : vector<32x1024xf32> to vector<32x1024xbf16>
    %dot_general3A_77 = arith.constant dense<0.000000e+00> : vector<32x1024xf32>
    %dot_general3A_78 = tpu.matmul %convert_element_type3A_76, %convert_element_type3A, %dot_general3A_77 {dimension_numbers = #tpu.dot_dimension_numbers<[1], [0], [0], [1], [0, 0, 1, 1], [], []>, transpose_lhs_hint = false} : vector<32x1024xbf16>, vector<1024x1024xbf16>, vector<32x1024xf32> -> vector<32x1024xf32>
    %add3A_79 = vector.broadcast %get3A_7 : vector<1x1024xf32> to vector<32x1024xf32>
    %add3A_80 = arith.addf %dot_general3A_78, %add3A_79 : vector<32x1024xf32>
    %tanh3A_81 = math.tanh %add3A_80 : vector<32x1024xf32>
    %select_n3A_82 = arith.select %lt3A_9, %get3A_4, %tanh3A_81 : vector<32x1024xi1>, vector<32x1024xf32>
    %convert_element_type3A_83 = arith.truncf %select_n3A_82 : vector<32x1024xf32> to vector<32x1024xbf16>
    %dot_general3A_84 = arith.constant dense<0.000000e+00> : vector<32x1024xf32>
    %dot_general3A_85 = tpu.matmul %convert_element_type3A_83, %convert_element_type3A, %dot_general3A_84 {dimension_numbers = #tpu.dot_dimension_numbers<[1], [0], [0], [1], [0, 0, 1, 1], [], []>, transpose_lhs_hint = false} : vector<32x1024xbf16>, vector<1024x1024xbf16>, vector<32x1024xf32> -> vector<32x1024xf32>
    %add3A_86 = vector.broadcast %get3A_7 : vector<1x1024xf32> to vector<32x1024xf32>
    %add3A_87 = arith.addf %dot_general3A_85, %add3A_86 : vector<32x1024xf32>
    %tanh3A_88 = math.tanh %add3A_87 : vector<32x1024xf32>
    %select_n3A_89 = arith.select %lt3A_9, %get3A_4, %tanh3A_88 : vector<32x1024xi1>, vector<32x1024xf32>
    %convert_element_type3A_90 = arith.truncf %select_n3A_89 : vector<32x1024xf32> to vector<32x1024xbf16>
    %dot_general3A_91 = arith.constant dense<0.000000e+00> : vector<32x1024xf32>
    %dot_general3A_92 = tpu.matmul %convert_element_type3A_90, %convert_element_type3A, %dot_general3A_91 {dimension_numbers = #tpu.dot_dimension_numbers<[1], [0], [0], [1], [0, 0, 1, 1], [], []>, transpose_lhs_hint = false} : vector<32x1024xbf16>, vector<1024x1024xbf16>, vector<32x1024xf32> -> vector<32x1024xf32>
    %add3A_93 = vector.broadcast %get3A_7 : vector<1x1024xf32> to vector<32x1024xf32>
    %add3A_94 = arith.addf %dot_general3A_92, %add3A_93 : vector<32x1024xf32>
    %tanh3A_95 = math.tanh %add3A_94 : vector<32x1024xf32>
    %select_n3A_96 = arith.select %lt3A_9, %get3A_4, %tanh3A_95 : vector<32x1024xi1>, vector<32x1024xf32>
    %convert_element_type3A_97 = arith.truncf %select_n3A_96 : vector<32x1024xf32> to vector<32x1024xbf16>
    %dot_general3A_98 = arith.constant dense<0.000000e+00> : vector<32x1024xf32>
    %dot_general3A_99 = tpu.matmul %convert_element_type3A_97, %convert_element_type3A, %dot_general3A_98 {dimension_numbers = #tpu.dot_dimension_numbers<[1], [0], [0], [1], [0, 0, 1, 1], [], []>, transpose_lhs_hint = false} : vector<32x1024xbf16>, vector<1024x1024xbf16>, vector<32x1024xf32> -> vector<32x1024xf32>
    %add3A_100 = vector.broadcast %get3A_7 : vector<1x1024xf32> to vector<32x1024xf32>
    %add3A_101 = arith.addf %dot_general3A_99, %add3A_100 : vector<32x1024xf32>
    %tanh3A_102 = math.tanh %add3A_101 : vector<32x1024xf32>
    %select_n3A_103 = arith.select %lt3A_9, %get3A_4, %tanh3A_102 : vector<32x1024xi1>, vector<32x1024xf32>
    %convert_element_type3A_104 = arith.truncf %select_n3A_103 : vector<32x1024xf32> to vector<32x1024xbf16>
    %dot_general3A_105 = arith.constant dense<0.000000e+00> : vector<32x1024xf32>
    %dot_general3A_106 = tpu.matmul %convert_element_type3A_104, %convert_element_type3A, %dot_general3A_105 {dimension_numbers = #tpu.dot_dimension_numbers<[1], [0], [0], [1], [0, 0, 1, 1], [], []>, transpose_lhs_hint = false} : vector<32x1024xbf16>, vector<1024x1024xbf16>, vector<32x1024xf32> -> vector<32x1024xf32>
    %add3A_107 = vector.broadcast %get3A_7 : vector<1x1024xf32> to vector<32x1024xf32>
    %add3A_108 = arith.addf %dot_general3A_106, %add3A_107 : vector<32x1024xf32>
    %tanh3A_109 = math.tanh %add3A_108 : vector<32x1024xf32>
    %select_n3A_110 = arith.select %lt3A_9, %get3A_4, %tanh3A_109 : vector<32x1024xi1>, vector<32x1024xf32>
    %convert_element_type3A_111 = arith.truncf %select_n3A_110 : vector<32x1024xf32> to vector<32x1024xbf16>
    %dot_general3A_112 = arith.constant dense<0.000000e+00> : vector<32x1024xf32>
    %dot_general3A_113 = tpu.matmul %convert_element_type3A_111, %convert_element_type3A, %dot_general3A_112 {dimension_numbers = #tpu.dot_dimension_numbers<[1], [0], [0], [1], [0, 0, 1, 1], [], []>, transpose_lhs_hint = false} : vector<32x1024xbf16>, vector<1024x1024xbf16>, vector<32x1024xf32> -> vector<32x1024xf32>
    %add3A_114 = vector.broadcast %get3A_7 : vector<1x1024xf32> to vector<32x1024xf32>
    %add3A_115 = arith.addf %dot_general3A_113, %add3A_114 : vector<32x1024xf32>
    %tanh3A_116 = math.tanh %add3A_115 : vector<32x1024xf32>
    %select_n3A_117 = arith.select %lt3A_9, %get3A_4, %tanh3A_116 : vector<32x1024xi1>, vector<32x1024xf32>
    %convert_element_type3A_118 = arith.truncf %select_n3A_117 : vector<32x1024xf32> to vector<32x1024xbf16>
    %dot_general3A_119 = arith.constant dense<0.000000e+00> : vector<32x1024xf32>
    %dot_general3A_120 = tpu.matmul %convert_element_type3A_118, %convert_element_type3A, %dot_general3A_119 {dimension_numbers = #tpu.dot_dimension_numbers<[1], [0], [0], [1], [0, 0, 1, 1], [], []>, transpose_lhs_hint = false} : vector<32x1024xbf16>, vector<1024x1024xbf16>, vector<32x1024xf32> -> vector<32x1024xf32>
    %add3A_121 = vector.broadcast %get3A_7 : vector<1x1024xf32> to vector<32x1024xf32>
    %add3A_122 = arith.addf %dot_general3A_120, %add3A_121 : vector<32x1024xf32>
    %tanh3A_123 = math.tanh %add3A_122 : vector<32x1024xf32>
    %select_n3A_124 = arith.select %lt3A_9, %get3A_4, %tanh3A_123 : vector<32x1024xi1>, vector<32x1024xf32>
    %convert_element_type3A_125 = arith.truncf %select_n3A_124 : vector<32x1024xf32> to vector<32x1024xbf16>
    %dot_general3A_126 = arith.constant dense<0.000000e+00> : vector<32x1024xf32>
    %dot_general3A_127 = tpu.matmul %convert_element_type3A_125, %convert_element_type3A, %dot_general3A_126 {dimension_numbers = #tpu.dot_dimension_numbers<[1], [0], [0], [1], [0, 0, 1, 1], [], []>, transpose_lhs_hint = false} : vector<32x1024xbf16>, vector<1024x1024xbf16>, vector<32x1024xf32> -> vector<32x1024xf32>
    %add3A_128 = vector.broadcast %get3A_7 : vector<1x1024xf32> to vector<32x1024xf32>
    %add3A_129 = arith.addf %dot_general3A_127, %add3A_128 : vector<32x1024xf32>
    %tanh3A_130 = math.tanh %add3A_129 : vector<32x1024xf32>
    %select_n3A_131 = arith.select %lt3A_9, %get3A_4, %tanh3A_130 : vector<32x1024xi1>, vector<32x1024xf32>
    %convert_element_type3A_132 = arith.truncf %select_n3A_131 : vector<32x1024xf32> to vector<32x1024xbf16>
    %dot_general3A_133 = arith.constant dense<0.000000e+00> : vector<32x1024xf32>
    %dot_general3A_134 = tpu.matmul %convert_element_type3A_132, %convert_element_type3A, %dot_general3A_133 {dimension_numbers = #tpu.dot_dimension_numbers<[1], [0], [0], [1], [0, 0, 1, 1], [], []>, transpose_lhs_hint = false} : vector<32x1024xbf16>, vector<1024x1024xbf16>, vector<32x1024xf32> -> vector<32x1024xf32>
    %add3A_135 = vector.broadcast %get3A_7 : vector<1x1024xf32> to vector<32x1024xf32>
    %add3A_136 = arith.addf %dot_general3A_134, %add3A_135 : vector<32x1024xf32>
    %tanh3A_137 = math.tanh %add3A_136 : vector<32x1024xf32>
    %select_n3A_138 = arith.select %lt3A_9, %get3A_4, %tanh3A_137 : vector<32x1024xi1>, vector<32x1024xf32>
    %convert_element_type3A_139 = arith.truncf %select_n3A_138 : vector<32x1024xf32> to vector<32x1024xbf16>
    %dot_general3A_140 = arith.constant dense<0.000000e+00> : vector<32x1024xf32>
    %dot_general3A_141 = tpu.matmul %convert_element_type3A_139, %convert_element_type3A, %dot_general3A_140 {dimension_numbers = #tpu.dot_dimension_numbers<[1], [0], [0], [1], [0, 0, 1, 1], [], []>, transpose_lhs_hint = false} : vector<32x1024xbf16>, vector<1024x1024xbf16>, vector<32x1024xf32> -> vector<32x1024xf32>
    %add3A_142 = vector.broadcast %get3A_7 : vector<1x1024xf32> to vector<32x1024xf32>
    %add3A_143 = arith.addf %dot_general3A_141, %add3A_142 : vector<32x1024xf32>
    %tanh3A_144 = math.tanh %add3A_143 : vector<32x1024xf32>
    %select_n3A_145 = arith.select %lt3A_9, %get3A_4, %tanh3A_144 : vector<32x1024xi1>, vector<32x1024xf32>
    %slice3A = vector.extract_strided_slice %select_n3A_145 {offsets = [0, 990], sizes = [32, 10], strides = [1, 1]} : vector<32x1024xf32> to vector<32x10xf32>
    %swap3A = arith.constant 0 : index
    %swap3A_146 = arith.constant 0 : index
    %swap3A_147 = vector.load %arg3[%swap3A, %swap3A_146] : memref<32x10xf32, #tpu.memory_space<vmem>>, vector<32x10xf32>
    tpu.vector_store %arg3[%swap3A, %swap3A_146], %slice3A {strides = array<i32>} : memref<32x10xf32, #tpu.memory_space<vmem>>, vector<32x10xf32>,
    return
  }
}

</mosaic_0001>

<sc_bundles>
// kernel: kernel.4.cloned.1.call-start
scs
__scs_entry_jumppad:
0x0: {  	(pc) =	sbr.rel $0x88, $3  }
0x1: {  	(tag) =	ssettag $0x0;
	lr =	simm.s32 $0x1  }
0x2: {  	[smem:$0x3F9D] =	sst lr;
	_ =	strace $0xD0000000  }
0x3: {  	_ = 	snop  }
0x4: {  	_ = 	snop  }
0x5: {  	_ = 	snop  }
0x6: {  	_ = 	snop  }
0x7: {  	_ = 	snop  }
__scs_overlays_trampoline_lowered:
0x8: {  	[smem:$0x3FAC] =	sst s0  }
0x9: {  	[smem:$0x3FAD] =	sst s1  }
0xa: {  	[smem:$0x3FAE] =	sst s2  }
0xb: {  	[smem:$0x3FAF] =	sst s3  }
0xc: {  	[smem:$0x3FB0] =	sst s4  }
0xd: {  	[smem:$0x3FB1] =	sst s5  }
0xe: {  	[smem:$0x3FB2] =	sst s6  }
0xf: {  	[smem:$0x3FB3] =	sst s7  }
0x10: {  	[smem:$0x3FB4] =	sst s8  }
0x11: {  	[smem:$0x3FB5] =	sst s9;
	s0 =	simm.s32 @!p0 $0x0  }
0x12: {  	s1 =	sld [smem:$0x3F9B];
	s0 =	simm.s32 @p0 $0x1  }
0x13: {  	[smem:$0x3FB6] =	sst s0;
	s0 =	simm.s32 @!p1 $0x0  }
0x14: {  	s2 =	sld [smem:$0x3F9A];
	s0 =	simm.s32 @p1 $0x1  }
0x15: {  	[smem:$0x3FB7] =	sst s0;
	s0 =	simm.s32 @!p2 $0x0  }
0x16: {  	s3 =	sld [smem:$0x3FDB];
	s0 =	simm.s32 @p2 $0x1  }
0x17: {  	s4 =	simm.s32 $0x1BF5;
	[smem:$0x3FB9] =	sst s0  }
0x18: {  	s0 =	sld [smem:$0x3F9C];
	_ =	swait.ge [sflag:s4], $0x0  }
0x19: {  	s7 =	sld [smem:$0x3F9D]  }
0x1a: {  	s8 =	sadd.s32 $0xFFFFE003, lr  }
0x1b: {  	s9 =	sadd.s32 $0xFFFFFEF7, lr;
	s5 =	simm.s32 $0xFFFFFFFF;
	p2 =	slt.u32 s8, $0xFFFFF086  }
0x1c: {  	p1 =	slt.u32 s9, $0xF7A;
	s5 =	simm.s32 @!p2 $0x0  }
0x1d: {  	s5 =	simm.s32 @p1 $0x1;
	p0 =	seq.s32 s7, s2  }
0x1e: {  	s7 =	smul.u32 @!p0 $0xF7A, s2;
	p2 =	seq.s32 @!p0 s5, $0x0  }
0x1f: {  	s9 =	smul.u32 $0xF7A, s1;
	s8 =	simm.s32 @!p0 $0x1BF5;
	p2 =	por !p2, p0  }
0x20: {  	[sflag:s8] =	ssyncset.s32 @!p0 $0xFFFFF086;
	s6 =	sadd.s32 @!p0 s3, s7;
	s7 =	simm.s32 @!p0 $0x108  }
0x21: {  	s3 =	sadd.s32 s3, s9;
	s6 =	sadd.s32 @!p0 $0x88, s6;
	s7 =	simm.s32 @p2 $0x1082  }
0x22: {  	[simem:s7], [sflag:s8] =	dma.local @!p0 [hbm:s6], $0xF7A  }
0x23: {  	s9 =	sor.u32 $0xD0000000, s2;
	s6 =	simm.s32 $0x108;
	_ =	swait.ge @!p0 [sflag:s8], $0x0  }
0x24: {  	s3 =	sadd.s32 $0x88, s3;
	s6 =	simm.s32 @!p1 $0x1082;
	[sflag:s4] =	ssyncset.s32 $0xFFFFF086  }
0x25: {  	[simem:s6], [sflag:s4] =	dma.local [hbm:s3], $0xF7A  }
0x26: {  	[smem:$0x3F9D] =	sst s1;
	(tag) =	ssettag s2;
	_ =	strace s9  }
0x27: {  	s1 =	sld [smem:$0x3FAD]  }
0x28: {  	s2 =	sld [smem:$0x3FAE]  }
0x29: {  	s4 =	sld [smem:$0x3FB0]  }
0x2a: {  	p0 =	seq.s32 s5, $0x0;
	s5 =	sld [smem:$0x3FB1]  }
0x2b: {  	s6 =	sld [smem:$0x3FB2]  }
0x2c: {  	s7 =	sld [smem:$0x3FB3]  }
0x2d: {  	s3 =	simm.s32 $0x108;
	s8 =	sld [smem:$0x3FB4]  }
0x2e: {  	s3 =	simm.s32 @!p0 $0x1082;
	s9 =	sld [smem:$0x3FB5]  }
0x2f: {  	lr =	sadd.s32 s0, s3;
	s0 =	sld [smem:$0x3FAC]  }
0x30: {  	s3 =	sld [smem:$0x3FAF]  }
0x31: {  	[smem:$0x3FB8] =	sst s10  }
0x32: {  	s10 =	sld [smem:$0x3FB6];
	_ =	sdelay $0x3  }
0x33: {  	p0 =	seq.s32 s10, $0x1;
	s10 =	sld [smem:$0x3FB8];
	_ =	sdelay $0x3  }
0x34: {  	[smem:$0x3FB8] =	sst s10  }
0x35: {  	s10 =	sld [smem:$0x3FB7];
	_ =	sdelay $0x3  }
0x36: {  	p1 =	seq.s32 s10, $0x1;
	s10 =	sld [smem:$0x3FB8];
	_ =	sdelay $0x3  }
0x37: {  	[smem:$0x3FB8] =	sst s10  }
0x38: {  	s10 =	sld [smem:$0x3FB9]  }
0x39: {  	_ = 	snop;
	(pc) =	sbr.ind lr, $3  }
0x3a: {  	_ = 	snop  }
0x3b: {  	_ = 	snop  }
0x3c: {  	p2 =	seq.s32 s10, $0x1;
	s10 =	sld [smem:$0x3FB8]  }
0x3d: {  	_ =	shalt  }
0x3e: {  	_ =	shalt  }
0x3f: {  	_ =	shalt  }
0x40: {  	_ =	shalt  }
0x41: {  	_ =	shalt  }
0x42: {  	_ =	shalt  }
0x43: {  	_ =	shalt  }
0x44: {  	_ =	shalt  }
0x45: {  	_ =	shalt  }
0x46: {  	_ =	shalt  }
0x47: {  	_ =	shalt  }
0x48: {  	_ =	shalt  }
0x49: {  	_ =	shalt  }
0x4a: {  	_ =	shalt  }
0x4b: {  	_ =	shalt  }
0x4c: {  	_ =	shalt  }
0x4d: {  	_ =	shalt  }
0x4e: {  	_ =	shalt  }
0x4f: {  	_ =	shalt  }
0x50: {  	_ =	shalt  }
0x51: {  	_ =	shalt  }
0x52: {  	_ =	shalt  }
0x53: {  	_ =	shalt  }
0x54: {  	_ =	shalt  }
0x55: {  	_ =	shalt  }
0x56: {  	_ =	shalt  }
0x57: {  	_ =	shalt  }
0x58: {  	_ =	shalt  }
0x59: {  	_ =	shalt  }
0x5a: {  	_ =	shalt  }
0x5b: {  	_ =	shalt  }
0x5c: {  	_ =	shalt  }
0x5d: {  	_ =	shalt  }
0x5e: {  	_ =	shalt  }
0x5f: {  	_ =	shalt  }
0x60: {  	_ =	shalt  }
0x61: {  	_ =	shalt  }
0x62: {  	_ =	shalt  }
0x63: {  	_ =	shalt  }
0x64: {  	_ =	shalt  }
0x65: {  	_ =	shalt  }
0x66: {  	_ =	shalt  }
0x67: {  	_ =	shalt  }
0x68: {  	_ =	shalt  }
0x69: {  	_ =	shalt  }
0x6a: {  	_ =	shalt  }
0x6b: {  	_ =	shalt  }
0x6c: {  	_ =	shalt  }
0x6d: {  	_ =	shalt  }
0x6e: {  	_ =	shalt  }
0x6f: {  	_ =	shalt  }
0x70: {  	_ =	shalt  }
0x71: {  	_ =	shalt  }
0x72: {  	_ =	shalt  }
0x73: {  	_ =	shalt  }
0x74: {  	_ =	shalt  }
0x75: {  	_ =	shalt  }
0x76: {  	_ =	shalt  }
0x77: {  	_ =	shalt  }
0x78: {  	_ =	shalt  }
0x79: {  	_ =	shalt  }
0x7a: {  	_ =	shalt  }
0x7b: {  	_ =	shalt  }
0x7c: {  	_ =	shalt  }
0x7d: {  	_ =	shalt  }
0x7e: {  	_ =	shalt  }
0x7f: {  	_ =	shalt  }
0x80: {  	_ =	shalt  }
0x81: {  	_ =	shalt  }
0x82: {  	_ =	shalt  }
0x83: {  	_ =	shalt  }
0x84: {  	_ =	shalt  }
0x85: {  	_ =	shalt  }
0x86: {  	_ =	shalt  }
0x87: {  	_ =	shalt  }
.Lfunc_end0:
.L_simem_size_0:
called_computation_lowered:
.L_overlay_start_0:
0x88: {  	s2 =	sld [smem:$0x3FD9]  }
0x89: {  	s3 =	sld [smem:$0x3FFE];
	_ =	sdelay $0x1  }
0x8a: {  	s1 =	srdreg.scid  }
0x8b: {  	s0 =	sand.u32 $0x1, s1  }
0x8c: {  	s17 =	sshll.u32 s0, $0xA;
	s2 =	sadd.s32 s3, s2  }
0x8d: {  	s2 =	sadd.s32 s2, s17  }
0x8e: {  	[smem:$0x3FC4] =	sst s2  }
0x8f: {  	_ = 	snop  }
0x90: {  	s2 =	sld [smem:$0x3FC8];
	(tm) =	ssettm $0x1  }
0x91: {  	s18 =	sld [smem:$0x3FFB];
	_ =	sdelay $0x3  }
0x92: {  	_ =	strace s18  }
0x93: {  	s3 =	sld [smem:$0x3FFC];
	_ =	sdelay $0x3  }
0x94: {  	_ =	strace s3  }
0x95: {  	s3 =	sld [smem:$0x3FFD];
	_ =	sdelay $0x3  }
0x96: {  	_ =	strace s3  }
0x97: {  	_ =	strace $0x8FFFFFFF  }
0x98: {  	s19 =	sld [smem:$0x3FDB];
	_ =	sdelay $0x1  }
0x99: {  	s4 =	simm.s32 $_scs_section_size  }
0x9a: {  	s5 =	simm.s32 $_size__tile_overlayer_lowered;
	s6 =	simm.s32 $_tile_overlayer_lowered  }
0x9b: {  	s22 =	simm.s32 $0x1BFF;
	s21 =	sshll.u32 s6, $0x1;
	s3 =	sadd.s32 s4, s19  }
0x9c: {  	s7 =	simm.s32 $0x0;
	s20 =	sshll.u32 s5, $0x1;
	s5 =	sadd.s32 s21, s3  }
0x9d: {  	[timem:s7], [sflag:s22] =	dma.local [hbm:s5], s20  }
0x9e: {  	_ =	swait.ge [sflag:s22], s20  }
0x9f: {  	s4 =	ssub.s32 $0x0, s20;
	[sflag:s22] =	ssyncset.done $0x0  }
0xa0: {  	[sflag:s22] =	ssyncadd.s32 s4;
	_ =	sdelay $0x1  }
0xa1: {  	s23 =	simm.s32 $0x1B8B  }
0xa2: {  	_ =	swait.ge [sflag:s23], $0x1  }
0xa3: {  	[sflag:s23] =	ssyncset.done $0x0  }
0xa4: {  	s25 =	simm.s32 $0x1B8E;
	s24 =	sld [smem:$0x3FFE];
	[sflag:s23] =	ssyncadd.s32 $0xFFFFFFFF  }
0xa5: {  	s26 =	simm.s32 $execute0_lowered;
	[smem:$0x3FD2] =	sst s25  }
0xa6: {  	s5 =	sshll.u32 s26, $0x1;
	_ =	strace $0x80000046;
	[dreg:$0x1] =	wrdreg $0xFFFFFFFF  }
0xa7: {  	s28 =	simm.s32 $_size_execute0_lowered;
	s3 =	sadd.s32 s3, s5;
	[dreg:$0x0] =	wrdreg $0x0  }
0xa8: {  	s5 =	sshll.u32 s28, $0x1;
	[dreg:$0x2] =	wrdreg s3  }
0xa9: {  	[dreg:$0x3] =	wrdreg s5  }
0xaa: {  	[dreg:$0x4] =	wrdreg $0xC0  }
0xab: {  	_ =	task [dreg:s7], $0x5FFFF  }
0xac: {  	[dreg:$0x1] =	wrdreg $0xFFFFFFFF  }
0xad: {  	[dreg:$0x0] =	wrdreg $0x60  }
0xae: {  	[dreg:$0x2] =	wrdreg s24  }
0xaf: {  	[dreg:$0x3] =	wrdreg s2  }
0xb0: {  	[dreg:$0x4] =	wrdreg $0x87000  }
0xb1: {  	[dreg:$0x5] =	wrdreg $0x9  }
0xb2: {  	_ =	task.clear_ibuf [dreg:s7], $0x6FFFF;
	_ =	strace $0x90000046  }
0xb3: {  	s29 =	simm.s32 $0x9;
	_ =	strace $0x80000048  }
0xb4: {  	_ =	swait.ge [sflag:s29], $0x1  }
0xb5: {  	[sflag:s29] =	ssyncadd.s32 $0xFFFFFFFF  }
0xb6: {  	_ =	strace $0x90000048  }
0xb7: {  	_ =	sfence  }
0xb8: {  	s30 =	sld [smem:$0x0];
	_ =	sdelay $0x2  }
0xb9: {  	s31 =	sshll.u32 s1, $0xD;
	s1 =	sshrl.u32 s1, $0x2  }
0xba: {  	s3 =	sand.u32 $0x4000, s31;
	s1 =	sadd.s32 s1, s30  }
0xbb: {  	s0 =	sor.u32 s3, s0;
	s1 =	sshll.u32 s1, $0x11  }
0xbc: {  	s0 =	sor.u32 s1, s0  }
0xbd: {  	s0 =	sadd.s32 $0x8F2B, s0  }
0xbe: {  	[sflag:s0] =	ssyncadd.remote.s32 $0x1  }
0xbf: {  	_ =	sfence.sel $0xFFFF  }
0xc0: {  	[dreg:$0x0] =	wrdreg $0xFFFFFFFF;
	(pc) =	sbr.abs _section_cstart, $3  }
0xc1: {  	[dreg:$0x1] =	wrdreg $0xFFFFFFFF  }
0xc2: {  	_ =	task.clear_ibuf [dreg:s7], $0x2FFFF;
	_ =	strace $0x9FFFFFFF  }
0xc3: {  	(tm) =	ssettm $0x7FFFFFFF  }
tec
execute0_lowered:
.L_overlay_start_1:
0x0: {  	(tag) =	ssettag $0x1  }
0x1: {  	s3 =	rddreg [dreg:$0x0];
	s0 =	srdreg.scid  }
0x2: {  	s1 =	simm.s32 $0x0;
	s16 =	stileid.u32;
	s4 =	sand.u32 $0x1, s0  }
0x3: {  	s5 =	sshll.u32 s16, $0xF;
	s0 =	ssub.s32 $0x2, s4;
	s2 =	sshll.u32 s4, $0x13  }
0x4: {  	[smem:$0x7FF] =	sst s1;
	s6 =	sshrl.u32 s0, $0x1;
	s2 =	sor.u32 s5, s2  }
0x5: {  	s7 =	sadd.s32 $0x6200, s3;
	s8 =	ssub.s32 s0, s6;
	s20 =	sshrl.u32 s2, $0x3  }
0x6: {  	s6 =	sadd.s32 $0x6220, s3;
	s0 =	rddreg [dreg:$0x2];
	s2 =	sadd.s32 s7, s20  }
0x7: {  	s10 =	sadd.s32 $0x6240, s3;
	s21 =	sadd.s32 s20, s6;
	[dreg:$0x4] =	wrdreg s2  }
0x8: {  	s13 =	sadd.s32 $0x6260, s3;
	s30 =	sadd.s32 s20, s10;
	[dreg:$0x6] =	wrdreg s21  }
0x9: {  	s14 =	sadd.s32 $0x6270, s3;
	s17 =	sadd.s32 s20, s13;
	[dreg:$0x10] =	wrdreg s30  }
0xa: {  	s12 =	sor.u32 $0x400, s20;
	s19 =	sadd.s32 s20, s14;
	[dreg:$0x12] =	wrdreg s17  }
0xb: {  	s15 =	sadd.s32 s7, s12;
	[dreg:$0x13] =	wrdreg s19  }
0xc: {  	s23 =	sadd.s32 s12, s6;
	[dreg:$0x7] =	wrdreg s15  }
0xd: {  	s11 =	sadd.s32 $0x6250, s3;
	s25 =	sadd.s32 s12, s10;
	[dreg:$0x9] =	wrdreg s23  }
0xe: {  	s26 =	sadd.s32 s12, s11;
	[dreg:$0xb] =	wrdreg s25  }
0xf: {  	s18 =	sor.u32 $0x800, s20;
	s28 =	sadd.s32 s12, s13;
	[dreg:$0xc] =	wrdreg s26  }
0x10: {  	s2 =	sadd.s32 $0x6210, s3;
	s21 =	sadd.s32 s7, s18;
	[dreg:$0xd] =	wrdreg s28  }
0x11: {  	s9 =	sadd.s32 s20, s2;
	[dreg:$0x14] =	wrdreg s21  }
0x12: {  	s22 =	sadd.s32 s12, s2;
	[dreg:$0x5] =	wrdreg s9  }
0x13: {  	s15 =	sadd.s32 s20, s11;
	[dreg:$0x8] =	wrdreg s22  }
0x14: {  	s23 =	sadd.s32 s18, s6;
	[dreg:$0x11] =	wrdreg s15  }
0x15: {  	s25 =	sadd.s32 s18, s10;
	[dreg:$0x16] =	wrdreg s23  }
0x16: {  	s26 =	sadd.s32 s18, s11;
	[dreg:$0x18] =	wrdreg s25  }
0x17: {  	s28 =	sadd.s32 s18, s13;
	[dreg:$0x19] =	wrdreg s26  }
0x18: {  	s9 =	sadd.s32 $0x6230, s3;
	s22 =	sadd.s32 s18, s2;
	[dreg:$0x1a] =	wrdreg s28  }
0x19: {  	s24 =	sadd.s32 s12, s9;
	[dreg:$0x15] =	wrdreg s22  }
0x1a: {  	s12 =	sadd.s32 s12, s14;
	[dreg:$0xa] =	wrdreg s24  }
0x1b: {  	s29 =	sadd.s32 s20, s9;
	[dreg:$0xe] =	wrdreg s12  }
0x1c: {  	s20 =	sor.u32 $0xC00, s20;
	[dreg:$0xf] =	wrdreg s29;
	s24 =	sadd.s32 s18, s9  }
0x1d: {  	s30 =	sadd.s32 s7, s20;
	s7 =	sadd.s32 s20, s9;
	s9 =	rddreg [dreg:$0x1]  }
0x1e: {  	s29 =	sadd.s32 s18, s14;
	[dreg:$0x17] =	wrdreg s24  }
0x1f: {  	[dreg:$0x1b] =	wrdreg s29  }
0x20: {  	s2 =	sadd.s32 s20, s2;
	[dreg:$0x1c] =	wrdreg s30  }
0x21: {  	s6 =	sadd.s32 s20, s6;
	[dreg:$0x1d] =	wrdreg s2  }
0x22: {  	[dreg:$0x1e] =	wrdreg s6  }
0x23: {  	s10 =	sadd.s32 s20, s10;
	[dreg:$0x1f] =	wrdreg s7  }
0x24: {  	p0 =	seq.s32 s16, $0xF;
	s12 =	sadd.s32 s20, s11;
	[smem:$0x7E3] =	sst s10  }
0x25: {  	s13 =	sadd.s32 s20, s13;
	s15 =	sadd.s32 s20, s14;
	[smem:$0x7E4] =	sst s12  }
0x26: {  	s18 =	sadd.s32 $0x2EE0, s3;
	s11 =	sadd.s32 s5, s0;
	[smem:$0x7E5] =	sst s13  }
0x27: {  	s20 =	smax.u32 s8, $0x1;
	s2 =	smul.u32 $0x1900, s16;
	[smem:$0x7E6] =	sst s15  }
0x28: {  	s19 =	sadd.s32 $0x2EE0, s9;
	s6 =	sshll.u32 s4, $0x9;
	s21 =	sadd.s32 $0x400, s11  }
0x29: {  	s22 =	sadd.s32 $0x800, s11;
	s23 =	sadd.s32 $0xC00, s11;
	s24 =	sadd.s32 $0x1000, s11  }
0x2a: {  	s26 =	sadd.s32 $0x1400, s11;
	s28 =	sadd.s32 $0x1800, s11;
	s29 =	sadd.s32 $0x1C00, s11  }
0x2b: {  	s4 =	sadd.s32 $0x2400, s11;
	s5 =	sadd.s32 $0x2800, s11;
	s10 =	sadd.s32 $0x3400, s11  }
0x2c: {  	s12 =	sadd.s32 $0x3800, s11;
	_ =	strace $0x80000047;
	[smem:$0x7E8] =	sst s18  }
0x2d: {  	s14 =	sadd.s32 $0x3C00, s11;
	s16 =	sadd.s32 $0x4400, s11;
	[smem:$0x7EA] =	sst s19  }
0x2e: {  	[smem:$0x7EB] =	sst s20;
	s25 =	sshrl.u32 s24, $0x3;
	s30 =	sshrl.u32 s29, $0x3  }
0x2f: {  	s13 =	sshrl.u32 s12, $0x3;
	s19 =	sadd.s32 $0x4C00, s11;
	[smem:$0x7EF] =	sst s25  }
0x30: {  	s20 =	sadd.s32 $0x5000, s11;
	s24 =	sadd.s32 $0x6800, s11;
	[smem:$0x7F2] =	sst s30  }
0x31: {  	s29 =	sadd.s32 $0x7800, s11;
	s17 =	sshrl.u32 s2, $0x3;
	[smem:$0x7F8] =	sst s13  }
0x32: {  	s25 =	sadd.s32 $0x6C00, s11;
	s30 =	sadd.s32 $0x7C00, s11;
	s13 =	sshrl.u32 s29, $0x3  }
0x33: {  	s15 =	sadd.s32 s3, s17;
	s7 =	sadd.s32 s9, s17;
	s3 =	sadd.s32 $0x5FB4, s3  }
0x34: {  	s9 =	sadd.s32 $0x3000, s11;
	s17 =	sadd.s32 $0x4800, s11;
	[smem:$0x7E7] =	sst s7  }
0x35: {  	[smem:$0x7E9] =	sst s3;
	s3 =	sshrl.u32 s21, $0x3;
	s7 =	sadd.s32 $0x2C00, s11  }
0x36: {  	s18 =	sshrl.u32 s17, $0x3;
	s21 =	sadd.s32 $0x5400, s11;
	s31 =	smov.u32 s15  }
0x37: {  	s15 =	sadd.s32 $0x30D4, s15;
	s17 =	sadd.s32 $0x4000, s11;
	[smem:$0x7EC] =	sst s3  }
0x38: {  	s3 =	sshrl.u32 s22, $0x3;
	s8 =	sshrl.u32 s7, $0x3;
	[smem:$0x7FB] =	sst s18  }
0x39: {  	s22 =	sadd.s32 $0x5800, s11;
	s18 =	sadd.s32 $0x6000, s11;
	[smem:$0x7ED] =	sst s3  }
0x3a: {  	s3 =	sshrl.u32 s23, $0x3;
	[smem:$0x7F5] =	sst s8;
	s23 =	sadd.s32 $0x6400, s11  }
0x3b: {  	s8 =	sshrl.u32 s24, $0x3;
	[smem:$0x7EE] =	sst s3;
	s3 =	sshrl.u32 s26, $0x3  }
0x3c: {  	s7 =	sshrl.u32 s23, $0x3;
	s26 =	sadd.s32 $0x7000, s11;
	s23 =	simm.s32 $0x10  }
0x3d: {  	[smem:$0x7F0] =	sst s3;
	s3 =	sshrl.u32 s28, $0x3;
	s28 =	sadd.s32 $0x7400, s11  }
0x3e: {  	[smem:$0x7F1] =	sst s3;
	s3 =	sshrl.u32 s4, $0x3;
	s4 =	sshrl.u32 s22, $0x3  }
0x3f: {  	s12 =	sshrl.u32 s28, $0x3;
	[smem:$0x7F3] =	sst s3;
	s3 =	sshrl.u32 s5, $0x3  }
0x40: {  	s22 =	simm.s32 $0x1;
	s5 =	sadd.s32 $0x5C00, s11;
	[smem:$0x7F4] =	sst s3  }
0x41: {  	s3 =	sshrl.u32 s9, $0x3;
	s5 =	sshrl.u32 s5, $0x3;
	s9 =	sshrl.u32 s25, $0x3  }
0x42: {  	[smem:$0x7F6] =	sst s3;
	s3 =	sshrl.u32 s10, $0x3;
	s10 =	sshrl.u32 s26, $0x3  }
0x43: {  	[smem:$0x7F7] =	sst s3;
	s3 =	sshrl.u32 s14, $0x3;
	s14 =	sshrl.u32 s30, $0x3  }
0x44: {  	v1 =	vimm.f32 $0.0e+00;
	v9 =	vlaneseq.u32;
	vm0 =	vmxor vm0, vm0;
	[smem:$0x7F9] =	sst s3;
	s3 =	sshrl.u32 s16, $0x3;
	s16 =	sadd.s32 $0x2000, s11  }
0x45: {  	v2 =	vor.u32 $0x80000, v9;
	v3 =	vor.u32 $0x80010, v9;
	v4 =	vor.u32 $0x80020, v9;
	[smem:$0x7FA] =	sst s3;
	s3 =	sshrl.u32 s19, $0x3;
	s19 =	simm.s32 $0x6700  }
0x46: {  	v5 =	vor.u32 $0x80030, v9;
	v6 =	vor.u32 $0x80040, v9;
	v7 =	vor.u32 $0x80050, v9;
	[smem:$0x7FC] =	sst s3;
	s3 =	sshrl.u32 s20, $0x3;
	s20 =	simm.s32 $0x2  }
0x47: {  	v8 =	vor.u32 $0x80060, v9;
	v9 =	vor.u32 $0x80070, v9;
	v0 =	vmov s6;
	[smem:$0x7FD] =	sst s3;
	s3 =	sshrl.u32 s21, $0x3;
	s21 =	simm.s32 $0x80  }
.LBB2_1:
0x48: {  	s24 =	sld [smem:$0x7E8];
	_ =	sdelay $0x1  }
0x49: {  	s6 =	simm.s32 @p0 $0x0;
	s25 =	sld [smem:$0x7E9]  }
0x4a: {  	[tilespmem:s6], [sflag:$0x1] =	stream.linear.gather @p0 [hbm4b:s24+s6], $0xFA0, $0x38;
	[tilespmem:$0x10708] =	vst v63  }
0x4b: {  	s24 =	simm.s32 @p0 $0x1900  }
0x4c: {  	[tilespmem:s24], [sflag:$0x1] =	stream.linear.gather @p0 [hbm4b:s25+s6], $0xFA0, $0x38;
	[tilespmem:$0x10708] =	vst v63  }
0x4d: {  	s25 =	sld [smem:$0x7EA];
	_ =	sdelay $0x1  }
0x4e: {  	s24 =	simm.s32 @p0 $0x3200  }
0x4f: {  	[tilespmem:s24], [sflag:$0x1] =	stream.linear.gather @p0 [hbm4b:s25+s6], $0xFA0, $0x38;
	[tilespmem:$0x10708] =	vst v63  }
0x50: {  	s6 =	simm.s32 @!p0 $0x0  }
0x51: {  	[tilespmem:s6], [sflag:$0x1] =	stream.linear.gather @!p0 [hbm4b:s31+s6], $0x1900, $0x38;
	[tilespmem:$0x10708] =	vst v63  }
0x52: {  	s24 =	simm.s32 @!p0 $0x1900;
	s25 =	sld [smem:$0x7E7]  }
0x53: {  	[tilespmem:s24], [sflag:$0x1] =	stream.linear.gather @!p0 [hbm4b:s15+s6], $0x1900, $0x38;
	[tilespmem:$0x10708] =	vst v63  }
0x54: {  	s24 =	simm.s32 @!p0 $0x3200  }
0x55: {  	[tilespmem:s24], [sflag:$0x1] =	stream.linear.gather @!p0 [hbm4b:s25+s6], $0x1900, $0x38;
	[tilespmem:$0x10708] =	vst v63  }
0x56: {  	s6 =	simm.s32 $0x0;
	s24 =	simm.s32 $0x200  }
.LBB2_2:
0x57: {  	p1 =	sne.s32 s24, $0x7E00;
	[tilespmem:s6+$0x6770] =	vst v1  }
0x58: {  	[tilespmem:s6+$0x6700] =	vst v1  }
0x59: {  	[tilespmem:s6+$0x6710] =	vst v1  }
.Ltmp0:
0x5a: {  	[tilespmem:s6+$0x6720] =	vst v1;
	(pc) =	sbr.rel @p1 .LBB2_2-.Ltmp0, $4  }
0x5b: {  	[tilespmem:s6+$0x6730] =	vst v1  }
0x5c: {  	[tilespmem:s6+$0x6740] =	vst v1  }
0x5d: {  	[tilespmem:s6+$0x6750] =	vst v1  }
0x5e: {  	[tilespmem:s6+$0x6760] =	vst v1;
	s6 =	sshra.s32 s24, $0x2;
	s24 =	sadd.s32 $0x200, s24  }
0x5f: {  	[tilespmem:s6+$0x6770] =	vst v1  }
0x60: {  	[tilespmem:s6+$0x6700] =	vst v1  }
0x61: {  	[tilespmem:s6+$0x6710] =	vst v1  }
0x62: {  	[tilespmem:s6+$0x6720] =	vst v1  }
0x63: {  	[tilespmem:s6+$0x6730] =	vst v1  }
0x64: {  	[tilespmem:s6+$0x6740] =	vst v1  }
0x65: {  	[tilespmem:s6+$0x6750] =	vst v1  }
0x66: {  	[tilespmem:s6+$0x6760] =	vst v1  }
0x67: {  	[spmem:s11] =	stream.linear.scatter [tilespmem:s19], [sflag:$0x2], $0x2000, $0x38;
	[tilespmem:$0x10708] =	vst v63  }
0x68: {  	_ = 	snop  }
0x69: {  	[spmem:s16] =	stream.linear.scatter [tilespmem:s19], [sflag:$0x2], $0x2000, $0x38;
	[tilespmem:$0x10708] =	vst v63  }
0x6a: {  	_ = 	snop  }
0x6b: {  	[spmem:s17] =	stream.linear.scatter [tilespmem:s19], [sflag:$0x2], $0x2000, $0x38;
	[tilespmem:$0x10708] =	vst v63  }
0x6c: {  	s6 =	simm.s32 @p0 $0x1  }
0x6d: {  	[spmem:s18] =	stream.linear.scatter [tilespmem:s19], [sflag:$0x2], $0x2000, $0x38;
	[tilespmem:$0x10708] =	vst v63  }
0x6e: {  	_ =	swait.ge @p0 [sflag:s6], $0xFA0  }
0x6f: {  	[sflag:s6] =	ssyncset.done @p0 $0x0  }
0x70: {  	[sflag:s6] =	ssyncadd.s32 @p0 $0xFFFFF060  }
0x71: {  	_ =	swait.ge @p0 [sflag:s6], $0xFA0  }
0x72: {  	[sflag:s6] =	ssyncset.done @p0 $0x0  }
0x73: {  	[sflag:s6] =	ssyncadd.s32 @p0 $0xFFFFF060  }
0x74: {  	_ =	swait.ge @p0 [sflag:s6], $0xFA0  }
0x75: {  	[sflag:s6] =	ssyncset.done @p0 $0x0  }
0x76: {  	[sflag:s6] =	ssyncadd.s32 @p0 $0xFFFFF060;
	s6 =	simm.s32 @!p0 $0x1  }
0x77: {  	_ =	swait.ge @!p0 [sflag:s6], $0x1900  }
0x78: {  	[sflag:s6] =	ssyncset.done @!p0 $0x0  }
0x79: {  	[sflag:s6] =	ssyncadd.s32 @!p0 $0xFFFFE700  }
0x7a: {  	_ =	swait.ge @!p0 [sflag:s6], $0x1900  }
0x7b: {  	[sflag:s6] =	ssyncset.done @!p0 $0x0  }
0x7c: {  	[sflag:s6] =	ssyncadd.s32 @!p0 $0xFFFFE700  }
0x7d: {  	_ =	swait.ge @!p0 [sflag:s6], $0x1900  }
0x7e: {  	[sflag:s6] =	ssyncset.done @!p0 $0x0  }
0x7f: {  	s24 =	simm.s32 $0x40;
	[sflag:s6] =	ssyncadd.s32 @!p0 $0xFFFFE700  }
0x80: {  	v10 =	vld [tilespmem:s24+$0xFFFFFFC0]  }
0x81: {  	s25 =	simm.s32 $0x1940  }
0x82: {  	v11 =	vld [tilespmem:s25+$0xFFFFFFC0];
	_ =	sdelay $0x1  }
0x83: {  	s26 =	sadd.s32 $0x0, s2  }
0x84: {  	vm1 =	vmmov vm0;
	p1 =	slt.u32 s26, $0x186A0;
	v10 =	vsub.s32 v10, v0  }
0x85: {  	vm1 =	vmneg @p1 vm1;
	vm2 =	vlt.u32 v10, $0x200;
	v10 =	vshll.u32 v10, $0xA  }
0x86: {  	vm1 =	vmand vm1, vm2;
	v10 =	vadd.s32 v11, v10  }
0x87: {  	s6 =	simm.s32 $0x4B40;
	v10 =	vsel vm1, v10, v2  }
0x88: {  	[tilespmem:s6+$0xFFFFFFC0] =	vst v10  }
0x89: {  	v10 =	vld [tilespmem:s24+$0xFFFFFFD0];
	_ =	sdelay $0x1  }
0x8a: {  	v11 =	vld [tilespmem:s25+$0xFFFFFFD0];
	_ =	sdelay $0x1  }
0x8b: {  	s28 =	sadd.s32 $0x10, s26  }
0x8c: {  	p1 =	slt.u32 s28, $0x186A0;
	vm1 =	vmmov vm0;
	v10 =	vsub.s32 v10, v0  }
0x8d: {  	vm1 =	vmneg @p1 vm1;
	vm2 =	vlt.u32 v10, $0x200;
	v10 =	vshll.u32 v10, $0xA  }
0x8e: {  	vm1 =	vmand vm1, vm2;
	v10 =	vadd.s32 v11, v10  }
0x8f: {  	v10 =	vsel vm1, v10, v3  }
0x90: {  	[tilespmem:s6+$0xFFFFFFD0] =	vst v10  }
0x91: {  	v10 =	vld [tilespmem:s24+$0xFFFFFFE0];
	_ =	sdelay $0x1  }
0x92: {  	v11 =	vld [tilespmem:s25+$0xFFFFFFE0];
	_ =	sdelay $0x1  }
0x93: {  	s28 =	sadd.s32 $0x20, s26  }
0x94: {  	p1 =	slt.u32 s28, $0x186A0;
	vm1 =	vmmov vm0;
	v10 =	vsub.s32 v10, v0  }
0x95: {  	vm1 =	vmneg @p1 vm1;
	vm2 =	vlt.u32 v10, $0x200;
	v10 =	vshll.u32 v10, $0xA  }
0x96: {  	vm1 =	vmand vm1, vm2;
	v10 =	vadd.s32 v11, v10  }
0x97: {  	v10 =	vsel vm1, v10, v4  }
0x98: {  	[tilespmem:s6+$0xFFFFFFE0] =	vst v10  }
0x99: {  	v10 =	vld [tilespmem:s24+$0xFFFFFFF0];
	_ =	sdelay $0x1  }
0x9a: {  	v11 =	vld [tilespmem:s25+$0xFFFFFFF0];
	_ =	sdelay $0x1  }
0x9b: {  	s28 =	sadd.s32 $0x30, s26  }
0x9c: {  	p1 =	slt.u32 s28, $0x186A0;
	vm1 =	vmmov vm0;
	v10 =	vsub.s32 v10, v0  }
0x9d: {  	vm1 =	vmneg @p1 vm1;
	vm2 =	vlt.u32 v10, $0x200;
	v10 =	vshll.u32 v10, $0xA  }
0x9e: {  	vm1 =	vmand vm1, vm2;
	v10 =	vadd.s32 v11, v10  }
0x9f: {  	v10 =	vsel vm1, v10, v5  }
0xa0: {  	[tilespmem:s6+$0xFFFFFFF0] =	vst v10  }
0xa1: {  	v10 =	vld [tilespmem:s24+$0x0];
	_ =	sdelay $0x1  }
0xa2: {  	v11 =	vld [tilespmem:s25+$0x0];
	_ =	sdelay $0x1  }
0xa3: {  	s28 =	sadd.s32 $0x40, s26  }
0xa4: {  	p1 =	slt.u32 s28, $0x186A0;
	vm1 =	vmmov vm0;
	v10 =	vsub.s32 v10, v0  }
0xa5: {  	vm1 =	vmneg @p1 vm1;
	vm2 =	vlt.u32 v10, $0x200;
	v10 =	vshll.u32 v10, $0xA  }
0xa6: {  	vm1 =	vmand vm1, vm2;
	v10 =	vadd.s32 v11, v10  }
0xa7: {  	v10 =	vsel vm1, v10, v6  }
0xa8: {  	[tilespmem:s6+$0x0] =	vst v10  }
0xa9: {  	v10 =	vld [tilespmem:s24+$0x10];
	_ =	sdelay $0x1  }
0xaa: {  	v11 =	vld [tilespmem:s25+$0x10];
	_ =	sdelay $0x1  }
0xab: {  	s28 =	sadd.s32 $0x50, s26  }
0xac: {  	p1 =	slt.u32 s28, $0x186A0;
	vm1 =	vmmov vm0;
	v10 =	vsub.s32 v10, v0  }
0xad: {  	vm1 =	vmneg @p1 vm1;
	vm2 =	vlt.u32 v10, $0x200;
	v10 =	vshll.u32 v10, $0xA  }
0xae: {  	vm1 =	vmand vm1, vm2;
	v10 =	vadd.s32 v11, v10  }
0xaf: {  	v10 =	vsel vm1, v10, v7  }
0xb0: {  	[tilespmem:s6+$0x10] =	vst v10  }
0xb1: {  	v10 =	vld [tilespmem:s24+$0x20];
	_ =	sdelay $0x1  }
0xb2: {  	v11 =	vld [tilespmem:s25+$0x20];
	_ =	sdelay $0x1  }
0xb3: {  	s28 =	sadd.s32 $0x60, s26  }
0xb4: {  	p1 =	slt.u32 s28, $0x186A0;
	vm1 =	vmmov vm0;
	v10 =	vsub.s32 v10, v0  }
0xb5: {  	vm1 =	vmneg @p1 vm1;
	vm2 =	vlt.u32 v10, $0x200;
	v10 =	vshll.u32 v10, $0xA  }
0xb6: {  	vm1 =	vmand vm1, vm2;
	v10 =	vadd.s32 v11, v10  }
0xb7: {  	v10 =	vsel vm1, v10, v8  }
0xb8: {  	[tilespmem:s6+$0x20] =	vst v10  }
0xb9: {  	v10 =	vld [tilespmem:s24+$0x30];
	_ =	sdelay $0x1  }
0xba: {  	v11 =	vld [tilespmem:s25+$0x30];
	_ =	sdelay $0x1  }
0xbb: {  	s30 =	sadd.s32 $0x70, s26  }
0xbc: {  	p1 =	slt.u32 s30, $0x186A0;
	vm1 =	vmmov vm0;
	v10 =	vsub.s32 v10, v0  }
0xbd: {  	vm1 =	vmneg @p1 vm1;
	vm2 =	vlt.u32 v10, $0x200;
	v10 =	vshll.u32 v10, $0xA  }
0xbe: {  	vm1 =	vmand vm1, vm2;
	v10 =	vadd.s32 v11, v10  }
0xbf: {  	v10 =	vsel vm1, v10, v9  }
0xc0: {  	s24 =	simm.s32 $0xC0;
	[tilespmem:s6+$0x30] =	vst v10  }
0xc1: {  	s26 =	simm.s32 $0x80;
	s28 =	simm.s32 $0x100;
	s25 =	simm.s32 $0x19C0;
	v10 =	vld [tilespmem:s24+$0xFFFFFFC0]  }
.LBB2_4:
0xc2: {  	p1 =	sne.s32 s28, $0x1880;
	v11 =	vld [tilespmem:s25+$0xFFFFFFC0];
	_ =	sdelay $0x2  }
0xc3: {  	s29 =	sadd.s32 s26, s2;
	s26 =	smov.u32 s28  }
0xc4: {  	vm2 =	vmmov vm0;
	p2 =	slt.u32 s29, $0x186A0;
	v10 =	vsub.s32 v10, v0  }
0xc5: {  	vm2 =	vmneg @p2 vm2;
	vm1 =	vlt.u32 v10, $0x200;
	v10 =	vshll.u32 v10, $0xA  }
0xc6: {  	vm1 =	vmand vm2, vm1;
	v10 =	vadd.s32 v11, v10  }
0xc7: {  	s6 =	sadd.s32 $0x80, s6;
	v10 =	vsel vm1, v10, v2  }
0xc8: {  	[tilespmem:s6+$0xFFFFFFC0] =	vst v10  }
0xc9: {  	v10 =	vld [tilespmem:s24+$0xFFFFFFD0];
	_ =	sdelay $0x1  }
0xca: {  	v11 =	vld [tilespmem:s25+$0xFFFFFFD0];
	_ =	sdelay $0x1  }
0xcb: {  	s30 =	sadd.s32 $0x10, s29  }
0xcc: {  	p2 =	slt.u32 s30, $0x186A0;
	vm2 =	vmmov vm0;
	v10 =	vsub.s32 v10, v0  }
0xcd: {  	vm2 =	vmneg @p2 vm2;
	vm1 =	vlt.u32 v10, $0x200;
	v10 =	vshll.u32 v10, $0xA  }
0xce: {  	vm1 =	vmand vm2, vm1;
	v10 =	vadd.s32 v11, v10  }
0xcf: {  	v10 =	vsel vm1, v10, v3  }
0xd0: {  	[tilespmem:s6+$0xFFFFFFD0] =	vst v10  }
0xd1: {  	v10 =	vld [tilespmem:s24+$0xFFFFFFE0];
	_ =	sdelay $0x1  }
0xd2: {  	v11 =	vld [tilespmem:s25+$0xFFFFFFE0];
	_ =	sdelay $0x1  }
0xd3: {  	s30 =	sadd.s32 $0x20, s29  }
0xd4: {  	p2 =	slt.u32 s30, $0x186A0;
	vm2 =	vmmov vm0;
	v10 =	vsub.s32 v10, v0  }
0xd5: {  	vm2 =	vmneg @p2 vm2;
	vm1 =	vlt.u32 v10, $0x200;
	v10 =	vshll.u32 v10, $0xA  }
0xd6: {  	vm1 =	vmand vm2, vm1;
	v10 =	vadd.s32 v11, v10  }
0xd7: {  	v10 =	vsel vm1, v10, v4  }
0xd8: {  	[tilespmem:s6+$0xFFFFFFE0] =	vst v10  }
0xd9: {  	v10 =	vld [tilespmem:s24+$0xFFFFFFF0];
	_ =	sdelay $0x1  }
0xda: {  	v11 =	vld [tilespmem:s25+$0xFFFFFFF0];
	_ =	sdelay $0x1  }
0xdb: {  	s30 =	sadd.s32 $0x30, s29  }
0xdc: {  	p2 =	slt.u32 s30, $0x186A0;
	vm2 =	vmmov vm0;
	v10 =	vsub.s32 v10, v0  }
0xdd: {  	vm2 =	vmneg @p2 vm2;
	vm1 =	vlt.u32 v10, $0x200;
	v10 =	vshll.u32 v10, $0xA  }
0xde: {  	vm1 =	vmand vm2, vm1;
	v10 =	vadd.s32 v11, v10  }
0xdf: {  	v10 =	vsel vm1, v10, v5  }
0xe0: {  	[tilespmem:s6+$0xFFFFFFF0] =	vst v10  }
0xe1: {  	v10 =	vld [tilespmem:s24+$0x0]  }
0xe2: {  	v11 =	vld [tilespmem:s25+$0x0];
	_ =	sdelay $0x2  }
0xe3: {  	s30 =	sadd.s32 $0x40, s29  }
0xe4: {  	p2 =	slt.u32 s30, $0x186A0;
	vm2 =	vmmov vm0;
	v10 =	vsub.s32 v10, v0  }
0xe5: {  	vm2 =	vmneg @p2 vm2;
	vm1 =	vlt.u32 v10, $0x200;
	v10 =	vshll.u32 v10, $0xA  }
0xe6: {  	vm1 =	vmand vm2, vm1;
	v10 =	vadd.s32 v11, v10  }
0xe7: {  	v10 =	vsel vm1, v10, v6  }
0xe8: {  	[tilespmem:s6+$0x0] =	vst v10  }
0xe9: {  	v10 =	vld [tilespmem:s24+$0x10]  }
0xea: {  	v11 =	vld [tilespmem:s25+$0x10];
	_ =	sdelay $0x2  }
0xeb: {  	s30 =	sadd.s32 $0x50, s29  }
0xec: {  	p2 =	slt.u32 s30, $0x186A0;
	vm2 =	vmmov vm0;
	v10 =	vsub.s32 v10, v0  }
0xed: {  	vm2 =	vmneg @p2 vm2;
	vm1 =	vlt.u32 v10, $0x200;
	v10 =	vshll.u32 v10, $0xA  }
0xee: {  	vm1 =	vmand vm2, vm1;
	v10 =	vadd.s32 v11, v10  }
0xef: {  	v10 =	vsel vm1, v10, v7  }
0xf0: {  	[tilespmem:s6+$0x10] =	vst v10  }
0xf1: {  	v10 =	vld [tilespmem:s24+$0x20]  }
0xf2: {  	v11 =	vld [tilespmem:s25+$0x20];
	_ =	sdelay $0x2  }
0xf3: {  	s30 =	sadd.s32 $0x60, s29  }
0xf4: {  	p2 =	slt.u32 s30, $0x186A0;
	vm2 =	vmmov vm0;
	v10 =	vsub.s32 v10, v0  }
0xf5: {  	vm2 =	vmneg @p2 vm2;
	vm1 =	vlt.u32 v10, $0x200;
	v10 =	vshll.u32 v10, $0xA  }
0xf6: {  	vm1 =	vmand vm2, vm1;
	v10 =	vadd.s32 v11, v10  }
0xf7: {  	v10 =	vsel vm1, v10, v8  }
0xf8: {  	[tilespmem:s6+$0x20] =	vst v10  }
0xf9: {  	v10 =	vld [tilespmem:s24+$0x30]  }
0xfa: {  	v11 =	vld [tilespmem:s25+$0x30];
	_ =	sdelay $0x2  }
0xfb: {  	s29 =	sadd.s32 $0x70, s29  }
0xfc: {  	p2 =	slt.u32 s29, $0x186A0;
	vm2 =	vmmov vm0;
	v10 =	vsub.s32 v10, v0  }
.Ltmp1:
0xfd: {  	vm2 =	vmneg @p2 vm2;
	vm1 =	vlt.u32 v10, $0x200;
	v10 =	vshll.u32 v10, $0xA;
	(pc) =	sbr.rel @p1 .LBB2_4-.Ltmp1, $4  }
0xfe: {  	vm1 =	vmand vm2, vm1;
	v10 =	vadd.s32 v11, v10  }
0xff: {  	v10 =	vsel vm1, v10, v9  }
0x100: {  	s24 =	sadd.s32 $0x80, s24;
	[tilespmem:s6+$0x30] =	vst v10  }
0x101: {  	s28 =	sadd.s32 $0x80, s28;
	s25 =	sadd.s32 $0x80, s25;
	v10 =	vld [tilespmem:s24+$0xFFFFFFC0]  }
0x102: {  	_ = 	snop  }
0x103: {  	v11 =	vld [tilespmem:s25+$0xFFFFFFC0];
	_ =	sdelay $0x1  }
0x104: {  	s26 =	sadd.s32 s26, s2  }
0x105: {  	vm1 =	vmmov vm0;
	p1 =	slt.u32 s26, $0x186A0;
	v10 =	vsub.s32 v10, v0  }
0x106: {  	vm1 =	vmneg @p1 vm1;
	vm2 =	vlt.u32 v10, $0x200;
	v10 =	vshll.u32 v10, $0xA  }
0x107: {  	vm1 =	vmand vm1, vm2;
	v10 =	vadd.s32 v11, v10  }
0x108: {  	s6 =	sadd.s32 $0x80, s6;
	v10 =	vsel vm1, v10, v2  }
0x109: {  	[tilespmem:s6+$0xFFFFFFC0] =	vst v10  }
0x10a: {  	v10 =	vld [tilespmem:s24+$0xFFFFFFD0];
	_ =	sdelay $0x1  }
0x10b: {  	v11 =	vld [tilespmem:s25+$0xFFFFFFD0];
	_ =	sdelay $0x1  }
0x10c: {  	s28 =	sadd.s32 $0x10, s26  }
0x10d: {  	p1 =	slt.u32 s28, $0x186A0;
	vm1 =	vmmov vm0;
	v10 =	vsub.s32 v10, v0  }
0x10e: {  	vm1 =	vmneg @p1 vm1;
	vm2 =	vlt.u32 v10, $0x200;
	v10 =	vshll.u32 v10, $0xA  }
0x10f: {  	vm1 =	vmand vm1, vm2;
	v10 =	vadd.s32 v11, v10  }
0x110: {  	v10 =	vsel vm1, v10, v3  }
0x111: {  	[tilespmem:s6+$0xFFFFFFD0] =	vst v10  }
0x112: {  	v10 =	vld [tilespmem:s24+$0xFFFFFFE0];
	_ =	sdelay $0x1  }
0x113: {  	v11 =	vld [tilespmem:s25+$0xFFFFFFE0];
	_ =	sdelay $0x1  }
0x114: {  	s30 =	sadd.s32 $0x20, s26  }
0x115: {  	p1 =	slt.u32 s30, $0x186A0;
	vm1 =	vmmov vm0;
	v10 =	vsub.s32 v10, v0  }
0x116: {  	vm1 =	vmneg @p1 vm1;
	vm2 =	vlt.u32 v10, $0x200;
	v10 =	vshll.u32 v10, $0xA  }
0x117: {  	vm1 =	vmand vm1, vm2;
	v10 =	vadd.s32 v11, v10  }
0x118: {  	v10 =	vsel vm1, v10, v4  }
0x119: {  	[tilespmem:s6+$0xFFFFFFE0] =	vst v10  }
0x11a: {  	v10 =	vld [tilespmem:s24+$0xFFFFFFF0];
	_ =	sdelay $0x1  }
0x11b: {  	v11 =	vld [tilespmem:s25+$0xFFFFFFF0];
	_ =	sdelay $0x1  }
0x11c: {  	s29 =	sadd.s32 $0x30, s26  }
0x11d: {  	p1 =	slt.u32 s29, $0x186A0;
	vm1 =	vmmov vm0;
	v10 =	vsub.s32 v10, v0  }
0x11e: {  	vm1 =	vmneg @p1 vm1;
	vm2 =	vlt.u32 v10, $0x200;
	v10 =	vshll.u32 v10, $0xA  }
0x11f: {  	vm1 =	vmand vm1, vm2;
	v10 =	vadd.s32 v11, v10  }
0x120: {  	v10 =	vsel vm1, v10, v5  }
0x121: {  	[tilespmem:s6+$0xFFFFFFF0] =	vst v10  }
0x122: {  	v10 =	vld [tilespmem:s24+$0x0];
	_ =	sdelay $0x1  }
0x123: {  	v11 =	vld [tilespmem:s25+$0x0];
	_ =	sdelay $0x1  }
0x124: {  	s30 =	sadd.s32 $0x40, s26  }
0x125: {  	p1 =	slt.u32 s30, $0x186A0;
	vm1 =	vmmov vm0;
	v10 =	vsub.s32 v10, v0  }
0x126: {  	vm1 =	vmneg @p1 vm1;
	vm2 =	vlt.u32 v10, $0x200;
	v10 =	vshll.u32 v10, $0xA  }
0x127: {  	vm1 =	vmand vm1, vm2;
	v10 =	vadd.s32 v11, v10  }
0x128: {  	v10 =	vsel vm1, v10, v6  }
0x129: {  	[tilespmem:s6+$0x0] =	vst v10  }
0x12a: {  	v10 =	vld [tilespmem:s24+$0x10];
	_ =	sdelay $0x1  }
0x12b: {  	v11 =	vld [tilespmem:s25+$0x10];
	_ =	sdelay $0x1  }
0x12c: {  	s29 =	sadd.s32 $0x50, s26  }
0x12d: {  	p1 =	slt.u32 s29, $0x186A0;
	vm1 =	vmmov vm0;
	v10 =	vsub.s32 v10, v0  }
0x12e: {  	vm1 =	vmneg @p1 vm1;
	vm2 =	vlt.u32 v10, $0x200;
	v10 =	vshll.u32 v10, $0xA  }
0x12f: {  	vm1 =	vmand vm1, vm2;
	v10 =	vadd.s32 v11, v10  }
0x130: {  	v10 =	vsel vm1, v10, v7  }
0x131: {  	[tilespmem:s6+$0x10] =	vst v10  }
0x132: {  	v10 =	vld [tilespmem:s24+$0x20];
	_ =	sdelay $0x1  }
0x133: {  	v11 =	vld [tilespmem:s25+$0x20];
	_ =	sdelay $0x1  }
0x134: {  	s30 =	sadd.s32 $0x60, s26  }
0x135: {  	p1 =	slt.u32 s30, $0x186A0;
	vm1 =	vmmov vm0;
	v10 =	vsub.s32 v10, v0  }
0x136: {  	vm1 =	vmneg @p1 vm1;
	vm2 =	vlt.u32 v10, $0x200;
	v10 =	vshll.u32 v10, $0xA  }
0x137: {  	vm1 =	vmand vm1, vm2;
	v10 =	vadd.s32 v11, v10  }
0x138: {  	v10 =	vsel vm1, v10, v8  }
0x139: {  	[tilespmem:s6+$0x20] =	vst v10  }
0x13a: {  	v10 =	vld [tilespmem:s24+$0x30];
	_ =	sdelay $0x1  }
0x13b: {  	v11 =	vld [tilespmem:s25+$0x30];
	_ =	sdelay $0x1  }
0x13c: {  	s28 =	sadd.s32 $0x70, s26  }
0x13d: {  	p1 =	slt.u32 s28, $0x186A0;
	vm1 =	vmmov vm0;
	v10 =	vsub.s32 v10, v0  }
0x13e: {  	vm1 =	vmneg @p1 vm1;
	vm2 =	vlt.u32 v10, $0x200;
	v10 =	vshll.u32 v10, $0xA  }
0x13f: {  	vm1 =	vmand vm1, vm2;
	v10 =	vadd.s32 v11, v10  }
0x140: {  	v10 =	vsel vm1, v10, v9  }
0x141: {  	[tilespmem:s6+$0x30] =	vst v10  }
0x142: {  	_ =	swait.ge [sflag:s20], $0x2000  }
0x143: {  	[sflag:s20] =	ssyncset.done $0x0  }
0x144: {  	[sflag:s20] =	ssyncadd.s32 $0xFFFFE000  }
0x145: {  	_ =	swait.ge [sflag:s20], $0x2000  }
0x146: {  	[sflag:s20] =	ssyncset.done $0x0  }
0x147: {  	[sflag:s20] =	ssyncadd.s32 $0xFFFFE000  }
0x148: {  	_ =	swait.ge [sflag:s20], $0x2000  }
0x149: {  	[sflag:s20] =	ssyncset.done $0x0  }
0x14a: {  	[sflag:s20] =	ssyncadd.s32 $0xFFFFE000  }
0x14b: {  	_ =	swait.ge [sflag:s20], $0x2000  }
0x14c: {  	[sflag:s20] =	ssyncset.done $0x0  }
0x14d: {  	[sflag:s20] =	ssyncadd.s32 $0xFFFFE000  }
0x14e: {  	s29 =	simm.s32 $0x4B00;
	s30 =	simm.s32 $0x3200;
	[bflag:$0x0] =	sbarrier.arrive $0xFFFF  }
0x14f: {  	[spmem:s0] =	stream.indirect.scatter.add.f32 [tilespmem:s30], [sflag:$0x1], $0x1, s29, s21, $0xb8;
	[tilespmem:$0x10708] =	vst v63  }
0x150: {  	s24 =	simm.s32 $0x4B80;
	s25 =	simm.s32 $0x3280  }
0x151: {  	[spmem:s0] =	stream.indirect.scatter.add.f32 [tilespmem:s25], [sflag:$0x1], $0x1, s24, s21, $0xb8;
	[tilespmem:$0x10708] =	vst v63  }
0x152: {  	s26 =	simm.s32 $0x4C00;
	s28 =	simm.s32 $0x3300  }
0x153: {  	[spmem:s0] =	stream.indirect.scatter.add.f32 [tilespmem:s28], [sflag:$0x1], $0x1, s26, s21, $0xb8;
	[tilespmem:$0x10708] =	vst v63  }
0x154: {  	s29 =	simm.s32 $0x4C80;
	s30 =	simm.s32 $0x3380  }
0x155: {  	[spmem:s0] =	stream.indirect.scatter.add.f32 [tilespmem:s30], [sflag:$0x1], $0x1, s29, s21, $0xb8;
	[tilespmem:$0x10708] =	vst v63  }
0x156: {  	s24 =	simm.s32 $0x4D00;
	s25 =	simm.s32 $0x3400  }
0x157: {  	[spmem:s0] =	stream.indirect.scatter.add.f32 [tilespmem:s25], [sflag:$0x1], $0x1, s24, s21, $0xb8;
	[tilespmem:$0x10708] =	vst v63  }
0x158: {  	s26 =	simm.s32 $0x4D80;
	s28 =	simm.s32 $0x3480  }
0x159: {  	[spmem:s0] =	stream.indirect.scatter.add.f32 [tilespmem:s28], [sflag:$0x1], $0x1, s26, s21, $0xb8;
	[tilespmem:$0x10708] =	vst v63  }
0x15a: {  	s29 =	simm.s32 $0x4E00;
	s30 =	simm.s32 $0x3500  }
0x15b: {  	[spmem:s0] =	stream.indirect.scatter.add.f32 [tilespmem:s30], [sflag:$0x1], $0x1, s29, s21, $0xb8;
	[tilespmem:$0x10708] =	vst v63  }
0x15c: {  	s24 =	simm.s32 $0x4E80;
	s25 =	simm.s32 $0x3580  }
0x15d: {  	[spmem:s0] =	stream.indirect.scatter.add.f32 [tilespmem:s25], [sflag:$0x1], $0x1, s24, s21, $0xb8;
	[tilespmem:$0x10708] =	vst v63  }
0x15e: {  	s26 =	simm.s32 $0x4F00;
	s28 =	simm.s32 $0x3600  }
0x15f: {  	[spmem:s0] =	stream.indirect.scatter.add.f32 [tilespmem:s28], [sflag:$0x1], $0x1, s26, s21, $0xb8;
	[tilespmem:$0x10708] =	vst v63  }
0x160: {  	s29 =	simm.s32 $0x4F80;
	s30 =	simm.s32 $0x3680  }
0x161: {  	[spmem:s0] =	stream.indirect.scatter.add.f32 [tilespmem:s30], [sflag:$0x1], $0x1, s29, s21, $0xb8;
	[tilespmem:$0x10708] =	vst v63  }
0x162: {  	s24 =	simm.s32 $0x5000;
	s25 =	simm.s32 $0x3700  }
0x163: {  	[spmem:s0] =	stream.indirect.scatter.add.f32 [tilespmem:s25], [sflag:$0x1], $0x1, s24, s21, $0xb8;
	[tilespmem:$0x10708] =	vst v63  }
0x164: {  	s26 =	simm.s32 $0x5080;
	s28 =	simm.s32 $0x3780  }
0x165: {  	[spmem:s0] =	stream.indirect.scatter.add.f32 [tilespmem:s28], [sflag:$0x1], $0x1, s26, s21, $0xb8;
	[tilespmem:$0x10708] =	vst v63  }
0x166: {  	s29 =	simm.s32 $0x5100;
	s30 =	simm.s32 $0x3800  }
0x167: {  	[spmem:s0] =	stream.indirect.scatter.add.f32 [tilespmem:s30], [sflag:$0x1], $0x1, s29, s21, $0xb8;
	[tilespmem:$0x10708] =	vst v63  }
0x168: {  	s24 =	simm.s32 $0x5180;
	s25 =	simm.s32 $0x3880  }
0x169: {  	[spmem:s0] =	stream.indirect.scatter.add.f32 [tilespmem:s25], [sflag:$0x1], $0x1, s24, s21, $0xb8;
	[tilespmem:$0x10708] =	vst v63  }
0x16a: {  	s26 =	simm.s32 $0x5200;
	s28 =	simm.s32 $0x3900  }
0x16b: {  	[spmem:s0] =	stream.indirect.scatter.add.f32 [tilespmem:s28], [sflag:$0x1], $0x1, s26, s21, $0xb8;
	[tilespmem:$0x10708] =	vst v63  }
0x16c: {  	s29 =	simm.s32 $0x5280;
	s30 =	simm.s32 $0x3980  }
0x16d: {  	[spmem:s0] =	stream.indirect.scatter.add.f32 [tilespmem:s30], [sflag:$0x1], $0x1, s29, s21, $0xb8;
	[tilespmem:$0x10708] =	vst v63  }
0x16e: {  	s24 =	simm.s32 $0x5300;
	s25 =	simm.s32 $0x3A00  }
0x16f: {  	[spmem:s0] =	stream.indirect.scatter.add.f32 [tilespmem:s25], [sflag:$0x1], $0x1, s24, s21, $0xb8;
	[tilespmem:$0x10708] =	vst v63  }
0x170: {  	s26 =	simm.s32 $0x5380;
	s28 =	simm.s32 $0x3A80  }
0x171: {  	[spmem:s0] =	stream.indirect.scatter.add.f32 [tilespmem:s28], [sflag:$0x1], $0x1, s26, s21, $0xb8;
	[tilespmem:$0x10708] =	vst v63  }
0x172: {  	s29 =	simm.s32 $0x5400;
	s30 =	simm.s32 $0x3B00  }
0x173: {  	[spmem:s0] =	stream.indirect.scatter.add.f32 [tilespmem:s30], [sflag:$0x1], $0x1, s29, s21, $0xb8;
	[tilespmem:$0x10708] =	vst v63  }
0x174: {  	s24 =	simm.s32 $0x5480;
	s25 =	simm.s32 $0x3B80  }
0x175: {  	[spmem:s0] =	stream.indirect.scatter.add.f32 [tilespmem:s25], [sflag:$0x1], $0x1, s24, s21, $0xb8;
	[tilespmem:$0x10708] =	vst v63  }
0x176: {  	s26 =	simm.s32 $0x5500;
	s28 =	simm.s32 $0x3C00  }
0x177: {  	[spmem:s0] =	stream.indirect.scatter.add.f32 [tilespmem:s28], [sflag:$0x1], $0x1, s26, s21, $0xb8;
	[tilespmem:$0x10708] =	vst v63  }
0x178: {  	s29 =	simm.s32 $0x5580;
	s30 =	simm.s32 $0x3C80  }
0x179: {  	[spmem:s0] =	stream.indirect.scatter.add.f32 [tilespmem:s30], [sflag:$0x1], $0x1, s29, s21, $0xb8;
	[tilespmem:$0x10708] =	vst v63  }
0x17a: {  	s24 =	simm.s32 $0x5600;
	s25 =	simm.s32 $0x3D00  }
0x17b: {  	[spmem:s0] =	stream.indirect.scatter.add.f32 [tilespmem:s25], [sflag:$0x1], $0x1, s24, s21, $0xb8;
	[tilespmem:$0x10708] =	vst v63  }
0x17c: {  	s26 =	simm.s32 $0x5680;
	s28 =	simm.s32 $0x3D80  }
0x17d: {  	[spmem:s0] =	stream.indirect.scatter.add.f32 [tilespmem:s28], [sflag:$0x1], $0x1, s26, s21, $0xb8;
	[tilespmem:$0x10708] =	vst v63  }
0x17e: {  	s29 =	simm.s32 $0x5700;
	s30 =	simm.s32 $0x3E00  }
0x17f: {  	[spmem:s0] =	stream.indirect.scatter.add.f32 [tilespmem:s30], [sflag:$0x1], $0x1, s29, s21, $0xb8;
	[tilespmem:$0x10708] =	vst v63  }
0x180: {  	s24 =	simm.s32 $0x5780;
	s25 =	simm.s32 $0x3E80  }
0x181: {  	[spmem:s0] =	stream.indirect.scatter.add.f32 [tilespmem:s25], [sflag:$0x1], $0x1, s24, s21, $0xb8;
	[tilespmem:$0x10708] =	vst v63  }
0x182: {  	s26 =	simm.s32 $0x5800;
	s28 =	simm.s32 $0x3F00  }
0x183: {  	[spmem:s0] =	stream.indirect.scatter.add.f32 [tilespmem:s28], [sflag:$0x1], $0x1, s26, s21, $0xb8;
	[tilespmem:$0x10708] =	vst v63  }
0x184: {  	s29 =	simm.s32 $0x5880;
	s30 =	simm.s32 $0x3F80  }
0x185: {  	[spmem:s0] =	stream.indirect.scatter.add.f32 [tilespmem:s30], [sflag:$0x1], $0x1, s29, s21, $0xb8;
	[tilespmem:$0x10708] =	vst v63  }
0x186: {  	s24 =	simm.s32 $0x5900;
	s25 =	simm.s32 $0x4000  }
0x187: {  	[spmem:s0] =	stream.indirect.scatter.add.f32 [tilespmem:s25], [sflag:$0x1], $0x1, s24, s21, $0xb8;
	[tilespmem:$0x10708] =	vst v63  }
0x188: {  	s26 =	simm.s32 $0x5980;
	s28 =	simm.s32 $0x4080  }
0x189: {  	[spmem:s0] =	stream.indirect.scatter.add.f32 [tilespmem:s28], [sflag:$0x1], $0x1, s26, s21, $0xb8;
	[tilespmem:$0x10708] =	vst v63  }
0x18a: {  	s29 =	simm.s32 $0x5A00;
	s30 =	simm.s32 $0x4100  }
0x18b: {  	[spmem:s0] =	stream.indirect.scatter.add.f32 [tilespmem:s30], [sflag:$0x1], $0x1, s29, s21, $0xb8;
	[tilespmem:$0x10708] =	vst v63  }
0x18c: {  	s24 =	simm.s32 $0x5A80;
	s25 =	simm.s32 $0x4180  }
0x18d: {  	[spmem:s0] =	stream.indirect.scatter.add.f32 [tilespmem:s25], [sflag:$0x1], $0x1, s24, s21, $0xb8;
	[tilespmem:$0x10708] =	vst v63  }
0x18e: {  	s26 =	simm.s32 $0x5B00;
	s28 =	simm.s32 $0x4200  }
0x18f: {  	[spmem:s0] =	stream.indirect.scatter.add.f32 [tilespmem:s28], [sflag:$0x1], $0x1, s26, s21, $0xb8;
	[tilespmem:$0x10708] =	vst v63  }
0x190: {  	s29 =	simm.s32 $0x5B80;
	s30 =	simm.s32 $0x4280  }
0x191: {  	[spmem:s0] =	stream.indirect.scatter.add.f32 [tilespmem:s30], [sflag:$0x1], $0x1, s29, s21, $0xb8;
	[tilespmem:$0x10708] =	vst v63  }
0x192: {  	s24 =	simm.s32 $0x5C00;
	s25 =	simm.s32 $0x4300  }
0x193: {  	[spmem:s0] =	stream.indirect.scatter.add.f32 [tilespmem:s25], [sflag:$0x1], $0x1, s24, s21, $0xb8;
	[tilespmem:$0x10708] =	vst v63  }
0x194: {  	s26 =	simm.s32 $0x5C80;
	s28 =	simm.s32 $0x4380  }
0x195: {  	[spmem:s0] =	stream.indirect.scatter.add.f32 [tilespmem:s28], [sflag:$0x1], $0x1, s26, s21, $0xb8;
	[tilespmem:$0x10708] =	vst v63  }
0x196: {  	s29 =	simm.s32 $0x5D00;
	s30 =	simm.s32 $0x4400  }
0x197: {  	[spmem:s0] =	stream.indirect.scatter.add.f32 [tilespmem:s30], [sflag:$0x1], $0x1, s29, s21, $0xb8;
	[tilespmem:$0x10708] =	vst v63  }
0x198: {  	s24 =	simm.s32 $0x5D80;
	s25 =	simm.s32 $0x4480  }
0x199: {  	[spmem:s0] =	stream.indirect.scatter.add.f32 [tilespmem:s25], [sflag:$0x1], $0x1, s24, s21, $0xb8;
	[tilespmem:$0x10708] =	vst v63  }
0x19a: {  	s26 =	simm.s32 $0x5E00;
	s28 =	simm.s32 $0x4500  }
0x19b: {  	[spmem:s0] =	stream.indirect.scatter.add.f32 [tilespmem:s28], [sflag:$0x1], $0x1, s26, s21, $0xb8;
	[tilespmem:$0x10708] =	vst v63  }
0x19c: {  	s29 =	simm.s32 $0x5E80;
	s30 =	simm.s32 $0x4580  }
0x19d: {  	[spmem:s0] =	stream.indirect.scatter.add.f32 [tilespmem:s30], [sflag:$0x1], $0x1, s29, s21, $0xb8;
	[tilespmem:$0x10708] =	vst v63  }
0x19e: {  	s24 =	simm.s32 $0x5F00;
	s25 =	simm.s32 $0x4600  }
0x19f: {  	[spmem:s0] =	stream.indirect.scatter.add.f32 [tilespmem:s25], [sflag:$0x1], $0x1, s24, s21, $0xb8;
	[tilespmem:$0x10708] =	vst v63  }
0x1a0: {  	s26 =	simm.s32 $0x5F80;
	s28 =	simm.s32 $0x4680  }
0x1a1: {  	[spmem:s0] =	stream.indirect.scatter.add.f32 [tilespmem:s28], [sflag:$0x1], $0x1, s26, s21, $0xb8;
	[tilespmem:$0x10708] =	vst v63  }
0x1a2: {  	s29 =	simm.s32 $0x6000;
	s30 =	simm.s32 $0x4700  }
0x1a3: {  	[spmem:s0] =	stream.indirect.scatter.add.f32 [tilespmem:s30], [sflag:$0x1], $0x1, s29, s21, $0xb8;
	[tilespmem:$0x10708] =	vst v63  }
0x1a4: {  	s24 =	simm.s32 $0x6080;
	s25 =	simm.s32 $0x4780  }
0x1a5: {  	[spmem:s0] =	stream.indirect.scatter.add.f32 [tilespmem:s25], [sflag:$0x1], $0x1, s24, s21, $0xb8;
	[tilespmem:$0x10708] =	vst v63  }
0x1a6: {  	s26 =	simm.s32 $0x6100;
	s28 =	simm.s32 $0x4800  }
0x1a7: {  	[spmem:s0] =	stream.indirect.scatter.add.f32 [tilespmem:s28], [sflag:$0x1], $0x1, s26, s21, $0xb8;
	[tilespmem:$0x10708] =	vst v63  }
0x1a8: {  	s29 =	simm.s32 $0x6180;
	s30 =	simm.s32 $0x4880  }
0x1a9: {  	[spmem:s0] =	stream.indirect.scatter.add.f32 [tilespmem:s30], [sflag:$0x1], $0x1, s29, s21, $0xb8;
	[tilespmem:$0x10708] =	vst v63  }
0x1aa: {  	s24 =	simm.s32 $0x6200;
	s25 =	simm.s32 $0x4900  }
0x1ab: {  	[spmem:s0] =	stream.indirect.scatter.add.f32 [tilespmem:s25], [sflag:$0x1], $0x1, s24, s21, $0xb8;
	[tilespmem:$0x10708] =	vst v63  }
0x1ac: {  	s26 =	simm.s32 $0x6280;
	s28 =	simm.s32 $0x4980  }
0x1ad: {  	[spmem:s0] =	stream.indirect.scatter.add.f32 [tilespmem:s28], [sflag:$0x1], $0x1, s26, s21, $0xb8;
	[tilespmem:$0x10708] =	vst v63  }
0x1ae: {  	s29 =	simm.s32 $0x6300;
	s30 =	simm.s32 $0x4A00  }
0x1af: {  	[spmem:s0] =	stream.indirect.scatter.add.f32 [tilespmem:s30], [sflag:$0x1], $0x1, s29, s21, $0xb8;
	[tilespmem:$0x10708] =	vst v63  }
0x1b0: {  	s24 =	simm.s32 $0x6380;
	s25 =	simm.s32 $0x4A80  }
0x1b1: {  	[spmem:s0] =	stream.indirect.scatter.add.f32 [tilespmem:s25], [sflag:$0x1], $0x1, s24, s21, $0xb8;
	[tilespmem:$0x10708] =	vst v63  }
0x1b2: {  	_ =	swait.ge [sflag:s22], $0x80  }
0x1b3: {  	[sflag:s22] =	ssyncset.done $0x0  }
0x1b4: {  	[sflag:s22] =	ssyncadd.s32 $0xFFFFFF80  }
0x1b5: {  	_ =	swait.ge [sflag:s22], $0x80  }
0x1b6: {  	[sflag:s22] =	ssyncset.done $0x0  }
0x1b7: {  	[sflag:s22] =	ssyncadd.s32 $0xFFFFFF80  }
0x1b8: {  	_ =	swait.ge [sflag:s22], $0x80  }
0x1b9: {  	[sflag:s22] =	ssyncset.done $0x0  }
0x1ba: {  	[sflag:s22] =	ssyncadd.s32 $0xFFFFFF80  }
0x1bb: {  	_ =	swait.ge [sflag:s22], $0x80  }
0x1bc: {  	[sflag:s22] =	ssyncset.done $0x0  }
0x1bd: {  	[sflag:s22] =	ssyncadd.s32 $0xFFFFFF80  }
0x1be: {  	_ =	swait.ge [sflag:s22], $0x80  }
0x1bf: {  	[sflag:s22] =	ssyncset.done $0x0  }
0x1c0: {  	[sflag:s22] =	ssyncadd.s32 $0xFFFFFF80  }
0x1c1: {  	_ =	swait.ge [sflag:s22], $0x80  }
0x1c2: {  	[sflag:s22] =	ssyncset.done $0x0  }
0x1c3: {  	[sflag:s22] =	ssyncadd.s32 $0xFFFFFF80  }
0x1c4: {  	_ =	swait.ge [sflag:s22], $0x80  }
0x1c5: {  	[sflag:s22] =	ssyncset.done $0x0  }
0x1c6: {  	[sflag:s22] =	ssyncadd.s32 $0xFFFFFF80  }
0x1c7: {  	_ =	swait.ge [sflag:s22], $0x80  }
0x1c8: {  	[sflag:s22] =	ssyncset.done $0x0  }
0x1c9: {  	[sflag:s22] =	ssyncadd.s32 $0xFFFFFF80  }
0x1ca: {  	_ =	swait.ge [sflag:s22], $0x80  }
0x1cb: {  	[sflag:s22] =	ssyncset.done $0x0  }
0x1cc: {  	[sflag:s22] =	ssyncadd.s32 $0xFFFFFF80  }
0x1cd: {  	_ =	swait.ge [sflag:s22], $0x80  }
0x1ce: {  	[sflag:s22] =	ssyncset.done $0x0  }
0x1cf: {  	[sflag:s22] =	ssyncadd.s32 $0xFFFFFF80  }
0x1d0: {  	_ =	swait.ge [sflag:s22], $0x80  }
0x1d1: {  	[sflag:s22] =	ssyncset.done $0x0  }
0x1d2: {  	[sflag:s22] =	ssyncadd.s32 $0xFFFFFF80  }
0x1d3: {  	_ =	swait.ge [sflag:s22], $0x80  }
0x1d4: {  	[sflag:s22] =	ssyncset.done $0x0  }
0x1d5: {  	[sflag:s22] =	ssyncadd.s32 $0xFFFFFF80  }
0x1d6: {  	_ =	swait.ge [sflag:s22], $0x80  }
0x1d7: {  	[sflag:s22] =	ssyncset.done $0x0  }
0x1d8: {  	[sflag:s22] =	ssyncadd.s32 $0xFFFFFF80  }
0x1d9: {  	_ =	swait.ge [sflag:s22], $0x80  }
0x1da: {  	[sflag:s22] =	ssyncset.done $0x0  }
0x1db: {  	[sflag:s22] =	ssyncadd.s32 $0xFFFFFF80  }
0x1dc: {  	_ =	swait.ge [sflag:s22], $0x80  }
0x1dd: {  	[sflag:s22] =	ssyncset.done $0x0  }
0x1de: {  	[sflag:s22] =	ssyncadd.s32 $0xFFFFFF80  }
0x1df: {  	_ =	swait.ge [sflag:s22], $0x80  }
0x1e0: {  	[sflag:s22] =	ssyncset.done $0x0  }
0x1e1: {  	[sflag:s22] =	ssyncadd.s32 $0xFFFFFF80  }
0x1e2: {  	_ =	swait.ge [sflag:s22], $0x80  }
0x1e3: {  	[sflag:s22] =	ssyncset.done $0x0  }
0x1e4: {  	[sflag:s22] =	ssyncadd.s32 $0xFFFFFF80  }
0x1e5: {  	_ =	swait.ge [sflag:s22], $0x80  }
0x1e6: {  	[sflag:s22] =	ssyncset.done $0x0  }
0x1e7: {  	[sflag:s22] =	ssyncadd.s32 $0xFFFFFF80  }
0x1e8: {  	_ =	swait.ge [sflag:s22], $0x80  }
0x1e9: {  	[sflag:s22] =	ssyncset.done $0x0  }
0x1ea: {  	[sflag:s22] =	ssyncadd.s32 $0xFFFFFF80  }
0x1eb: {  	_ =	swait.ge [sflag:s22], $0x80  }
0x1ec: {  	[sflag:s22] =	ssyncset.done $0x0  }
0x1ed: {  	[sflag:s22] =	ssyncadd.s32 $0xFFFFFF80  }
0x1ee: {  	_ =	swait.ge [sflag:s22], $0x80  }
0x1ef: {  	[sflag:s22] =	ssyncset.done $0x0  }
0x1f0: {  	[sflag:s22] =	ssyncadd.s32 $0xFFFFFF80  }
0x1f1: {  	_ =	swait.ge [sflag:s22], $0x80  }
0x1f2: {  	[sflag:s22] =	ssyncset.done $0x0  }
0x1f3: {  	[sflag:s22] =	ssyncadd.s32 $0xFFFFFF80  }
0x1f4: {  	_ =	swait.ge [sflag:s22], $0x80  }
0x1f5: {  	[sflag:s22] =	ssyncset.done $0x0  }
0x1f6: {  	[sflag:s22] =	ssyncadd.s32 $0xFFFFFF80  }
0x1f7: {  	_ =	swait.ge [sflag:s22], $0x80  }
0x1f8: {  	[sflag:s22] =	ssyncset.done $0x0  }
0x1f9: {  	[sflag:s22] =	ssyncadd.s32 $0xFFFFFF80  }
0x1fa: {  	_ =	swait.ge [sflag:s22], $0x80  }
0x1fb: {  	[sflag:s22] =	ssyncset.done $0x0  }
0x1fc: {  	[sflag:s22] =	ssyncadd.s32 $0xFFFFFF80  }
0x1fd: {  	_ =	swait.ge [sflag:s22], $0x80  }
0x1fe: {  	[sflag:s22] =	ssyncset.done $0x0  }
0x1ff: {  	[sflag:s22] =	ssyncadd.s32 $0xFFFFFF80  }
0x200: {  	_ =	swait.ge [sflag:s22], $0x80  }
0x201: {  	[sflag:s22] =	ssyncset.done $0x0  }
0x202: {  	[sflag:s22] =	ssyncadd.s32 $0xFFFFFF80  }
0x203: {  	_ =	swait.ge [sflag:s22], $0x80  }
0x204: {  	[sflag:s22] =	ssyncset.done $0x0  }
0x205: {  	[sflag:s22] =	ssyncadd.s32 $0xFFFFFF80  }
0x206: {  	_ =	swait.ge [sflag:s22], $0x80  }
0x207: {  	[sflag:s22] =	ssyncset.done $0x0  }
0x208: {  	[sflag:s22] =	ssyncadd.s32 $0xFFFFFF80  }
0x209: {  	_ =	swait.ge [sflag:s22], $0x80  }
0x20a: {  	[sflag:s22] =	ssyncset.done $0x0  }
0x20b: {  	[sflag:s22] =	ssyncadd.s32 $0xFFFFFF80  }
0x20c: {  	_ =	swait.ge [sflag:s22], $0x80  }
0x20d: {  	[sflag:s22] =	ssyncset.done $0x0  }
0x20e: {  	[sflag:s22] =	ssyncadd.s32 $0xFFFFFF80  }
0x20f: {  	_ =	swait.ge [sflag:s22], $0x80  }
0x210: {  	[sflag:s22] =	ssyncset.done $0x0  }
0x211: {  	[sflag:s22] =	ssyncadd.s32 $0xFFFFFF80  }
0x212: {  	_ =	swait.ge [sflag:s22], $0x80  }
0x213: {  	[sflag:s22] =	ssyncset.done $0x0  }
0x214: {  	[sflag:s22] =	ssyncadd.s32 $0xFFFFFF80  }
0x215: {  	_ =	swait.ge [sflag:s22], $0x80  }
0x216: {  	[sflag:s22] =	ssyncset.done $0x0  }
0x217: {  	[sflag:s22] =	ssyncadd.s32 $0xFFFFFF80  }
0x218: {  	_ =	swait.ge [sflag:s22], $0x80  }
0x219: {  	[sflag:s22] =	ssyncset.done $0x0  }
0x21a: {  	[sflag:s22] =	ssyncadd.s32 $0xFFFFFF80  }
0x21b: {  	_ =	swait.ge [sflag:s22], $0x80  }
0x21c: {  	[sflag:s22] =	ssyncset.done $0x0  }
0x21d: {  	[sflag:s22] =	ssyncadd.s32 $0xFFFFFF80  }
0x21e: {  	_ =	swait.ge [sflag:s22], $0x80  }
0x21f: {  	[sflag:s22] =	ssyncset.done $0x0  }
0x220: {  	[sflag:s22] =	ssyncadd.s32 $0xFFFFFF80  }
0x221: {  	_ =	swait.ge [sflag:s22], $0x80  }
0x222: {  	[sflag:s22] =	ssyncset.done $0x0  }
0x223: {  	[sflag:s22] =	ssyncadd.s32 $0xFFFFFF80  }
0x224: {  	_ =	swait.ge [sflag:s22], $0x80  }
0x225: {  	[sflag:s22] =	ssyncset.done $0x0  }
0x226: {  	[sflag:s22] =	ssyncadd.s32 $0xFFFFFF80  }
0x227: {  	_ =	swait.ge [sflag:s22], $0x80  }
0x228: {  	[sflag:s22] =	ssyncset.done $0x0  }
0x229: {  	[sflag:s22] =	ssyncadd.s32 $0xFFFFFF80  }
0x22a: {  	_ =	swait.ge [sflag:s22], $0x80  }
0x22b: {  	[sflag:s22] =	ssyncset.done $0x0  }
0x22c: {  	[sflag:s22] =	ssyncadd.s32 $0xFFFFFF80  }
0x22d: {  	_ =	swait.ge [sflag:s22], $0x80  }
0x22e: {  	[sflag:s22] =	ssyncset.done $0x0  }
0x22f: {  	[sflag:s22] =	ssyncadd.s32 $0xFFFFFF80  }
0x230: {  	_ =	swait.ge [sflag:s22], $0x80  }
0x231: {  	[sflag:s22] =	ssyncset.done $0x0  }
0x232: {  	[sflag:s22] =	ssyncadd.s32 $0xFFFFFF80  }
0x233: {  	_ =	swait.ge [sflag:s22], $0x80  }
0x234: {  	[sflag:s22] =	ssyncset.done $0x0  }
0x235: {  	[sflag:s22] =	ssyncadd.s32 $0xFFFFFF80  }
0x236: {  	_ =	swait.ge [sflag:s22], $0x80  }
0x237: {  	[sflag:s22] =	ssyncset.done $0x0  }
0x238: {  	[sflag:s22] =	ssyncadd.s32 $0xFFFFFF80  }
0x239: {  	_ =	swait.ge [sflag:s22], $0x80  }
0x23a: {  	[sflag:s22] =	ssyncset.done $0x0  }
0x23b: {  	[sflag:s22] =	ssyncadd.s32 $0xFFFFFF80  }
0x23c: {  	_ =	swait.ge [sflag:s22], $0x80  }
0x23d: {  	[sflag:s22] =	ssyncset.done $0x0  }
0x23e: {  	[sflag:s22] =	ssyncadd.s32 $0xFFFFFF80  }
0x23f: {  	_ =	swait.ge [sflag:s22], $0x80  }
0x240: {  	[sflag:s22] =	ssyncset.done $0x0  }
0x241: {  	[sflag:s22] =	ssyncadd.s32 $0xFFFFFF80  }
0x242: {  	_ =	swait.ge [sflag:s22], $0x80  }
0x243: {  	[sflag:s22] =	ssyncset.done $0x0  }
0x244: {  	[sflag:s22] =	ssyncadd.s32 $0xFFFFFF80  }
0x245: {  	_ =	swait.ge [sflag:s22], $0x80  }
0x246: {  	[sflag:s22] =	ssyncset.done $0x0  }
0x247: {  	s26 =	stileid.u32;
	[sflag:s22] =	ssyncadd.s32 $0xFFFFFF80  }
0x248: {  	s6 =	sshll.u32 s26, $0x6;
	[bflag:$0x0] =	sbarrier.arrive $0xFFFF  }
0x249: {  	s28 =	sshrl.u32 s11, $0x3;
	s6 =	sor.u32 $0x1C02, s6;
	s29 =	rddreg [dreg:$0x4]  }
0x24a: {  	[hbm:s29@s21], [sflag:s6] =	dma.strided [spmem:s28@s23], $0x80, s22, $0x10   }
0x24b: {  	s25 =	sld [smem:$0x7EC];
	_ =	sdelay $0x1  }
0x24c: {  	s24 =	rddreg [dreg:$0x5]  }
0x24d: {  	[hbm:s24@s21], [sflag:s6] =	dma.strided [spmem:s25@s23], $0x80, s22, $0x10   }
0x24e: {  	s25 =	sld [smem:$0x7ED];
	_ =	sdelay $0x1  }
0x24f: {  	s24 =	rddreg [dreg:$0x6]  }
0x250: {  	[hbm:s24@s21], [sflag:s6] =	dma.strided [spmem:s25@s23], $0x80, s22, $0x10   }
0x251: {  	s25 =	sld [smem:$0x7EE];
	_ =	sdelay $0x1  }
0x252: {  	s24 =	rddreg [dreg:$0xf]  }
0x253: {  	[hbm:s24@s21], [sflag:s6] =	dma.strided [spmem:s25@s23], $0x80, s22, $0x10   }
0x254: {  	s25 =	sld [smem:$0x7EF];
	_ =	sdelay $0x1  }
0x255: {  	s24 =	rddreg [dreg:$0x10]  }
0x256: {  	[hbm:s24@s21], [sflag:s6] =	dma.strided [spmem:s25@s23], $0x80, s22, $0x10   }
0x257: {  	s25 =	sld [smem:$0x7F0];
	_ =	sdelay $0x1  }
0x258: {  	s24 =	rddreg [dreg:$0x11]  }
0x259: {  	[hbm:s24@s21], [sflag:s6] =	dma.strided [spmem:s25@s23], $0x80, s22, $0x10   }
0x25a: {  	s25 =	sld [smem:$0x7F1];
	_ =	sdelay $0x1  }
0x25b: {  	s24 =	rddreg [dreg:$0x12]  }
0x25c: {  	[hbm:s24@s21], [sflag:s6] =	dma.strided [spmem:s25@s23], $0x80, s22, $0x10   }
0x25d: {  	s25 =	sld [smem:$0x7F2];
	_ =	sdelay $0x1  }
0x25e: {  	s24 =	rddreg [dreg:$0x13]  }
0x25f: {  	[hbm:s24@s21], [sflag:s6] =	dma.strided [spmem:s25@s23], $0x80, s22, $0x10   }
0x260: {  	s30 =	sshrl.u32 s16, $0x3;
	s25 =	rddreg [dreg:$0x7]  }
0x261: {  	[hbm:s25@s21], [sflag:s6] =	dma.strided [spmem:s30@s23], $0x80, s22, $0x10   }
0x262: {  	s25 =	sld [smem:$0x7F3];
	_ =	sdelay $0x1  }
0x263: {  	s24 =	rddreg [dreg:$0x8]  }
0x264: {  	[hbm:s24@s21], [sflag:s6] =	dma.strided [spmem:s25@s23], $0x80, s22, $0x10   }
0x265: {  	s25 =	sld [smem:$0x7F4];
	_ =	sdelay $0x1  }
0x266: {  	s24 =	rddreg [dreg:$0x9]  }
0x267: {  	[hbm:s24@s21], [sflag:s6] =	dma.strided [spmem:s25@s23], $0x80, s22, $0x10   }
0x268: {  	s25 =	sld [smem:$0x7F5];
	_ =	sdelay $0x1  }
0x269: {  	s24 =	rddreg [dreg:$0xa]  }
0x26a: {  	[hbm:s24@s21], [sflag:s6] =	dma.strided [spmem:s25@s23], $0x80, s22, $0x10   }
0x26b: {  	s25 =	sld [smem:$0x7F6];
	_ =	sdelay $0x1  }
0x26c: {  	s24 =	rddreg [dreg:$0xb]  }
0x26d: {  	[hbm:s24@s21], [sflag:s6] =	dma.strided [spmem:s25@s23], $0x80, s22, $0x10   }
0x26e: {  	s25 =	sld [smem:$0x7F7];
	_ =	sdelay $0x1  }
0x26f: {  	s24 =	rddreg [dreg:$0xc]  }
0x270: {  	[hbm:s24@s21], [sflag:s6] =	dma.strided [spmem:s25@s23], $0x80, s22, $0x10   }
0x271: {  	s25 =	sld [smem:$0x7F8];
	_ =	sdelay $0x1  }
0x272: {  	s24 =	rddreg [dreg:$0xd]  }
0x273: {  	[hbm:s24@s21], [sflag:s6] =	dma.strided [spmem:s25@s23], $0x80, s22, $0x10   }
0x274: {  	s25 =	sld [smem:$0x7F9];
	_ =	sdelay $0x1  }
0x275: {  	s24 =	rddreg [dreg:$0xe]  }
0x276: {  	[hbm:s24@s21], [sflag:s6] =	dma.strided [spmem:s25@s23], $0x80, s22, $0x10   }
0x277: {  	s26 =	sshrl.u32 s17, $0x3;
	s25 =	rddreg [dreg:$0x14]  }
0x278: {  	[hbm:s25@s21], [sflag:s6] =	dma.strided [spmem:s26@s23], $0x80, s22, $0x10   }
0x279: {  	s25 =	sld [smem:$0x7FA];
	_ =	sdelay $0x1  }
0x27a: {  	s24 =	rddreg [dreg:$0x15]  }
0x27b: {  	[hbm:s24@s21], [sflag:s6] =	dma.strided [spmem:s25@s23], $0x80, s22, $0x10   }
0x27c: {  	s25 =	sld [smem:$0x7FB];
	_ =	sdelay $0x1  }
0x27d: {  	s24 =	rddreg [dreg:$0x16]  }
0x27e: {  	[hbm:s24@s21], [sflag:s6] =	dma.strided [spmem:s25@s23], $0x80, s22, $0x10   }
0x27f: {  	s25 =	sld [smem:$0x7FC];
	_ =	sdelay $0x1  }
0x280: {  	s24 =	rddreg [dreg:$0x17]  }
0x281: {  	[hbm:s24@s21], [sflag:s6] =	dma.strided [spmem:s25@s23], $0x80, s22, $0x10   }
0x282: {  	s25 =	sld [smem:$0x7FD];
	_ =	sdelay $0x1  }
0x283: {  	s24 =	rddreg [dreg:$0x18]  }
0x284: {  	[hbm:s24@s21], [sflag:s6] =	dma.strided [spmem:s25@s23], $0x80, s22, $0x10   }
0x285: {  	s24 =	rddreg [dreg:$0x19]  }
0x286: {  	[hbm:s24@s21], [sflag:s6] =	dma.strided [spmem:s3@s23], $0x80, s22, $0x10   }
0x287: {  	s24 =	rddreg [dreg:$0x1a]  }
0x288: {  	[hbm:s24@s21], [sflag:s6] =	dma.strided [spmem:s4@s23], $0x80, s22, $0x10   }
0x289: {  	s24 =	rddreg [dreg:$0x1b]  }
0x28a: {  	[hbm:s24@s21], [sflag:s6] =	dma.strided [spmem:s5@s23], $0x80, s22, $0x10   }
0x28b: {  	s28 =	sshrl.u32 s18, $0x3;
	s29 =	rddreg [dreg:$0x1c]  }
0x28c: {  	[hbm:s29@s21], [sflag:s6] =	dma.strided [spmem:s28@s23], $0x80, s22, $0x10   }
0x28d: {  	s24 =	rddreg [dreg:$0x1d]  }
0x28e: {  	[hbm:s24@s21], [sflag:s6] =	dma.strided [spmem:s7@s23], $0x80, s22, $0x10   }
0x28f: {  	s24 =	rddreg [dreg:$0x1e]  }
0x290: {  	[hbm:s24@s21], [sflag:s6] =	dma.strided [spmem:s8@s23], $0x80, s22, $0x10   }
0x291: {  	s24 =	rddreg [dreg:$0x1f]  }
0x292: {  	[hbm:s24@s21], [sflag:s6] =	dma.strided [spmem:s9@s23], $0x80, s22, $0x10   }
0x293: {  	s24 =	sld [smem:$0x7E3];
	_ =	sdelay $0x2  }
0x294: {  	[hbm:s24@s21], [sflag:s6] =	dma.strided [spmem:s10@s23], $0x80, s22, $0x10   }
0x295: {  	s24 =	sld [smem:$0x7E4];
	_ =	sdelay $0x2  }
0x296: {  	[hbm:s24@s21], [sflag:s6] =	dma.strided [spmem:s12@s23], $0x80, s22, $0x10   }
0x297: {  	s24 =	sld [smem:$0x7E5];
	_ =	sdelay $0x2  }
0x298: {  	[hbm:s24@s21], [sflag:s6] =	dma.strided [spmem:s13@s23], $0x80, s22, $0x10   }
0x299: {  	s24 =	sld [smem:$0x7E6];
	_ =	sdelay $0x2  }
0x29a: {  	[hbm:s24@s21], [sflag:s6] =	dma.strided [spmem:s14@s23], $0x80, s22, $0x10   }
0x29b: {  	_ =	swait.ge [sflag:s20], $0x80  }
0x29c: {  	[sflag:s20] =	ssyncset.done $0x0  }
0x29d: {  	[sflag:s20] =	ssyncadd.s32 $0xFFFFFF80  }
0x29e: {  	_ =	swait.ge [sflag:s20], $0x80  }
0x29f: {  	[sflag:s20] =	ssyncset.done $0x0  }
0x2a0: {  	[sflag:s20] =	ssyncadd.s32 $0xFFFFFF80  }
0x2a1: {  	_ =	swait.ge [sflag:s20], $0x80  }
0x2a2: {  	[sflag:s20] =	ssyncset.done $0x0  }
0x2a3: {  	[sflag:s20] =	ssyncadd.s32 $0xFFFFFF80  }
0x2a4: {  	_ =	swait.ge [sflag:s20], $0x80  }
0x2a5: {  	[sflag:s20] =	ssyncset.done $0x0  }
0x2a6: {  	[sflag:s20] =	ssyncadd.s32 $0xFFFFFF80  }
0x2a7: {  	_ =	swait.ge [sflag:s20], $0x80  }
0x2a8: {  	[sflag:s20] =	ssyncset.done $0x0  }
0x2a9: {  	[sflag:s20] =	ssyncadd.s32 $0xFFFFFF80  }
0x2aa: {  	_ =	swait.ge [sflag:s20], $0x80  }
0x2ab: {  	[sflag:s20] =	ssyncset.done $0x0  }
0x2ac: {  	[sflag:s20] =	ssyncadd.s32 $0xFFFFFF80  }
0x2ad: {  	_ =	swait.ge [sflag:s20], $0x80  }
0x2ae: {  	[sflag:s20] =	ssyncset.done $0x0  }
0x2af: {  	[sflag:s20] =	ssyncadd.s32 $0xFFFFFF80  }
0x2b0: {  	_ =	swait.ge [sflag:s20], $0x80  }
0x2b1: {  	[sflag:s20] =	ssyncset.done $0x0  }
0x2b2: {  	[sflag:s20] =	ssyncadd.s32 $0xFFFFFF80  }
0x2b3: {  	_ =	swait.ge [sflag:s20], $0x80  }
0x2b4: {  	[sflag:s20] =	ssyncset.done $0x0  }
0x2b5: {  	[sflag:s20] =	ssyncadd.s32 $0xFFFFFF80  }
0x2b6: {  	_ =	swait.ge [sflag:s20], $0x80  }
0x2b7: {  	[sflag:s20] =	ssyncset.done $0x0  }
0x2b8: {  	[sflag:s20] =	ssyncadd.s32 $0xFFFFFF80  }
0x2b9: {  	_ =	swait.ge [sflag:s20], $0x80  }
0x2ba: {  	[sflag:s20] =	ssyncset.done $0x0  }
0x2bb: {  	[sflag:s20] =	ssyncadd.s32 $0xFFFFFF80  }
0x2bc: {  	_ =	swait.ge [sflag:s20], $0x80  }
0x2bd: {  	[sflag:s20] =	ssyncset.done $0x0  }
0x2be: {  	[sflag:s20] =	ssyncadd.s32 $0xFFFFFF80  }
0x2bf: {  	_ =	swait.ge [sflag:s20], $0x80  }
0x2c0: {  	[sflag:s20] =	ssyncset.done $0x0  }
0x2c1: {  	[sflag:s20] =	ssyncadd.s32 $0xFFFFFF80  }
0x2c2: {  	_ =	swait.ge [sflag:s20], $0x80  }
0x2c3: {  	[sflag:s20] =	ssyncset.done $0x0  }
0x2c4: {  	[sflag:s20] =	ssyncadd.s32 $0xFFFFFF80  }
0x2c5: {  	_ =	swait.ge [sflag:s20], $0x80  }
0x2c6: {  	[sflag:s20] =	ssyncset.done $0x0  }
0x2c7: {  	[sflag:s20] =	ssyncadd.s32 $0xFFFFFF80  }
0x2c8: {  	_ =	swait.ge [sflag:s20], $0x80  }
0x2c9: {  	[sflag:s20] =	ssyncset.done $0x0  }
0x2ca: {  	[sflag:s20] =	ssyncadd.s32 $0xFFFFFF80  }
0x2cb: {  	_ =	swait.ge [sflag:s20], $0x80  }
0x2cc: {  	[sflag:s20] =	ssyncset.done $0x0  }
0x2cd: {  	[sflag:s20] =	ssyncadd.s32 $0xFFFFFF80  }
0x2ce: {  	_ =	swait.ge [sflag:s20], $0x80  }
0x2cf: {  	[sflag:s20] =	ssyncset.done $0x0  }
0x2d0: {  	[sflag:s20] =	ssyncadd.s32 $0xFFFFFF80  }
0x2d1: {  	_ =	swait.ge [sflag:s20], $0x80  }
0x2d2: {  	[sflag:s20] =	ssyncset.done $0x0  }
0x2d3: {  	[sflag:s20] =	ssyncadd.s32 $0xFFFFFF80  }
0x2d4: {  	_ =	swait.ge [sflag:s20], $0x80  }
0x2d5: {  	[sflag:s20] =	ssyncset.done $0x0  }
0x2d6: {  	[sflag:s20] =	ssyncadd.s32 $0xFFFFFF80  }
0x2d7: {  	_ =	swait.ge [sflag:s20], $0x80  }
0x2d8: {  	[sflag:s20] =	ssyncset.done $0x0  }
0x2d9: {  	[sflag:s20] =	ssyncadd.s32 $0xFFFFFF80  }
0x2da: {  	_ =	swait.ge [sflag:s20], $0x80  }
0x2db: {  	[sflag:s20] =	ssyncset.done $0x0  }
0x2dc: {  	[sflag:s20] =	ssyncadd.s32 $0xFFFFFF80  }
0x2dd: {  	_ =	swait.ge [sflag:s20], $0x80  }
0x2de: {  	[sflag:s20] =	ssyncset.done $0x0  }
0x2df: {  	[sflag:s20] =	ssyncadd.s32 $0xFFFFFF80  }
0x2e0: {  	_ =	swait.ge [sflag:s20], $0x80  }
0x2e1: {  	[sflag:s20] =	ssyncset.done $0x0  }
0x2e2: {  	[sflag:s20] =	ssyncadd.s32 $0xFFFFFF80  }
0x2e3: {  	_ =	swait.ge [sflag:s20], $0x80  }
0x2e4: {  	[sflag:s20] =	ssyncset.done $0x0  }
0x2e5: {  	[sflag:s20] =	ssyncadd.s32 $0xFFFFFF80  }
0x2e6: {  	_ =	swait.ge [sflag:s20], $0x80  }
0x2e7: {  	[sflag:s20] =	ssyncset.done $0x0  }
0x2e8: {  	[sflag:s20] =	ssyncadd.s32 $0xFFFFFF80  }
0x2e9: {  	_ =	swait.ge [sflag:s20], $0x80  }
0x2ea: {  	[sflag:s20] =	ssyncset.done $0x0  }
0x2eb: {  	[sflag:s20] =	ssyncadd.s32 $0xFFFFFF80  }
0x2ec: {  	_ =	swait.ge [sflag:s20], $0x80  }
0x2ed: {  	[sflag:s20] =	ssyncset.done $0x0  }
0x2ee: {  	[sflag:s20] =	ssyncadd.s32 $0xFFFFFF80  }
0x2ef: {  	_ =	swait.ge [sflag:s20], $0x80  }
0x2f0: {  	[sflag:s20] =	ssyncset.done $0x0  }
0x2f1: {  	[sflag:s20] =	ssyncadd.s32 $0xFFFFFF80  }
0x2f2: {  	_ =	swait.ge [sflag:s20], $0x80  }
0x2f3: {  	[sflag:s20] =	ssyncset.done $0x0  }
0x2f4: {  	[sflag:s20] =	ssyncadd.s32 $0xFFFFFF80  }
0x2f5: {  	_ =	swait.ge [sflag:s20], $0x80  }
0x2f6: {  	[sflag:s20] =	ssyncset.done $0x0  }
0x2f7: {  	[sflag:s20] =	ssyncadd.s32 $0xFFFFFF80  }
0x2f8: {  	_ =	swait.ge [sflag:s20], $0x80  }
0x2f9: {  	s30 =	sld [smem:$0x7EB];
	_ =	sdelay $0x1  }
0x2fa: {  	s1 =	sadd.s32 $0x1, s1  }
0x2fb: {  	p1 =	sne.s32 s1, s30  }
.Ltmp2:
0x2fc: {  	_ = 	snop;
	(pc) =	sbr.rel @p1 .LBB2_1-.Ltmp2, $3  }
0x2fd: {  	_ =	sdelay $0x1  }
0x2fe: {  	[sflag:s20] =	ssyncset.done $0x0  }
0x2ff: {  	[sflag:s20] =	ssyncadd.s32 $0xFFFFFF80  }
0x300: {  	_ =	sfence.sel $0x180000  }
0x301: {  	[bflag:$0x0] =	sbarrier.arrive $0xFFFF  }
0x302: {  	_ =	strace $0x90000047  }
0x303: {  	s0 =	stileid.u32;
	[bflag:$0x2] =	sbarrier.arrive $0xFFFF  }
0x304: {  	p0 =	sne.s32 s0, $0x0;
	s0 =	rddreg [dreg:$0x3]  }
0x305: {  	s0 =	sadd.s32 @!p0 $0x100000, s0  }
0x306: {  	[sflag:s0] =	ssyncadd.tile.s32 @!p0 $0x1;
	_ =	shalt  }
.Lfunc_end2:
_tile_overlayer_lowered:
.L_overlay_start_2:
0x307: {  	(tag) =	ssettag $0x2  }
0x308: {  	s0 =	rddreg [dreg:$0x0];
	s2 =	stileid.u32  }
0x309: {  	s1 =	rddreg [dreg:$0x1];
	p0 =	sne.s32 s2, $0x0  }
0x30a: {  	s3 =	rddreg [dreg:$0x2];
	[bflag:$0x3] =	sbarrier.arrive $0xFFFF;
	s2 =	simm.s32 @!p0 $0x1C03  }
0x30b: {  	[timem:s3], [sflag:s2] =	dma.local @!p0 [hbm:s0], s1  }
0x30c: {  	s0 =	simm.s32 @!p0 $0x3  }
0x30d: {  	_ =	swait.ge @!p0 [sflag:s0], s1  }
0x30e: {  	s1 =	ssub.s32 @!p0 $0x0, s1;
	[sflag:s0] =	ssyncset.done @!p0 $0x0  }
0x30f: {  	[sflag:s0] =	ssyncadd.s32 @!p0 s1  }
0x310: {  	[bflag:$0x3] =	sbarrier.arrive $0xFFFF  }
0x311: {  	_ =	shalt  }

</sc_bundles>
